<compile_context>
chip_gen: v7x
topology: tpu7x:2x2x1
jax: 0.10.2.dev20260603
libtpu: 0.0.44.dev20260713+nightly
codegen_flags: <defaults>
</compile_context>

<pallas_src>
import jax
import jax.numpy as jnp
from jax import lax
from jax.experimental import pallas as pl
from jax.experimental.pallas import tpu as pltpu
from jax.experimental.pallas import tpu_sc as plsc

ALPHA = 2.0
N_NODES = 100000
N_EDGES = 6400000

NC = 2
NS = 16
NW = NC * NS

LANES = 16
CHUNK = 2048
NCHUNKS = N_EDGES // CHUNK
CH_PER_W = (NCHUNKS + NW - 1) // NW
OUTER = (CH_PER_W + 2 + 3) // 4

ZSLICE = 6256
ZLAST = N_NODES - 15 * ZSLICE


def _sc_body(pos_hbm, ei_hbm, sx_hbm, sy_hbm, sz_hbm, out_hbm,
             ibufs, sbufs, rbufs, sxbs, sybs, szbs, psbs, prbs, ebs, zbuf,
             accum, sem_lin, sem_g, sem_s):
    c = lax.axis_index("c")
    s = lax.axis_index("s")
    w = s * NC + c

    def _zb(g, carry):
        zbuf[pl.ds(pl.multiple_of(g * LANES, LANES), LANES)] = jnp.zeros(
            (LANES,), jnp.float32)
        return carry
    lax.fori_loop(0, ZSLICE // LANES, _zb, 0)

    off = pl.multiple_of(s * ZSLICE, 8)

    @pl.when(s < NS - 1)
    def _():
        pltpu.sync_copy(zbuf.at[pl.ds(0, ZSLICE)], accum.at[pl.ds(off, ZSLICE)])

    @pl.when(s == NS - 1)
    def _():
        pltpu.sync_copy(zbuf.at[pl.ds(0, ZLAST)],
                        accum.at[pl.ds(15 * ZSLICE, ZLAST)])

    plsc.subcore_barrier()

    iota = lax.iota(jnp.int32, LANES)
    c0 = jnp.zeros((LANES,), jnp.int32)
    c1 = jnp.full((LANES,), 1, jnp.int32)
    c2 = jnp.full((LANES,), 2, jnp.int32)

    def chunk_of(i):
        return w + i * NW

    ROWS = CHUNK // 128

    def fire_lin(i, u):
        u = u % 4
        b = u % 2
        k = chunk_of(i)

        @pl.when(k < NCHUNKS)
        def _():
            e0 = pl.multiple_of(k * CHUNK, 8)
            sl = pl.ds(e0, CHUNK)
            pltpu.async_copy(ei_hbm.at[pl.ds(k * ROWS, ROWS)], ibufs[u],
                             sem_lin[b])
            pltpu.async_copy(sx_hbm.at[sl], sxbs[b], sem_lin[b])
            pltpu.async_copy(sy_hbm.at[sl], sybs[b], sem_lin[b])
            pltpu.async_copy(sz_hbm.at[sl], szbs[b], sem_lin[b])

    def wait_lin(i, u):
        u = u % 4
        b = u % 2
        k = chunk_of(i)

        @pl.when(k < NCHUNKS)
        def _():
            sl = pl.ds(0, CHUNK)
            pltpu.make_async_copy(ei_hbm.at[pl.ds(0, ROWS)], ibufs[u],
                                  sem_lin[b]).wait()
            pltpu.make_async_copy(sx_hbm.at[sl], sxbs[b], sem_lin[b]).wait()
            pltpu.make_async_copy(sy_hbm.at[sl], sybs[b], sem_lin[b]).wait()
            pltpu.make_async_copy(sz_hbm.at[sl], szbs[b], sem_lin[b]).wait()

    def deinterleave(i, u):
        u = u % 4
        b = u % 2
        k = chunk_of(i)
        ib, sb, rb = ibufs[u], sbufs[u], rbufs[b]

        @pl.when(k < NCHUNKS)
        def _():
            @plsc.parallel_loop(0, ROWS, 1)
            def _(j):
                for l in range(8):
                    o = pl.ds(pl.multiple_of(j * 128 + l * 16, 16), LANES)
                    sb[o] = ib[j, 0, pl.ds(l * 16, LANES)]
                    rb[o] = ib[j, 1, pl.ds(l * 16, LANES)]

    def fire_gath(i, u):
        u = u % 4
        b = u % 2
        k = chunk_of(i)

        @pl.when(k < NCHUNKS)
        def _():
            pltpu.async_copy(pos_hbm.at[sbufs[u]], psbs[b], sem_g[b])
            pltpu.async_copy(pos_hbm.at[rbufs[b]], prbs[b], sem_g[b])

    def wait_gath(i, u):
        u = u % 4
        b = u % 2
        k = chunk_of(i)

        @pl.when(k < NCHUNKS)
        def _():
            dummy = pos_hbm.at[pl.ds(0, CHUNK)]
            pltpu.make_async_copy(dummy, psbs[b], sem_g[b]).wait()
            pltpu.make_async_copy(dummy, prbs[b], sem_g[b]).wait()

    def fire_sct(i, u):
        u = u % 4
        b = u % 2
        k = chunk_of(i)

        @pl.when(k < NCHUNKS)
        def _():
            pltpu.async_copy(ebs[b], accum.at[sbufs[u]], sem_s[b], add=True)

    def wait_sct(i, u):
        b = (u % 4) % 2
        k = chunk_of(i)

        @pl.when((i >= 0) & (k < NCHUNKS))
        def _():
            pltpu.make_async_copy(sx_hbm.at[pl.ds(0, CHUNK)], ebs[b],
                                  sem_s[b]).wait()

    def compute(i, u):
        u = u % 4
        b = u % 2
        k = chunk_of(i)
        psb, prb = psbs[b], prbs[b]
        sxb, syb, szb = sxbs[b], sybs[b], szbs[b]
        eb = ebs[b]

        @pl.when(k < NCHUNKS)
        def _():
            @plsc.parallel_loop(0, CHUNK // LANES, 1, unroll=2)
            def _(g):
                rowids = g * LANES + iota
                eoff = pl.ds(pl.multiple_of(g * LANES, LANES), LANES)
                psx = plsc.load_gather(psb, [rowids, c0])
                psy = plsc.load_gather(psb, [rowids, c1])
                psz = plsc.load_gather(psb, [rowids, c2])
                prx = plsc.load_gather(prb, [rowids, c0])
                pry = plsc.load_gather(prb, [rowids, c1])
                prz = plsc.load_gather(prb, [rowids, c2])
                dx = prx - psx + sxb[eoff]
                dy = pry - psy + syb[eoff]
                dz = prz - psz + szb[eoff]
                r2 = dx * dx + dy * dy + dz * dz
                yi = jnp.int32(0x5F3759DF) - (plsc.bitcast(r2, jnp.int32) >> 1)
                y = plsc.bitcast(yi, jnp.float32)
                h = 0.5 * r2
                for _ in range(3):
                    y = y * (1.5 - (h * y) * y)
                r = r2 * y
                eb[eoff] = 0.5 * jnp.exp(-ALPHA * r)

    fire_lin(0, 0)
    fire_lin(1, 1)
    wait_lin(0, 0)
    deinterleave(0, 0)
    fire_gath(0, 0)

    def _outer(i2, carry):
        for u in range(4):
            i = i2 * 4 + u
            wait_gath(i, u)
            wait_lin(i + 1, u + 1)
            deinterleave(i + 1, u + 1)
            fire_gath(i + 1, u + 1)
            wait_sct(i - 2, u)
            compute(i, u)
            fire_sct(i, u)
            fire_lin(i + 2, u + 2)
        return carry

    lax.fori_loop(0, OUTER, _outer, 0)

    plsc.subcore_barrier()

    cbase = c * N_NODES

    @pl.when(s < NS - 1)
    def _():
        pltpu.sync_copy(accum.at[pl.ds(off, ZSLICE)],
                        out_hbm.at[pl.ds(pl.multiple_of(cbase + off, 8),
                                         ZSLICE)])

    @pl.when(s == NS - 1)
    def _():
        pltpu.sync_copy(accum.at[pl.ds(15 * ZSLICE, ZLAST)],
                        out_hbm.at[pl.ds(pl.multiple_of(cbase + 15 * ZSLICE, 8),
                                         ZLAST)])


_sc_call = pl.kernel(
    _sc_body,
    out_type=jax.ShapeDtypeStruct((NC * N_NODES,), jnp.float32),
    mesh=plsc.VectorSubcoreMesh(core_axis_name="c", subcore_axis_name="s",
                                num_cores=NC, num_subcores=NS),
    compiler_params=pltpu.CompilerParams(needs_layout_passes=False,
                                         use_tc_tiling_on_sc=False),
    scratch_types=[
        tuple(pltpu.VMEM((CHUNK // 128, 2, 128), jnp.int32)
              for _ in range(4)),
        tuple(pltpu.VMEM((CHUNK,), jnp.int32) for _ in range(4)),
        tuple(pltpu.VMEM((CHUNK,), jnp.int32) for _ in range(2)),
        tuple(pltpu.VMEM((CHUNK,), jnp.float32) for _ in range(2)),
        tuple(pltpu.VMEM((CHUNK,), jnp.float32) for _ in range(2)),
        tuple(pltpu.VMEM((CHUNK,), jnp.float32) for _ in range(2)),
        tuple(pltpu.VMEM((CHUNK, 8), jnp.float32) for _ in range(2)),
        tuple(pltpu.VMEM((CHUNK, 8), jnp.float32) for _ in range(2)),
        tuple(pltpu.VMEM((CHUNK,), jnp.float32) for _ in range(2)),
        pltpu.VMEM((ZSLICE,), jnp.float32),
        pltpu.VMEM_SHARED((N_NODES,), jnp.float32),
        tuple(pltpu.SemaphoreType.DMA for _ in range(2)),
        tuple(pltpu.SemaphoreType.DMA for _ in range(2)),
        tuple(pltpu.SemaphoreType.DMA for _ in range(2)),
    ],
)


def _combine_body(part_ref, out_ref):
    out_ref[...] = part_ref[0] + part_ref[1]


_combine = pl.pallas_call(
    _combine_body,
    out_shape=jax.ShapeDtypeStruct((N_NODES,), jnp.float32),
)


def kernel(positions, edge_index, shifts):
    zcol = jnp.zeros((N_NODES,), jnp.float32)
    pos8 = jnp.stack([positions[:, 0], positions[:, 1], positions[:, 2],
                      zcol, zcol, zcol, zcol, zcol], axis=1)
    ei3 = edge_index.reshape(2, N_EDGES // 128, 128).transpose(1, 0, 2)
    partial = _sc_call(pos8, ei3, shifts[:, 0], shifts[:, 1], shifts[:, 2])
    return _combine(partial.reshape(NC, N_NODES))

# --- scband reference (transcript-rebuilt; emitter-appended) ---
"""Pipeline reference for scband-exponential-repulsion-block-41798621724834 (READ-ONLY COPY).

The authoritative reference and input builder live on the scoring server;
editing this copy changes nothing except your own understanding.
"""

import jax, jax.numpy as jnp
import numpy as np

ALPHA = 2.0
N_NODES = 100000
N_EDGES = 6400000


def setup_inputs(seed: int = 0) -> dict:
    key = jax.random.key(seed)
    k1, k2, k3 = jax.random.split(key, 3)
    positions = jax.random.normal(k1, (N_NODES, 3), dtype=jnp.float32)
    # int32 used for portability on default (non-x64) jax; values are node ids < N_NODES
    edge_index = jax.random.randint(k2, (2, N_EDGES), 0, N_NODES, dtype=jnp.int32)
    shifts = jax.random.normal(k3, (N_EDGES, 3), dtype=jnp.float32)
    return {"positions": positions, "edge_index": edge_index, "shifts": shifts}


def reference(positions, edge_index, shifts):
    # get_edge_vectors_and_lengths (MACE convention):
    # sender = edge_index[0], receiver = edge_index[1]
    sender = edge_index[0]
    receiver = edge_index[1]
    vectors = jnp.take(positions, receiver, axis=0) - jnp.take(positions, sender, axis=0) + shifts  # [E, 3]
    lengths = jnp.sqrt(jnp.sum(vectors * vectors, axis=-1, keepdims=True))  # [E, 1]
    energies = jnp.exp(-ALPHA * lengths)  # [E, 1]
    # scatter_sum over sender nodes, then squeeze feature dim
    per_node = 0.5 * jax.ops.segment_sum(energies, sender, num_segments=N_NODES)  # [N, 1]
    return per_node.squeeze(-1)  # [N]

if __name__ == "__main__":
    import jax
    _d = setup_inputs()
    print(jax.jit(kernel)(*tuple(_d.values())))

</pallas_src>

<mosaic_0001>
#map = affine_map<(d0, d1) -> (0, 0)>
#map1 = affine_map<(d0, d1) -> (0, 0, 0)>
#map2 = affine_map<(d0, d1) -> (0)>
module attributes {stable_mosaic.version = 14 : i64} {
  func.func @_sc_body(%arg0: i32, %arg1: i32, %arg2: memref<100000x8xf32, #tpu.memory_space<hbm>>, %arg3: memref<50000x2x128xi32, #tpu.memory_space<hbm>>, %arg4: memref<6400000xf32, #tpu.memory_space<hbm>>, %arg5: memref<6400000xf32, #tpu.memory_space<hbm>>, %arg6: memref<6400000xf32, #tpu.memory_space<hbm>>, %arg7: memref<200000xf32, #tpu.memory_space<hbm>>, %arg8: memref<16x2x128xi32, #tpu.memory_space<vmem>>, %arg9: memref<16x2x128xi32, #tpu.memory_space<vmem>>, %arg10: memref<16x2x128xi32, #tpu.memory_space<vmem>>, %arg11: memref<16x2x128xi32, #tpu.memory_space<vmem>>, %arg12: memref<2048xi32, #tpu.memory_space<vmem>>, %arg13: memref<2048xi32, #tpu.memory_space<vmem>>, %arg14: memref<2048xi32, #tpu.memory_space<vmem>>, %arg15: memref<2048xi32, #tpu.memory_space<vmem>>, %arg16: memref<2048xi32, #tpu.memory_space<vmem>>, %arg17: memref<2048xi32, #tpu.memory_space<vmem>>, %arg18: memref<2048xf32, #tpu.memory_space<vmem>>, %arg19: memref<2048xf32, #tpu.memory_space<vmem>>, %arg20: memref<2048xf32, #tpu.memory_space<vmem>>, %arg21: memref<2048xf32, #tpu.memory_space<vmem>>, %arg22: memref<2048xf32, #tpu.memory_space<vmem>>, %arg23: memref<2048xf32, #tpu.memory_space<vmem>>, %arg24: memref<2048x8xf32, #tpu.memory_space<vmem>>, %arg25: memref<2048x8xf32, #tpu.memory_space<vmem>>, %arg26: memref<2048x8xf32, #tpu.memory_space<vmem>>, %arg27: memref<2048x8xf32, #tpu.memory_space<vmem>>, %arg28: memref<2048xf32, #tpu.memory_space<vmem>>, %arg29: memref<2048xf32, #tpu.memory_space<vmem>>, %arg30: memref<6256xf32, #tpu.memory_space<vmem>>, %arg31: memref<100000xf32, #tpu.memory_space<vmem_shared>>, %arg32: memref<!tpu.dma_semaphore, #tpu.memory_space<semaphore_mem>>, %arg33: memref<!tpu.dma_semaphore, #tpu.memory_space<semaphore_mem>>, %arg34: memref<!tpu.dma_semaphore, #tpu.memory_space<semaphore_mem>>, %arg35: memref<!tpu.dma_semaphore, #tpu.memory_space<semaphore_mem>>, %arg36: memref<!tpu.dma_semaphore, #tpu.memory_space<semaphore_mem>>, %arg37: memref<!tpu.dma_semaphore, #tpu.memory_space<semaphore_mem>>) attributes {dimension_semantics = [#tpu.dimension_semantics<core_parallel>, #tpu.dimension_semantics<subcore_parallel>], iteration_bounds = array<i64: 2, 16>, scalar_prefetch = 0 : i64, scratch_operands = 30 : i64, tpu.core_type = #tpu.core_type<sc_vector_subcore>, window_params = [{transform_indices = #map}, {transform_indices = #map1}, {transform_indices = #map2}, {transform_indices = #map2}, {transform_indices = #map2}, {transform_indices = #map2}]} {
    %mul3A = arith.constant 2 : i32
    %mul3A_0 = arith.muli %arg1, %mul3A : i32
    %add3A = arith.addi %mul3A_0, %arg0 : i32
    %scan3A = arith.constant 0 : i32
    %scan3A_1 = arith.constant 0 : i32
    %scan3A_2 = arith.constant 391 : i32
    %scan3A_3 = arith.addi %scan3A_1, %scan3A_2 : i32
    %scan3A_4 = arith.constant 1 : i32
    scf.for %scan3A_73 = %scan3A_1 to %scan3A_3 step %scan3A_4  : i32 {
      %broadcast_in_dim3A_74 = arith.constant 0.000000e+00 : f32
      %broadcast_in_dim3A_75 = vector.broadcast %broadcast_in_dim3A_74 : f32 to vector<16xf32>
      %mul3A_76 = arith.constant 16 : i32
      %mul3A_77 = arith.muli %scan3A_73, %mul3A_76 : i32
      %multiple_of3A_78 = tpu.assume_multiple %mul3A_77, 16 : i32
      %swap3A = arith.index_cast %multiple_of3A_78 : i32 to index
      %swap3A_79 = tpu.vector_load %arg30[%swap3A] {strides = array<i32>} : memref<6256xf32, #tpu.memory_space<vmem>>, vector<16xf32>,
      tpu.vector_store %arg30[%swap3A], %broadcast_in_dim3A_75 {strides = array<i32>} : memref<6256xf32, #tpu.memory_space<vmem>>, vector<16xf32>,
    }
    %scan3A_5 = arith.constant 391 : i32
    %mul3A_6 = arith.constant 6256 : i32
    %mul3A_7 = arith.muli %arg1, %mul3A_6 : i32
    %multiple_of3A = tpu.assume_multiple %mul3A_7, 8 : i32
    %lt3A = arith.constant 15 : i32
    %lt3A_8 = arith.cmpi slt, %arg1, %lt3A : i32
    %convert_element_type3A = arith.extui %lt3A_8 : i1 to i32
    %cond3A = arith.constant 0 : i32
    %cond3A_9 = arith.cmpi ne, %convert_element_type3A, %cond3A : i32
    scf.if %cond3A_9 {
      "tpu.region"() ({
        %run_scoped3A = tpu.sem_alloc : memref<!tpu.dma_semaphore, #tpu.memory_space<semaphore_mem>>
        %dma_start3A = arith.constant 0 : i32
        %dma_start3A_73 = tpu.memref_slice %arg30[%dma_start3A] : memref<6256xf32, #tpu.memory_space<vmem>> -> memref<6256xf32, #tpu.memory_space<vmem>>
        %dma_start3A_74 = tpu.memref_slice %arg31[%multiple_of3A] : memref<100000xf32, #tpu.memory_space<vmem_shared>> -> memref<6256xf32, #tpu.memory_space<vmem_shared>>
        %dma_start3A_75 = tpu.memref_slice %arg31[%multiple_of3A] : memref<100000xf32, #tpu.memory_space<vmem_shared>> -> memref<6256xf32, #tpu.memory_space<vmem_shared>>
        %dma_start3A_76 = arith.constant 0 : i32
        %dma_start3A_77 = tpu.memref_slice %arg30[%dma_start3A_76] : memref<6256xf32, #tpu.memory_space<vmem>> -> memref<6256xf32, #tpu.memory_space<vmem>>
        tpu.enqueue_dma source(%dma_start3A_77 : memref<6256xf32, #tpu.memory_space<vmem>>) target(%dma_start3A_75 : memref<6256xf32, #tpu.memory_space<vmem_shared>>) target_semaphore(%run_scoped3A : memref<!tpu.dma_semaphore, #tpu.memory_space<semaphore_mem>>)
        %dma_wait3A = arith.constant 0 : i32
        %dma_wait3A_78 = tpu.memref_slice %arg30[%dma_wait3A] : memref<6256xf32, #tpu.memory_space<vmem>> -> memref<6256xf32, #tpu.memory_space<vmem>>
        %dma_wait3A_79 = tpu.memref_slice %arg31[%multiple_of3A] : memref<100000xf32, #tpu.memory_space<vmem_shared>> -> memref<6256xf32, #tpu.memory_space<vmem_shared>>
        %dma_wait3A_80 = tpu.memref_slice %arg31[%multiple_of3A] : memref<100000xf32, #tpu.memory_space<vmem_shared>> -> memref<6256xf32, #tpu.memory_space<vmem_shared>>
        %dma_wait3A_81 = arith.constant 0 : i32
        %dma_wait3A_82 = tpu.memref_slice %arg30[%dma_wait3A_81] : memref<6256xf32, #tpu.memory_space<vmem>> -> memref<6256xf32, #tpu.memory_space<vmem>>
        tpu.wait_dma2 semaphore(%run_scoped3A : memref<!tpu.dma_semaphore, #tpu.memory_space<semaphore_mem>>) src(%dma_wait3A_82 : memref<6256xf32, #tpu.memory_space<vmem>>) dst(%dma_wait3A_80 : memref<6256xf32, #tpu.memory_space<vmem_shared>>)
        tpu.yield
      }) : () -> ()
    } else {
    }
    %eq3A = arith.constant 15 : i32
    %eq3A_10 = arith.cmpi eq, %arg1, %eq3A : i32
    %convert_element_type3A_11 = arith.extui %eq3A_10 : i1 to i32
    %cond3A_12 = arith.constant 0 : i32
    %cond3A_13 = arith.cmpi ne, %convert_element_type3A_11, %cond3A_12 : i32
    scf.if %cond3A_13 {
      "tpu.region"() ({
        %run_scoped3A = tpu.sem_alloc : memref<!tpu.dma_semaphore, #tpu.memory_space<semaphore_mem>>
        %dma_start3A = arith.constant 0 : i32
        %dma_start3A_73 = tpu.memref_slice %arg30[%dma_start3A] : memref<6256xf32, #tpu.memory_space<vmem>> -> memref<6160xf32, #tpu.memory_space<vmem>>
        %dma_start3A_74 = arith.constant 93840 : i32
        %dma_start3A_75 = tpu.memref_slice %arg31[%dma_start3A_74] : memref<100000xf32, #tpu.memory_space<vmem_shared>> -> memref<6160xf32, #tpu.memory_space<vmem_shared>>
        %dma_start3A_76 = arith.constant 93840 : i32
        %dma_start3A_77 = tpu.memref_slice %arg31[%dma_start3A_76] : memref<100000xf32, #tpu.memory_space<vmem_shared>> -> memref<6160xf32, #tpu.memory_space<vmem_shared>>
        %dma_start3A_78 = arith.constant 0 : i32
        %dma_start3A_79 = tpu.memref_slice %arg30[%dma_start3A_78] : memref<6256xf32, #tpu.memory_space<vmem>> -> memref<6160xf32, #tpu.memory_space<vmem>>
        tpu.enqueue_dma source(%dma_start3A_79 : memref<6160xf32, #tpu.memory_space<vmem>>) target(%dma_start3A_77 : memref<6160xf32, #tpu.memory_space<vmem_shared>>) target_semaphore(%run_scoped3A : memref<!tpu.dma_semaphore, #tpu.memory_space<semaphore_mem>>)
        %dma_wait3A = arith.constant 0 : i32
        %dma_wait3A_80 = tpu.memref_slice %arg30[%dma_wait3A] : memref<6256xf32, #tpu.memory_space<vmem>> -> memref<6160xf32, #tpu.memory_space<vmem>>
        %dma_wait3A_81 = arith.constant 93840 : i32
        %dma_wait3A_82 = tpu.memref_slice %arg31[%dma_wait3A_81] : memref<100000xf32, #tpu.memory_space<vmem_shared>> -> memref<6160xf32, #tpu.memory_space<vmem_shared>>
        %dma_wait3A_83 = arith.constant 93840 : i32
        %dma_wait3A_84 = tpu.memref_slice %arg31[%dma_wait3A_83] : memref<100000xf32, #tpu.memory_space<vmem_shared>> -> memref<6160xf32, #tpu.memory_space<vmem_shared>>
        %dma_wait3A_85 = arith.constant 0 : i32
        %dma_wait3A_86 = tpu.memref_slice %arg30[%dma_wait3A_85] : memref<6256xf32, #tpu.memory_space<vmem>> -> memref<6160xf32, #tpu.memory_space<vmem>>
        tpu.wait_dma2 semaphore(%run_scoped3A : memref<!tpu.dma_semaphore, #tpu.memory_space<semaphore_mem>>) src(%dma_wait3A_86 : memref<6160xf32, #tpu.memory_space<vmem>>) dst(%dma_wait3A_84 : memref<6160xf32, #tpu.memory_space<vmem_shared>>)
        tpu.yield
      }) : () -> ()
    } else {
    }
    %barrier3A = arith.constant 0 : index
    tpu.barrier barrier_id(%barrier3A)
    %iota3A = tpu.iota {dimensions = array<i32: 0>} : vector<16xi32>
    %broadcast_in_dim3A = arith.constant 0 : i32
    %broadcast_in_dim3A_14 = vector.broadcast %broadcast_in_dim3A : i32 to vector<16xi32>
    %broadcast_in_dim3A_15 = arith.constant 1 : i32
    %broadcast_in_dim3A_16 = vector.broadcast %broadcast_in_dim3A_15 : i32 to vector<16xi32>
    %broadcast_in_dim3A_17 = arith.constant 2 : i32
    %broadcast_in_dim3A_18 = vector.broadcast %broadcast_in_dim3A_17 : i32 to vector<16xi32>
    %add3A_19 = arith.constant 0 : i32
    %add3A_20 = arith.addi %add3A, %add3A_19 : i32
    %lt3A_21 = arith.constant 3125 : i32
    %lt3A_22 = arith.cmpi slt, %add3A_20, %lt3A_21 : i32
    %convert_element_type3A_23 = arith.extui %lt3A_22 : i1 to i32
    %cond3A_24 = arith.constant 0 : i32
    %cond3A_25 = arith.cmpi ne, %convert_element_type3A_23, %cond3A_24 : i32
    scf.if %cond3A_25 {
      %mul3A_73 = arith.constant 2048 : i32
      %mul3A_74 = arith.muli %add3A_20, %mul3A_73 : i32
      %multiple_of3A_75 = tpu.assume_multiple %mul3A_74, 8 : i32
      %mul3A_76 = arith.constant 16 : i32
      %mul3A_77 = arith.muli %add3A_20, %mul3A_76 : i32
      %dma_start3A = arith.constant 0 : i32
      %dma_start3A_78 = arith.constant 0 : i32
      %dma_start3A_79 = tpu.memref_slice %arg3[%mul3A_77, %dma_start3A, %dma_start3A_78] : memref<50000x2x128xi32, #tpu.memory_space<hbm>> -> memref<16x2x128xi32, #tpu.memory_space<hbm>>
      %dma_start3A_80 = arith.constant 0 : i32
      %dma_start3A_81 = arith.constant 0 : i32
      %dma_start3A_82 = tpu.memref_slice %arg3[%mul3A_77, %dma_start3A_80, %dma_start3A_81] : memref<50000x2x128xi32, #tpu.memory_space<hbm>> -> memref<16x2x128xi32, #tpu.memory_space<hbm>>
      tpu.enqueue_dma source(%dma_start3A_82 : memref<16x2x128xi32, #tpu.memory_space<hbm>>) target(%arg8 : memref<16x2x128xi32, #tpu.memory_space<vmem>>) target_semaphore(%arg32 : memref<!tpu.dma_semaphore, #tpu.memory_space<semaphore_mem>>)
      %dma_start3A_83 = tpu.memref_slice %arg4[%multiple_of3A_75] : memref<6400000xf32, #tpu.memory_space<hbm>> -> memref<2048xf32, #tpu.memory_space<hbm>>
      %dma_start3A_84 = tpu.memref_slice %arg4[%multiple_of3A_75] : memref<6400000xf32, #tpu.memory_space<hbm>> -> memref<2048xf32, #tpu.memory_space<hbm>>
      tpu.enqueue_dma source(%dma_start3A_84 : memref<2048xf32, #tpu.memory_space<hbm>>) target(%arg18 : memref<2048xf32, #tpu.memory_space<vmem>>) target_semaphore(%arg32 : memref<!tpu.dma_semaphore, #tpu.memory_space<semaphore_mem>>)
      %dma_start3A_85 = tpu.memref_slice %arg5[%multiple_of3A_75] : memref<6400000xf32, #tpu.memory_space<hbm>> -> memref<2048xf32, #tpu.memory_space<hbm>>
      %dma_start3A_86 = tpu.memref_slice %arg5[%multiple_of3A_75] : memref<6400000xf32, #tpu.memory_space<hbm>> -> memref<2048xf32, #tpu.memory_space<hbm>>
      tpu.enqueue_dma source(%dma_start3A_86 : memref<2048xf32, #tpu.memory_space<hbm>>) target(%arg20 : memref<2048xf32, #tpu.memory_space<vmem>>) target_semaphore(%arg32 : memref<!tpu.dma_semaphore, #tpu.memory_space<semaphore_mem>>)
      %dma_start3A_87 = tpu.memref_slice %arg6[%multiple_of3A_75] : memref<6400000xf32, #tpu.memory_space<hbm>> -> memref<2048xf32, #tpu.memory_space<hbm>>
      %dma_start3A_88 = tpu.memref_slice %arg6[%multiple_of3A_75] : memref<6400000xf32, #tpu.memory_space<hbm>> -> memref<2048xf32, #tpu.memory_space<hbm>>
      tpu.enqueue_dma source(%dma_start3A_88 : memref<2048xf32, #tpu.memory_space<hbm>>) target(%arg22 : memref<2048xf32, #tpu.memory_space<vmem>>) target_semaphore(%arg32 : memref<!tpu.dma_semaphore, #tpu.memory_space<semaphore_mem>>)
    } else {
    }
    %add3A_26 = arith.constant 32 : i32
    %add3A_27 = arith.addi %add3A, %add3A_26 : i32
    %lt3A_28 = arith.constant 3125 : i32
    %lt3A_29 = arith.cmpi slt, %add3A_27, %lt3A_28 : i32
    %convert_element_type3A_30 = arith.extui %lt3A_29 : i1 to i32
    %cond3A_31 = arith.constant 0 : i32
    %cond3A_32 = arith.cmpi ne, %convert_element_type3A_30, %cond3A_31 : i32
    scf.if %cond3A_32 {
      %mul3A_73 = arith.constant 2048 : i32
      %mul3A_74 = arith.muli %add3A_27, %mul3A_73 : i32
      %multiple_of3A_75 = tpu.assume_multiple %mul3A_74, 8 : i32
      %mul3A_76 = arith.constant 16 : i32
      %mul3A_77 = arith.muli %add3A_27, %mul3A_76 : i32
      %dma_start3A = arith.constant 0 : i32
      %dma_start3A_78 = arith.constant 0 : i32
      %dma_start3A_79 = tpu.memref_slice %arg3[%mul3A_77, %dma_start3A, %dma_start3A_78] : memref<50000x2x128xi32, #tpu.memory_space<hbm>> -> memref<16x2x128xi32, #tpu.memory_space<hbm>>
      %dma_start3A_80 = arith.constant 0 : i32
      %dma_start3A_81 = arith.constant 0 : i32
      %dma_start3A_82 = tpu.memref_slice %arg3[%mul3A_77, %dma_start3A_80, %dma_start3A_81] : memref<50000x2x128xi32, #tpu.memory_space<hbm>> -> memref<16x2x128xi32, #tpu.memory_space<hbm>>
      tpu.enqueue_dma source(%dma_start3A_82 : memref<16x2x128xi32, #tpu.memory_space<hbm>>) target(%arg9 : memref<16x2x128xi32, #tpu.memory_space<vmem>>) target_semaphore(%arg33 : memref<!tpu.dma_semaphore, #tpu.memory_space<semaphore_mem>>)
      %dma_start3A_83 = tpu.memref_slice %arg4[%multiple_of3A_75] : memref<6400000xf32, #tpu.memory_space<hbm>> -> memref<2048xf32, #tpu.memory_space<hbm>>
      %dma_start3A_84 = tpu.memref_slice %arg4[%multiple_of3A_75] : memref<6400000xf32, #tpu.memory_space<hbm>> -> memref<2048xf32, #tpu.memory_space<hbm>>
      tpu.enqueue_dma source(%dma_start3A_84 : memref<2048xf32, #tpu.memory_space<hbm>>) target(%arg19 : memref<2048xf32, #tpu.memory_space<vmem>>) target_semaphore(%arg33 : memref<!tpu.dma_semaphore, #tpu.memory_space<semaphore_mem>>)
      %dma_start3A_85 = tpu.memref_slice %arg5[%multiple_of3A_75] : memref<6400000xf32, #tpu.memory_space<hbm>> -> memref<2048xf32, #tpu.memory_space<hbm>>
      %dma_start3A_86 = tpu.memref_slice %arg5[%multiple_of3A_75] : memref<6400000xf32, #tpu.memory_space<hbm>> -> memref<2048xf32, #tpu.memory_space<hbm>>
      tpu.enqueue_dma source(%dma_start3A_86 : memref<2048xf32, #tpu.memory_space<hbm>>) target(%arg21 : memref<2048xf32, #tpu.memory_space<vmem>>) target_semaphore(%arg33 : memref<!tpu.dma_semaphore, #tpu.memory_space<semaphore_mem>>)
      %dma_start3A_87 = tpu.memref_slice %arg6[%multiple_of3A_75] : memref<6400000xf32, #tpu.memory_space<hbm>> -> memref<2048xf32, #tpu.memory_space<hbm>>
      %dma_start3A_88 = tpu.memref_slice %arg6[%multiple_of3A_75] : memref<6400000xf32, #tpu.memory_space<hbm>> -> memref<2048xf32, #tpu.memory_space<hbm>>
      tpu.enqueue_dma source(%dma_start3A_88 : memref<2048xf32, #tpu.memory_space<hbm>>) target(%arg23 : memref<2048xf32, #tpu.memory_space<vmem>>) target_semaphore(%arg33 : memref<!tpu.dma_semaphore, #tpu.memory_space<semaphore_mem>>)
    } else {
    }
    %add3A_33 = arith.constant 0 : i32
    %add3A_34 = arith.addi %add3A, %add3A_33 : i32
    %lt3A_35 = arith.constant 3125 : i32
    %lt3A_36 = arith.cmpi slt, %add3A_34, %lt3A_35 : i32
    %convert_element_type3A_37 = arith.extui %lt3A_36 : i1 to i32
    %cond3A_38 = arith.constant 0 : i32
    %cond3A_39 = arith.cmpi ne, %convert_element_type3A_37, %cond3A_38 : i32
    scf.if %cond3A_39 {
      %dma_wait3A = arith.constant 0 : i32
      %dma_wait3A_73 = arith.constant 0 : i32
      %dma_wait3A_74 = arith.constant 0 : i32
      %dma_wait3A_75 = tpu.memref_slice %arg3[%dma_wait3A, %dma_wait3A_73, %dma_wait3A_74] : memref<50000x2x128xi32, #tpu.memory_space<hbm>> -> memref<16x2x128xi32, #tpu.memory_space<hbm>>
      %dma_wait3A_76 = arith.constant 0 : i32
      %dma_wait3A_77 = arith.constant 0 : i32
      %dma_wait3A_78 = arith.constant 0 : i32
      %dma_wait3A_79 = tpu.memref_slice %arg3[%dma_wait3A_76, %dma_wait3A_77, %dma_wait3A_78] : memref<50000x2x128xi32, #tpu.memory_space<hbm>> -> memref<16x2x128xi32, #tpu.memory_space<hbm>>
      tpu.wait_dma2 semaphore(%arg32 : memref<!tpu.dma_semaphore, #tpu.memory_space<semaphore_mem>>) src(%dma_wait3A_79 : memref<16x2x128xi32, #tpu.memory_space<hbm>>) dst(%arg8 : memref<16x2x128xi32, #tpu.memory_space<vmem>>)
      %dma_wait3A_80 = arith.constant 0 : i32
      %dma_wait3A_81 = tpu.memref_slice %arg4[%dma_wait3A_80] : memref<6400000xf32, #tpu.memory_space<hbm>> -> memref<2048xf32, #tpu.memory_space<hbm>>
      %dma_wait3A_82 = arith.constant 0 : i32
      %dma_wait3A_83 = tpu.memref_slice %arg4[%dma_wait3A_82] : memref<6400000xf32, #tpu.memory_space<hbm>> -> memref<2048xf32, #tpu.memory_space<hbm>>
      tpu.wait_dma2 semaphore(%arg32 : memref<!tpu.dma_semaphore, #tpu.memory_space<semaphore_mem>>) src(%dma_wait3A_83 : memref<2048xf32, #tpu.memory_space<hbm>>) dst(%arg18 : memref<2048xf32, #tpu.memory_space<vmem>>)
      %dma_wait3A_84 = arith.constant 0 : i32
      %dma_wait3A_85 = tpu.memref_slice %arg5[%dma_wait3A_84] : memref<6400000xf32, #tpu.memory_space<hbm>> -> memref<2048xf32, #tpu.memory_space<hbm>>
      %dma_wait3A_86 = arith.constant 0 : i32
      %dma_wait3A_87 = tpu.memref_slice %arg5[%dma_wait3A_86] : memref<6400000xf32, #tpu.memory_space<hbm>> -> memref<2048xf32, #tpu.memory_space<hbm>>
      tpu.wait_dma2 semaphore(%arg32 : memref<!tpu.dma_semaphore, #tpu.memory_space<semaphore_mem>>) src(%dma_wait3A_87 : memref<2048xf32, #tpu.memory_space<hbm>>) dst(%arg20 : memref<2048xf32, #tpu.memory_space<vmem>>)
      %dma_wait3A_88 = arith.constant 0 : i32
      %dma_wait3A_89 = tpu.memref_slice %arg6[%dma_wait3A_88] : memref<6400000xf32, #tpu.memory_space<hbm>> -> memref<2048xf32, #tpu.memory_space<hbm>>
      %dma_wait3A_90 = arith.constant 0 : i32
      %dma_wait3A_91 = tpu.memref_slice %arg6[%dma_wait3A_90] : memref<6400000xf32, #tpu.memory_space<hbm>> -> memref<2048xf32, #tpu.memory_space<hbm>>
      tpu.wait_dma2 semaphore(%arg32 : memref<!tpu.dma_semaphore, #tpu.memory_space<semaphore_mem>>) src(%dma_wait3A_91 : memref<2048xf32, #tpu.memory_space<hbm>>) dst(%arg22 : memref<2048xf32, #tpu.memory_space<vmem>>)
    } else {
    }
    %add3A_40 = arith.constant 0 : i32
    %add3A_41 = arith.addi %add3A, %add3A_40 : i32
    %lt3A_42 = arith.constant 3125 : i32
    %lt3A_43 = arith.cmpi slt, %add3A_41, %lt3A_42 : i32
    %convert_element_type3A_44 = arith.extui %lt3A_43 : i1 to i32
    %cond3A_45 = arith.constant 0 : i32
    %cond3A_46 = arith.cmpi ne, %convert_element_type3A_44, %cond3A_45 : i32
    scf.if %cond3A_46 {
      %parallel_loop3A = arith.constant 0 : i32
      %parallel_loop3A_73 = arith.constant 16 : i32
      %parallel_loop3A_74 = arith.constant 1 : i32
      scf.for %parallel_loop3A_75 = %parallel_loop3A to %parallel_loop3A_73 step %parallel_loop3A_74  : i32 {
        %parallel_loop3A_76 = arith.constant 128 : i32
        %parallel_loop3A_77 = arith.muli %parallel_loop3A_75, %parallel_loop3A_76 : i32
        %parallel_loop3A_78 = arith.constant 0 : i32
        %parallel_loop3A_79 = arith.addi %parallel_loop3A_77, %parallel_loop3A_78 : i32
        %parallel_loop3A_80 = tpu.assume_multiple %parallel_loop3A_79, 16 : i32
        %parallel_loop3A_81 = arith.constant 0 : i32
        %parallel_loop3A_82 = arith.index_cast %parallel_loop3A_75 : i32 to index
        %parallel_loop3A_83 = arith.index_cast %parallel_loop3A_81 : i32 to index
        %parallel_loop3A_84 = arith.constant 0 : index
        %parallel_loop3A_85 = tpu.vector_load %arg8[%parallel_loop3A_82, %parallel_loop3A_83, %parallel_loop3A_84] {strides = array<i32>} : memref<16x2x128xi32, #tpu.memory_space<vmem>>, vector<16xi32>,
        %parallel_loop3A_86 = arith.index_cast %parallel_loop3A_80 : i32 to index
        %parallel_loop3A_87 = tpu.vector_load %arg12[%parallel_loop3A_86] {strides = array<i32>} : memref<2048xi32, #tpu.memory_space<vmem>>, vector<16xi32>,
        tpu.vector_store %arg12[%parallel_loop3A_86], %parallel_loop3A_85 {strides = array<i32>} : memref<2048xi32, #tpu.memory_space<vmem>>, vector<16xi32>,
        %parallel_loop3A_88 = arith.constant 1 : i32
        %parallel_loop3A_89 = arith.index_cast %parallel_loop3A_75 : i32 to index
        %parallel_loop3A_90 = arith.index_cast %parallel_loop3A_88 : i32 to index
        %parallel_loop3A_91 = arith.constant 0 : index
        %parallel_loop3A_92 = tpu.vector_load %arg8[%parallel_loop3A_89, %parallel_loop3A_90, %parallel_loop3A_91] {strides = array<i32>} : memref<16x2x128xi32, #tpu.memory_space<vmem>>, vector<16xi32>,
        %parallel_loop3A_93 = arith.index_cast %parallel_loop3A_80 : i32 to index
        %parallel_loop3A_94 = tpu.vector_load %arg16[%parallel_loop3A_93] {strides = array<i32>} : memref<2048xi32, #tpu.memory_space<vmem>>, vector<16xi32>,
        tpu.vector_store %arg16[%parallel_loop3A_93], %parallel_loop3A_92 {strides = array<i32>} : memref<2048xi32, #tpu.memory_space<vmem>>, vector<16xi32>,
        %parallel_loop3A_95 = arith.constant 128 : i32
        %parallel_loop3A_96 = arith.muli %parallel_loop3A_75, %parallel_loop3A_95 : i32
        %parallel_loop3A_97 = arith.constant 16 : i32
        %parallel_loop3A_98 = arith.addi %parallel_loop3A_96, %parallel_loop3A_97 : i32
        %parallel_loop3A_99 = tpu.assume_multiple %parallel_loop3A_98, 16 : i32
        %parallel_loop3A_100 = arith.constant 0 : i32
        %parallel_loop3A_101 = arith.index_cast %parallel_loop3A_75 : i32 to index
        %parallel_loop3A_102 = arith.index_cast %parallel_loop3A_100 : i32 to index
        %parallel_loop3A_103 = arith.constant 16 : index
        %parallel_loop3A_104 = tpu.vector_load %arg8[%parallel_loop3A_101, %parallel_loop3A_102, %parallel_loop3A_103] {strides = array<i32>} : memref<16x2x128xi32, #tpu.memory_space<vmem>>, vector<16xi32>,
        %parallel_loop3A_105 = arith.index_cast %parallel_loop3A_99 : i32 to index
        %parallel_loop3A_106 = tpu.vector_load %arg12[%parallel_loop3A_105] {strides = array<i32>} : memref<2048xi32, #tpu.memory_space<vmem>>, vector<16xi32>,
        tpu.vector_store %arg12[%parallel_loop3A_105], %parallel_loop3A_104 {strides = array<i32>} : memref<2048xi32, #tpu.memory_space<vmem>>, vector<16xi32>,
        %parallel_loop3A_107 = arith.constant 1 : i32
        %parallel_loop3A_108 = arith.index_cast %parallel_loop3A_75 : i32 to index
        %parallel_loop3A_109 = arith.index_cast %parallel_loop3A_107 : i32 to index
        %parallel_loop3A_110 = arith.constant 16 : index
        %parallel_loop3A_111 = tpu.vector_load %arg8[%parallel_loop3A_108, %parallel_loop3A_109, %parallel_loop3A_110] {strides = array<i32>} : memref<16x2x128xi32, #tpu.memory_space<vmem>>, vector<16xi32>,
        %parallel_loop3A_112 = arith.index_cast %parallel_loop3A_99 : i32 to index
        %parallel_loop3A_113 = tpu.vector_load %arg16[%parallel_loop3A_112] {strides = array<i32>} : memref<2048xi32, #tpu.memory_space<vmem>>, vector<16xi32>,
        tpu.vector_store %arg16[%parallel_loop3A_112], %parallel_loop3A_111 {strides = array<i32>} : memref<2048xi32, #tpu.memory_space<vmem>>, vector<16xi32>,
        %parallel_loop3A_114 = arith.constant 128 : i32
        %parallel_loop3A_115 = arith.muli %parallel_loop3A_75, %parallel_loop3A_114 : i32
        %parallel_loop3A_116 = arith.constant 32 : i32
        %parallel_loop3A_117 = arith.addi %parallel_loop3A_115, %parallel_loop3A_116 : i32
        %parallel_loop3A_118 = tpu.assume_multiple %parallel_loop3A_117, 16 : i32
        %parallel_loop3A_119 = arith.constant 0 : i32
        %parallel_loop3A_120 = arith.index_cast %parallel_loop3A_75 : i32 to index
        %parallel_loop3A_121 = arith.index_cast %parallel_loop3A_119 : i32 to index
        %parallel_loop3A_122 = arith.constant 32 : index
        %parallel_loop3A_123 = tpu.vector_load %arg8[%parallel_loop3A_120, %parallel_loop3A_121, %parallel_loop3A_122] {strides = array<i32>} : memref<16x2x128xi32, #tpu.memory_space<vmem>>, vector<16xi32>,
        %parallel_loop3A_124 = arith.index_cast %parallel_loop3A_118 : i32 to index
        %parallel_loop3A_125 = tpu.vector_load %arg12[%parallel_loop3A_124] {strides = array<i32>} : memref<2048xi32, #tpu.memory_space<vmem>>, vector<16xi32>,
        tpu.vector_store %arg12[%parallel_loop3A_124], %parallel_loop3A_123 {strides = array<i32>} : memref<2048xi32, #tpu.memory_space<vmem>>, vector<16xi32>,
        %parallel_loop3A_126 = arith.constant 1 : i32
        %parallel_loop3A_127 = arith.index_cast %parallel_loop3A_75 : i32 to index
        %parallel_loop3A_128 = arith.index_cast %parallel_loop3A_126 : i32 to index
        %parallel_loop3A_129 = arith.constant 32 : index
        %parallel_loop3A_130 = tpu.vector_load %arg8[%parallel_loop3A_127, %parallel_loop3A_128, %parallel_loop3A_129] {strides = array<i32>} : memref<16x2x128xi32, #tpu.memory_space<vmem>>, vector<16xi32>,
        %parallel_loop3A_131 = arith.index_cast %parallel_loop3A_118 : i32 to index
        %parallel_loop3A_132 = tpu.vector_load %arg16[%parallel_loop3A_131] {strides = array<i32>} : memref<2048xi32, #tpu.memory_space<vmem>>, vector<16xi32>,
        tpu.vector_store %arg16[%parallel_loop3A_131], %parallel_loop3A_130 {strides = array<i32>} : memref<2048xi32, #tpu.memory_space<vmem>>, vector<16xi32>,
        %parallel_loop3A_133 = arith.constant 128 : i32
        %parallel_loop3A_134 = arith.muli %parallel_loop3A_75, %parallel_loop3A_133 : i32
        %parallel_loop3A_135 = arith.constant 48 : i32
        %parallel_loop3A_136 = arith.addi %parallel_loop3A_134, %parallel_loop3A_135 : i32
        %parallel_loop3A_137 = tpu.assume_multiple %parallel_loop3A_136, 16 : i32
        %parallel_loop3A_138 = arith.constant 0 : i32
        %parallel_loop3A_139 = arith.index_cast %parallel_loop3A_75 : i32 to index
        %parallel_loop3A_140 = arith.index_cast %parallel_loop3A_138 : i32 to index
        %parallel_loop3A_141 = arith.constant 48 : index
        %parallel_loop3A_142 = tpu.vector_load %arg8[%parallel_loop3A_139, %parallel_loop3A_140, %parallel_loop3A_141] {strides = array<i32>} : memref<16x2x128xi32, #tpu.memory_space<vmem>>, vector<16xi32>,
        %parallel_loop3A_143 = arith.index_cast %parallel_loop3A_137 : i32 to index
        %parallel_loop3A_144 = tpu.vector_load %arg12[%parallel_loop3A_143] {strides = array<i32>} : memref<2048xi32, #tpu.memory_space<vmem>>, vector<16xi32>,
        tpu.vector_store %arg12[%parallel_loop3A_143], %parallel_loop3A_142 {strides = array<i32>} : memref<2048xi32, #tpu.memory_space<vmem>>, vector<16xi32>,
        %parallel_loop3A_145 = arith.constant 1 : i32
        %parallel_loop3A_146 = arith.index_cast %parallel_loop3A_75 : i32 to index
        %parallel_loop3A_147 = arith.index_cast %parallel_loop3A_145 : i32 to index
        %parallel_loop3A_148 = arith.constant 48 : index
        %parallel_loop3A_149 = tpu.vector_load %arg8[%parallel_loop3A_146, %parallel_loop3A_147, %parallel_loop3A_148] {strides = array<i32>} : memref<16x2x128xi32, #tpu.memory_space<vmem>>, vector<16xi32>,
        %parallel_loop3A_150 = arith.index_cast %parallel_loop3A_137 : i32 to index
        %parallel_loop3A_151 = tpu.vector_load %arg16[%parallel_loop3A_150] {strides = array<i32>} : memref<2048xi32, #tpu.memory_space<vmem>>, vector<16xi32>,
        tpu.vector_store %arg16[%parallel_loop3A_150], %parallel_loop3A_149 {strides = array<i32>} : memref<2048xi32, #tpu.memory_space<vmem>>, vector<16xi32>,
        %parallel_loop3A_152 = arith.constant 128 : i32
        %parallel_loop3A_153 = arith.muli %parallel_loop3A_75, %parallel_loop3A_152 : i32
        %parallel_loop3A_154 = arith.constant 64 : i32
        %parallel_loop3A_155 = arith.addi %parallel_loop3A_153, %parallel_loop3A_154 : i32
        %parallel_loop3A_156 = tpu.assume_multiple %parallel_loop3A_155, 16 : i32
        %parallel_loop3A_157 = arith.constant 0 : i32
        %parallel_loop3A_158 = arith.index_cast %parallel_loop3A_75 : i32 to index
        %parallel_loop3A_159 = arith.index_cast %parallel_loop3A_157 : i32 to index
        %parallel_loop3A_160 = arith.constant 64 : index
        %parallel_loop3A_161 = tpu.vector_load %arg8[%parallel_loop3A_158, %parallel_loop3A_159, %parallel_loop3A_160] {strides = array<i32>} : memref<16x2x128xi32, #tpu.memory_space<vmem>>, vector<16xi32>,
        %parallel_loop3A_162 = arith.index_cast %parallel_loop3A_156 : i32 to index
        %parallel_loop3A_163 = tpu.vector_load %arg12[%parallel_loop3A_162] {strides = array<i32>} : memref<2048xi32, #tpu.memory_space<vmem>>, vector<16xi32>,
        tpu.vector_store %arg12[%parallel_loop3A_162], %parallel_loop3A_161 {strides = array<i32>} : memref<2048xi32, #tpu.memory_space<vmem>>, vector<16xi32>,
        %parallel_loop3A_164 = arith.constant 1 : i32
        %parallel_loop3A_165 = arith.index_cast %parallel_loop3A_75 : i32 to index
        %parallel_loop3A_166 = arith.index_cast %parallel_loop3A_164 : i32 to index
        %parallel_loop3A_167 = arith.constant 64 : index
        %parallel_loop3A_168 = tpu.vector_load %arg8[%parallel_loop3A_165, %parallel_loop3A_166, %parallel_loop3A_167] {strides = array<i32>} : memref<16x2x128xi32, #tpu.memory_space<vmem>>, vector<16xi32>,
        %parallel_loop3A_169 = arith.index_cast %parallel_loop3A_156 : i32 to index
        %parallel_loop3A_170 = tpu.vector_load %arg16[%parallel_loop3A_169] {strides = array<i32>} : memref<2048xi32, #tpu.memory_space<vmem>>, vector<16xi32>,
        tpu.vector_store %arg16[%parallel_loop3A_169], %parallel_loop3A_168 {strides = array<i32>} : memref<2048xi32, #tpu.memory_space<vmem>>, vector<16xi32>,
        %parallel_loop3A_171 = arith.constant 128 : i32
        %parallel_loop3A_172 = arith.muli %parallel_loop3A_75, %parallel_loop3A_171 : i32
        %parallel_loop3A_173 = arith.constant 80 : i32
        %parallel_loop3A_174 = arith.addi %parallel_loop3A_172, %parallel_loop3A_173 : i32
        %parallel_loop3A_175 = tpu.assume_multiple %parallel_loop3A_174, 16 : i32
        %parallel_loop3A_176 = arith.constant 0 : i32
        %parallel_loop3A_177 = arith.index_cast %parallel_loop3A_75 : i32 to index
        %parallel_loop3A_178 = arith.index_cast %parallel_loop3A_176 : i32 to index
        %parallel_loop3A_179 = arith.constant 80 : index
        %parallel_loop3A_180 = tpu.vector_load %arg8[%parallel_loop3A_177, %parallel_loop3A_178, %parallel_loop3A_179] {strides = array<i32>} : memref<16x2x128xi32, #tpu.memory_space<vmem>>, vector<16xi32>,
        %parallel_loop3A_181 = arith.index_cast %parallel_loop3A_175 : i32 to index
        %parallel_loop3A_182 = tpu.vector_load %arg12[%parallel_loop3A_181] {strides = array<i32>} : memref<2048xi32, #tpu.memory_space<vmem>>, vector<16xi32>,
        tpu.vector_store %arg12[%parallel_loop3A_181], %parallel_loop3A_180 {strides = array<i32>} : memref<2048xi32, #tpu.memory_space<vmem>>, vector<16xi32>,
        %parallel_loop3A_183 = arith.constant 1 : i32
        %parallel_loop3A_184 = arith.index_cast %parallel_loop3A_75 : i32 to index
        %parallel_loop3A_185 = arith.index_cast %parallel_loop3A_183 : i32 to index
        %parallel_loop3A_186 = arith.constant 80 : index
        %parallel_loop3A_187 = tpu.vector_load %arg8[%parallel_loop3A_184, %parallel_loop3A_185, %parallel_loop3A_186] {strides = array<i32>} : memref<16x2x128xi32, #tpu.memory_space<vmem>>, vector<16xi32>,
        %parallel_loop3A_188 = arith.index_cast %parallel_loop3A_175 : i32 to index
        %parallel_loop3A_189 = tpu.vector_load %arg16[%parallel_loop3A_188] {strides = array<i32>} : memref<2048xi32, #tpu.memory_space<vmem>>, vector<16xi32>,
        tpu.vector_store %arg16[%parallel_loop3A_188], %parallel_loop3A_187 {strides = array<i32>} : memref<2048xi32, #tpu.memory_space<vmem>>, vector<16xi32>,
        %parallel_loop3A_190 = arith.constant 128 : i32
        %parallel_loop3A_191 = arith.muli %parallel_loop3A_75, %parallel_loop3A_190 : i32
        %parallel_loop3A_192 = arith.constant 96 : i32
        %parallel_loop3A_193 = arith.addi %parallel_loop3A_191, %parallel_loop3A_192 : i32
        %parallel_loop3A_194 = tpu.assume_multiple %parallel_loop3A_193, 16 : i32
        %parallel_loop3A_195 = arith.constant 0 : i32
        %parallel_loop3A_196 = arith.index_cast %parallel_loop3A_75 : i32 to index
        %parallel_loop3A_197 = arith.index_cast %parallel_loop3A_195 : i32 to index
        %parallel_loop3A_198 = arith.constant 96 : index
        %parallel_loop3A_199 = tpu.vector_load %arg8[%parallel_loop3A_196, %parallel_loop3A_197, %parallel_loop3A_198] {strides = array<i32>} : memref<16x2x128xi32, #tpu.memory_space<vmem>>, vector<16xi32>,
        %parallel_loop3A_200 = arith.index_cast %parallel_loop3A_194 : i32 to index
        %parallel_loop3A_201 = tpu.vector_load %arg12[%parallel_loop3A_200] {strides = array<i32>} : memref<2048xi32, #tpu.memory_space<vmem>>, vector<16xi32>,
        tpu.vector_store %arg12[%parallel_loop3A_200], %parallel_loop3A_199 {strides = array<i32>} : memref<2048xi32, #tpu.memory_space<vmem>>, vector<16xi32>,
        %parallel_loop3A_202 = arith.constant 1 : i32
        %parallel_loop3A_203 = arith.index_cast %parallel_loop3A_75 : i32 to index
        %parallel_loop3A_204 = arith.index_cast %parallel_loop3A_202 : i32 to index
        %parallel_loop3A_205 = arith.constant 96 : index
        %parallel_loop3A_206 = tpu.vector_load %arg8[%parallel_loop3A_203, %parallel_loop3A_204, %parallel_loop3A_205] {strides = array<i32>} : memref<16x2x128xi32, #tpu.memory_space<vmem>>, vector<16xi32>,
        %parallel_loop3A_207 = arith.index_cast %parallel_loop3A_194 : i32 to index
        %parallel_loop3A_208 = tpu.vector_load %arg16[%parallel_loop3A_207] {strides = array<i32>} : memref<2048xi32, #tpu.memory_space<vmem>>, vector<16xi32>,
        tpu.vector_store %arg16[%parallel_loop3A_207], %parallel_loop3A_206 {strides = array<i32>} : memref<2048xi32, #tpu.memory_space<vmem>>, vector<16xi32>,
        %parallel_loop3A_209 = arith.constant 128 : i32
        %parallel_loop3A_210 = arith.muli %parallel_loop3A_75, %parallel_loop3A_209 : i32
        %parallel_loop3A_211 = arith.constant 112 : i32
        %parallel_loop3A_212 = arith.addi %parallel_loop3A_210, %parallel_loop3A_211 : i32
        %parallel_loop3A_213 = tpu.assume_multiple %parallel_loop3A_212, 16 : i32
        %parallel_loop3A_214 = arith.constant 0 : i32
        %parallel_loop3A_215 = arith.index_cast %parallel_loop3A_75 : i32 to index
        %parallel_loop3A_216 = arith.index_cast %parallel_loop3A_214 : i32 to index
        %parallel_loop3A_217 = arith.constant 112 : index
        %parallel_loop3A_218 = tpu.vector_load %arg8[%parallel_loop3A_215, %parallel_loop3A_216, %parallel_loop3A_217] {strides = array<i32>} : memref<16x2x128xi32, #tpu.memory_space<vmem>>, vector<16xi32>,
        %parallel_loop3A_219 = arith.index_cast %parallel_loop3A_213 : i32 to index
        %parallel_loop3A_220 = tpu.vector_load %arg12[%parallel_loop3A_219] {strides = array<i32>} : memref<2048xi32, #tpu.memory_space<vmem>>, vector<16xi32>,
        tpu.vector_store %arg12[%parallel_loop3A_219], %parallel_loop3A_218 {strides = array<i32>} : memref<2048xi32, #tpu.memory_space<vmem>>, vector<16xi32>,
        %parallel_loop3A_221 = arith.constant 1 : i32
        %parallel_loop3A_222 = arith.index_cast %parallel_loop3A_75 : i32 to index
        %parallel_loop3A_223 = arith.index_cast %parallel_loop3A_221 : i32 to index
        %parallel_loop3A_224 = arith.constant 112 : index
        %parallel_loop3A_225 = tpu.vector_load %arg8[%parallel_loop3A_222, %parallel_loop3A_223, %parallel_loop3A_224] {strides = array<i32>} : memref<16x2x128xi32, #tpu.memory_space<vmem>>, vector<16xi32>,
        %parallel_loop3A_226 = arith.index_cast %parallel_loop3A_213 : i32 to index
        %parallel_loop3A_227 = tpu.vector_load %arg16[%parallel_loop3A_226] {strides = array<i32>} : memref<2048xi32, #tpu.memory_space<vmem>>, vector<16xi32>,
        tpu.vector_store %arg16[%parallel_loop3A_226], %parallel_loop3A_225 {strides = array<i32>} : memref<2048xi32, #tpu.memory_space<vmem>>, vector<16xi32>,
      } {sc.loop_unroll_factor = 1 : i64, sc.parallel_access}
    } else {
    }
    %add3A_47 = arith.constant 0 : i32
    %add3A_48 = arith.addi %add3A, %add3A_47 : i32
    %lt3A_49 = arith.constant 3125 : i32
    %lt3A_50 = arith.cmpi slt, %add3A_48, %lt3A_49 : i32
    %convert_element_type3A_51 = arith.extui %lt3A_50 : i1 to i32
    %cond3A_52 = arith.constant 0 : i32
    %cond3A_53 = arith.cmpi ne, %convert_element_type3A_51, %cond3A_52 : i32
    scf.if %cond3A_53 {
      %dma_start3A = arith.constant 0 : i32
      %dma_start3A_73 = arith.constant 0 : i32
      %dma_start3A_74 = tpu.memref_slice %arg2[%dma_start3A, %dma_start3A_73] : memref<100000x8xf32, #tpu.memory_space<hbm>> -> memref<100000x8xf32, #tpu.memory_space<hbm>>
      tpu.enqueue_indirect_dma source(%dma_start3A_74 : memref<100000x8xf32, #tpu.memory_space<hbm>>) target(%arg24 : memref<2048x8xf32, #tpu.memory_space<vmem>>) offsets(%arg12 : memref<2048xi32, #tpu.memory_space<vmem>>) semaphore(%arg34 : memref<!tpu.dma_semaphore, #tpu.memory_space<semaphore_mem>>)
      %dma_start3A_75 = arith.constant 0 : i32
      %dma_start3A_76 = arith.constant 0 : i32
      %dma_start3A_77 = tpu.memref_slice %arg2[%dma_start3A_75, %dma_start3A_76] : memref<100000x8xf32, #tpu.memory_space<hbm>> -> memref<100000x8xf32, #tpu.memory_space<hbm>>
      tpu.enqueue_indirect_dma source(%dma_start3A_77 : memref<100000x8xf32, #tpu.memory_space<hbm>>) target(%arg26 : memref<2048x8xf32, #tpu.memory_space<vmem>>) offsets(%arg16 : memref<2048xi32, #tpu.memory_space<vmem>>) semaphore(%arg34 : memref<!tpu.dma_semaphore, #tpu.memory_space<semaphore_mem>>)
    } else {
    }
    %scan3A_54 = arith.constant 0 : i32
    %scan3A_55 = arith.constant 0 : i32
    %scan3A_56 = arith.constant 25 : i32
    %scan3A_57 = arith.addi %scan3A_55, %scan3A_56 : i32
    %scan3A_58 = arith.constant 1 : i32
    scf.for %scan3A_73 = %scan3A_55 to %scan3A_57 step %scan3A_58  : i32 {
      %mul3A_74 = arith.constant 4 : i32
      %mul3A_75 = arith.muli %scan3A_73, %mul3A_74 : i32
      %add3A_76 = arith.constant 0 : i32
      %add3A_77 = arith.addi %mul3A_75, %add3A_76 : i32
      %mul3A_78 = arith.constant 32 : i32
      %mul3A_79 = arith.muli %add3A_77, %mul3A_78 : i32
      %add3A_80 = arith.addi %add3A, %mul3A_79 : i32
      %lt3A_81 = arith.constant 3125 : i32
      %lt3A_82 = arith.cmpi slt, %add3A_80, %lt3A_81 : i32
      %convert_element_type3A_83 = arith.extui %lt3A_82 : i1 to i32
      %cond3A_84 = arith.constant 0 : i32
      %cond3A_85 = arith.cmpi ne, %convert_element_type3A_83, %cond3A_84 : i32
      scf.if %cond3A_85 {
        %dma_wait3A = arith.constant 0 : i32
        %dma_wait3A_395 = arith.constant 0 : i32
        %dma_wait3A_396 = tpu.memref_slice %arg2[%dma_wait3A, %dma_wait3A_395] : memref<100000x8xf32, #tpu.memory_space<hbm>> -> memref<2048x8xf32, #tpu.memory_space<hbm>>
        %dma_wait3A_397 = arith.constant 0 : i32
        %dma_wait3A_398 = arith.constant 0 : i32
        %dma_wait3A_399 = tpu.memref_slice %arg2[%dma_wait3A_397, %dma_wait3A_398] : memref<100000x8xf32, #tpu.memory_space<hbm>> -> memref<2048x8xf32, #tpu.memory_space<hbm>>
        tpu.wait_dma2 semaphore(%arg34 : memref<!tpu.dma_semaphore, #tpu.memory_space<semaphore_mem>>) src(%dma_wait3A_399 : memref<2048x8xf32, #tpu.memory_space<hbm>>) dst(%arg24 : memref<2048x8xf32, #tpu.memory_space<vmem>>)
        %dma_wait3A_400 = arith.constant 0 : i32
        %dma_wait3A_401 = arith.constant 0 : i32
        %dma_wait3A_402 = tpu.memref_slice %arg2[%dma_wait3A_400, %dma_wait3A_401] : memref<100000x8xf32, #tpu.memory_space<hbm>> -> memref<2048x8xf32, #tpu.memory_space<hbm>>
        %dma_wait3A_403 = arith.constant 0 : i32
        %dma_wait3A_404 = arith.constant 0 : i32
        %dma_wait3A_405 = tpu.memref_slice %arg2[%dma_wait3A_403, %dma_wait3A_404] : memref<100000x8xf32, #tpu.memory_space<hbm>> -> memref<2048x8xf32, #tpu.memory_space<hbm>>
        tpu.wait_dma2 semaphore(%arg34 : memref<!tpu.dma_semaphore, #tpu.memory_space<semaphore_mem>>) src(%dma_wait3A_405 : memref<2048x8xf32, #tpu.memory_space<hbm>>) dst(%arg26 : memref<2048x8xf32, #tpu.memory_space<vmem>>)
      } else {
      }
      %add3A_86 = arith.constant 1 : i32
      %add3A_87 = arith.addi %add3A_77, %add3A_86 : i32
      %mul3A_88 = arith.constant 32 : i32
      %mul3A_89 = arith.muli %add3A_87, %mul3A_88 : i32
      %add3A_90 = arith.addi %add3A, %mul3A_89 : i32
      %lt3A_91 = arith.constant 3125 : i32
      %lt3A_92 = arith.cmpi slt, %add3A_90, %lt3A_91 : i32
      %convert_element_type3A_93 = arith.extui %lt3A_92 : i1 to i32
      %cond3A_94 = arith.constant 0 : i32
      %cond3A_95 = arith.cmpi ne, %convert_element_type3A_93, %cond3A_94 : i32
      scf.if %cond3A_95 {
        %dma_wait3A = arith.constant 0 : i32
        %dma_wait3A_395 = arith.constant 0 : i32
        %dma_wait3A_396 = arith.constant 0 : i32
        %dma_wait3A_397 = tpu.memref_slice %arg3[%dma_wait3A, %dma_wait3A_395, %dma_wait3A_396] : memref<50000x2x128xi32, #tpu.memory_space<hbm>> -> memref<16x2x128xi32, #tpu.memory_space<hbm>>
        %dma_wait3A_398 = arith.constant 0 : i32
        %dma_wait3A_399 = arith.constant 0 : i32
        %dma_wait3A_400 = arith.constant 0 : i32
        %dma_wait3A_401 = tpu.memref_slice %arg3[%dma_wait3A_398, %dma_wait3A_399, %dma_wait3A_400] : memref<50000x2x128xi32, #tpu.memory_space<hbm>> -> memref<16x2x128xi32, #tpu.memory_space<hbm>>
        tpu.wait_dma2 semaphore(%arg33 : memref<!tpu.dma_semaphore, #tpu.memory_space<semaphore_mem>>) src(%dma_wait3A_401 : memref<16x2x128xi32, #tpu.memory_space<hbm>>) dst(%arg9 : memref<16x2x128xi32, #tpu.memory_space<vmem>>)
        %dma_wait3A_402 = arith.constant 0 : i32
        %dma_wait3A_403 = tpu.memref_slice %arg4[%dma_wait3A_402] : memref<6400000xf32, #tpu.memory_space<hbm>> -> memref<2048xf32, #tpu.memory_space<hbm>>
        %dma_wait3A_404 = arith.constant 0 : i32
        %dma_wait3A_405 = tpu.memref_slice %arg4[%dma_wait3A_404] : memref<6400000xf32, #tpu.memory_space<hbm>> -> memref<2048xf32, #tpu.memory_space<hbm>>
        tpu.wait_dma2 semaphore(%arg33 : memref<!tpu.dma_semaphore, #tpu.memory_space<semaphore_mem>>) src(%dma_wait3A_405 : memref<2048xf32, #tpu.memory_space<hbm>>) dst(%arg19 : memref<2048xf32, #tpu.memory_space<vmem>>)
        %dma_wait3A_406 = arith.constant 0 : i32
        %dma_wait3A_407 = tpu.memref_slice %arg5[%dma_wait3A_406] : memref<6400000xf32, #tpu.memory_space<hbm>> -> memref<2048xf32, #tpu.memory_space<hbm>>
        %dma_wait3A_408 = arith.constant 0 : i32
        %dma_wait3A_409 = tpu.memref_slice %arg5[%dma_wait3A_408] : memref<6400000xf32, #tpu.memory_space<hbm>> -> memref<2048xf32, #tpu.memory_space<hbm>>
        tpu.wait_dma2 semaphore(%arg33 : memref<!tpu.dma_semaphore, #tpu.memory_space<semaphore_mem>>) src(%dma_wait3A_409 : memref<2048xf32, #tpu.memory_space<hbm>>) dst(%arg21 : memref<2048xf32, #tpu.memory_space<vmem>>)
        %dma_wait3A_410 = arith.constant 0 : i32
        %dma_wait3A_411 = tpu.memref_slice %arg6[%dma_wait3A_410] : memref<6400000xf32, #tpu.memory_space<hbm>> -> memref<2048xf32, #tpu.memory_space<hbm>>
        %dma_wait3A_412 = arith.constant 0 : i32
        %dma_wait3A_413 = tpu.memref_slice %arg6[%dma_wait3A_412] : memref<6400000xf32, #tpu.memory_space<hbm>> -> memref<2048xf32, #tpu.memory_space<hbm>>
        tpu.wait_dma2 semaphore(%arg33 : memref<!tpu.dma_semaphore, #tpu.memory_space<semaphore_mem>>) src(%dma_wait3A_413 : memref<2048xf32, #tpu.memory_space<hbm>>) dst(%arg23 : memref<2048xf32, #tpu.memory_space<vmem>>)
      } else {
      }
      %add3A_96 = arith.constant 1 : i32
      %add3A_97 = arith.addi %add3A_77, %add3A_96 : i32
      %mul3A_98 = arith.constant 32 : i32
      %mul3A_99 = arith.muli %add3A_97, %mul3A_98 : i32
      %add3A_100 = arith.addi %add3A, %mul3A_99 : i32
      %lt3A_101 = arith.constant 3125 : i32
      %lt3A_102 = arith.cmpi slt, %add3A_100, %lt3A_101 : i32
      %convert_element_type3A_103 = arith.extui %lt3A_102 : i1 to i32
      %cond3A_104 = arith.constant 0 : i32
      %cond3A_105 = arith.cmpi ne, %convert_element_type3A_103, %cond3A_104 : i32
      scf.if %cond3A_105 {
        %parallel_loop3A = arith.constant 0 : i32
        %parallel_loop3A_395 = arith.constant 16 : i32
        %parallel_loop3A_396 = arith.constant 1 : i32
        scf.for %parallel_loop3A_397 = %parallel_loop3A to %parallel_loop3A_395 step %parallel_loop3A_396  : i32 {
          %parallel_loop3A_398 = arith.constant 128 : i32
          %parallel_loop3A_399 = arith.muli %parallel_loop3A_397, %parallel_loop3A_398 : i32
          %parallel_loop3A_400 = arith.constant 0 : i32
          %parallel_loop3A_401 = arith.addi %parallel_loop3A_399, %parallel_loop3A_400 : i32
          %parallel_loop3A_402 = tpu.assume_multiple %parallel_loop3A_401, 16 : i32
          %parallel_loop3A_403 = arith.constant 0 : i32
          %parallel_loop3A_404 = arith.index_cast %parallel_loop3A_397 : i32 to index
          %parallel_loop3A_405 = arith.index_cast %parallel_loop3A_403 : i32 to index
          %parallel_loop3A_406 = arith.constant 0 : index
          %parallel_loop3A_407 = tpu.vector_load %arg9[%parallel_loop3A_404, %parallel_loop3A_405, %parallel_loop3A_406] {strides = array<i32>} : memref<16x2x128xi32, #tpu.memory_space<vmem>>, vector<16xi32>,
          %parallel_loop3A_408 = arith.index_cast %parallel_loop3A_402 : i32 to index
          %parallel_loop3A_409 = tpu.vector_load %arg13[%parallel_loop3A_408] {strides = array<i32>} : memref<2048xi32, #tpu.memory_space<vmem>>, vector<16xi32>,
          tpu.vector_store %arg13[%parallel_loop3A_408], %parallel_loop3A_407 {strides = array<i32>} : memref<2048xi32, #tpu.memory_space<vmem>>, vector<16xi32>,
          %parallel_loop3A_410 = arith.constant 1 : i32
          %parallel_loop3A_411 = arith.index_cast %parallel_loop3A_397 : i32 to index
          %parallel_loop3A_412 = arith.index_cast %parallel_loop3A_410 : i32 to index
          %parallel_loop3A_413 = arith.constant 0 : index
          %parallel_loop3A_414 = tpu.vector_load %arg9[%parallel_loop3A_411, %parallel_loop3A_412, %parallel_loop3A_413] {strides = array<i32>} : memref<16x2x128xi32, #tpu.memory_space<vmem>>, vector<16xi32>,
          %parallel_loop3A_415 = arith.index_cast %parallel_loop3A_402 : i32 to index
          %parallel_loop3A_416 = tpu.vector_load %arg17[%parallel_loop3A_415] {strides = array<i32>} : memref<2048xi32, #tpu.memory_space<vmem>>, vector<16xi32>,
          tpu.vector_store %arg17[%parallel_loop3A_415], %parallel_loop3A_414 {strides = array<i32>} : memref<2048xi32, #tpu.memory_space<vmem>>, vector<16xi32>,
          %parallel_loop3A_417 = arith.constant 128 : i32
          %parallel_loop3A_418 = arith.muli %parallel_loop3A_397, %parallel_loop3A_417 : i32
          %parallel_loop3A_419 = arith.constant 16 : i32
          %parallel_loop3A_420 = arith.addi %parallel_loop3A_418, %parallel_loop3A_419 : i32
          %parallel_loop3A_421 = tpu.assume_multiple %parallel_loop3A_420, 16 : i32
          %parallel_loop3A_422 = arith.constant 0 : i32
          %parallel_loop3A_423 = arith.index_cast %parallel_loop3A_397 : i32 to index
          %parallel_loop3A_424 = arith.index_cast %parallel_loop3A_422 : i32 to index
          %parallel_loop3A_425 = arith.constant 16 : index
          %parallel_loop3A_426 = tpu.vector_load %arg9[%parallel_loop3A_423, %parallel_loop3A_424, %parallel_loop3A_425] {strides = array<i32>} : memref<16x2x128xi32, #tpu.memory_space<vmem>>, vector<16xi32>,
          %parallel_loop3A_427 = arith.index_cast %parallel_loop3A_421 : i32 to index
          %parallel_loop3A_428 = tpu.vector_load %arg13[%parallel_loop3A_427] {strides = array<i32>} : memref<2048xi32, #tpu.memory_space<vmem>>, vector<16xi32>,
          tpu.vector_store %arg13[%parallel_loop3A_427], %parallel_loop3A_426 {strides = array<i32>} : memref<2048xi32, #tpu.memory_space<vmem>>, vector<16xi32>,
          %parallel_loop3A_429 = arith.constant 1 : i32
          %parallel_loop3A_430 = arith.index_cast %parallel_loop3A_397 : i32 to index
          %parallel_loop3A_431 = arith.index_cast %parallel_loop3A_429 : i32 to index
          %parallel_loop3A_432 = arith.constant 16 : index
          %parallel_loop3A_433 = tpu.vector_load %arg9[%parallel_loop3A_430, %parallel_loop3A_431, %parallel_loop3A_432] {strides = array<i32>} : memref<16x2x128xi32, #tpu.memory_space<vmem>>, vector<16xi32>,
          %parallel_loop3A_434 = arith.index_cast %parallel_loop3A_421 : i32 to index
          %parallel_loop3A_435 = tpu.vector_load %arg17[%parallel_loop3A_434] {strides = array<i32>} : memref<2048xi32, #tpu.memory_space<vmem>>, vector<16xi32>,
          tpu.vector_store %arg17[%parallel_loop3A_434], %parallel_loop3A_433 {strides = array<i32>} : memref<2048xi32, #tpu.memory_space<vmem>>, vector<16xi32>,
          %parallel_loop3A_436 = arith.constant 128 : i32
          %parallel_loop3A_437 = arith.muli %parallel_loop3A_397, %parallel_loop3A_436 : i32
          %parallel_loop3A_438 = arith.constant 32 : i32
          %parallel_loop3A_439 = arith.addi %parallel_loop3A_437, %parallel_loop3A_438 : i32
          %parallel_loop3A_440 = tpu.assume_multiple %parallel_loop3A_439, 16 : i32
          %parallel_loop3A_441 = arith.constant 0 : i32
          %parallel_loop3A_442 = arith.index_cast %parallel_loop3A_397 : i32 to index
          %parallel_loop3A_443 = arith.index_cast %parallel_loop3A_441 : i32 to index
          %parallel_loop3A_444 = arith.constant 32 : index
          %parallel_loop3A_445 = tpu.vector_load %arg9[%parallel_loop3A_442, %parallel_loop3A_443, %parallel_loop3A_444] {strides = array<i32>} : memref<16x2x128xi32, #tpu.memory_space<vmem>>, vector<16xi32>,
          %parallel_loop3A_446 = arith.index_cast %parallel_loop3A_440 : i32 to index
          %parallel_loop3A_447 = tpu.vector_load %arg13[%parallel_loop3A_446] {strides = array<i32>} : memref<2048xi32, #tpu.memory_space<vmem>>, vector<16xi32>,
          tpu.vector_store %arg13[%parallel_loop3A_446], %parallel_loop3A_445 {strides = array<i32>} : memref<2048xi32, #tpu.memory_space<vmem>>, vector<16xi32>,
          %parallel_loop3A_448 = arith.constant 1 : i32
          %parallel_loop3A_449 = arith.index_cast %parallel_loop3A_397 : i32 to index
          %parallel_loop3A_450 = arith.index_cast %parallel_loop3A_448 : i32 to index
          %parallel_loop3A_451 = arith.constant 32 : index
          %parallel_loop3A_452 = tpu.vector_load %arg9[%parallel_loop3A_449, %parallel_loop3A_450, %parallel_loop3A_451] {strides = array<i32>} : memref<16x2x128xi32, #tpu.memory_space<vmem>>, vector<16xi32>,
          %parallel_loop3A_453 = arith.index_cast %parallel_loop3A_440 : i32 to index
          %parallel_loop3A_454 = tpu.vector_load %arg17[%parallel_loop3A_453] {strides = array<i32>} : memref<2048xi32, #tpu.memory_space<vmem>>, vector<16xi32>,
          tpu.vector_store %arg17[%parallel_loop3A_453], %parallel_loop3A_452 {strides = array<i32>} : memref<2048xi32, #tpu.memory_space<vmem>>, vector<16xi32>,
          %parallel_loop3A_455 = arith.constant 128 : i32
          %parallel_loop3A_456 = arith.muli %parallel_loop3A_397, %parallel_loop3A_455 : i32
          %parallel_loop3A_457 = arith.constant 48 : i32
          %parallel_loop3A_458 = arith.addi %parallel_loop3A_456, %parallel_loop3A_457 : i32
          %parallel_loop3A_459 = tpu.assume_multiple %parallel_loop3A_458, 16 : i32
          %parallel_loop3A_460 = arith.constant 0 : i32
          %parallel_loop3A_461 = arith.index_cast %parallel_loop3A_397 : i32 to index
          %parallel_loop3A_462 = arith.index_cast %parallel_loop3A_460 : i32 to index
          %parallel_loop3A_463 = arith.constant 48 : index
          %parallel_loop3A_464 = tpu.vector_load %arg9[%parallel_loop3A_461, %parallel_loop3A_462, %parallel_loop3A_463] {strides = array<i32>} : memref<16x2x128xi32, #tpu.memory_space<vmem>>, vector<16xi32>,
          %parallel_loop3A_465 = arith.index_cast %parallel_loop3A_459 : i32 to index
          %parallel_loop3A_466 = tpu.vector_load %arg13[%parallel_loop3A_465] {strides = array<i32>} : memref<2048xi32, #tpu.memory_space<vmem>>, vector<16xi32>,
          tpu.vector_store %arg13[%parallel_loop3A_465], %parallel_loop3A_464 {strides = array<i32>} : memref<2048xi32, #tpu.memory_space<vmem>>, vector<16xi32>,
          %parallel_loop3A_467 = arith.constant 1 : i32
          %parallel_loop3A_468 = arith.index_cast %parallel_loop3A_397 : i32 to index
          %parallel_loop3A_469 = arith.index_cast %parallel_loop3A_467 : i32 to index
          %parallel_loop3A_470 = arith.constant 48 : index
          %parallel_loop3A_471 = tpu.vector_load %arg9[%parallel_loop3A_468, %parallel_loop3A_469, %parallel_loop3A_470] {strides = array<i32>} : memref<16x2x128xi32, #tpu.memory_space<vmem>>, vector<16xi32>,
          %parallel_loop3A_472 = arith.index_cast %parallel_loop3A_459 : i32 to index
          %parallel_loop3A_473 = tpu.vector_load %arg17[%parallel_loop3A_472] {strides = array<i32>} : memref<2048xi32, #tpu.memory_space<vmem>>, vector<16xi32>,
          tpu.vector_store %arg17[%parallel_loop3A_472], %parallel_loop3A_471 {strides = array<i32>} : memref<2048xi32, #tpu.memory_space<vmem>>, vector<16xi32>,
          %parallel_loop3A_474 = arith.constant 128 : i32
          %parallel_loop3A_475 = arith.muli %parallel_loop3A_397, %parallel_loop3A_474 : i32
          %parallel_loop3A_476 = arith.constant 64 : i32
          %parallel_loop3A_477 = arith.addi %parallel_loop3A_475, %parallel_loop3A_476 : i32
          %parallel_loop3A_478 = tpu.assume_multiple %parallel_loop3A_477, 16 : i32
          %parallel_loop3A_479 = arith.constant 0 : i32
          %parallel_loop3A_480 = arith.index_cast %parallel_loop3A_397 : i32 to index
          %parallel_loop3A_481 = arith.index_cast %parallel_loop3A_479 : i32 to index
          %parallel_loop3A_482 = arith.constant 64 : index
          %parallel_loop3A_483 = tpu.vector_load %arg9[%parallel_loop3A_480, %parallel_loop3A_481, %parallel_loop3A_482] {strides = array<i32>} : memref<16x2x128xi32, #tpu.memory_space<vmem>>, vector<16xi32>,
          %parallel_loop3A_484 = arith.index_cast %parallel_loop3A_478 : i32 to index
          %parallel_loop3A_485 = tpu.vector_load %arg13[%parallel_loop3A_484] {strides = array<i32>} : memref<2048xi32, #tpu.memory_space<vmem>>, vector<16xi32>,
          tpu.vector_store %arg13[%parallel_loop3A_484], %parallel_loop3A_483 {strides = array<i32>} : memref<2048xi32, #tpu.memory_space<vmem>>, vector<16xi32>,
          %parallel_loop3A_486 = arith.constant 1 : i32
          %parallel_loop3A_487 = arith.index_cast %parallel_loop3A_397 : i32 to index
          %parallel_loop3A_488 = arith.index_cast %parallel_loop3A_486 : i32 to index
          %parallel_loop3A_489 = arith.constant 64 : index
          %parallel_loop3A_490 = tpu.vector_load %arg9[%parallel_loop3A_487, %parallel_loop3A_488, %parallel_loop3A_489] {strides = array<i32>} : memref<16x2x128xi32, #tpu.memory_space<vmem>>, vector<16xi32>,
          %parallel_loop3A_491 = arith.index_cast %parallel_loop3A_478 : i32 to index
          %parallel_loop3A_492 = tpu.vector_load %arg17[%parallel_loop3A_491] {strides = array<i32>} : memref<2048xi32, #tpu.memory_space<vmem>>, vector<16xi32>,
          tpu.vector_store %arg17[%parallel_loop3A_491], %parallel_loop3A_490 {strides = array<i32>} : memref<2048xi32, #tpu.memory_space<vmem>>, vector<16xi32>,
          %parallel_loop3A_493 = arith.constant 128 : i32
          %parallel_loop3A_494 = arith.muli %parallel_loop3A_397, %parallel_loop3A_493 : i32
          %parallel_loop3A_495 = arith.constant 80 : i32
          %parallel_loop3A_496 = arith.addi %parallel_loop3A_494, %parallel_loop3A_495 : i32
          %parallel_loop3A_497 = tpu.assume_multiple %parallel_loop3A_496, 16 : i32
          %parallel_loop3A_498 = arith.constant 0 : i32
          %parallel_loop3A_499 = arith.index_cast %parallel_loop3A_397 : i32 to index
          %parallel_loop3A_500 = arith.index_cast %parallel_loop3A_498 : i32 to index
          %parallel_loop3A_501 = arith.constant 80 : index
          %parallel_loop3A_502 = tpu.vector_load %arg9[%parallel_loop3A_499, %parallel_loop3A_500, %parallel_loop3A_501] {strides = array<i32>} : memref<16x2x128xi32, #tpu.memory_space<vmem>>, vector<16xi32>,
          %parallel_loop3A_503 = arith.index_cast %parallel_loop3A_497 : i32 to index
          %parallel_loop3A_504 = tpu.vector_load %arg13[%parallel_loop3A_503] {strides = array<i32>} : memref<2048xi32, #tpu.memory_space<vmem>>, vector<16xi32>,
          tpu.vector_store %arg13[%parallel_loop3A_503], %parallel_loop3A_502 {strides = array<i32>} : memref<2048xi32, #tpu.memory_space<vmem>>, vector<16xi32>,
          %parallel_loop3A_505 = arith.constant 1 : i32
          %parallel_loop3A_506 = arith.index_cast %parallel_loop3A_397 : i32 to index
          %parallel_loop3A_507 = arith.index_cast %parallel_loop3A_505 : i32 to index
          %parallel_loop3A_508 = arith.constant 80 : index
          %parallel_loop3A_509 = tpu.vector_load %arg9[%parallel_loop3A_506, %parallel_loop3A_507, %parallel_loop3A_508] {strides = array<i32>} : memref<16x2x128xi32, #tpu.memory_space<vmem>>, vector<16xi32>,
          %parallel_loop3A_510 = arith.index_cast %parallel_loop3A_497 : i32 to index
          %parallel_loop3A_511 = tpu.vector_load %arg17[%parallel_loop3A_510] {strides = array<i32>} : memref<2048xi32, #tpu.memory_space<vmem>>, vector<16xi32>,
          tpu.vector_store %arg17[%parallel_loop3A_510], %parallel_loop3A_509 {strides = array<i32>} : memref<2048xi32, #tpu.memory_space<vmem>>, vector<16xi32>,
          %parallel_loop3A_512 = arith.constant 128 : i32
          %parallel_loop3A_513 = arith.muli %parallel_loop3A_397, %parallel_loop3A_512 : i32
          %parallel_loop3A_514 = arith.constant 96 : i32
          %parallel_loop3A_515 = arith.addi %parallel_loop3A_513, %parallel_loop3A_514 : i32
          %parallel_loop3A_516 = tpu.assume_multiple %parallel_loop3A_515, 16 : i32
          %parallel_loop3A_517 = arith.constant 0 : i32
          %parallel_loop3A_518 = arith.index_cast %parallel_loop3A_397 : i32 to index
          %parallel_loop3A_519 = arith.index_cast %parallel_loop3A_517 : i32 to index
          %parallel_loop3A_520 = arith.constant 96 : index
          %parallel_loop3A_521 = tpu.vector_load %arg9[%parallel_loop3A_518, %parallel_loop3A_519, %parallel_loop3A_520] {strides = array<i32>} : memref<16x2x128xi32, #tpu.memory_space<vmem>>, vector<16xi32>,
          %parallel_loop3A_522 = arith.index_cast %parallel_loop3A_516 : i32 to index
          %parallel_loop3A_523 = tpu.vector_load %arg13[%parallel_loop3A_522] {strides = array<i32>} : memref<2048xi32, #tpu.memory_space<vmem>>, vector<16xi32>,
          tpu.vector_store %arg13[%parallel_loop3A_522], %parallel_loop3A_521 {strides = array<i32>} : memref<2048xi32, #tpu.memory_space<vmem>>, vector<16xi32>,
          %parallel_loop3A_524 = arith.constant 1 : i32
          %parallel_loop3A_525 = arith.index_cast %parallel_loop3A_397 : i32 to index
          %parallel_loop3A_526 = arith.index_cast %parallel_loop3A_524 : i32 to index
          %parallel_loop3A_527 = arith.constant 96 : index
          %parallel_loop3A_528 = tpu.vector_load %arg9[%parallel_loop3A_525, %parallel_loop3A_526, %parallel_loop3A_527] {strides = array<i32>} : memref<16x2x128xi32, #tpu.memory_space<vmem>>, vector<16xi32>,
          %parallel_loop3A_529 = arith.index_cast %parallel_loop3A_516 : i32 to index
          %parallel_loop3A_530 = tpu.vector_load %arg17[%parallel_loop3A_529] {strides = array<i32>} : memref<2048xi32, #tpu.memory_space<vmem>>, vector<16xi32>,
          tpu.vector_store %arg17[%parallel_loop3A_529], %parallel_loop3A_528 {strides = array<i32>} : memref<2048xi32, #tpu.memory_space<vmem>>, vector<16xi32>,
          %parallel_loop3A_531 = arith.constant 128 : i32
          %parallel_loop3A_532 = arith.muli %parallel_loop3A_397, %parallel_loop3A_531 : i32
          %parallel_loop3A_533 = arith.constant 112 : i32
          %parallel_loop3A_534 = arith.addi %parallel_loop3A_532, %parallel_loop3A_533 : i32
          %parallel_loop3A_535 = tpu.assume_multiple %parallel_loop3A_534, 16 : i32
          %parallel_loop3A_536 = arith.constant 0 : i32
          %parallel_loop3A_537 = arith.index_cast %parallel_loop3A_397 : i32 to index
          %parallel_loop3A_538 = arith.index_cast %parallel_loop3A_536 : i32 to index
          %parallel_loop3A_539 = arith.constant 112 : index
          %parallel_loop3A_540 = tpu.vector_load %arg9[%parallel_loop3A_537, %parallel_loop3A_538, %parallel_loop3A_539] {strides = array<i32>} : memref<16x2x128xi32, #tpu.memory_space<vmem>>, vector<16xi32>,
          %parallel_loop3A_541 = arith.index_cast %parallel_loop3A_535 : i32 to index
          %parallel_loop3A_542 = tpu.vector_load %arg13[%parallel_loop3A_541] {strides = array<i32>} : memref<2048xi32, #tpu.memory_space<vmem>>, vector<16xi32>,
          tpu.vector_store %arg13[%parallel_loop3A_541], %parallel_loop3A_540 {strides = array<i32>} : memref<2048xi32, #tpu.memory_space<vmem>>, vector<16xi32>,
          %parallel_loop3A_543 = arith.constant 1 : i32
          %parallel_loop3A_544 = arith.index_cast %parallel_loop3A_397 : i32 to index
          %parallel_loop3A_545 = arith.index_cast %parallel_loop3A_543 : i32 to index
          %parallel_loop3A_546 = arith.constant 112 : index
          %parallel_loop3A_547 = tpu.vector_load %arg9[%parallel_loop3A_544, %parallel_loop3A_545, %parallel_loop3A_546] {strides = array<i32>} : memref<16x2x128xi32, #tpu.memory_space<vmem>>, vector<16xi32>,
          %parallel_loop3A_548 = arith.index_cast %parallel_loop3A_535 : i32 to index
          %parallel_loop3A_549 = tpu.vector_load %arg17[%parallel_loop3A_548] {strides = array<i32>} : memref<2048xi32, #tpu.memory_space<vmem>>, vector<16xi32>,
          tpu.vector_store %arg17[%parallel_loop3A_548], %parallel_loop3A_547 {strides = array<i32>} : memref<2048xi32, #tpu.memory_space<vmem>>, vector<16xi32>,
        } {sc.loop_unroll_factor = 1 : i64, sc.parallel_access}
      } else {
      }
      %add3A_106 = arith.constant 1 : i32
      %add3A_107 = arith.addi %add3A_77, %add3A_106 : i32
      %mul3A_108 = arith.constant 32 : i32
      %mul3A_109 = arith.muli %add3A_107, %mul3A_108 : i32
      %add3A_110 = arith.addi %add3A, %mul3A_109 : i32
      %lt3A_111 = arith.constant 3125 : i32
      %lt3A_112 = arith.cmpi slt, %add3A_110, %lt3A_111 : i32
      %convert_element_type3A_113 = arith.extui %lt3A_112 : i1 to i32
      %cond3A_114 = arith.constant 0 : i32
      %cond3A_115 = arith.cmpi ne, %convert_element_type3A_113, %cond3A_114 : i32
      scf.if %cond3A_115 {
        %dma_start3A = arith.constant 0 : i32
        %dma_start3A_395 = arith.constant 0 : i32
        %dma_start3A_396 = tpu.memref_slice %arg2[%dma_start3A, %dma_start3A_395] : memref<100000x8xf32, #tpu.memory_space<hbm>> -> memref<100000x8xf32, #tpu.memory_space<hbm>>
        tpu.enqueue_indirect_dma source(%dma_start3A_396 : memref<100000x8xf32, #tpu.memory_space<hbm>>) target(%arg25 : memref<2048x8xf32, #tpu.memory_space<vmem>>) offsets(%arg13 : memref<2048xi32, #tpu.memory_space<vmem>>) semaphore(%arg35 : memref<!tpu.dma_semaphore, #tpu.memory_space<semaphore_mem>>)
        %dma_start3A_397 = arith.constant 0 : i32
        %dma_start3A_398 = arith.constant 0 : i32
        %dma_start3A_399 = tpu.memref_slice %arg2[%dma_start3A_397, %dma_start3A_398] : memref<100000x8xf32, #tpu.memory_space<hbm>> -> memref<100000x8xf32, #tpu.memory_space<hbm>>
        tpu.enqueue_indirect_dma source(%dma_start3A_399 : memref<100000x8xf32, #tpu.memory_space<hbm>>) target(%arg27 : memref<2048x8xf32, #tpu.memory_space<vmem>>) offsets(%arg17 : memref<2048xi32, #tpu.memory_space<vmem>>) semaphore(%arg35 : memref<!tpu.dma_semaphore, #tpu.memory_space<semaphore_mem>>)
      } else {
      }
      %sub3A = arith.constant 2 : i32
      %sub3A_116 = arith.subi %add3A_77, %sub3A : i32
      %mul3A_117 = arith.constant 32 : i32
      %mul3A_118 = arith.muli %sub3A_116, %mul3A_117 : i32
      %add3A_119 = arith.addi %add3A, %mul3A_118 : i32
      %ge3A = arith.constant 0 : i32
      %ge3A_120 = arith.cmpi sge, %sub3A_116, %ge3A : i32
      %lt3A_121 = arith.constant 3125 : i32
      %lt3A_122 = arith.cmpi slt, %add3A_119, %lt3A_121 : i32
      %and3A = arith.andi %ge3A_120, %lt3A_122 : i1
      %convert_element_type3A_123 = arith.extui %and3A : i1 to i32
      %cond3A_124 = arith.constant 0 : i32
      %cond3A_125 = arith.cmpi ne, %convert_element_type3A_123, %cond3A_124 : i32
      scf.if %cond3A_125 {
        %dma_wait3A = arith.constant 0 : i32
        %dma_wait3A_395 = tpu.memref_slice %arg4[%dma_wait3A] : memref<6400000xf32, #tpu.memory_space<hbm>> -> memref<2048xf32, #tpu.memory_space<hbm>>
        %dma_wait3A_396 = arith.constant 0 : i32
        %dma_wait3A_397 = tpu.memref_slice %arg4[%dma_wait3A_396] : memref<6400000xf32, #tpu.memory_space<hbm>> -> memref<2048xf32, #tpu.memory_space<hbm>>
        tpu.wait_dma2 semaphore(%arg36 : memref<!tpu.dma_semaphore, #tpu.memory_space<semaphore_mem>>) src(%dma_wait3A_397 : memref<2048xf32, #tpu.memory_space<hbm>>) dst(%arg28 : memref<2048xf32, #tpu.memory_space<vmem>>)
      } else {
      }
      %mul3A_126 = arith.constant 32 : i32
      %mul3A_127 = arith.muli %add3A_77, %mul3A_126 : i32
      %add3A_128 = arith.addi %add3A, %mul3A_127 : i32
      %lt3A_129 = arith.constant 3125 : i32
      %lt3A_130 = arith.cmpi slt, %add3A_128, %lt3A_129 : i32
      %convert_element_type3A_131 = arith.extui %lt3A_130 : i1 to i32
      %cond3A_132 = arith.constant 0 : i32
      %cond3A_133 = arith.cmpi ne, %convert_element_type3A_131, %cond3A_132 : i32
      scf.if %cond3A_133 {
        %parallel_loop3A = arith.constant 0 : i32
        %parallel_loop3A_395 = arith.constant 128 : i32
        %parallel_loop3A_396 = arith.constant 1 : i32
        scf.for %parallel_loop3A_397 = %parallel_loop3A to %parallel_loop3A_395 step %parallel_loop3A_396  : i32 {
          %parallel_loop3A_398 = arith.constant 16 : i32
          %parallel_loop3A_399 = arith.muli %parallel_loop3A_397, %parallel_loop3A_398 : i32
          %parallel_loop3A_400 = vector.broadcast %parallel_loop3A_399 : i32 to vector<16xi32>
          %parallel_loop3A_401 = arith.addi %parallel_loop3A_400, %iota3A : vector<16xi32>
          %parallel_loop3A_402 = arith.constant 16 : i32
          %parallel_loop3A_403 = arith.muli %parallel_loop3A_397, %parallel_loop3A_402 : i32
          %parallel_loop3A_404 = tpu.assume_multiple %parallel_loop3A_403, 16 : i32
          %parallel_loop3A_405 = tpu.vector_load_idx %arg24[%parallel_loop3A_401, %broadcast_in_dim3A_14] : memref<2048x8xf32, #tpu.memory_space<vmem>>[vector<16xi32>, vector<16xi32>], vector<16xf32>,
          %parallel_loop3A_406 = tpu.vector_load_idx %arg24[%parallel_loop3A_401, %broadcast_in_dim3A_16] : memref<2048x8xf32, #tpu.memory_space<vmem>>[vector<16xi32>, vector<16xi32>], vector<16xf32>,
          %parallel_loop3A_407 = tpu.vector_load_idx %arg24[%parallel_loop3A_401, %broadcast_in_dim3A_18] : memref<2048x8xf32, #tpu.memory_space<vmem>>[vector<16xi32>, vector<16xi32>], vector<16xf32>,
          %parallel_loop3A_408 = tpu.vector_load_idx %arg26[%parallel_loop3A_401, %broadcast_in_dim3A_14] : memref<2048x8xf32, #tpu.memory_space<vmem>>[vector<16xi32>, vector<16xi32>], vector<16xf32>,
          %parallel_loop3A_409 = tpu.vector_load_idx %arg26[%parallel_loop3A_401, %broadcast_in_dim3A_16] : memref<2048x8xf32, #tpu.memory_space<vmem>>[vector<16xi32>, vector<16xi32>], vector<16xf32>,
          %parallel_loop3A_410 = tpu.vector_load_idx %arg26[%parallel_loop3A_401, %broadcast_in_dim3A_18] : memref<2048x8xf32, #tpu.memory_space<vmem>>[vector<16xi32>, vector<16xi32>], vector<16xf32>,
          %parallel_loop3A_411 = arith.subf %parallel_loop3A_408, %parallel_loop3A_405 : vector<16xf32>
          %parallel_loop3A_412 = arith.index_cast %parallel_loop3A_404 : i32 to index
          %parallel_loop3A_413 = tpu.vector_load %arg18[%parallel_loop3A_412] {strides = array<i32>} : memref<2048xf32, #tpu.memory_space<vmem>>, vector<16xf32>,
          %parallel_loop3A_414 = arith.addf %parallel_loop3A_411, %parallel_loop3A_413 : vector<16xf32>
          %parallel_loop3A_415 = arith.subf %parallel_loop3A_409, %parallel_loop3A_406 : vector<16xf32>
          %parallel_loop3A_416 = arith.index_cast %parallel_loop3A_404 : i32 to index
          %parallel_loop3A_417 = tpu.vector_load %arg20[%parallel_loop3A_416] {strides = array<i32>} : memref<2048xf32, #tpu.memory_space<vmem>>, vector<16xf32>,
          %parallel_loop3A_418 = arith.addf %parallel_loop3A_415, %parallel_loop3A_417 : vector<16xf32>
          %parallel_loop3A_419 = arith.subf %parallel_loop3A_410, %parallel_loop3A_407 : vector<16xf32>
          %parallel_loop3A_420 = arith.index_cast %parallel_loop3A_404 : i32 to index
          %parallel_loop3A_421 = tpu.vector_load %arg22[%parallel_loop3A_420] {strides = array<i32>} : memref<2048xf32, #tpu.memory_space<vmem>>, vector<16xf32>,
          %parallel_loop3A_422 = arith.addf %parallel_loop3A_419, %parallel_loop3A_421 : vector<16xf32>
          %parallel_loop3A_423 = arith.mulf %parallel_loop3A_414, %parallel_loop3A_414 : vector<16xf32>
          %parallel_loop3A_424 = arith.mulf %parallel_loop3A_418, %parallel_loop3A_418 : vector<16xf32>
          %parallel_loop3A_425 = arith.addf %parallel_loop3A_423, %parallel_loop3A_424 : vector<16xf32>
          %parallel_loop3A_426 = arith.mulf %parallel_loop3A_422, %parallel_loop3A_422 : vector<16xf32>
          %parallel_loop3A_427 = arith.addf %parallel_loop3A_425, %parallel_loop3A_426 : vector<16xf32>
          %parallel_loop3A_428 = vector.bitcast %parallel_loop3A_427 : vector<16xf32> to vector<16xi32>
          %parallel_loop3A_429 = arith.constant 1 : i32
          %parallel_loop3A_430 = vector.broadcast %parallel_loop3A_429 : i32 to vector<16xi32>
          %parallel_loop3A_431 = arith.shrsi %parallel_loop3A_428, %parallel_loop3A_430 : vector<16xi32>
          %parallel_loop3A_432 = arith.constant 1597463007 : i32
          %parallel_loop3A_433 = vector.broadcast %parallel_loop3A_432 : i32 to vector<16xi32>
          %parallel_loop3A_434 = arith.subi %parallel_loop3A_433, %parallel_loop3A_431 : vector<16xi32>
          %parallel_loop3A_435 = vector.bitcast %parallel_loop3A_434 : vector<16xi32> to vector<16xf32>
          %parallel_loop3A_436 = arith.constant 5.000000e-01 : f32
          %parallel_loop3A_437 = vector.broadcast %parallel_loop3A_436 : f32 to vector<16xf32>
          %parallel_loop3A_438 = arith.mulf %parallel_loop3A_437, %parallel_loop3A_427 : vector<16xf32>
          %parallel_loop3A_439 = arith.mulf %parallel_loop3A_438, %parallel_loop3A_435 : vector<16xf32>
          %parallel_loop3A_440 = arith.mulf %parallel_loop3A_439, %parallel_loop3A_435 : vector<16xf32>
          %parallel_loop3A_441 = arith.constant 1.500000e+00 : f32
          %parallel_loop3A_442 = vector.broadcast %parallel_loop3A_441 : f32 to vector<16xf32>
          %parallel_loop3A_443 = arith.subf %parallel_loop3A_442, %parallel_loop3A_440 : vector<16xf32>
          %parallel_loop3A_444 = arith.mulf %parallel_loop3A_435, %parallel_loop3A_443 : vector<16xf32>
          %parallel_loop3A_445 = arith.mulf %parallel_loop3A_438, %parallel_loop3A_444 : vector<16xf32>
          %parallel_loop3A_446 = arith.mulf %parallel_loop3A_445, %parallel_loop3A_444 : vector<16xf32>
          %parallel_loop3A_447 = arith.constant 1.500000e+00 : f32
          %parallel_loop3A_448 = vector.broadcast %parallel_loop3A_447 : f32 to vector<16xf32>
          %parallel_loop3A_449 = arith.subf %parallel_loop3A_448, %parallel_loop3A_446 : vector<16xf32>
          %parallel_loop3A_450 = arith.mulf %parallel_loop3A_444, %parallel_loop3A_449 : vector<16xf32>
          %parallel_loop3A_451 = arith.mulf %parallel_loop3A_438, %parallel_loop3A_450 : vector<16xf32>
          %parallel_loop3A_452 = arith.mulf %parallel_loop3A_451, %parallel_loop3A_450 : vector<16xf32>
          %parallel_loop3A_453 = arith.constant 1.500000e+00 : f32
          %parallel_loop3A_454 = vector.broadcast %parallel_loop3A_453 : f32 to vector<16xf32>
          %parallel_loop3A_455 = arith.subf %parallel_loop3A_454, %parallel_loop3A_452 : vector<16xf32>
          %parallel_loop3A_456 = arith.mulf %parallel_loop3A_450, %parallel_loop3A_455 : vector<16xf32>
          %parallel_loop3A_457 = arith.mulf %parallel_loop3A_427, %parallel_loop3A_456 : vector<16xf32>
          %parallel_loop3A_458 = arith.constant -2.000000e+00 : f32
          %parallel_loop3A_459 = vector.broadcast %parallel_loop3A_458 : f32 to vector<16xf32>
          %parallel_loop3A_460 = arith.mulf %parallel_loop3A_459, %parallel_loop3A_457 : vector<16xf32>
          %parallel_loop3A_461 = math.exp %parallel_loop3A_460 : vector<16xf32>
          %parallel_loop3A_462 = arith.constant 5.000000e-01 : f32
          %parallel_loop3A_463 = vector.broadcast %parallel_loop3A_462 : f32 to vector<16xf32>
          %parallel_loop3A_464 = arith.mulf %parallel_loop3A_463, %parallel_loop3A_461 : vector<16xf32>
          %parallel_loop3A_465 = arith.index_cast %parallel_loop3A_404 : i32 to index
          %parallel_loop3A_466 = tpu.vector_load %arg28[%parallel_loop3A_465] {strides = array<i32>} : memref<2048xf32, #tpu.memory_space<vmem>>, vector<16xf32>,
          tpu.vector_store %arg28[%parallel_loop3A_465], %parallel_loop3A_464 {strides = array<i32>} : memref<2048xf32, #tpu.memory_space<vmem>>, vector<16xf32>,
        } {sc.loop_unroll_factor = 2 : i64, sc.parallel_access}
      } else {
      }
      %mul3A_134 = arith.constant 32 : i32
      %mul3A_135 = arith.muli %add3A_77, %mul3A_134 : i32
      %add3A_136 = arith.addi %add3A, %mul3A_135 : i32
      %lt3A_137 = arith.constant 3125 : i32
      %lt3A_138 = arith.cmpi slt, %add3A_136, %lt3A_137 : i32
      %convert_element_type3A_139 = arith.extui %lt3A_138 : i1 to i32
      %cond3A_140 = arith.constant 0 : i32
      %cond3A_141 = arith.cmpi ne, %convert_element_type3A_139, %cond3A_140 : i32
      scf.if %cond3A_141 {
        %dma_start3A = arith.constant 0 : i32
        %dma_start3A_395 = tpu.memref_slice %arg31[%dma_start3A] : memref<100000xf32, #tpu.memory_space<vmem_shared>> -> memref<100000xf32, #tpu.memory_space<vmem_shared>>
        tpu.enqueue_indirect_dma source(%arg28 : memref<2048xf32, #tpu.memory_space<vmem>>) target(%dma_start3A_395 : memref<100000xf32, #tpu.memory_space<vmem_shared>>) offsets(%arg12 : memref<2048xi32, #tpu.memory_space<vmem>>) semaphore(%arg36 : memref<!tpu.dma_semaphore, #tpu.memory_space<semaphore_mem>>) {add = true}
      } else {
      }
      %add3A_142 = arith.constant 2 : i32
      %add3A_143 = arith.addi %add3A_77, %add3A_142 : i32
      %mul3A_144 = arith.constant 32 : i32
      %mul3A_145 = arith.muli %add3A_143, %mul3A_144 : i32
      %add3A_146 = arith.addi %add3A, %mul3A_145 : i32
      %lt3A_147 = arith.constant 3125 : i32
      %lt3A_148 = arith.cmpi slt, %add3A_146, %lt3A_147 : i32
      %convert_element_type3A_149 = arith.extui %lt3A_148 : i1 to i32
      %cond3A_150 = arith.constant 0 : i32
      %cond3A_151 = arith.cmpi ne, %convert_element_type3A_149, %cond3A_150 : i32
      scf.if %cond3A_151 {
        %mul3A_395 = arith.constant 2048 : i32
        %mul3A_396 = arith.muli %add3A_146, %mul3A_395 : i32
        %multiple_of3A_397 = tpu.assume_multiple %mul3A_396, 8 : i32
        %mul3A_398 = arith.constant 16 : i32
        %mul3A_399 = arith.muli %add3A_146, %mul3A_398 : i32
        %dma_start3A = arith.constant 0 : i32
        %dma_start3A_400 = arith.constant 0 : i32
        %dma_start3A_401 = tpu.memref_slice %arg3[%mul3A_399, %dma_start3A, %dma_start3A_400] : memref<50000x2x128xi32, #tpu.memory_space<hbm>> -> memref<16x2x128xi32, #tpu.memory_space<hbm>>
        %dma_start3A_402 = arith.constant 0 : i32
        %dma_start3A_403 = arith.constant 0 : i32
        %dma_start3A_404 = tpu.memref_slice %arg3[%mul3A_399, %dma_start3A_402, %dma_start3A_403] : memref<50000x2x128xi32, #tpu.memory_space<hbm>> -> memref<16x2x128xi32, #tpu.memory_space<hbm>>
        tpu.enqueue_dma source(%dma_start3A_404 : memref<16x2x128xi32, #tpu.memory_space<hbm>>) target(%arg10 : memref<16x2x128xi32, #tpu.memory_space<vmem>>) target_semaphore(%arg32 : memref<!tpu.dma_semaphore, #tpu.memory_space<semaphore_mem>>)
        %dma_start3A_405 = tpu.memref_slice %arg4[%multiple_of3A_397] : memref<6400000xf32, #tpu.memory_space<hbm>> -> memref<2048xf32, #tpu.memory_space<hbm>>
        %dma_start3A_406 = tpu.memref_slice %arg4[%multiple_of3A_397] : memref<6400000xf32, #tpu.memory_space<hbm>> -> memref<2048xf32, #tpu.memory_space<hbm>>
        tpu.enqueue_dma source(%dma_start3A_406 : memref<2048xf32, #tpu.memory_space<hbm>>) target(%arg18 : memref<2048xf32, #tpu.memory_space<vmem>>) target_semaphore(%arg32 : memref<!tpu.dma_semaphore, #tpu.memory_space<semaphore_mem>>)
        %dma_start3A_407 = tpu.memref_slice %arg5[%multiple_of3A_397] : memref<6400000xf32, #tpu.memory_space<hbm>> -> memref<2048xf32, #tpu.memory_space<hbm>>
        %dma_start3A_408 = tpu.memref_slice %arg5[%multiple_of3A_397] : memref<6400000xf32, #tpu.memory_space<hbm>> -> memref<2048xf32, #tpu.memory_space<hbm>>
        tpu.enqueue_dma source(%dma_start3A_408 : memref<2048xf32, #tpu.memory_space<hbm>>) target(%arg20 : memref<2048xf32, #tpu.memory_space<vmem>>) target_semaphore(%arg32 : memref<!tpu.dma_semaphore, #tpu.memory_space<semaphore_mem>>)
        %dma_start3A_409 = tpu.memref_slice %arg6[%multiple_of3A_397] : memref<6400000xf32, #tpu.memory_space<hbm>> -> memref<2048xf32, #tpu.memory_space<hbm>>
        %dma_start3A_410 = tpu.memref_slice %arg6[%multiple_of3A_397] : memref<6400000xf32, #tpu.memory_space<hbm>> -> memref<2048xf32, #tpu.memory_space<hbm>>
        tpu.enqueue_dma source(%dma_start3A_410 : memref<2048xf32, #tpu.memory_space<hbm>>) target(%arg22 : memref<2048xf32, #tpu.memory_space<vmem>>) target_semaphore(%arg32 : memref<!tpu.dma_semaphore, #tpu.memory_space<semaphore_mem>>)
      } else {
      }
      %mul3A_152 = arith.constant 4 : i32
      %mul3A_153 = arith.muli %scan3A_73, %mul3A_152 : i32
      %add3A_154 = arith.constant 1 : i32
      %add3A_155 = arith.addi %mul3A_153, %add3A_154 : i32
      %mul3A_156 = arith.constant 32 : i32
      %mul3A_157 = arith.muli %add3A_155, %mul3A_156 : i32
      %add3A_158 = arith.addi %add3A, %mul3A_157 : i32
      %lt3A_159 = arith.constant 3125 : i32
      %lt3A_160 = arith.cmpi slt, %add3A_158, %lt3A_159 : i32
      %convert_element_type3A_161 = arith.extui %lt3A_160 : i1 to i32
      %cond3A_162 = arith.constant 0 : i32
      %cond3A_163 = arith.cmpi ne, %convert_element_type3A_161, %cond3A_162 : i32
      scf.if %cond3A_163 {
        %dma_wait3A = arith.constant 0 : i32
        %dma_wait3A_395 = arith.constant 0 : i32
        %dma_wait3A_396 = tpu.memref_slice %arg2[%dma_wait3A, %dma_wait3A_395] : memref<100000x8xf32, #tpu.memory_space<hbm>> -> memref<2048x8xf32, #tpu.memory_space<hbm>>
        %dma_wait3A_397 = arith.constant 0 : i32
        %dma_wait3A_398 = arith.constant 0 : i32
        %dma_wait3A_399 = tpu.memref_slice %arg2[%dma_wait3A_397, %dma_wait3A_398] : memref<100000x8xf32, #tpu.memory_space<hbm>> -> memref<2048x8xf32, #tpu.memory_space<hbm>>
        tpu.wait_dma2 semaphore(%arg35 : memref<!tpu.dma_semaphore, #tpu.memory_space<semaphore_mem>>) src(%dma_wait3A_399 : memref<2048x8xf32, #tpu.memory_space<hbm>>) dst(%arg25 : memref<2048x8xf32, #tpu.memory_space<vmem>>)
        %dma_wait3A_400 = arith.constant 0 : i32
        %dma_wait3A_401 = arith.constant 0 : i32
        %dma_wait3A_402 = tpu.memref_slice %arg2[%dma_wait3A_400, %dma_wait3A_401] : memref<100000x8xf32, #tpu.memory_space<hbm>> -> memref<2048x8xf32, #tpu.memory_space<hbm>>
        %dma_wait3A_403 = arith.constant 0 : i32
        %dma_wait3A_404 = arith.constant 0 : i32
        %dma_wait3A_405 = tpu.memref_slice %arg2[%dma_wait3A_403, %dma_wait3A_404] : memref<100000x8xf32, #tpu.memory_space<hbm>> -> memref<2048x8xf32, #tpu.memory_space<hbm>>
        tpu.wait_dma2 semaphore(%arg35 : memref<!tpu.dma_semaphore, #tpu.memory_space<semaphore_mem>>) src(%dma_wait3A_405 : memref<2048x8xf32, #tpu.memory_space<hbm>>) dst(%arg27 : memref<2048x8xf32, #tpu.memory_space<vmem>>)
      } else {
      }
      %add3A_164 = arith.constant 1 : i32
      %add3A_165 = arith.addi %add3A_155, %add3A_164 : i32
      %mul3A_166 = arith.constant 32 : i32
      %mul3A_167 = arith.muli %add3A_165, %mul3A_166 : i32
      %add3A_168 = arith.addi %add3A, %mul3A_167 : i32
      %lt3A_169 = arith.constant 3125 : i32
      %lt3A_170 = arith.cmpi slt, %add3A_168, %lt3A_169 : i32
      %convert_element_type3A_171 = arith.extui %lt3A_170 : i1 to i32
      %cond3A_172 = arith.constant 0 : i32
      %cond3A_173 = arith.cmpi ne, %convert_element_type3A_171, %cond3A_172 : i32
      scf.if %cond3A_173 {
        %dma_wait3A = arith.constant 0 : i32
        %dma_wait3A_395 = arith.constant 0 : i32
        %dma_wait3A_396 = arith.constant 0 : i32
        %dma_wait3A_397 = tpu.memref_slice %arg3[%dma_wait3A, %dma_wait3A_395, %dma_wait3A_396] : memref<50000x2x128xi32, #tpu.memory_space<hbm>> -> memref<16x2x128xi32, #tpu.memory_space<hbm>>
        %dma_wait3A_398 = arith.constant 0 : i32
        %dma_wait3A_399 = arith.constant 0 : i32
        %dma_wait3A_400 = arith.constant 0 : i32
        %dma_wait3A_401 = tpu.memref_slice %arg3[%dma_wait3A_398, %dma_wait3A_399, %dma_wait3A_400] : memref<50000x2x128xi32, #tpu.memory_space<hbm>> -> memref<16x2x128xi32, #tpu.memory_space<hbm>>
        tpu.wait_dma2 semaphore(%arg32 : memref<!tpu.dma_semaphore, #tpu.memory_space<semaphore_mem>>) src(%dma_wait3A_401 : memref<16x2x128xi32, #tpu.memory_space<hbm>>) dst(%arg10 : memref<16x2x128xi32, #tpu.memory_space<vmem>>)
        %dma_wait3A_402 = arith.constant 0 : i32
        %dma_wait3A_403 = tpu.memref_slice %arg4[%dma_wait3A_402] : memref<6400000xf32, #tpu.memory_space<hbm>> -> memref<2048xf32, #tpu.memory_space<hbm>>
        %dma_wait3A_404 = arith.constant 0 : i32
        %dma_wait3A_405 = tpu.memref_slice %arg4[%dma_wait3A_404] : memref<6400000xf32, #tpu.memory_space<hbm>> -> memref<2048xf32, #tpu.memory_space<hbm>>
        tpu.wait_dma2 semaphore(%arg32 : memref<!tpu.dma_semaphore, #tpu.memory_space<semaphore_mem>>) src(%dma_wait3A_405 : memref<2048xf32, #tpu.memory_space<hbm>>) dst(%arg18 : memref<2048xf32, #tpu.memory_space<vmem>>)
        %dma_wait3A_406 = arith.constant 0 : i32
        %dma_wait3A_407 = tpu.memref_slice %arg5[%dma_wait3A_406] : memref<6400000xf32, #tpu.memory_space<hbm>> -> memref<2048xf32, #tpu.memory_space<hbm>>
        %dma_wait3A_408 = arith.constant 0 : i32
        %dma_wait3A_409 = tpu.memref_slice %arg5[%dma_wait3A_408] : memref<6400000xf32, #tpu.memory_space<hbm>> -> memref<2048xf32, #tpu.memory_space<hbm>>
        tpu.wait_dma2 semaphore(%arg32 : memref<!tpu.dma_semaphore, #tpu.memory_space<semaphore_mem>>) src(%dma_wait3A_409 : memref<2048xf32, #tpu.memory_space<hbm>>) dst(%arg20 : memref<2048xf32, #tpu.memory_space<vmem>>)
        %dma_wait3A_410 = arith.constant 0 : i32
        %dma_wait3A_411 = tpu.memref_slice %arg6[%dma_wait3A_410] : memref<6400000xf32, #tpu.memory_space<hbm>> -> memref<2048xf32, #tpu.memory_space<hbm>>
        %dma_wait3A_412 = arith.constant 0 : i32
        %dma_wait3A_413 = tpu.memref_slice %arg6[%dma_wait3A_412] : memref<6400000xf32, #tpu.memory_space<hbm>> -> memref<2048xf32, #tpu.memory_space<hbm>>
        tpu.wait_dma2 semaphore(%arg32 : memref<!tpu.dma_semaphore, #tpu.memory_space<semaphore_mem>>) src(%dma_wait3A_413 : memref<2048xf32, #tpu.memory_space<hbm>>) dst(%arg22 : memref<2048xf32, #tpu.memory_space<vmem>>)
      } else {
      }
      %add3A_174 = arith.constant 1 : i32
      %add3A_175 = arith.addi %add3A_155, %add3A_174 : i32
      %mul3A_176 = arith.constant 32 : i32
      %mul3A_177 = arith.muli %add3A_175, %mul3A_176 : i32
      %add3A_178 = arith.addi %add3A, %mul3A_177 : i32
      %lt3A_179 = arith.constant 3125 : i32
      %lt3A_180 = arith.cmpi slt, %add3A_178, %lt3A_179 : i32
      %convert_element_type3A_181 = arith.extui %lt3A_180 : i1 to i32
      %cond3A_182 = arith.constant 0 : i32
      %cond3A_183 = arith.cmpi ne, %convert_element_type3A_181, %cond3A_182 : i32
      scf.if %cond3A_183 {
        %parallel_loop3A = arith.constant 0 : i32
        %parallel_loop3A_395 = arith.constant 16 : i32
        %parallel_loop3A_396 = arith.constant 1 : i32
        scf.for %parallel_loop3A_397 = %parallel_loop3A to %parallel_loop3A_395 step %parallel_loop3A_396  : i32 {
          %parallel_loop3A_398 = arith.constant 128 : i32
          %parallel_loop3A_399 = arith.muli %parallel_loop3A_397, %parallel_loop3A_398 : i32
          %parallel_loop3A_400 = arith.constant 0 : i32
          %parallel_loop3A_401 = arith.addi %parallel_loop3A_399, %parallel_loop3A_400 : i32
          %parallel_loop3A_402 = tpu.assume_multiple %parallel_loop3A_401, 16 : i32
          %parallel_loop3A_403 = arith.constant 0 : i32
          %parallel_loop3A_404 = arith.index_cast %parallel_loop3A_397 : i32 to index
          %parallel_loop3A_405 = arith.index_cast %parallel_loop3A_403 : i32 to index
          %parallel_loop3A_406 = arith.constant 0 : index
          %parallel_loop3A_407 = tpu.vector_load %arg10[%parallel_loop3A_404, %parallel_loop3A_405, %parallel_loop3A_406] {strides = array<i32>} : memref<16x2x128xi32, #tpu.memory_space<vmem>>, vector<16xi32>,
          %parallel_loop3A_408 = arith.index_cast %parallel_loop3A_402 : i32 to index
          %parallel_loop3A_409 = tpu.vector_load %arg14[%parallel_loop3A_408] {strides = array<i32>} : memref<2048xi32, #tpu.memory_space<vmem>>, vector<16xi32>,
          tpu.vector_store %arg14[%parallel_loop3A_408], %parallel_loop3A_407 {strides = array<i32>} : memref<2048xi32, #tpu.memory_space<vmem>>, vector<16xi32>,
          %parallel_loop3A_410 = arith.constant 1 : i32
          %parallel_loop3A_411 = arith.index_cast %parallel_loop3A_397 : i32 to index
          %parallel_loop3A_412 = arith.index_cast %parallel_loop3A_410 : i32 to index
          %parallel_loop3A_413 = arith.constant 0 : index
          %parallel_loop3A_414 = tpu.vector_load %arg10[%parallel_loop3A_411, %parallel_loop3A_412, %parallel_loop3A_413] {strides = array<i32>} : memref<16x2x128xi32, #tpu.memory_space<vmem>>, vector<16xi32>,
          %parallel_loop3A_415 = arith.index_cast %parallel_loop3A_402 : i32 to index
          %parallel_loop3A_416 = tpu.vector_load %arg16[%parallel_loop3A_415] {strides = array<i32>} : memref<2048xi32, #tpu.memory_space<vmem>>, vector<16xi32>,
          tpu.vector_store %arg16[%parallel_loop3A_415], %parallel_loop3A_414 {strides = array<i32>} : memref<2048xi32, #tpu.memory_space<vmem>>, vector<16xi32>,
          %parallel_loop3A_417 = arith.constant 128 : i32
          %parallel_loop3A_418 = arith.muli %parallel_loop3A_397, %parallel_loop3A_417 : i32
          %parallel_loop3A_419 = arith.constant 16 : i32
          %parallel_loop3A_420 = arith.addi %parallel_loop3A_418, %parallel_loop3A_419 : i32
          %parallel_loop3A_421 = tpu.assume_multiple %parallel_loop3A_420, 16 : i32
          %parallel_loop3A_422 = arith.constant 0 : i32
          %parallel_loop3A_423 = arith.index_cast %parallel_loop3A_397 : i32 to index
          %parallel_loop3A_424 = arith.index_cast %parallel_loop3A_422 : i32 to index
          %parallel_loop3A_425 = arith.constant 16 : index
          %parallel_loop3A_426 = tpu.vector_load %arg10[%parallel_loop3A_423, %parallel_loop3A_424, %parallel_loop3A_425] {strides = array<i32>} : memref<16x2x128xi32, #tpu.memory_space<vmem>>, vector<16xi32>,
          %parallel_loop3A_427 = arith.index_cast %parallel_loop3A_421 : i32 to index
          %parallel_loop3A_428 = tpu.vector_load %arg14[%parallel_loop3A_427] {strides = array<i32>} : memref<2048xi32, #tpu.memory_space<vmem>>, vector<16xi32>,
          tpu.vector_store %arg14[%parallel_loop3A_427], %parallel_loop3A_426 {strides = array<i32>} : memref<2048xi32, #tpu.memory_space<vmem>>, vector<16xi32>,
          %parallel_loop3A_429 = arith.constant 1 : i32
          %parallel_loop3A_430 = arith.index_cast %parallel_loop3A_397 : i32 to index
          %parallel_loop3A_431 = arith.index_cast %parallel_loop3A_429 : i32 to index
          %parallel_loop3A_432 = arith.constant 16 : index
          %parallel_loop3A_433 = tpu.vector_load %arg10[%parallel_loop3A_430, %parallel_loop3A_431, %parallel_loop3A_432] {strides = array<i32>} : memref<16x2x128xi32, #tpu.memory_space<vmem>>, vector<16xi32>,
          %parallel_loop3A_434 = arith.index_cast %parallel_loop3A_421 : i32 to index
          %parallel_loop3A_435 = tpu.vector_load %arg16[%parallel_loop3A_434] {strides = array<i32>} : memref<2048xi32, #tpu.memory_space<vmem>>, vector<16xi32>,
          tpu.vector_store %arg16[%parallel_loop3A_434], %parallel_loop3A_433 {strides = array<i32>} : memref<2048xi32, #tpu.memory_space<vmem>>, vector<16xi32>,
          %parallel_loop3A_436 = arith.constant 128 : i32
          %parallel_loop3A_437 = arith.muli %parallel_loop3A_397, %parallel_loop3A_436 : i32
          %parallel_loop3A_438 = arith.constant 32 : i32
          %parallel_loop3A_439 = arith.addi %parallel_loop3A_437, %parallel_loop3A_438 : i32
          %parallel_loop3A_440 = tpu.assume_multiple %parallel_loop3A_439, 16 : i32
          %parallel_loop3A_441 = arith.constant 0 : i32
          %parallel_loop3A_442 = arith.index_cast %parallel_loop3A_397 : i32 to index
          %parallel_loop3A_443 = arith.index_cast %parallel_loop3A_441 : i32 to index
          %parallel_loop3A_444 = arith.constant 32 : index
          %parallel_loop3A_445 = tpu.vector_load %arg10[%parallel_loop3A_442, %parallel_loop3A_443, %parallel_loop3A_444] {strides = array<i32>} : memref<16x2x128xi32, #tpu.memory_space<vmem>>, vector<16xi32>,
          %parallel_loop3A_446 = arith.index_cast %parallel_loop3A_440 : i32 to index
          %parallel_loop3A_447 = tpu.vector_load %arg14[%parallel_loop3A_446] {strides = array<i32>} : memref<2048xi32, #tpu.memory_space<vmem>>, vector<16xi32>,
          tpu.vector_store %arg14[%parallel_loop3A_446], %parallel_loop3A_445 {strides = array<i32>} : memref<2048xi32, #tpu.memory_space<vmem>>, vector<16xi32>,
          %parallel_loop3A_448 = arith.constant 1 : i32
          %parallel_loop3A_449 = arith.index_cast %parallel_loop3A_397 : i32 to index
          %parallel_loop3A_450 = arith.index_cast %parallel_loop3A_448 : i32 to index
          %parallel_loop3A_451 = arith.constant 32 : index
          %parallel_loop3A_452 = tpu.vector_load %arg10[%parallel_loop3A_449, %parallel_loop3A_450, %parallel_loop3A_451] {strides = array<i32>} : memref<16x2x128xi32, #tpu.memory_space<vmem>>, vector<16xi32>,
          %parallel_loop3A_453 = arith.index_cast %parallel_loop3A_440 : i32 to index
          %parallel_loop3A_454 = tpu.vector_load %arg16[%parallel_loop3A_453] {strides = array<i32>} : memref<2048xi32, #tpu.memory_space<vmem>>, vector<16xi32>,
          tpu.vector_store %arg16[%parallel_loop3A_453], %parallel_loop3A_452 {strides = array<i32>} : memref<2048xi32, #tpu.memory_space<vmem>>, vector<16xi32>,
          %parallel_loop3A_455 = arith.constant 128 : i32
          %parallel_loop3A_456 = arith.muli %parallel_loop3A_397, %parallel_loop3A_455 : i32
          %parallel_loop3A_457 = arith.constant 48 : i32
          %parallel_loop3A_458 = arith.addi %parallel_loop3A_456, %parallel_loop3A_457 : i32
          %parallel_loop3A_459 = tpu.assume_multiple %parallel_loop3A_458, 16 : i32
          %parallel_loop3A_460 = arith.constant 0 : i32
          %parallel_loop3A_461 = arith.index_cast %parallel_loop3A_397 : i32 to index
          %parallel_loop3A_462 = arith.index_cast %parallel_loop3A_460 : i32 to index
          %parallel_loop3A_463 = arith.constant 48 : index
          %parallel_loop3A_464 = tpu.vector_load %arg10[%parallel_loop3A_461, %parallel_loop3A_462, %parallel_loop3A_463] {strides = array<i32>} : memref<16x2x128xi32, #tpu.memory_space<vmem>>, vector<16xi32>,
          %parallel_loop3A_465 = arith.index_cast %parallel_loop3A_459 : i32 to index
          %parallel_loop3A_466 = tpu.vector_load %arg14[%parallel_loop3A_465] {strides = array<i32>} : memref<2048xi32, #tpu.memory_space<vmem>>, vector<16xi32>,
          tpu.vector_store %arg14[%parallel_loop3A_465], %parallel_loop3A_464 {strides = array<i32>} : memref<2048xi32, #tpu.memory_space<vmem>>, vector<16xi32>,
          %parallel_loop3A_467 = arith.constant 1 : i32
          %parallel_loop3A_468 = arith.index_cast %parallel_loop3A_397 : i32 to index
          %parallel_loop3A_469 = arith.index_cast %parallel_loop3A_467 : i32 to index
          %parallel_loop3A_470 = arith.constant 48 : index
          %parallel_loop3A_471 = tpu.vector_load %arg10[%parallel_loop3A_468, %parallel_loop3A_469, %parallel_loop3A_470] {strides = array<i32>} : memref<16x2x128xi32, #tpu.memory_space<vmem>>, vector<16xi32>,
          %parallel_loop3A_472 = arith.index_cast %parallel_loop3A_459 : i32 to index
          %parallel_loop3A_473 = tpu.vector_load %arg16[%parallel_loop3A_472] {strides = array<i32>} : memref<2048xi32, #tpu.memory_space<vmem>>, vector<16xi32>,
          tpu.vector_store %arg16[%parallel_loop3A_472], %parallel_loop3A_471 {strides = array<i32>} : memref<2048xi32, #tpu.memory_space<vmem>>, vector<16xi32>,
          %parallel_loop3A_474 = arith.constant 128 : i32
          %parallel_loop3A_475 = arith.muli %parallel_loop3A_397, %parallel_loop3A_474 : i32
          %parallel_loop3A_476 = arith.constant 64 : i32
          %parallel_loop3A_477 = arith.addi %parallel_loop3A_475, %parallel_loop3A_476 : i32
          %parallel_loop3A_478 = tpu.assume_multiple %parallel_loop3A_477, 16 : i32
          %parallel_loop3A_479 = arith.constant 0 : i32
          %parallel_loop3A_480 = arith.index_cast %parallel_loop3A_397 : i32 to index
          %parallel_loop3A_481 = arith.index_cast %parallel_loop3A_479 : i32 to index
          %parallel_loop3A_482 = arith.constant 64 : index
          %parallel_loop3A_483 = tpu.vector_load %arg10[%parallel_loop3A_480, %parallel_loop3A_481, %parallel_loop3A_482] {strides = array<i32>} : memref<16x2x128xi32, #tpu.memory_space<vmem>>, vector<16xi32>,
          %parallel_loop3A_484 = arith.index_cast %parallel_loop3A_478 : i32 to index
          %parallel_loop3A_485 = tpu.vector_load %arg14[%parallel_loop3A_484] {strides = array<i32>} : memref<2048xi32, #tpu.memory_space<vmem>>, vector<16xi32>,
          tpu.vector_store %arg14[%parallel_loop3A_484], %parallel_loop3A_483 {strides = array<i32>} : memref<2048xi32, #tpu.memory_space<vmem>>, vector<16xi32>,
          %parallel_loop3A_486 = arith.constant 1 : i32
          %parallel_loop3A_487 = arith.index_cast %parallel_loop3A_397 : i32 to index
          %parallel_loop3A_488 = arith.index_cast %parallel_loop3A_486 : i32 to index
          %parallel_loop3A_489 = arith.constant 64 : index
          %parallel_loop3A_490 = tpu.vector_load %arg10[%parallel_loop3A_487, %parallel_loop3A_488, %parallel_loop3A_489] {strides = array<i32>} : memref<16x2x128xi32, #tpu.memory_space<vmem>>, vector<16xi32>,
          %parallel_loop3A_491 = arith.index_cast %parallel_loop3A_478 : i32 to index
          %parallel_loop3A_492 = tpu.vector_load %arg16[%parallel_loop3A_491] {strides = array<i32>} : memref<2048xi32, #tpu.memory_space<vmem>>, vector<16xi32>,
          tpu.vector_store %arg16[%parallel_loop3A_491], %parallel_loop3A_490 {strides = array<i32>} : memref<2048xi32, #tpu.memory_space<vmem>>, vector<16xi32>,
          %parallel_loop3A_493 = arith.constant 128 : i32
          %parallel_loop3A_494 = arith.muli %parallel_loop3A_397, %parallel_loop3A_493 : i32
          %parallel_loop3A_495 = arith.constant 80 : i32
          %parallel_loop3A_496 = arith.addi %parallel_loop3A_494, %parallel_loop3A_495 : i32
          %parallel_loop3A_497 = tpu.assume_multiple %parallel_loop3A_496, 16 : i32
          %parallel_loop3A_498 = arith.constant 0 : i32
          %parallel_loop3A_499 = arith.index_cast %parallel_loop3A_397 : i32 to index
          %parallel_loop3A_500 = arith.index_cast %parallel_loop3A_498 : i32 to index
          %parallel_loop3A_501 = arith.constant 80 : index
          %parallel_loop3A_502 = tpu.vector_load %arg10[%parallel_loop3A_499, %parallel_loop3A_500, %parallel_loop3A_501] {strides = array<i32>} : memref<16x2x128xi32, #tpu.memory_space<vmem>>, vector<16xi32>,
          %parallel_loop3A_503 = arith.index_cast %parallel_loop3A_497 : i32 to index
          %parallel_loop3A_504 = tpu.vector_load %arg14[%parallel_loop3A_503] {strides = array<i32>} : memref<2048xi32, #tpu.memory_space<vmem>>, vector<16xi32>,
          tpu.vector_store %arg14[%parallel_loop3A_503], %parallel_loop3A_502 {strides = array<i32>} : memref<2048xi32, #tpu.memory_space<vmem>>, vector<16xi32>,
          %parallel_loop3A_505 = arith.constant 1 : i32
          %parallel_loop3A_506 = arith.index_cast %parallel_loop3A_397 : i32 to index
          %parallel_loop3A_507 = arith.index_cast %parallel_loop3A_505 : i32 to index
          %parallel_loop3A_508 = arith.constant 80 : index
          %parallel_loop3A_509 = tpu.vector_load %arg10[%parallel_loop3A_506, %parallel_loop3A_507, %parallel_loop3A_508] {strides = array<i32>} : memref<16x2x128xi32, #tpu.memory_space<vmem>>, vector<16xi32>,
          %parallel_loop3A_510 = arith.index_cast %parallel_loop3A_497 : i32 to index
          %parallel_loop3A_511 = tpu.vector_load %arg16[%parallel_loop3A_510] {strides = array<i32>} : memref<2048xi32, #tpu.memory_space<vmem>>, vector<16xi32>,
          tpu.vector_store %arg16[%parallel_loop3A_510], %parallel_loop3A_509 {strides = array<i32>} : memref<2048xi32, #tpu.memory_space<vmem>>, vector<16xi32>,
          %parallel_loop3A_512 = arith.constant 128 : i32
          %parallel_loop3A_513 = arith.muli %parallel_loop3A_397, %parallel_loop3A_512 : i32
          %parallel_loop3A_514 = arith.constant 96 : i32
          %parallel_loop3A_515 = arith.addi %parallel_loop3A_513, %parallel_loop3A_514 : i32
          %parallel_loop3A_516 = tpu.assume_multiple %parallel_loop3A_515, 16 : i32
          %parallel_loop3A_517 = arith.constant 0 : i32
          %parallel_loop3A_518 = arith.index_cast %parallel_loop3A_397 : i32 to index
          %parallel_loop3A_519 = arith.index_cast %parallel_loop3A_517 : i32 to index
          %parallel_loop3A_520 = arith.constant 96 : index
          %parallel_loop3A_521 = tpu.vector_load %arg10[%parallel_loop3A_518, %parallel_loop3A_519, %parallel_loop3A_520] {strides = array<i32>} : memref<16x2x128xi32, #tpu.memory_space<vmem>>, vector<16xi32>,
          %parallel_loop3A_522 = arith.index_cast %parallel_loop3A_516 : i32 to index
          %parallel_loop3A_523 = tpu.vector_load %arg14[%parallel_loop3A_522] {strides = array<i32>} : memref<2048xi32, #tpu.memory_space<vmem>>, vector<16xi32>,
          tpu.vector_store %arg14[%parallel_loop3A_522], %parallel_loop3A_521 {strides = array<i32>} : memref<2048xi32, #tpu.memory_space<vmem>>, vector<16xi32>,
          %parallel_loop3A_524 = arith.constant 1 : i32
          %parallel_loop3A_525 = arith.index_cast %parallel_loop3A_397 : i32 to index
          %parallel_loop3A_526 = arith.index_cast %parallel_loop3A_524 : i32 to index
          %parallel_loop3A_527 = arith.constant 96 : index
          %parallel_loop3A_528 = tpu.vector_load %arg10[%parallel_loop3A_525, %parallel_loop3A_526, %parallel_loop3A_527] {strides = array<i32>} : memref<16x2x128xi32, #tpu.memory_space<vmem>>, vector<16xi32>,
          %parallel_loop3A_529 = arith.index_cast %parallel_loop3A_516 : i32 to index
          %parallel_loop3A_530 = tpu.vector_load %arg16[%parallel_loop3A_529] {strides = array<i32>} : memref<2048xi32, #tpu.memory_space<vmem>>, vector<16xi32>,
          tpu.vector_store %arg16[%parallel_loop3A_529], %parallel_loop3A_528 {strides = array<i32>} : memref<2048xi32, #tpu.memory_space<vmem>>, vector<16xi32>,
          %parallel_loop3A_531 = arith.constant 128 : i32
          %parallel_loop3A_532 = arith.muli %parallel_loop3A_397, %parallel_loop3A_531 : i32
          %parallel_loop3A_533 = arith.constant 112 : i32
          %parallel_loop3A_534 = arith.addi %parallel_loop3A_532, %parallel_loop3A_533 : i32
          %parallel_loop3A_535 = tpu.assume_multiple %parallel_loop3A_534, 16 : i32
          %parallel_loop3A_536 = arith.constant 0 : i32
          %parallel_loop3A_537 = arith.index_cast %parallel_loop3A_397 : i32 to index
          %parallel_loop3A_538 = arith.index_cast %parallel_loop3A_536 : i32 to index
          %parallel_loop3A_539 = arith.constant 112 : index
          %parallel_loop3A_540 = tpu.vector_load %arg10[%parallel_loop3A_537, %parallel_loop3A_538, %parallel_loop3A_539] {strides = array<i32>} : memref<16x2x128xi32, #tpu.memory_space<vmem>>, vector<16xi32>,
          %parallel_loop3A_541 = arith.index_cast %parallel_loop3A_535 : i32 to index
          %parallel_loop3A_542 = tpu.vector_load %arg14[%parallel_loop3A_541] {strides = array<i32>} : memref<2048xi32, #tpu.memory_space<vmem>>, vector<16xi32>,
          tpu.vector_store %arg14[%parallel_loop3A_541], %parallel_loop3A_540 {strides = array<i32>} : memref<2048xi32, #tpu.memory_space<vmem>>, vector<16xi32>,
          %parallel_loop3A_543 = arith.constant 1 : i32
          %parallel_loop3A_544 = arith.index_cast %parallel_loop3A_397 : i32 to index
          %parallel_loop3A_545 = arith.index_cast %parallel_loop3A_543 : i32 to index
          %parallel_loop3A_546 = arith.constant 112 : index
          %parallel_loop3A_547 = tpu.vector_load %arg10[%parallel_loop3A_544, %parallel_loop3A_545, %parallel_loop3A_546] {strides = array<i32>} : memref<16x2x128xi32, #tpu.memory_space<vmem>>, vector<16xi32>,
          %parallel_loop3A_548 = arith.index_cast %parallel_loop3A_535 : i32 to index
          %parallel_loop3A_549 = tpu.vector_load %arg16[%parallel_loop3A_548] {strides = array<i32>} : memref<2048xi32, #tpu.memory_space<vmem>>, vector<16xi32>,
          tpu.vector_store %arg16[%parallel_loop3A_548], %parallel_loop3A_547 {strides = array<i32>} : memref<2048xi32, #tpu.memory_space<vmem>>, vector<16xi32>,
        } {sc.loop_unroll_factor = 1 : i64, sc.parallel_access}
      } else {
      }
      %add3A_184 = arith.constant 1 : i32
      %add3A_185 = arith.addi %add3A_155, %add3A_184 : i32
      %mul3A_186 = arith.constant 32 : i32
      %mul3A_187 = arith.muli %add3A_185, %mul3A_186 : i32
      %add3A_188 = arith.addi %add3A, %mul3A_187 : i32
      %lt3A_189 = arith.constant 3125 : i32
      %lt3A_190 = arith.cmpi slt, %add3A_188, %lt3A_189 : i32
      %convert_element_type3A_191 = arith.extui %lt3A_190 : i1 to i32
      %cond3A_192 = arith.constant 0 : i32
      %cond3A_193 = arith.cmpi ne, %convert_element_type3A_191, %cond3A_192 : i32
      scf.if %cond3A_193 {
        %dma_start3A = arith.constant 0 : i32
        %dma_start3A_395 = arith.constant 0 : i32
        %dma_start3A_396 = tpu.memref_slice %arg2[%dma_start3A, %dma_start3A_395] : memref<100000x8xf32, #tpu.memory_space<hbm>> -> memref<100000x8xf32, #tpu.memory_space<hbm>>
        tpu.enqueue_indirect_dma source(%dma_start3A_396 : memref<100000x8xf32, #tpu.memory_space<hbm>>) target(%arg24 : memref<2048x8xf32, #tpu.memory_space<vmem>>) offsets(%arg14 : memref<2048xi32, #tpu.memory_space<vmem>>) semaphore(%arg34 : memref<!tpu.dma_semaphore, #tpu.memory_space<semaphore_mem>>)
        %dma_start3A_397 = arith.constant 0 : i32
        %dma_start3A_398 = arith.constant 0 : i32
        %dma_start3A_399 = tpu.memref_slice %arg2[%dma_start3A_397, %dma_start3A_398] : memref<100000x8xf32, #tpu.memory_space<hbm>> -> memref<100000x8xf32, #tpu.memory_space<hbm>>
        tpu.enqueue_indirect_dma source(%dma_start3A_399 : memref<100000x8xf32, #tpu.memory_space<hbm>>) target(%arg26 : memref<2048x8xf32, #tpu.memory_space<vmem>>) offsets(%arg16 : memref<2048xi32, #tpu.memory_space<vmem>>) semaphore(%arg34 : memref<!tpu.dma_semaphore, #tpu.memory_space<semaphore_mem>>)
      } else {
      }
      %sub3A_194 = arith.constant 2 : i32
      %sub3A_195 = arith.subi %add3A_155, %sub3A_194 : i32
      %mul3A_196 = arith.constant 32 : i32
      %mul3A_197 = arith.muli %sub3A_195, %mul3A_196 : i32
      %add3A_198 = arith.addi %add3A, %mul3A_197 : i32
      %ge3A_199 = arith.constant 0 : i32
      %ge3A_200 = arith.cmpi sge, %sub3A_195, %ge3A_199 : i32
      %lt3A_201 = arith.constant 3125 : i32
      %lt3A_202 = arith.cmpi slt, %add3A_198, %lt3A_201 : i32
      %and3A_203 = arith.andi %ge3A_200, %lt3A_202 : i1
      %convert_element_type3A_204 = arith.extui %and3A_203 : i1 to i32
      %cond3A_205 = arith.constant 0 : i32
      %cond3A_206 = arith.cmpi ne, %convert_element_type3A_204, %cond3A_205 : i32
      scf.if %cond3A_206 {
        %dma_wait3A = arith.constant 0 : i32
        %dma_wait3A_395 = tpu.memref_slice %arg4[%dma_wait3A] : memref<6400000xf32, #tpu.memory_space<hbm>> -> memref<2048xf32, #tpu.memory_space<hbm>>
        %dma_wait3A_396 = arith.constant 0 : i32
        %dma_wait3A_397 = tpu.memref_slice %arg4[%dma_wait3A_396] : memref<6400000xf32, #tpu.memory_space<hbm>> -> memref<2048xf32, #tpu.memory_space<hbm>>
        tpu.wait_dma2 semaphore(%arg37 : memref<!tpu.dma_semaphore, #tpu.memory_space<semaphore_mem>>) src(%dma_wait3A_397 : memref<2048xf32, #tpu.memory_space<hbm>>) dst(%arg29 : memref<2048xf32, #tpu.memory_space<vmem>>)
      } else {
      }
      %mul3A_207 = arith.constant 32 : i32
      %mul3A_208 = arith.muli %add3A_155, %mul3A_207 : i32
      %add3A_209 = arith.addi %add3A, %mul3A_208 : i32
      %lt3A_210 = arith.constant 3125 : i32
      %lt3A_211 = arith.cmpi slt, %add3A_209, %lt3A_210 : i32
      %convert_element_type3A_212 = arith.extui %lt3A_211 : i1 to i32
      %cond3A_213 = arith.constant 0 : i32
      %cond3A_214 = arith.cmpi ne, %convert_element_type3A_212, %cond3A_213 : i32
      scf.if %cond3A_214 {
        %parallel_loop3A = arith.constant 0 : i32
        %parallel_loop3A_395 = arith.constant 128 : i32
        %parallel_loop3A_396 = arith.constant 1 : i32
        scf.for %parallel_loop3A_397 = %parallel_loop3A to %parallel_loop3A_395 step %parallel_loop3A_396  : i32 {
          %parallel_loop3A_398 = arith.constant 16 : i32
          %parallel_loop3A_399 = arith.muli %parallel_loop3A_397, %parallel_loop3A_398 : i32
          %parallel_loop3A_400 = vector.broadcast %parallel_loop3A_399 : i32 to vector<16xi32>
          %parallel_loop3A_401 = arith.addi %parallel_loop3A_400, %iota3A : vector<16xi32>
          %parallel_loop3A_402 = arith.constant 16 : i32
          %parallel_loop3A_403 = arith.muli %parallel_loop3A_397, %parallel_loop3A_402 : i32
          %parallel_loop3A_404 = tpu.assume_multiple %parallel_loop3A_403, 16 : i32
          %parallel_loop3A_405 = tpu.vector_load_idx %arg25[%parallel_loop3A_401, %broadcast_in_dim3A_14] : memref<2048x8xf32, #tpu.memory_space<vmem>>[vector<16xi32>, vector<16xi32>], vector<16xf32>,
          %parallel_loop3A_406 = tpu.vector_load_idx %arg25[%parallel_loop3A_401, %broadcast_in_dim3A_16] : memref<2048x8xf32, #tpu.memory_space<vmem>>[vector<16xi32>, vector<16xi32>], vector<16xf32>,
          %parallel_loop3A_407 = tpu.vector_load_idx %arg25[%parallel_loop3A_401, %broadcast_in_dim3A_18] : memref<2048x8xf32, #tpu.memory_space<vmem>>[vector<16xi32>, vector<16xi32>], vector<16xf32>,
          %parallel_loop3A_408 = tpu.vector_load_idx %arg27[%parallel_loop3A_401, %broadcast_in_dim3A_14] : memref<2048x8xf32, #tpu.memory_space<vmem>>[vector<16xi32>, vector<16xi32>], vector<16xf32>,
          %parallel_loop3A_409 = tpu.vector_load_idx %arg27[%parallel_loop3A_401, %broadcast_in_dim3A_16] : memref<2048x8xf32, #tpu.memory_space<vmem>>[vector<16xi32>, vector<16xi32>], vector<16xf32>,
          %parallel_loop3A_410 = tpu.vector_load_idx %arg27[%parallel_loop3A_401, %broadcast_in_dim3A_18] : memref<2048x8xf32, #tpu.memory_space<vmem>>[vector<16xi32>, vector<16xi32>], vector<16xf32>,
          %parallel_loop3A_411 = arith.subf %parallel_loop3A_408, %parallel_loop3A_405 : vector<16xf32>
          %parallel_loop3A_412 = arith.index_cast %parallel_loop3A_404 : i32 to index
          %parallel_loop3A_413 = tpu.vector_load %arg19[%parallel_loop3A_412] {strides = array<i32>} : memref<2048xf32, #tpu.memory_space<vmem>>, vector<16xf32>,
          %parallel_loop3A_414 = arith.addf %parallel_loop3A_411, %parallel_loop3A_413 : vector<16xf32>
          %parallel_loop3A_415 = arith.subf %parallel_loop3A_409, %parallel_loop3A_406 : vector<16xf32>
          %parallel_loop3A_416 = arith.index_cast %parallel_loop3A_404 : i32 to index
          %parallel_loop3A_417 = tpu.vector_load %arg21[%parallel_loop3A_416] {strides = array<i32>} : memref<2048xf32, #tpu.memory_space<vmem>>, vector<16xf32>,
          %parallel_loop3A_418 = arith.addf %parallel_loop3A_415, %parallel_loop3A_417 : vector<16xf32>
          %parallel_loop3A_419 = arith.subf %parallel_loop3A_410, %parallel_loop3A_407 : vector<16xf32>
          %parallel_loop3A_420 = arith.index_cast %parallel_loop3A_404 : i32 to index
          %parallel_loop3A_421 = tpu.vector_load %arg23[%parallel_loop3A_420] {strides = array<i32>} : memref<2048xf32, #tpu.memory_space<vmem>>, vector<16xf32>,
          %parallel_loop3A_422 = arith.addf %parallel_loop3A_419, %parallel_loop3A_421 : vector<16xf32>
          %parallel_loop3A_423 = arith.mulf %parallel_loop3A_414, %parallel_loop3A_414 : vector<16xf32>
          %parallel_loop3A_424 = arith.mulf %parallel_loop3A_418, %parallel_loop3A_418 : vector<16xf32>
          %parallel_loop3A_425 = arith.addf %parallel_loop3A_423, %parallel_loop3A_424 : vector<16xf32>
          %parallel_loop3A_426 = arith.mulf %parallel_loop3A_422, %parallel_loop3A_422 : vector<16xf32>
          %parallel_loop3A_427 = arith.addf %parallel_loop3A_425, %parallel_loop3A_426 : vector<16xf32>
          %parallel_loop3A_428 = vector.bitcast %parallel_loop3A_427 : vector<16xf32> to vector<16xi32>
          %parallel_loop3A_429 = arith.constant 1 : i32
          %parallel_loop3A_430 = vector.broadcast %parallel_loop3A_429 : i32 to vector<16xi32>
          %parallel_loop3A_431 = arith.shrsi %parallel_loop3A_428, %parallel_loop3A_430 : vector<16xi32>
          %parallel_loop3A_432 = arith.constant 1597463007 : i32
          %parallel_loop3A_433 = vector.broadcast %parallel_loop3A_432 : i32 to vector<16xi32>
          %parallel_loop3A_434 = arith.subi %parallel_loop3A_433, %parallel_loop3A_431 : vector<16xi32>
          %parallel_loop3A_435 = vector.bitcast %parallel_loop3A_434 : vector<16xi32> to vector<16xf32>
          %parallel_loop3A_436 = arith.constant 5.000000e-01 : f32
          %parallel_loop3A_437 = vector.broadcast %parallel_loop3A_436 : f32 to vector<16xf32>
          %parallel_loop3A_438 = arith.mulf %parallel_loop3A_437, %parallel_loop3A_427 : vector<16xf32>
          %parallel_loop3A_439 = arith.mulf %parallel_loop3A_438, %parallel_loop3A_435 : vector<16xf32>
          %parallel_loop3A_440 = arith.mulf %parallel_loop3A_439, %parallel_loop3A_435 : vector<16xf32>
          %parallel_loop3A_441 = arith.constant 1.500000e+00 : f32
          %parallel_loop3A_442 = vector.broadcast %parallel_loop3A_441 : f32 to vector<16xf32>
          %parallel_loop3A_443 = arith.subf %parallel_loop3A_442, %parallel_loop3A_440 : vector<16xf32>
          %parallel_loop3A_444 = arith.mulf %parallel_loop3A_435, %parallel_loop3A_443 : vector<16xf32>
          %parallel_loop3A_445 = arith.mulf %parallel_loop3A_438, %parallel_loop3A_444 : vector<16xf32>
          %parallel_loop3A_446 = arith.mulf %parallel_loop3A_445, %parallel_loop3A_444 : vector<16xf32>
          %parallel_loop3A_447 = arith.constant 1.500000e+00 : f32
          %parallel_loop3A_448 = vector.broadcast %parallel_loop3A_447 : f32 to vector<16xf32>
          %parallel_loop3A_449 = arith.subf %parallel_loop3A_448, %parallel_loop3A_446 : vector<16xf32>
          %parallel_loop3A_450 = arith.mulf %parallel_loop3A_444, %parallel_loop3A_449 : vector<16xf32>
          %parallel_loop3A_451 = arith.mulf %parallel_loop3A_438, %parallel_loop3A_450 : vector<16xf32>
          %parallel_loop3A_452 = arith.mulf %parallel_loop3A_451, %parallel_loop3A_450 : vector<16xf32>
          %parallel_loop3A_453 = arith.constant 1.500000e+00 : f32
          %parallel_loop3A_454 = vector.broadcast %parallel_loop3A_453 : f32 to vector<16xf32>
          %parallel_loop3A_455 = arith.subf %parallel_loop3A_454, %parallel_loop3A_452 : vector<16xf32>
          %parallel_loop3A_456 = arith.mulf %parallel_loop3A_450, %parallel_loop3A_455 : vector<16xf32>
          %parallel_loop3A_457 = arith.mulf %parallel_loop3A_427, %parallel_loop3A_456 : vector<16xf32>
          %parallel_loop3A_458 = arith.constant -2.000000e+00 : f32
          %parallel_loop3A_459 = vector.broadcast %parallel_loop3A_458 : f32 to vector<16xf32>
          %parallel_loop3A_460 = arith.mulf %parallel_loop3A_459, %parallel_loop3A_457 : vector<16xf32>
          %parallel_loop3A_461 = math.exp %parallel_loop3A_460 : vector<16xf32>
          %parallel_loop3A_462 = arith.constant 5.000000e-01 : f32
          %parallel_loop3A_463 = vector.broadcast %parallel_loop3A_462 : f32 to vector<16xf32>
          %parallel_loop3A_464 = arith.mulf %parallel_loop3A_463, %parallel_loop3A_461 : vector<16xf32>
          %parallel_loop3A_465 = arith.index_cast %parallel_loop3A_404 : i32 to index
          %parallel_loop3A_466 = tpu.vector_load %arg29[%parallel_loop3A_465] {strides = array<i32>} : memref<2048xf32, #tpu.memory_space<vmem>>, vector<16xf32>,
          tpu.vector_store %arg29[%parallel_loop3A_465], %parallel_loop3A_464 {strides = array<i32>} : memref<2048xf32, #tpu.memory_space<vmem>>, vector<16xf32>,
        } {sc.loop_unroll_factor = 2 : i64, sc.parallel_access}
      } else {
      }
      %mul3A_215 = arith.constant 32 : i32
      %mul3A_216 = arith.muli %add3A_155, %mul3A_215 : i32
      %add3A_217 = arith.addi %add3A, %mul3A_216 : i32
      %lt3A_218 = arith.constant 3125 : i32
      %lt3A_219 = arith.cmpi slt, %add3A_217, %lt3A_218 : i32
      %convert_element_type3A_220 = arith.extui %lt3A_219 : i1 to i32
      %cond3A_221 = arith.constant 0 : i32
      %cond3A_222 = arith.cmpi ne, %convert_element_type3A_220, %cond3A_221 : i32
      scf.if %cond3A_222 {
        %dma_start3A = arith.constant 0 : i32
        %dma_start3A_395 = tpu.memref_slice %arg31[%dma_start3A] : memref<100000xf32, #tpu.memory_space<vmem_shared>> -> memref<100000xf32, #tpu.memory_space<vmem_shared>>
        tpu.enqueue_indirect_dma source(%arg29 : memref<2048xf32, #tpu.memory_space<vmem>>) target(%dma_start3A_395 : memref<100000xf32, #tpu.memory_space<vmem_shared>>) offsets(%arg13 : memref<2048xi32, #tpu.memory_space<vmem>>) semaphore(%arg37 : memref<!tpu.dma_semaphore, #tpu.memory_space<semaphore_mem>>) {add = true}
      } else {
      }
      %add3A_223 = arith.constant 2 : i32
      %add3A_224 = arith.addi %add3A_155, %add3A_223 : i32
      %mul3A_225 = arith.constant 32 : i32
      %mul3A_226 = arith.muli %add3A_224, %mul3A_225 : i32
      %add3A_227 = arith.addi %add3A, %mul3A_226 : i32
      %lt3A_228 = arith.constant 3125 : i32
      %lt3A_229 = arith.cmpi slt, %add3A_227, %lt3A_228 : i32
      %convert_element_type3A_230 = arith.extui %lt3A_229 : i1 to i32
      %cond3A_231 = arith.constant 0 : i32
      %cond3A_232 = arith.cmpi ne, %convert_element_type3A_230, %cond3A_231 : i32
      scf.if %cond3A_232 {
        %mul3A_395 = arith.constant 2048 : i32
        %mul3A_396 = arith.muli %add3A_227, %mul3A_395 : i32
        %multiple_of3A_397 = tpu.assume_multiple %mul3A_396, 8 : i32
        %mul3A_398 = arith.constant 16 : i32
        %mul3A_399 = arith.muli %add3A_227, %mul3A_398 : i32
        %dma_start3A = arith.constant 0 : i32
        %dma_start3A_400 = arith.constant 0 : i32
        %dma_start3A_401 = tpu.memref_slice %arg3[%mul3A_399, %dma_start3A, %dma_start3A_400] : memref<50000x2x128xi32, #tpu.memory_space<hbm>> -> memref<16x2x128xi32, #tpu.memory_space<hbm>>
        %dma_start3A_402 = arith.constant 0 : i32
        %dma_start3A_403 = arith.constant 0 : i32
        %dma_start3A_404 = tpu.memref_slice %arg3[%mul3A_399, %dma_start3A_402, %dma_start3A_403] : memref<50000x2x128xi32, #tpu.memory_space<hbm>> -> memref<16x2x128xi32, #tpu.memory_space<hbm>>
        tpu.enqueue_dma source(%dma_start3A_404 : memref<16x2x128xi32, #tpu.memory_space<hbm>>) target(%arg11 : memref<16x2x128xi32, #tpu.memory_space<vmem>>) target_semaphore(%arg33 : memref<!tpu.dma_semaphore, #tpu.memory_space<semaphore_mem>>)
        %dma_start3A_405 = tpu.memref_slice %arg4[%multiple_of3A_397] : memref<6400000xf32, #tpu.memory_space<hbm>> -> memref<2048xf32, #tpu.memory_space<hbm>>
        %dma_start3A_406 = tpu.memref_slice %arg4[%multiple_of3A_397] : memref<6400000xf32, #tpu.memory_space<hbm>> -> memref<2048xf32, #tpu.memory_space<hbm>>
        tpu.enqueue_dma source(%dma_start3A_406 : memref<2048xf32, #tpu.memory_space<hbm>>) target(%arg19 : memref<2048xf32, #tpu.memory_space<vmem>>) target_semaphore(%arg33 : memref<!tpu.dma_semaphore, #tpu.memory_space<semaphore_mem>>)
        %dma_start3A_407 = tpu.memref_slice %arg5[%multiple_of3A_397] : memref<6400000xf32, #tpu.memory_space<hbm>> -> memref<2048xf32, #tpu.memory_space<hbm>>
        %dma_start3A_408 = tpu.memref_slice %arg5[%multiple_of3A_397] : memref<6400000xf32, #tpu.memory_space<hbm>> -> memref<2048xf32, #tpu.memory_space<hbm>>
        tpu.enqueue_dma source(%dma_start3A_408 : memref<2048xf32, #tpu.memory_space<hbm>>) target(%arg21 : memref<2048xf32, #tpu.memory_space<vmem>>) target_semaphore(%arg33 : memref<!tpu.dma_semaphore, #tpu.memory_space<semaphore_mem>>)
        %dma_start3A_409 = tpu.memref_slice %arg6[%multiple_of3A_397] : memref<6400000xf32, #tpu.memory_space<hbm>> -> memref<2048xf32, #tpu.memory_space<hbm>>
        %dma_start3A_410 = tpu.memref_slice %arg6[%multiple_of3A_397] : memref<6400000xf32, #tpu.memory_space<hbm>> -> memref<2048xf32, #tpu.memory_space<hbm>>
        tpu.enqueue_dma source(%dma_start3A_410 : memref<2048xf32, #tpu.memory_space<hbm>>) target(%arg23 : memref<2048xf32, #tpu.memory_space<vmem>>) target_semaphore(%arg33 : memref<!tpu.dma_semaphore, #tpu.memory_space<semaphore_mem>>)
      } else {
      }
      %mul3A_233 = arith.constant 4 : i32
      %mul3A_234 = arith.muli %scan3A_73, %mul3A_233 : i32
      %add3A_235 = arith.constant 2 : i32
      %add3A_236 = arith.addi %mul3A_234, %add3A_235 : i32
      %mul3A_237 = arith.constant 32 : i32
      %mul3A_238 = arith.muli %add3A_236, %mul3A_237 : i32
      %add3A_239 = arith.addi %add3A, %mul3A_238 : i32
      %lt3A_240 = arith.constant 3125 : i32
      %lt3A_241 = arith.cmpi slt, %add3A_239, %lt3A_240 : i32
      %convert_element_type3A_242 = arith.extui %lt3A_241 : i1 to i32
      %cond3A_243 = arith.constant 0 : i32
      %cond3A_244 = arith.cmpi ne, %convert_element_type3A_242, %cond3A_243 : i32
      scf.if %cond3A_244 {
        %dma_wait3A = arith.constant 0 : i32
        %dma_wait3A_395 = arith.constant 0 : i32
        %dma_wait3A_396 = tpu.memref_slice %arg2[%dma_wait3A, %dma_wait3A_395] : memref<100000x8xf32, #tpu.memory_space<hbm>> -> memref<2048x8xf32, #tpu.memory_space<hbm>>
        %dma_wait3A_397 = arith.constant 0 : i32
        %dma_wait3A_398 = arith.constant 0 : i32
        %dma_wait3A_399 = tpu.memref_slice %arg2[%dma_wait3A_397, %dma_wait3A_398] : memref<100000x8xf32, #tpu.memory_space<hbm>> -> memref<2048x8xf32, #tpu.memory_space<hbm>>
        tpu.wait_dma2 semaphore(%arg34 : memref<!tpu.dma_semaphore, #tpu.memory_space<semaphore_mem>>) src(%dma_wait3A_399 : memref<2048x8xf32, #tpu.memory_space<hbm>>) dst(%arg24 : memref<2048x8xf32, #tpu.memory_space<vmem>>)
        %dma_wait3A_400 = arith.constant 0 : i32
        %dma_wait3A_401 = arith.constant 0 : i32
        %dma_wait3A_402 = tpu.memref_slice %arg2[%dma_wait3A_400, %dma_wait3A_401] : memref<100000x8xf32, #tpu.memory_space<hbm>> -> memref<2048x8xf32, #tpu.memory_space<hbm>>
        %dma_wait3A_403 = arith.constant 0 : i32
        %dma_wait3A_404 = arith.constant 0 : i32
        %dma_wait3A_405 = tpu.memref_slice %arg2[%dma_wait3A_403, %dma_wait3A_404] : memref<100000x8xf32, #tpu.memory_space<hbm>> -> memref<2048x8xf32, #tpu.memory_space<hbm>>
        tpu.wait_dma2 semaphore(%arg34 : memref<!tpu.dma_semaphore, #tpu.memory_space<semaphore_mem>>) src(%dma_wait3A_405 : memref<2048x8xf32, #tpu.memory_space<hbm>>) dst(%arg26 : memref<2048x8xf32, #tpu.memory_space<vmem>>)
      } else {
      }
      %add3A_245 = arith.constant 1 : i32
      %add3A_246 = arith.addi %add3A_236, %add3A_245 : i32
      %mul3A_247 = arith.constant 32 : i32
      %mul3A_248 = arith.muli %add3A_246, %mul3A_247 : i32
      %add3A_249 = arith.addi %add3A, %mul3A_248 : i32
      %lt3A_250 = arith.constant 3125 : i32
      %lt3A_251 = arith.cmpi slt, %add3A_249, %lt3A_250 : i32
      %convert_element_type3A_252 = arith.extui %lt3A_251 : i1 to i32
      %cond3A_253 = arith.constant 0 : i32
      %cond3A_254 = arith.cmpi ne, %convert_element_type3A_252, %cond3A_253 : i32
      scf.if %cond3A_254 {
        %dma_wait3A = arith.constant 0 : i32
        %dma_wait3A_395 = arith.constant 0 : i32
        %dma_wait3A_396 = arith.constant 0 : i32
        %dma_wait3A_397 = tpu.memref_slice %arg3[%dma_wait3A, %dma_wait3A_395, %dma_wait3A_396] : memref<50000x2x128xi32, #tpu.memory_space<hbm>> -> memref<16x2x128xi32, #tpu.memory_space<hbm>>
        %dma_wait3A_398 = arith.constant 0 : i32
        %dma_wait3A_399 = arith.constant 0 : i32
        %dma_wait3A_400 = arith.constant 0 : i32
        %dma_wait3A_401 = tpu.memref_slice %arg3[%dma_wait3A_398, %dma_wait3A_399, %dma_wait3A_400] : memref<50000x2x128xi32, #tpu.memory_space<hbm>> -> memref<16x2x128xi32, #tpu.memory_space<hbm>>
        tpu.wait_dma2 semaphore(%arg33 : memref<!tpu.dma_semaphore, #tpu.memory_space<semaphore_mem>>) src(%dma_wait3A_401 : memref<16x2x128xi32, #tpu.memory_space<hbm>>) dst(%arg11 : memref<16x2x128xi32, #tpu.memory_space<vmem>>)
        %dma_wait3A_402 = arith.constant 0 : i32
        %dma_wait3A_403 = tpu.memref_slice %arg4[%dma_wait3A_402] : memref<6400000xf32, #tpu.memory_space<hbm>> -> memref<2048xf32, #tpu.memory_space<hbm>>
        %dma_wait3A_404 = arith.constant 0 : i32
        %dma_wait3A_405 = tpu.memref_slice %arg4[%dma_wait3A_404] : memref<6400000xf32, #tpu.memory_space<hbm>> -> memref<2048xf32, #tpu.memory_space<hbm>>
        tpu.wait_dma2 semaphore(%arg33 : memref<!tpu.dma_semaphore, #tpu.memory_space<semaphore_mem>>) src(%dma_wait3A_405 : memref<2048xf32, #tpu.memory_space<hbm>>) dst(%arg19 : memref<2048xf32, #tpu.memory_space<vmem>>)
        %dma_wait3A_406 = arith.constant 0 : i32
        %dma_wait3A_407 = tpu.memref_slice %arg5[%dma_wait3A_406] : memref<6400000xf32, #tpu.memory_space<hbm>> -> memref<2048xf32, #tpu.memory_space<hbm>>
        %dma_wait3A_408 = arith.constant 0 : i32
        %dma_wait3A_409 = tpu.memref_slice %arg5[%dma_wait3A_408] : memref<6400000xf32, #tpu.memory_space<hbm>> -> memref<2048xf32, #tpu.memory_space<hbm>>
        tpu.wait_dma2 semaphore(%arg33 : memref<!tpu.dma_semaphore, #tpu.memory_space<semaphore_mem>>) src(%dma_wait3A_409 : memref<2048xf32, #tpu.memory_space<hbm>>) dst(%arg21 : memref<2048xf32, #tpu.memory_space<vmem>>)
        %dma_wait3A_410 = arith.constant 0 : i32
        %dma_wait3A_411 = tpu.memref_slice %arg6[%dma_wait3A_410] : memref<6400000xf32, #tpu.memory_space<hbm>> -> memref<2048xf32, #tpu.memory_space<hbm>>
        %dma_wait3A_412 = arith.constant 0 : i32
        %dma_wait3A_413 = tpu.memref_slice %arg6[%dma_wait3A_412] : memref<6400000xf32, #tpu.memory_space<hbm>> -> memref<2048xf32, #tpu.memory_space<hbm>>
        tpu.wait_dma2 semaphore(%arg33 : memref<!tpu.dma_semaphore, #tpu.memory_space<semaphore_mem>>) src(%dma_wait3A_413 : memref<2048xf32, #tpu.memory_space<hbm>>) dst(%arg23 : memref<2048xf32, #tpu.memory_space<vmem>>)
      } else {
      }
      %add3A_255 = arith.constant 1 : i32
      %add3A_256 = arith.addi %add3A_236, %add3A_255 : i32
      %mul3A_257 = arith.constant 32 : i32
      %mul3A_258 = arith.muli %add3A_256, %mul3A_257 : i32
      %add3A_259 = arith.addi %add3A, %mul3A_258 : i32
      %lt3A_260 = arith.constant 3125 : i32
      %lt3A_261 = arith.cmpi slt, %add3A_259, %lt3A_260 : i32
      %convert_element_type3A_262 = arith.extui %lt3A_261 : i1 to i32
      %cond3A_263 = arith.constant 0 : i32
      %cond3A_264 = arith.cmpi ne, %convert_element_type3A_262, %cond3A_263 : i32
      scf.if %cond3A_264 {
        %parallel_loop3A = arith.constant 0 : i32
        %parallel_loop3A_395 = arith.constant 16 : i32
        %parallel_loop3A_396 = arith.constant 1 : i32
        scf.for %parallel_loop3A_397 = %parallel_loop3A to %parallel_loop3A_395 step %parallel_loop3A_396  : i32 {
          %parallel_loop3A_398 = arith.constant 128 : i32
          %parallel_loop3A_399 = arith.muli %parallel_loop3A_397, %parallel_loop3A_398 : i32
          %parallel_loop3A_400 = arith.constant 0 : i32
          %parallel_loop3A_401 = arith.addi %parallel_loop3A_399, %parallel_loop3A_400 : i32
          %parallel_loop3A_402 = tpu.assume_multiple %parallel_loop3A_401, 16 : i32
          %parallel_loop3A_403 = arith.constant 0 : i32
          %parallel_loop3A_404 = arith.index_cast %parallel_loop3A_397 : i32 to index
          %parallel_loop3A_405 = arith.index_cast %parallel_loop3A_403 : i32 to index
          %parallel_loop3A_406 = arith.constant 0 : index
          %parallel_loop3A_407 = tpu.vector_load %arg11[%parallel_loop3A_404, %parallel_loop3A_405, %parallel_loop3A_406] {strides = array<i32>} : memref<16x2x128xi32, #tpu.memory_space<vmem>>, vector<16xi32>,
          %parallel_loop3A_408 = arith.index_cast %parallel_loop3A_402 : i32 to index
          %parallel_loop3A_409 = tpu.vector_load %arg15[%parallel_loop3A_408] {strides = array<i32>} : memref<2048xi32, #tpu.memory_space<vmem>>, vector<16xi32>,
          tpu.vector_store %arg15[%parallel_loop3A_408], %parallel_loop3A_407 {strides = array<i32>} : memref<2048xi32, #tpu.memory_space<vmem>>, vector<16xi32>,
          %parallel_loop3A_410 = arith.constant 1 : i32
          %parallel_loop3A_411 = arith.index_cast %parallel_loop3A_397 : i32 to index
          %parallel_loop3A_412 = arith.index_cast %parallel_loop3A_410 : i32 to index
          %parallel_loop3A_413 = arith.constant 0 : index
          %parallel_loop3A_414 = tpu.vector_load %arg11[%parallel_loop3A_411, %parallel_loop3A_412, %parallel_loop3A_413] {strides = array<i32>} : memref<16x2x128xi32, #tpu.memory_space<vmem>>, vector<16xi32>,
          %parallel_loop3A_415 = arith.index_cast %parallel_loop3A_402 : i32 to index
          %parallel_loop3A_416 = tpu.vector_load %arg17[%parallel_loop3A_415] {strides = array<i32>} : memref<2048xi32, #tpu.memory_space<vmem>>, vector<16xi32>,
          tpu.vector_store %arg17[%parallel_loop3A_415], %parallel_loop3A_414 {strides = array<i32>} : memref<2048xi32, #tpu.memory_space<vmem>>, vector<16xi32>,
          %parallel_loop3A_417 = arith.constant 128 : i32
          %parallel_loop3A_418 = arith.muli %parallel_loop3A_397, %parallel_loop3A_417 : i32
          %parallel_loop3A_419 = arith.constant 16 : i32
          %parallel_loop3A_420 = arith.addi %parallel_loop3A_418, %parallel_loop3A_419 : i32
          %parallel_loop3A_421 = tpu.assume_multiple %parallel_loop3A_420, 16 : i32
          %parallel_loop3A_422 = arith.constant 0 : i32
          %parallel_loop3A_423 = arith.index_cast %parallel_loop3A_397 : i32 to index
          %parallel_loop3A_424 = arith.index_cast %parallel_loop3A_422 : i32 to index
          %parallel_loop3A_425 = arith.constant 16 : index
          %parallel_loop3A_426 = tpu.vector_load %arg11[%parallel_loop3A_423, %parallel_loop3A_424, %parallel_loop3A_425] {strides = array<i32>} : memref<16x2x128xi32, #tpu.memory_space<vmem>>, vector<16xi32>,
          %parallel_loop3A_427 = arith.index_cast %parallel_loop3A_421 : i32 to index
          %parallel_loop3A_428 = tpu.vector_load %arg15[%parallel_loop3A_427] {strides = array<i32>} : memref<2048xi32, #tpu.memory_space<vmem>>, vector<16xi32>,
          tpu.vector_store %arg15[%parallel_loop3A_427], %parallel_loop3A_426 {strides = array<i32>} : memref<2048xi32, #tpu.memory_space<vmem>>, vector<16xi32>,
          %parallel_loop3A_429 = arith.constant 1 : i32
          %parallel_loop3A_430 = arith.index_cast %parallel_loop3A_397 : i32 to index
          %parallel_loop3A_431 = arith.index_cast %parallel_loop3A_429 : i32 to index
          %parallel_loop3A_432 = arith.constant 16 : index
          %parallel_loop3A_433 = tpu.vector_load %arg11[%parallel_loop3A_430, %parallel_loop3A_431, %parallel_loop3A_432] {strides = array<i32>} : memref<16x2x128xi32, #tpu.memory_space<vmem>>, vector<16xi32>,
          %parallel_loop3A_434 = arith.index_cast %parallel_loop3A_421 : i32 to index
          %parallel_loop3A_435 = tpu.vector_load %arg17[%parallel_loop3A_434] {strides = array<i32>} : memref<2048xi32, #tpu.memory_space<vmem>>, vector<16xi32>,
          tpu.vector_store %arg17[%parallel_loop3A_434], %parallel_loop3A_433 {strides = array<i32>} : memref<2048xi32, #tpu.memory_space<vmem>>, vector<16xi32>,
          %parallel_loop3A_436 = arith.constant 128 : i32
          %parallel_loop3A_437 = arith.muli %parallel_loop3A_397, %parallel_loop3A_436 : i32
          %parallel_loop3A_438 = arith.constant 32 : i32
          %parallel_loop3A_439 = arith.addi %parallel_loop3A_437, %parallel_loop3A_438 : i32
          %parallel_loop3A_440 = tpu.assume_multiple %parallel_loop3A_439, 16 : i32
          %parallel_loop3A_441 = arith.constant 0 : i32
          %parallel_loop3A_442 = arith.index_cast %parallel_loop3A_397 : i32 to index
          %parallel_loop3A_443 = arith.index_cast %parallel_loop3A_441 : i32 to index
          %parallel_loop3A_444 = arith.constant 32 : index
          %parallel_loop3A_445 = tpu.vector_load %arg11[%parallel_loop3A_442, %parallel_loop3A_443, %parallel_loop3A_444] {strides = array<i32>} : memref<16x2x128xi32, #tpu.memory_space<vmem>>, vector<16xi32>,
          %parallel_loop3A_446 = arith.index_cast %parallel_loop3A_440 : i32 to index
          %parallel_loop3A_447 = tpu.vector_load %arg15[%parallel_loop3A_446] {strides = array<i32>} : memref<2048xi32, #tpu.memory_space<vmem>>, vector<16xi32>,
          tpu.vector_store %arg15[%parallel_loop3A_446], %parallel_loop3A_445 {strides = array<i32>} : memref<2048xi32, #tpu.memory_space<vmem>>, vector<16xi32>,
          %parallel_loop3A_448 = arith.constant 1 : i32
          %parallel_loop3A_449 = arith.index_cast %parallel_loop3A_397 : i32 to index
          %parallel_loop3A_450 = arith.index_cast %parallel_loop3A_448 : i32 to index
          %parallel_loop3A_451 = arith.constant 32 : index
          %parallel_loop3A_452 = tpu.vector_load %arg11[%parallel_loop3A_449, %parallel_loop3A_450, %parallel_loop3A_451] {strides = array<i32>} : memref<16x2x128xi32, #tpu.memory_space<vmem>>, vector<16xi32>,
          %parallel_loop3A_453 = arith.index_cast %parallel_loop3A_440 : i32 to index
          %parallel_loop3A_454 = tpu.vector_load %arg17[%parallel_loop3A_453] {strides = array<i32>} : memref<2048xi32, #tpu.memory_space<vmem>>, vector<16xi32>,
          tpu.vector_store %arg17[%parallel_loop3A_453], %parallel_loop3A_452 {strides = array<i32>} : memref<2048xi32, #tpu.memory_space<vmem>>, vector<16xi32>,
          %parallel_loop3A_455 = arith.constant 128 : i32
          %parallel_loop3A_456 = arith.muli %parallel_loop3A_397, %parallel_loop3A_455 : i32
          %parallel_loop3A_457 = arith.constant 48 : i32
          %parallel_loop3A_458 = arith.addi %parallel_loop3A_456, %parallel_loop3A_457 : i32
          %parallel_loop3A_459 = tpu.assume_multiple %parallel_loop3A_458, 16 : i32
          %parallel_loop3A_460 = arith.constant 0 : i32
          %parallel_loop3A_461 = arith.index_cast %parallel_loop3A_397 : i32 to index
          %parallel_loop3A_462 = arith.index_cast %parallel_loop3A_460 : i32 to index
          %parallel_loop3A_463 = arith.constant 48 : index
          %parallel_loop3A_464 = tpu.vector_load %arg11[%parallel_loop3A_461, %parallel_loop3A_462, %parallel_loop3A_463] {strides = array<i32>} : memref<16x2x128xi32, #tpu.memory_space<vmem>>, vector<16xi32>,
          %parallel_loop3A_465 = arith.index_cast %parallel_loop3A_459 : i32 to index
          %parallel_loop3A_466 = tpu.vector_load %arg15[%parallel_loop3A_465] {strides = array<i32>} : memref<2048xi32, #tpu.memory_space<vmem>>, vector<16xi32>,
          tpu.vector_store %arg15[%parallel_loop3A_465], %parallel_loop3A_464 {strides = array<i32>} : memref<2048xi32, #tpu.memory_space<vmem>>, vector<16xi32>,
          %parallel_loop3A_467 = arith.constant 1 : i32
          %parallel_loop3A_468 = arith.index_cast %parallel_loop3A_397 : i32 to index
          %parallel_loop3A_469 = arith.index_cast %parallel_loop3A_467 : i32 to index
          %parallel_loop3A_470 = arith.constant 48 : index
          %parallel_loop3A_471 = tpu.vector_load %arg11[%parallel_loop3A_468, %parallel_loop3A_469, %parallel_loop3A_470] {strides = array<i32>} : memref<16x2x128xi32, #tpu.memory_space<vmem>>, vector<16xi32>,
          %parallel_loop3A_472 = arith.index_cast %parallel_loop3A_459 : i32 to index
          %parallel_loop3A_473 = tpu.vector_load %arg17[%parallel_loop3A_472] {strides = array<i32>} : memref<2048xi32, #tpu.memory_space<vmem>>, vector<16xi32>,
          tpu.vector_store %arg17[%parallel_loop3A_472], %parallel_loop3A_471 {strides = array<i32>} : memref<2048xi32, #tpu.memory_space<vmem>>, vector<16xi32>,
          %parallel_loop3A_474 = arith.constant 128 : i32
          %parallel_loop3A_475 = arith.muli %parallel_loop3A_397, %parallel_loop3A_474 : i32
          %parallel_loop3A_476 = arith.constant 64 : i32
          %parallel_loop3A_477 = arith.addi %parallel_loop3A_475, %parallel_loop3A_476 : i32
          %parallel_loop3A_478 = tpu.assume_multiple %parallel_loop3A_477, 16 : i32
          %parallel_loop3A_479 = arith.constant 0 : i32
          %parallel_loop3A_480 = arith.index_cast %parallel_loop3A_397 : i32 to index
          %parallel_loop3A_481 = arith.index_cast %parallel_loop3A_479 : i32 to index
          %parallel_loop3A_482 = arith.constant 64 : index
          %parallel_loop3A_483 = tpu.vector_load %arg11[%parallel_loop3A_480, %parallel_loop3A_481, %parallel_loop3A_482] {strides = array<i32>} : memref<16x2x128xi32, #tpu.memory_space<vmem>>, vector<16xi32>,
          %parallel_loop3A_484 = arith.index_cast %parallel_loop3A_478 : i32 to index
          %parallel_loop3A_485 = tpu.vector_load %arg15[%parallel_loop3A_484] {strides = array<i32>} : memref<2048xi32, #tpu.memory_space<vmem>>, vector<16xi32>,
          tpu.vector_store %arg15[%parallel_loop3A_484], %parallel_loop3A_483 {strides = array<i32>} : memref<2048xi32, #tpu.memory_space<vmem>>, vector<16xi32>,
          %parallel_loop3A_486 = arith.constant 1 : i32
          %parallel_loop3A_487 = arith.index_cast %parallel_loop3A_397 : i32 to index
          %parallel_loop3A_488 = arith.index_cast %parallel_loop3A_486 : i32 to index
          %parallel_loop3A_489 = arith.constant 64 : index
          %parallel_loop3A_490 = tpu.vector_load %arg11[%parallel_loop3A_487, %parallel_loop3A_488, %parallel_loop3A_489] {strides = array<i32>} : memref<16x2x128xi32, #tpu.memory_space<vmem>>, vector<16xi32>,
          %parallel_loop3A_491 = arith.index_cast %parallel_loop3A_478 : i32 to index
          %parallel_loop3A_492 = tpu.vector_load %arg17[%parallel_loop3A_491] {strides = array<i32>} : memref<2048xi32, #tpu.memory_space<vmem>>, vector<16xi32>,
          tpu.vector_store %arg17[%parallel_loop3A_491], %parallel_loop3A_490 {strides = array<i32>} : memref<2048xi32, #tpu.memory_space<vmem>>, vector<16xi32>,
          %parallel_loop3A_493 = arith.constant 128 : i32
          %parallel_loop3A_494 = arith.muli %parallel_loop3A_397, %parallel_loop3A_493 : i32
          %parallel_loop3A_495 = arith.constant 80 : i32
          %parallel_loop3A_496 = arith.addi %parallel_loop3A_494, %parallel_loop3A_495 : i32
          %parallel_loop3A_497 = tpu.assume_multiple %parallel_loop3A_496, 16 : i32
          %parallel_loop3A_498 = arith.constant 0 : i32
          %parallel_loop3A_499 = arith.index_cast %parallel_loop3A_397 : i32 to index
          %parallel_loop3A_500 = arith.index_cast %parallel_loop3A_498 : i32 to index
          %parallel_loop3A_501 = arith.constant 80 : index
          %parallel_loop3A_502 = tpu.vector_load %arg11[%parallel_loop3A_499, %parallel_loop3A_500, %parallel_loop3A_501] {strides = array<i32>} : memref<16x2x128xi32, #tpu.memory_space<vmem>>, vector<16xi32>,
          %parallel_loop3A_503 = arith.index_cast %parallel_loop3A_497 : i32 to index
          %parallel_loop3A_504 = tpu.vector_load %arg15[%parallel_loop3A_503] {strides = array<i32>} : memref<2048xi32, #tpu.memory_space<vmem>>, vector<16xi32>,
          tpu.vector_store %arg15[%parallel_loop3A_503], %parallel_loop3A_502 {strides = array<i32>} : memref<2048xi32, #tpu.memory_space<vmem>>, vector<16xi32>,
          %parallel_loop3A_505 = arith.constant 1 : i32
          %parallel_loop3A_506 = arith.index_cast %parallel_loop3A_397 : i32 to index
          %parallel_loop3A_507 = arith.index_cast %parallel_loop3A_505 : i32 to index
          %parallel_loop3A_508 = arith.constant 80 : index
          %parallel_loop3A_509 = tpu.vector_load %arg11[%parallel_loop3A_506, %parallel_loop3A_507, %parallel_loop3A_508] {strides = array<i32>} : memref<16x2x128xi32, #tpu.memory_space<vmem>>, vector<16xi32>,
          %parallel_loop3A_510 = arith.index_cast %parallel_loop3A_497 : i32 to index
          %parallel_loop3A_511 = tpu.vector_load %arg17[%parallel_loop3A_510] {strides = array<i32>} : memref<2048xi32, #tpu.memory_space<vmem>>, vector<16xi32>,
          tpu.vector_store %arg17[%parallel_loop3A_510], %parallel_loop3A_509 {strides = array<i32>} : memref<2048xi32, #tpu.memory_space<vmem>>, vector<16xi32>,
          %parallel_loop3A_512 = arith.constant 128 : i32
          %parallel_loop3A_513 = arith.muli %parallel_loop3A_397, %parallel_loop3A_512 : i32
          %parallel_loop3A_514 = arith.constant 96 : i32
          %parallel_loop3A_515 = arith.addi %parallel_loop3A_513, %parallel_loop3A_514 : i32
          %parallel_loop3A_516 = tpu.assume_multiple %parallel_loop3A_515, 16 : i32
          %parallel_loop3A_517 = arith.constant 0 : i32
          %parallel_loop3A_518 = arith.index_cast %parallel_loop3A_397 : i32 to index
          %parallel_loop3A_519 = arith.index_cast %parallel_loop3A_517 : i32 to index
          %parallel_loop3A_520 = arith.constant 96 : index
          %parallel_loop3A_521 = tpu.vector_load %arg11[%parallel_loop3A_518, %parallel_loop3A_519, %parallel_loop3A_520] {strides = array<i32>} : memref<16x2x128xi32, #tpu.memory_space<vmem>>, vector<16xi32>,
          %parallel_loop3A_522 = arith.index_cast %parallel_loop3A_516 : i32 to index
          %parallel_loop3A_523 = tpu.vector_load %arg15[%parallel_loop3A_522] {strides = array<i32>} : memref<2048xi32, #tpu.memory_space<vmem>>, vector<16xi32>,
          tpu.vector_store %arg15[%parallel_loop3A_522], %parallel_loop3A_521 {strides = array<i32>} : memref<2048xi32, #tpu.memory_space<vmem>>, vector<16xi32>,
          %parallel_loop3A_524 = arith.constant 1 : i32
          %parallel_loop3A_525 = arith.index_cast %parallel_loop3A_397 : i32 to index
          %parallel_loop3A_526 = arith.index_cast %parallel_loop3A_524 : i32 to index
          %parallel_loop3A_527 = arith.constant 96 : index
          %parallel_loop3A_528 = tpu.vector_load %arg11[%parallel_loop3A_525, %parallel_loop3A_526, %parallel_loop3A_527] {strides = array<i32>} : memref<16x2x128xi32, #tpu.memory_space<vmem>>, vector<16xi32>,
          %parallel_loop3A_529 = arith.index_cast %parallel_loop3A_516 : i32 to index
          %parallel_loop3A_530 = tpu.vector_load %arg17[%parallel_loop3A_529] {strides = array<i32>} : memref<2048xi32, #tpu.memory_space<vmem>>, vector<16xi32>,
          tpu.vector_store %arg17[%parallel_loop3A_529], %parallel_loop3A_528 {strides = array<i32>} : memref<2048xi32, #tpu.memory_space<vmem>>, vector<16xi32>,
          %parallel_loop3A_531 = arith.constant 128 : i32
          %parallel_loop3A_532 = arith.muli %parallel_loop3A_397, %parallel_loop3A_531 : i32
          %parallel_loop3A_533 = arith.constant 112 : i32
          %parallel_loop3A_534 = arith.addi %parallel_loop3A_532, %parallel_loop3A_533 : i32
          %parallel_loop3A_535 = tpu.assume_multiple %parallel_loop3A_534, 16 : i32
          %parallel_loop3A_536 = arith.constant 0 : i32
          %parallel_loop3A_537 = arith.index_cast %parallel_loop3A_397 : i32 to index
          %parallel_loop3A_538 = arith.index_cast %parallel_loop3A_536 : i32 to index
          %parallel_loop3A_539 = arith.constant 112 : index
          %parallel_loop3A_540 = tpu.vector_load %arg11[%parallel_loop3A_537, %parallel_loop3A_538, %parallel_loop3A_539] {strides = array<i32>} : memref<16x2x128xi32, #tpu.memory_space<vmem>>, vector<16xi32>,
          %parallel_loop3A_541 = arith.index_cast %parallel_loop3A_535 : i32 to index
          %parallel_loop3A_542 = tpu.vector_load %arg15[%parallel_loop3A_541] {strides = array<i32>} : memref<2048xi32, #tpu.memory_space<vmem>>, vector<16xi32>,
          tpu.vector_store %arg15[%parallel_loop3A_541], %parallel_loop3A_540 {strides = array<i32>} : memref<2048xi32, #tpu.memory_space<vmem>>, vector<16xi32>,
          %parallel_loop3A_543 = arith.constant 1 : i32
          %parallel_loop3A_544 = arith.index_cast %parallel_loop3A_397 : i32 to index
          %parallel_loop3A_545 = arith.index_cast %parallel_loop3A_543 : i32 to index
          %parallel_loop3A_546 = arith.constant 112 : index
          %parallel_loop3A_547 = tpu.vector_load %arg11[%parallel_loop3A_544, %parallel_loop3A_545, %parallel_loop3A_546] {strides = array<i32>} : memref<16x2x128xi32, #tpu.memory_space<vmem>>, vector<16xi32>,
          %parallel_loop3A_548 = arith.index_cast %parallel_loop3A_535 : i32 to index
          %parallel_loop3A_549 = tpu.vector_load %arg17[%parallel_loop3A_548] {strides = array<i32>} : memref<2048xi32, #tpu.memory_space<vmem>>, vector<16xi32>,
          tpu.vector_store %arg17[%parallel_loop3A_548], %parallel_loop3A_547 {strides = array<i32>} : memref<2048xi32, #tpu.memory_space<vmem>>, vector<16xi32>,
        } {sc.loop_unroll_factor = 1 : i64, sc.parallel_access}
      } else {
      }
      %add3A_265 = arith.constant 1 : i32
      %add3A_266 = arith.addi %add3A_236, %add3A_265 : i32
      %mul3A_267 = arith.constant 32 : i32
      %mul3A_268 = arith.muli %add3A_266, %mul3A_267 : i32
      %add3A_269 = arith.addi %add3A, %mul3A_268 : i32
      %lt3A_270 = arith.constant 3125 : i32
      %lt3A_271 = arith.cmpi slt, %add3A_269, %lt3A_270 : i32
      %convert_element_type3A_272 = arith.extui %lt3A_271 : i1 to i32
      %cond3A_273 = arith.constant 0 : i32
      %cond3A_274 = arith.cmpi ne, %convert_element_type3A_272, %cond3A_273 : i32
      scf.if %cond3A_274 {
        %dma_start3A = arith.constant 0 : i32
        %dma_start3A_395 = arith.constant 0 : i32
        %dma_start3A_396 = tpu.memref_slice %arg2[%dma_start3A, %dma_start3A_395] : memref<100000x8xf32, #tpu.memory_space<hbm>> -> memref<100000x8xf32, #tpu.memory_space<hbm>>
        tpu.enqueue_indirect_dma source(%dma_start3A_396 : memref<100000x8xf32, #tpu.memory_space<hbm>>) target(%arg25 : memref<2048x8xf32, #tpu.memory_space<vmem>>) offsets(%arg15 : memref<2048xi32, #tpu.memory_space<vmem>>) semaphore(%arg35 : memref<!tpu.dma_semaphore, #tpu.memory_space<semaphore_mem>>)
        %dma_start3A_397 = arith.constant 0 : i32
        %dma_start3A_398 = arith.constant 0 : i32
        %dma_start3A_399 = tpu.memref_slice %arg2[%dma_start3A_397, %dma_start3A_398] : memref<100000x8xf32, #tpu.memory_space<hbm>> -> memref<100000x8xf32, #tpu.memory_space<hbm>>
        tpu.enqueue_indirect_dma source(%dma_start3A_399 : memref<100000x8xf32, #tpu.memory_space<hbm>>) target(%arg27 : memref<2048x8xf32, #tpu.memory_space<vmem>>) offsets(%arg17 : memref<2048xi32, #tpu.memory_space<vmem>>) semaphore(%arg35 : memref<!tpu.dma_semaphore, #tpu.memory_space<semaphore_mem>>)
      } else {
      }
      %sub3A_275 = arith.constant 2 : i32
      %sub3A_276 = arith.subi %add3A_236, %sub3A_275 : i32
      %mul3A_277 = arith.constant 32 : i32
      %mul3A_278 = arith.muli %sub3A_276, %mul3A_277 : i32
      %add3A_279 = arith.addi %add3A, %mul3A_278 : i32
      %ge3A_280 = arith.constant 0 : i32
      %ge3A_281 = arith.cmpi sge, %sub3A_276, %ge3A_280 : i32
      %lt3A_282 = arith.constant 3125 : i32
      %lt3A_283 = arith.cmpi slt, %add3A_279, %lt3A_282 : i32
      %and3A_284 = arith.andi %ge3A_281, %lt3A_283 : i1
      %convert_element_type3A_285 = arith.extui %and3A_284 : i1 to i32
      %cond3A_286 = arith.constant 0 : i32
      %cond3A_287 = arith.cmpi ne, %convert_element_type3A_285, %cond3A_286 : i32
      scf.if %cond3A_287 {
        %dma_wait3A = arith.constant 0 : i32
        %dma_wait3A_395 = tpu.memref_slice %arg4[%dma_wait3A] : memref<6400000xf32, #tpu.memory_space<hbm>> -> memref<2048xf32, #tpu.memory_space<hbm>>
        %dma_wait3A_396 = arith.constant 0 : i32
        %dma_wait3A_397 = tpu.memref_slice %arg4[%dma_wait3A_396] : memref<6400000xf32, #tpu.memory_space<hbm>> -> memref<2048xf32, #tpu.memory_space<hbm>>
        tpu.wait_dma2 semaphore(%arg36 : memref<!tpu.dma_semaphore, #tpu.memory_space<semaphore_mem>>) src(%dma_wait3A_397 : memref<2048xf32, #tpu.memory_space<hbm>>) dst(%arg28 : memref<2048xf32, #tpu.memory_space<vmem>>)
      } else {
      }
      %mul3A_288 = arith.constant 32 : i32
      %mul3A_289 = arith.muli %add3A_236, %mul3A_288 : i32
      %add3A_290 = arith.addi %add3A, %mul3A_289 : i32
      %lt3A_291 = arith.constant 3125 : i32
      %lt3A_292 = arith.cmpi slt, %add3A_290, %lt3A_291 : i32
      %convert_element_type3A_293 = arith.extui %lt3A_292 : i1 to i32
      %cond3A_294 = arith.constant 0 : i32
      %cond3A_295 = arith.cmpi ne, %convert_element_type3A_293, %cond3A_294 : i32
      scf.if %cond3A_295 {
        %parallel_loop3A = arith.constant 0 : i32
        %parallel_loop3A_395 = arith.constant 128 : i32
        %parallel_loop3A_396 = arith.constant 1 : i32
        scf.for %parallel_loop3A_397 = %parallel_loop3A to %parallel_loop3A_395 step %parallel_loop3A_396  : i32 {
          %parallel_loop3A_398 = arith.constant 16 : i32
          %parallel_loop3A_399 = arith.muli %parallel_loop3A_397, %parallel_loop3A_398 : i32
          %parallel_loop3A_400 = vector.broadcast %parallel_loop3A_399 : i32 to vector<16xi32>
          %parallel_loop3A_401 = arith.addi %parallel_loop3A_400, %iota3A : vector<16xi32>
          %parallel_loop3A_402 = arith.constant 16 : i32
          %parallel_loop3A_403 = arith.muli %parallel_loop3A_397, %parallel_loop3A_402 : i32
          %parallel_loop3A_404 = tpu.assume_multiple %parallel_loop3A_403, 16 : i32
          %parallel_loop3A_405 = tpu.vector_load_idx %arg24[%parallel_loop3A_401, %broadcast_in_dim3A_14] : memref<2048x8xf32, #tpu.memory_space<vmem>>[vector<16xi32>, vector<16xi32>], vector<16xf32>,
          %parallel_loop3A_406 = tpu.vector_load_idx %arg24[%parallel_loop3A_401, %broadcast_in_dim3A_16] : memref<2048x8xf32, #tpu.memory_space<vmem>>[vector<16xi32>, vector<16xi32>], vector<16xf32>,
          %parallel_loop3A_407 = tpu.vector_load_idx %arg24[%parallel_loop3A_401, %broadcast_in_dim3A_18] : memref<2048x8xf32, #tpu.memory_space<vmem>>[vector<16xi32>, vector<16xi32>], vector<16xf32>,
          %parallel_loop3A_408 = tpu.vector_load_idx %arg26[%parallel_loop3A_401, %broadcast_in_dim3A_14] : memref<2048x8xf32, #tpu.memory_space<vmem>>[vector<16xi32>, vector<16xi32>], vector<16xf32>,
          %parallel_loop3A_409 = tpu.vector_load_idx %arg26[%parallel_loop3A_401, %broadcast_in_dim3A_16] : memref<2048x8xf32, #tpu.memory_space<vmem>>[vector<16xi32>, vector<16xi32>], vector<16xf32>,
          %parallel_loop3A_410 = tpu.vector_load_idx %arg26[%parallel_loop3A_401, %broadcast_in_dim3A_18] : memref<2048x8xf32, #tpu.memory_space<vmem>>[vector<16xi32>, vector<16xi32>], vector<16xf32>,
          %parallel_loop3A_411 = arith.subf %parallel_loop3A_408, %parallel_loop3A_405 : vector<16xf32>
          %parallel_loop3A_412 = arith.index_cast %parallel_loop3A_404 : i32 to index
          %parallel_loop3A_413 = tpu.vector_load %arg18[%parallel_loop3A_412] {strides = array<i32>} : memref<2048xf32, #tpu.memory_space<vmem>>, vector<16xf32>,
          %parallel_loop3A_414 = arith.addf %parallel_loop3A_411, %parallel_loop3A_413 : vector<16xf32>
          %parallel_loop3A_415 = arith.subf %parallel_loop3A_409, %parallel_loop3A_406 : vector<16xf32>
          %parallel_loop3A_416 = arith.index_cast %parallel_loop3A_404 : i32 to index
          %parallel_loop3A_417 = tpu.vector_load %arg20[%parallel_loop3A_416] {strides = array<i32>} : memref<2048xf32, #tpu.memory_space<vmem>>, vector<16xf32>,
          %parallel_loop3A_418 = arith.addf %parallel_loop3A_415, %parallel_loop3A_417 : vector<16xf32>
          %parallel_loop3A_419 = arith.subf %parallel_loop3A_410, %parallel_loop3A_407 : vector<16xf32>
          %parallel_loop3A_420 = arith.index_cast %parallel_loop3A_404 : i32 to index
          %parallel_loop3A_421 = tpu.vector_load %arg22[%parallel_loop3A_420] {strides = array<i32>} : memref<2048xf32, #tpu.memory_space<vmem>>, vector<16xf32>,
          %parallel_loop3A_422 = arith.addf %parallel_loop3A_419, %parallel_loop3A_421 : vector<16xf32>
          %parallel_loop3A_423 = arith.mulf %parallel_loop3A_414, %parallel_loop3A_414 : vector<16xf32>
          %parallel_loop3A_424 = arith.mulf %parallel_loop3A_418, %parallel_loop3A_418 : vector<16xf32>
          %parallel_loop3A_425 = arith.addf %parallel_loop3A_423, %parallel_loop3A_424 : vector<16xf32>
          %parallel_loop3A_426 = arith.mulf %parallel_loop3A_422, %parallel_loop3A_422 : vector<16xf32>
          %parallel_loop3A_427 = arith.addf %parallel_loop3A_425, %parallel_loop3A_426 : vector<16xf32>
          %parallel_loop3A_428 = vector.bitcast %parallel_loop3A_427 : vector<16xf32> to vector<16xi32>
          %parallel_loop3A_429 = arith.constant 1 : i32
          %parallel_loop3A_430 = vector.broadcast %parallel_loop3A_429 : i32 to vector<16xi32>
          %parallel_loop3A_431 = arith.shrsi %parallel_loop3A_428, %parallel_loop3A_430 : vector<16xi32>
          %parallel_loop3A_432 = arith.constant 1597463007 : i32
          %parallel_loop3A_433 = vector.broadcast %parallel_loop3A_432 : i32 to vector<16xi32>
          %parallel_loop3A_434 = arith.subi %parallel_loop3A_433, %parallel_loop3A_431 : vector<16xi32>
          %parallel_loop3A_435 = vector.bitcast %parallel_loop3A_434 : vector<16xi32> to vector<16xf32>
          %parallel_loop3A_436 = arith.constant 5.000000e-01 : f32
          %parallel_loop3A_437 = vector.broadcast %parallel_loop3A_436 : f32 to vector<16xf32>
          %parallel_loop3A_438 = arith.mulf %parallel_loop3A_437, %parallel_loop3A_427 : vector<16xf32>
          %parallel_loop3A_439 = arith.mulf %parallel_loop3A_438, %parallel_loop3A_435 : vector<16xf32>
          %parallel_loop3A_440 = arith.mulf %parallel_loop3A_439, %parallel_loop3A_435 : vector<16xf32>
          %parallel_loop3A_441 = arith.constant 1.500000e+00 : f32
          %parallel_loop3A_442 = vector.broadcast %parallel_loop3A_441 : f32 to vector<16xf32>
          %parallel_loop3A_443 = arith.subf %parallel_loop3A_442, %parallel_loop3A_440 : vector<16xf32>
          %parallel_loop3A_444 = arith.mulf %parallel_loop3A_435, %parallel_loop3A_443 : vector<16xf32>
          %parallel_loop3A_445 = arith.mulf %parallel_loop3A_438, %parallel_loop3A_444 : vector<16xf32>
          %parallel_loop3A_446 = arith.mulf %parallel_loop3A_445, %parallel_loop3A_444 : vector<16xf32>
          %parallel_loop3A_447 = arith.constant 1.500000e+00 : f32
          %parallel_loop3A_448 = vector.broadcast %parallel_loop3A_447 : f32 to vector<16xf32>
          %parallel_loop3A_449 = arith.subf %parallel_loop3A_448, %parallel_loop3A_446 : vector<16xf32>
          %parallel_loop3A_450 = arith.mulf %parallel_loop3A_444, %parallel_loop3A_449 : vector<16xf32>
          %parallel_loop3A_451 = arith.mulf %parallel_loop3A_438, %parallel_loop3A_450 : vector<16xf32>
          %parallel_loop3A_452 = arith.mulf %parallel_loop3A_451, %parallel_loop3A_450 : vector<16xf32>
          %parallel_loop3A_453 = arith.constant 1.500000e+00 : f32
          %parallel_loop3A_454 = vector.broadcast %parallel_loop3A_453 : f32 to vector<16xf32>
          %parallel_loop3A_455 = arith.subf %parallel_loop3A_454, %parallel_loop3A_452 : vector<16xf32>
          %parallel_loop3A_456 = arith.mulf %parallel_loop3A_450, %parallel_loop3A_455 : vector<16xf32>
          %parallel_loop3A_457 = arith.mulf %parallel_loop3A_427, %parallel_loop3A_456 : vector<16xf32>
          %parallel_loop3A_458 = arith.constant -2.000000e+00 : f32
          %parallel_loop3A_459 = vector.broadcast %parallel_loop3A_458 : f32 to vector<16xf32>
          %parallel_loop3A_460 = arith.mulf %parallel_loop3A_459, %parallel_loop3A_457 : vector<16xf32>
          %parallel_loop3A_461 = math.exp %parallel_loop3A_460 : vector<16xf32>
          %parallel_loop3A_462 = arith.constant 5.000000e-01 : f32
          %parallel_loop3A_463 = vector.broadcast %parallel_loop3A_462 : f32 to vector<16xf32>
          %parallel_loop3A_464 = arith.mulf %parallel_loop3A_463, %parallel_loop3A_461 : vector<16xf32>
          %parallel_loop3A_465 = arith.index_cast %parallel_loop3A_404 : i32 to index
          %parallel_loop3A_466 = tpu.vector_load %arg28[%parallel_loop3A_465] {strides = array<i32>} : memref<2048xf32, #tpu.memory_space<vmem>>, vector<16xf32>,
          tpu.vector_store %arg28[%parallel_loop3A_465], %parallel_loop3A_464 {strides = array<i32>} : memref<2048xf32, #tpu.memory_space<vmem>>, vector<16xf32>,
        } {sc.loop_unroll_factor = 2 : i64, sc.parallel_access}
      } else {
      }
      %mul3A_296 = arith.constant 32 : i32
      %mul3A_297 = arith.muli %add3A_236, %mul3A_296 : i32
      %add3A_298 = arith.addi %add3A, %mul3A_297 : i32
      %lt3A_299 = arith.constant 3125 : i32
      %lt3A_300 = arith.cmpi slt, %add3A_298, %lt3A_299 : i32
      %convert_element_type3A_301 = arith.extui %lt3A_300 : i1 to i32
      %cond3A_302 = arith.constant 0 : i32
      %cond3A_303 = arith.cmpi ne, %convert_element_type3A_301, %cond3A_302 : i32
      scf.if %cond3A_303 {
        %dma_start3A = arith.constant 0 : i32
        %dma_start3A_395 = tpu.memref_slice %arg31[%dma_start3A] : memref<100000xf32, #tpu.memory_space<vmem_shared>> -> memref<100000xf32, #tpu.memory_space<vmem_shared>>
        tpu.enqueue_indirect_dma source(%arg28 : memref<2048xf32, #tpu.memory_space<vmem>>) target(%dma_start3A_395 : memref<100000xf32, #tpu.memory_space<vmem_shared>>) offsets(%arg14 : memref<2048xi32, #tpu.memory_space<vmem>>) semaphore(%arg36 : memref<!tpu.dma_semaphore, #tpu.memory_space<semaphore_mem>>) {add = true}
      } else {
      }
      %add3A_304 = arith.constant 2 : i32
      %add3A_305 = arith.addi %add3A_236, %add3A_304 : i32
      %mul3A_306 = arith.constant 32 : i32
      %mul3A_307 = arith.muli %add3A_305, %mul3A_306 : i32
      %add3A_308 = arith.addi %add3A, %mul3A_307 : i32
      %lt3A_309 = arith.constant 3125 : i32
      %lt3A_310 = arith.cmpi slt, %add3A_308, %lt3A_309 : i32
      %convert_element_type3A_311 = arith.extui %lt3A_310 : i1 to i32
      %cond3A_312 = arith.constant 0 : i32
      %cond3A_313 = arith.cmpi ne, %convert_element_type3A_311, %cond3A_312 : i32
      scf.if %cond3A_313 {
        %mul3A_395 = arith.constant 2048 : i32
        %mul3A_396 = arith.muli %add3A_308, %mul3A_395 : i32
        %multiple_of3A_397 = tpu.assume_multiple %mul3A_396, 8 : i32
        %mul3A_398 = arith.constant 16 : i32
        %mul3A_399 = arith.muli %add3A_308, %mul3A_398 : i32
        %dma_start3A = arith.constant 0 : i32
        %dma_start3A_400 = arith.constant 0 : i32
        %dma_start3A_401 = tpu.memref_slice %arg3[%mul3A_399, %dma_start3A, %dma_start3A_400] : memref<50000x2x128xi32, #tpu.memory_space<hbm>> -> memref<16x2x128xi32, #tpu.memory_space<hbm>>
        %dma_start3A_402 = arith.constant 0 : i32
        %dma_start3A_403 = arith.constant 0 : i32
        %dma_start3A_404 = tpu.memref_slice %arg3[%mul3A_399, %dma_start3A_402, %dma_start3A_403] : memref<50000x2x128xi32, #tpu.memory_space<hbm>> -> memref<16x2x128xi32, #tpu.memory_space<hbm>>
        tpu.enqueue_dma source(%dma_start3A_404 : memref<16x2x128xi32, #tpu.memory_space<hbm>>) target(%arg8 : memref<16x2x128xi32, #tpu.memory_space<vmem>>) target_semaphore(%arg32 : memref<!tpu.dma_semaphore, #tpu.memory_space<semaphore_mem>>)
        %dma_start3A_405 = tpu.memref_slice %arg4[%multiple_of3A_397] : memref<6400000xf32, #tpu.memory_space<hbm>> -> memref<2048xf32, #tpu.memory_space<hbm>>
        %dma_start3A_406 = tpu.memref_slice %arg4[%multiple_of3A_397] : memref<6400000xf32, #tpu.memory_space<hbm>> -> memref<2048xf32, #tpu.memory_space<hbm>>
        tpu.enqueue_dma source(%dma_start3A_406 : memref<2048xf32, #tpu.memory_space<hbm>>) target(%arg18 : memref<2048xf32, #tpu.memory_space<vmem>>) target_semaphore(%arg32 : memref<!tpu.dma_semaphore, #tpu.memory_space<semaphore_mem>>)
        %dma_start3A_407 = tpu.memref_slice %arg5[%multiple_of3A_397] : memref<6400000xf32, #tpu.memory_space<hbm>> -> memref<2048xf32, #tpu.memory_space<hbm>>
        %dma_start3A_408 = tpu.memref_slice %arg5[%multiple_of3A_397] : memref<6400000xf32, #tpu.memory_space<hbm>> -> memref<2048xf32, #tpu.memory_space<hbm>>
        tpu.enqueue_dma source(%dma_start3A_408 : memref<2048xf32, #tpu.memory_space<hbm>>) target(%arg20 : memref<2048xf32, #tpu.memory_space<vmem>>) target_semaphore(%arg32 : memref<!tpu.dma_semaphore, #tpu.memory_space<semaphore_mem>>)
        %dma_start3A_409 = tpu.memref_slice %arg6[%multiple_of3A_397] : memref<6400000xf32, #tpu.memory_space<hbm>> -> memref<2048xf32, #tpu.memory_space<hbm>>
        %dma_start3A_410 = tpu.memref_slice %arg6[%multiple_of3A_397] : memref<6400000xf32, #tpu.memory_space<hbm>> -> memref<2048xf32, #tpu.memory_space<hbm>>
        tpu.enqueue_dma source(%dma_start3A_410 : memref<2048xf32, #tpu.memory_space<hbm>>) target(%arg22 : memref<2048xf32, #tpu.memory_space<vmem>>) target_semaphore(%arg32 : memref<!tpu.dma_semaphore, #tpu.memory_space<semaphore_mem>>)
      } else {
      }
      %mul3A_314 = arith.constant 4 : i32
      %mul3A_315 = arith.muli %scan3A_73, %mul3A_314 : i32
      %add3A_316 = arith.constant 3 : i32
      %add3A_317 = arith.addi %mul3A_315, %add3A_316 : i32
      %mul3A_318 = arith.constant 32 : i32
      %mul3A_319 = arith.muli %add3A_317, %mul3A_318 : i32
      %add3A_320 = arith.addi %add3A, %mul3A_319 : i32
      %lt3A_321 = arith.constant 3125 : i32
      %lt3A_322 = arith.cmpi slt, %add3A_320, %lt3A_321 : i32
      %convert_element_type3A_323 = arith.extui %lt3A_322 : i1 to i32
      %cond3A_324 = arith.constant 0 : i32
      %cond3A_325 = arith.cmpi ne, %convert_element_type3A_323, %cond3A_324 : i32
      scf.if %cond3A_325 {
        %dma_wait3A = arith.constant 0 : i32
        %dma_wait3A_395 = arith.constant 0 : i32
        %dma_wait3A_396 = tpu.memref_slice %arg2[%dma_wait3A, %dma_wait3A_395] : memref<100000x8xf32, #tpu.memory_space<hbm>> -> memref<2048x8xf32, #tpu.memory_space<hbm>>
        %dma_wait3A_397 = arith.constant 0 : i32
        %dma_wait3A_398 = arith.constant 0 : i32
        %dma_wait3A_399 = tpu.memref_slice %arg2[%dma_wait3A_397, %dma_wait3A_398] : memref<100000x8xf32, #tpu.memory_space<hbm>> -> memref<2048x8xf32, #tpu.memory_space<hbm>>
        tpu.wait_dma2 semaphore(%arg35 : memref<!tpu.dma_semaphore, #tpu.memory_space<semaphore_mem>>) src(%dma_wait3A_399 : memref<2048x8xf32, #tpu.memory_space<hbm>>) dst(%arg25 : memref<2048x8xf32, #tpu.memory_space<vmem>>)
        %dma_wait3A_400 = arith.constant 0 : i32
        %dma_wait3A_401 = arith.constant 0 : i32
        %dma_wait3A_402 = tpu.memref_slice %arg2[%dma_wait3A_400, %dma_wait3A_401] : memref<100000x8xf32, #tpu.memory_space<hbm>> -> memref<2048x8xf32, #tpu.memory_space<hbm>>
        %dma_wait3A_403 = arith.constant 0 : i32
        %dma_wait3A_404 = arith.constant 0 : i32
        %dma_wait3A_405 = tpu.memref_slice %arg2[%dma_wait3A_403, %dma_wait3A_404] : memref<100000x8xf32, #tpu.memory_space<hbm>> -> memref<2048x8xf32, #tpu.memory_space<hbm>>
        tpu.wait_dma2 semaphore(%arg35 : memref<!tpu.dma_semaphore, #tpu.memory_space<semaphore_mem>>) src(%dma_wait3A_405 : memref<2048x8xf32, #tpu.memory_space<hbm>>) dst(%arg27 : memref<2048x8xf32, #tpu.memory_space<vmem>>)
      } else {
      }
      %add3A_326 = arith.constant 1 : i32
      %add3A_327 = arith.addi %add3A_317, %add3A_326 : i32
      %mul3A_328 = arith.constant 32 : i32
      %mul3A_329 = arith.muli %add3A_327, %mul3A_328 : i32
      %add3A_330 = arith.addi %add3A, %mul3A_329 : i32
      %lt3A_331 = arith.constant 3125 : i32
      %lt3A_332 = arith.cmpi slt, %add3A_330, %lt3A_331 : i32
      %convert_element_type3A_333 = arith.extui %lt3A_332 : i1 to i32
      %cond3A_334 = arith.constant 0 : i32
      %cond3A_335 = arith.cmpi ne, %convert_element_type3A_333, %cond3A_334 : i32
      scf.if %cond3A_335 {
        %dma_wait3A = arith.constant 0 : i32
        %dma_wait3A_395 = arith.constant 0 : i32
        %dma_wait3A_396 = arith.constant 0 : i32
        %dma_wait3A_397 = tpu.memref_slice %arg3[%dma_wait3A, %dma_wait3A_395, %dma_wait3A_396] : memref<50000x2x128xi32, #tpu.memory_space<hbm>> -> memref<16x2x128xi32, #tpu.memory_space<hbm>>
        %dma_wait3A_398 = arith.constant 0 : i32
        %dma_wait3A_399 = arith.constant 0 : i32
        %dma_wait3A_400 = arith.constant 0 : i32
        %dma_wait3A_401 = tpu.memref_slice %arg3[%dma_wait3A_398, %dma_wait3A_399, %dma_wait3A_400] : memref<50000x2x128xi32, #tpu.memory_space<hbm>> -> memref<16x2x128xi32, #tpu.memory_space<hbm>>
        tpu.wait_dma2 semaphore(%arg32 : memref<!tpu.dma_semaphore, #tpu.memory_space<semaphore_mem>>) src(%dma_wait3A_401 : memref<16x2x128xi32, #tpu.memory_space<hbm>>) dst(%arg8 : memref<16x2x128xi32, #tpu.memory_space<vmem>>)
        %dma_wait3A_402 = arith.constant 0 : i32
        %dma_wait3A_403 = tpu.memref_slice %arg4[%dma_wait3A_402] : memref<6400000xf32, #tpu.memory_space<hbm>> -> memref<2048xf32, #tpu.memory_space<hbm>>
        %dma_wait3A_404 = arith.constant 0 : i32
        %dma_wait3A_405 = tpu.memref_slice %arg4[%dma_wait3A_404] : memref<6400000xf32, #tpu.memory_space<hbm>> -> memref<2048xf32, #tpu.memory_space<hbm>>
        tpu.wait_dma2 semaphore(%arg32 : memref<!tpu.dma_semaphore, #tpu.memory_space<semaphore_mem>>) src(%dma_wait3A_405 : memref<2048xf32, #tpu.memory_space<hbm>>) dst(%arg18 : memref<2048xf32, #tpu.memory_space<vmem>>)
        %dma_wait3A_406 = arith.constant 0 : i32
        %dma_wait3A_407 = tpu.memref_slice %arg5[%dma_wait3A_406] : memref<6400000xf32, #tpu.memory_space<hbm>> -> memref<2048xf32, #tpu.memory_space<hbm>>
        %dma_wait3A_408 = arith.constant 0 : i32
        %dma_wait3A_409 = tpu.memref_slice %arg5[%dma_wait3A_408] : memref<6400000xf32, #tpu.memory_space<hbm>> -> memref<2048xf32, #tpu.memory_space<hbm>>
        tpu.wait_dma2 semaphore(%arg32 : memref<!tpu.dma_semaphore, #tpu.memory_space<semaphore_mem>>) src(%dma_wait3A_409 : memref<2048xf32, #tpu.memory_space<hbm>>) dst(%arg20 : memref<2048xf32, #tpu.memory_space<vmem>>)
        %dma_wait3A_410 = arith.constant 0 : i32
        %dma_wait3A_411 = tpu.memref_slice %arg6[%dma_wait3A_410] : memref<6400000xf32, #tpu.memory_space<hbm>> -> memref<2048xf32, #tpu.memory_space<hbm>>
        %dma_wait3A_412 = arith.constant 0 : i32
        %dma_wait3A_413 = tpu.memref_slice %arg6[%dma_wait3A_412] : memref<6400000xf32, #tpu.memory_space<hbm>> -> memref<2048xf32, #tpu.memory_space<hbm>>
        tpu.wait_dma2 semaphore(%arg32 : memref<!tpu.dma_semaphore, #tpu.memory_space<semaphore_mem>>) src(%dma_wait3A_413 : memref<2048xf32, #tpu.memory_space<hbm>>) dst(%arg22 : memref<2048xf32, #tpu.memory_space<vmem>>)
      } else {
      }
      %add3A_336 = arith.constant 1 : i32
      %add3A_337 = arith.addi %add3A_317, %add3A_336 : i32
      %mul3A_338 = arith.constant 32 : i32
      %mul3A_339 = arith.muli %add3A_337, %mul3A_338 : i32
      %add3A_340 = arith.addi %add3A, %mul3A_339 : i32
      %lt3A_341 = arith.constant 3125 : i32
      %lt3A_342 = arith.cmpi slt, %add3A_340, %lt3A_341 : i32
      %convert_element_type3A_343 = arith.extui %lt3A_342 : i1 to i32
      %cond3A_344 = arith.constant 0 : i32
      %cond3A_345 = arith.cmpi ne, %convert_element_type3A_343, %cond3A_344 : i32
      scf.if %cond3A_345 {
        %parallel_loop3A = arith.constant 0 : i32
        %parallel_loop3A_395 = arith.constant 16 : i32
        %parallel_loop3A_396 = arith.constant 1 : i32
        scf.for %parallel_loop3A_397 = %parallel_loop3A to %parallel_loop3A_395 step %parallel_loop3A_396  : i32 {
          %parallel_loop3A_398 = arith.constant 128 : i32
          %parallel_loop3A_399 = arith.muli %parallel_loop3A_397, %parallel_loop3A_398 : i32
          %parallel_loop3A_400 = arith.constant 0 : i32
          %parallel_loop3A_401 = arith.addi %parallel_loop3A_399, %parallel_loop3A_400 : i32
          %parallel_loop3A_402 = tpu.assume_multiple %parallel_loop3A_401, 16 : i32
          %parallel_loop3A_403 = arith.constant 0 : i32
          %parallel_loop3A_404 = arith.index_cast %parallel_loop3A_397 : i32 to index
          %parallel_loop3A_405 = arith.index_cast %parallel_loop3A_403 : i32 to index
          %parallel_loop3A_406 = arith.constant 0 : index
          %parallel_loop3A_407 = tpu.vector_load %arg8[%parallel_loop3A_404, %parallel_loop3A_405, %parallel_loop3A_406] {strides = array<i32>} : memref<16x2x128xi32, #tpu.memory_space<vmem>>, vector<16xi32>,
          %parallel_loop3A_408 = arith.index_cast %parallel_loop3A_402 : i32 to index
          %parallel_loop3A_409 = tpu.vector_load %arg12[%parallel_loop3A_408] {strides = array<i32>} : memref<2048xi32, #tpu.memory_space<vmem>>, vector<16xi32>,
          tpu.vector_store %arg12[%parallel_loop3A_408], %parallel_loop3A_407 {strides = array<i32>} : memref<2048xi32, #tpu.memory_space<vmem>>, vector<16xi32>,
          %parallel_loop3A_410 = arith.constant 1 : i32
          %parallel_loop3A_411 = arith.index_cast %parallel_loop3A_397 : i32 to index
          %parallel_loop3A_412 = arith.index_cast %parallel_loop3A_410 : i32 to index
          %parallel_loop3A_413 = arith.constant 0 : index
          %parallel_loop3A_414 = tpu.vector_load %arg8[%parallel_loop3A_411, %parallel_loop3A_412, %parallel_loop3A_413] {strides = array<i32>} : memref<16x2x128xi32, #tpu.memory_space<vmem>>, vector<16xi32>,
          %parallel_loop3A_415 = arith.index_cast %parallel_loop3A_402 : i32 to index
          %parallel_loop3A_416 = tpu.vector_load %arg16[%parallel_loop3A_415] {strides = array<i32>} : memref<2048xi32, #tpu.memory_space<vmem>>, vector<16xi32>,
          tpu.vector_store %arg16[%parallel_loop3A_415], %parallel_loop3A_414 {strides = array<i32>} : memref<2048xi32, #tpu.memory_space<vmem>>, vector<16xi32>,
          %parallel_loop3A_417 = arith.constant 128 : i32
          %parallel_loop3A_418 = arith.muli %parallel_loop3A_397, %parallel_loop3A_417 : i32
          %parallel_loop3A_419 = arith.constant 16 : i32
          %parallel_loop3A_420 = arith.addi %parallel_loop3A_418, %parallel_loop3A_419 : i32
          %parallel_loop3A_421 = tpu.assume_multiple %parallel_loop3A_420, 16 : i32
          %parallel_loop3A_422 = arith.constant 0 : i32
          %parallel_loop3A_423 = arith.index_cast %parallel_loop3A_397 : i32 to index
          %parallel_loop3A_424 = arith.index_cast %parallel_loop3A_422 : i32 to index
          %parallel_loop3A_425 = arith.constant 16 : index
          %parallel_loop3A_426 = tpu.vector_load %arg8[%parallel_loop3A_423, %parallel_loop3A_424, %parallel_loop3A_425] {strides = array<i32>} : memref<16x2x128xi32, #tpu.memory_space<vmem>>, vector<16xi32>,
          %parallel_loop3A_427 = arith.index_cast %parallel_loop3A_421 : i32 to index
          %parallel_loop3A_428 = tpu.vector_load %arg12[%parallel_loop3A_427] {strides = array<i32>} : memref<2048xi32, #tpu.memory_space<vmem>>, vector<16xi32>,
          tpu.vector_store %arg12[%parallel_loop3A_427], %parallel_loop3A_426 {strides = array<i32>} : memref<2048xi32, #tpu.memory_space<vmem>>, vector<16xi32>,
          %parallel_loop3A_429 = arith.constant 1 : i32
          %parallel_loop3A_430 = arith.index_cast %parallel_loop3A_397 : i32 to index
          %parallel_loop3A_431 = arith.index_cast %parallel_loop3A_429 : i32 to index
          %parallel_loop3A_432 = arith.constant 16 : index
          %parallel_loop3A_433 = tpu.vector_load %arg8[%parallel_loop3A_430, %parallel_loop3A_431, %parallel_loop3A_432] {strides = array<i32>} : memref<16x2x128xi32, #tpu.memory_space<vmem>>, vector<16xi32>,
          %parallel_loop3A_434 = arith.index_cast %parallel_loop3A_421 : i32 to index
          %parallel_loop3A_435 = tpu.vector_load %arg16[%parallel_loop3A_434] {strides = array<i32>} : memref<2048xi32, #tpu.memory_space<vmem>>, vector<16xi32>,
          tpu.vector_store %arg16[%parallel_loop3A_434], %parallel_loop3A_433 {strides = array<i32>} : memref<2048xi32, #tpu.memory_space<vmem>>, vector<16xi32>,
          %parallel_loop3A_436 = arith.constant 128 : i32
          %parallel_loop3A_437 = arith.muli %parallel_loop3A_397, %parallel_loop3A_436 : i32
          %parallel_loop3A_438 = arith.constant 32 : i32
          %parallel_loop3A_439 = arith.addi %parallel_loop3A_437, %parallel_loop3A_438 : i32
          %parallel_loop3A_440 = tpu.assume_multiple %parallel_loop3A_439, 16 : i32
          %parallel_loop3A_441 = arith.constant 0 : i32
          %parallel_loop3A_442 = arith.index_cast %parallel_loop3A_397 : i32 to index
          %parallel_loop3A_443 = arith.index_cast %parallel_loop3A_441 : i32 to index
          %parallel_loop3A_444 = arith.constant 32 : index
          %parallel_loop3A_445 = tpu.vector_load %arg8[%parallel_loop3A_442, %parallel_loop3A_443, %parallel_loop3A_444] {strides = array<i32>} : memref<16x2x128xi32, #tpu.memory_space<vmem>>, vector<16xi32>,
          %parallel_loop3A_446 = arith.index_cast %parallel_loop3A_440 : i32 to index
          %parallel_loop3A_447 = tpu.vector_load %arg12[%parallel_loop3A_446] {strides = array<i32>} : memref<2048xi32, #tpu.memory_space<vmem>>, vector<16xi32>,
          tpu.vector_store %arg12[%parallel_loop3A_446], %parallel_loop3A_445 {strides = array<i32>} : memref<2048xi32, #tpu.memory_space<vmem>>, vector<16xi32>,
          %parallel_loop3A_448 = arith.constant 1 : i32
          %parallel_loop3A_449 = arith.index_cast %parallel_loop3A_397 : i32 to index
          %parallel_loop3A_450 = arith.index_cast %parallel_loop3A_448 : i32 to index
          %parallel_loop3A_451 = arith.constant 32 : index
          %parallel_loop3A_452 = tpu.vector_load %arg8[%parallel_loop3A_449, %parallel_loop3A_450, %parallel_loop3A_451] {strides = array<i32>} : memref<16x2x128xi32, #tpu.memory_space<vmem>>, vector<16xi32>,
          %parallel_loop3A_453 = arith.index_cast %parallel_loop3A_440 : i32 to index
          %parallel_loop3A_454 = tpu.vector_load %arg16[%parallel_loop3A_453] {strides = array<i32>} : memref<2048xi32, #tpu.memory_space<vmem>>, vector<16xi32>,
          tpu.vector_store %arg16[%parallel_loop3A_453], %parallel_loop3A_452 {strides = array<i32>} : memref<2048xi32, #tpu.memory_space<vmem>>, vector<16xi32>,
          %parallel_loop3A_455 = arith.constant 128 : i32
          %parallel_loop3A_456 = arith.muli %parallel_loop3A_397, %parallel_loop3A_455 : i32
          %parallel_loop3A_457 = arith.constant 48 : i32
          %parallel_loop3A_458 = arith.addi %parallel_loop3A_456, %parallel_loop3A_457 : i32
          %parallel_loop3A_459 = tpu.assume_multiple %parallel_loop3A_458, 16 : i32
          %parallel_loop3A_460 = arith.constant 0 : i32
          %parallel_loop3A_461 = arith.index_cast %parallel_loop3A_397 : i32 to index
          %parallel_loop3A_462 = arith.index_cast %parallel_loop3A_460 : i32 to index
          %parallel_loop3A_463 = arith.constant 48 : index
          %parallel_loop3A_464 = tpu.vector_load %arg8[%parallel_loop3A_461, %parallel_loop3A_462, %parallel_loop3A_463] {strides = array<i32>} : memref<16x2x128xi32, #tpu.memory_space<vmem>>, vector<16xi32>,
          %parallel_loop3A_465 = arith.index_cast %parallel_loop3A_459 : i32 to index
          %parallel_loop3A_466 = tpu.vector_load %arg12[%parallel_loop3A_465] {strides = array<i32>} : memref<2048xi32, #tpu.memory_space<vmem>>, vector<16xi32>,
          tpu.vector_store %arg12[%parallel_loop3A_465], %parallel_loop3A_464 {strides = array<i32>} : memref<2048xi32, #tpu.memory_space<vmem>>, vector<16xi32>,
          %parallel_loop3A_467 = arith.constant 1 : i32
          %parallel_loop3A_468 = arith.index_cast %parallel_loop3A_397 : i32 to index
          %parallel_loop3A_469 = arith.index_cast %parallel_loop3A_467 : i32 to index
          %parallel_loop3A_470 = arith.constant 48 : index
          %parallel_loop3A_471 = tpu.vector_load %arg8[%parallel_loop3A_468, %parallel_loop3A_469, %parallel_loop3A_470] {strides = array<i32>} : memref<16x2x128xi32, #tpu.memory_space<vmem>>, vector<16xi32>,
          %parallel_loop3A_472 = arith.index_cast %parallel_loop3A_459 : i32 to index
          %parallel_loop3A_473 = tpu.vector_load %arg16[%parallel_loop3A_472] {strides = array<i32>} : memref<2048xi32, #tpu.memory_space<vmem>>, vector<16xi32>,
          tpu.vector_store %arg16[%parallel_loop3A_472], %parallel_loop3A_471 {strides = array<i32>} : memref<2048xi32, #tpu.memory_space<vmem>>, vector<16xi32>,
          %parallel_loop3A_474 = arith.constant 128 : i32
          %parallel_loop3A_475 = arith.muli %parallel_loop3A_397, %parallel_loop3A_474 : i32
          %parallel_loop3A_476 = arith.constant 64 : i32
          %parallel_loop3A_477 = arith.addi %parallel_loop3A_475, %parallel_loop3A_476 : i32
          %parallel_loop3A_478 = tpu.assume_multiple %parallel_loop3A_477, 16 : i32
          %parallel_loop3A_479 = arith.constant 0 : i32
          %parallel_loop3A_480 = arith.index_cast %parallel_loop3A_397 : i32 to index
          %parallel_loop3A_481 = arith.index_cast %parallel_loop3A_479 : i32 to index
          %parallel_loop3A_482 = arith.constant 64 : index
          %parallel_loop3A_483 = tpu.vector_load %arg8[%parallel_loop3A_480, %parallel_loop3A_481, %parallel_loop3A_482] {strides = array<i32>} : memref<16x2x128xi32, #tpu.memory_space<vmem>>, vector<16xi32>,
          %parallel_loop3A_484 = arith.index_cast %parallel_loop3A_478 : i32 to index
          %parallel_loop3A_485 = tpu.vector_load %arg12[%parallel_loop3A_484] {strides = array<i32>} : memref<2048xi32, #tpu.memory_space<vmem>>, vector<16xi32>,
          tpu.vector_store %arg12[%parallel_loop3A_484], %parallel_loop3A_483 {strides = array<i32>} : memref<2048xi32, #tpu.memory_space<vmem>>, vector<16xi32>,
          %parallel_loop3A_486 = arith.constant 1 : i32
          %parallel_loop3A_487 = arith.index_cast %parallel_loop3A_397 : i32 to index
          %parallel_loop3A_488 = arith.index_cast %parallel_loop3A_486 : i32 to index
          %parallel_loop3A_489 = arith.constant 64 : index
          %parallel_loop3A_490 = tpu.vector_load %arg8[%parallel_loop3A_487, %parallel_loop3A_488, %parallel_loop3A_489] {strides = array<i32>} : memref<16x2x128xi32, #tpu.memory_space<vmem>>, vector<16xi32>,
          %parallel_loop3A_491 = arith.index_cast %parallel_loop3A_478 : i32 to index
          %parallel_loop3A_492 = tpu.vector_load %arg16[%parallel_loop3A_491] {strides = array<i32>} : memref<2048xi32, #tpu.memory_space<vmem>>, vector<16xi32>,
          tpu.vector_store %arg16[%parallel_loop3A_491], %parallel_loop3A_490 {strides = array<i32>} : memref<2048xi32, #tpu.memory_space<vmem>>, vector<16xi32>,
          %parallel_loop3A_493 = arith.constant 128 : i32
          %parallel_loop3A_494 = arith.muli %parallel_loop3A_397, %parallel_loop3A_493 : i32
          %parallel_loop3A_495 = arith.constant 80 : i32
          %parallel_loop3A_496 = arith.addi %parallel_loop3A_494, %parallel_loop3A_495 : i32
          %parallel_loop3A_497 = tpu.assume_multiple %parallel_loop3A_496, 16 : i32
          %parallel_loop3A_498 = arith.constant 0 : i32
          %parallel_loop3A_499 = arith.index_cast %parallel_loop3A_397 : i32 to index
          %parallel_loop3A_500 = arith.index_cast %parallel_loop3A_498 : i32 to index
          %parallel_loop3A_501 = arith.constant 80 : index
          %parallel_loop3A_502 = tpu.vector_load %arg8[%parallel_loop3A_499, %parallel_loop3A_500, %parallel_loop3A_501] {strides = array<i32>} : memref<16x2x128xi32, #tpu.memory_space<vmem>>, vector<16xi32>,
          %parallel_loop3A_503 = arith.index_cast %parallel_loop3A_497 : i32 to index
          %parallel_loop3A_504 = tpu.vector_load %arg12[%parallel_loop3A_503] {strides = array<i32>} : memref<2048xi32, #tpu.memory_space<vmem>>, vector<16xi32>,
          tpu.vector_store %arg12[%parallel_loop3A_503], %parallel_loop3A_502 {strides = array<i32>} : memref<2048xi32, #tpu.memory_space<vmem>>, vector<16xi32>,
          %parallel_loop3A_505 = arith.constant 1 : i32
          %parallel_loop3A_506 = arith.index_cast %parallel_loop3A_397 : i32 to index
          %parallel_loop3A_507 = arith.index_cast %parallel_loop3A_505 : i32 to index
          %parallel_loop3A_508 = arith.constant 80 : index
          %parallel_loop3A_509 = tpu.vector_load %arg8[%parallel_loop3A_506, %parallel_loop3A_507, %parallel_loop3A_508] {strides = array<i32>} : memref<16x2x128xi32, #tpu.memory_space<vmem>>, vector<16xi32>,
          %parallel_loop3A_510 = arith.index_cast %parallel_loop3A_497 : i32 to index
          %parallel_loop3A_511 = tpu.vector_load %arg16[%parallel_loop3A_510] {strides = array<i32>} : memref<2048xi32, #tpu.memory_space<vmem>>, vector<16xi32>,
          tpu.vector_store %arg16[%parallel_loop3A_510], %parallel_loop3A_509 {strides = array<i32>} : memref<2048xi32, #tpu.memory_space<vmem>>, vector<16xi32>,
          %parallel_loop3A_512 = arith.constant 128 : i32
          %parallel_loop3A_513 = arith.muli %parallel_loop3A_397, %parallel_loop3A_512 : i32
          %parallel_loop3A_514 = arith.constant 96 : i32
          %parallel_loop3A_515 = arith.addi %parallel_loop3A_513, %parallel_loop3A_514 : i32
          %parallel_loop3A_516 = tpu.assume_multiple %parallel_loop3A_515, 16 : i32
          %parallel_loop3A_517 = arith.constant 0 : i32
          %parallel_loop3A_518 = arith.index_cast %parallel_loop3A_397 : i32 to index
          %parallel_loop3A_519 = arith.index_cast %parallel_loop3A_517 : i32 to index
          %parallel_loop3A_520 = arith.constant 96 : index
          %parallel_loop3A_521 = tpu.vector_load %arg8[%parallel_loop3A_518, %parallel_loop3A_519, %parallel_loop3A_520] {strides = array<i32>} : memref<16x2x128xi32, #tpu.memory_space<vmem>>, vector<16xi32>,
          %parallel_loop3A_522 = arith.index_cast %parallel_loop3A_516 : i32 to index
          %parallel_loop3A_523 = tpu.vector_load %arg12[%parallel_loop3A_522] {strides = array<i32>} : memref<2048xi32, #tpu.memory_space<vmem>>, vector<16xi32>,
          tpu.vector_store %arg12[%parallel_loop3A_522], %parallel_loop3A_521 {strides = array<i32>} : memref<2048xi32, #tpu.memory_space<vmem>>, vector<16xi32>,
          %parallel_loop3A_524 = arith.constant 1 : i32
          %parallel_loop3A_525 = arith.index_cast %parallel_loop3A_397 : i32 to index
          %parallel_loop3A_526 = arith.index_cast %parallel_loop3A_524 : i32 to index
          %parallel_loop3A_527 = arith.constant 96 : index
          %parallel_loop3A_528 = tpu.vector_load %arg8[%parallel_loop3A_525, %parallel_loop3A_526, %parallel_loop3A_527] {strides = array<i32>} : memref<16x2x128xi32, #tpu.memory_space<vmem>>, vector<16xi32>,
          %parallel_loop3A_529 = arith.index_cast %parallel_loop3A_516 : i32 to index
          %parallel_loop3A_530 = tpu.vector_load %arg16[%parallel_loop3A_529] {strides = array<i32>} : memref<2048xi32, #tpu.memory_space<vmem>>, vector<16xi32>,
          tpu.vector_store %arg16[%parallel_loop3A_529], %parallel_loop3A_528 {strides = array<i32>} : memref<2048xi32, #tpu.memory_space<vmem>>, vector<16xi32>,
          %parallel_loop3A_531 = arith.constant 128 : i32
          %parallel_loop3A_532 = arith.muli %parallel_loop3A_397, %parallel_loop3A_531 : i32
          %parallel_loop3A_533 = arith.constant 112 : i32
          %parallel_loop3A_534 = arith.addi %parallel_loop3A_532, %parallel_loop3A_533 : i32
          %parallel_loop3A_535 = tpu.assume_multiple %parallel_loop3A_534, 16 : i32
          %parallel_loop3A_536 = arith.constant 0 : i32
          %parallel_loop3A_537 = arith.index_cast %parallel_loop3A_397 : i32 to index
          %parallel_loop3A_538 = arith.index_cast %parallel_loop3A_536 : i32 to index
          %parallel_loop3A_539 = arith.constant 112 : index
          %parallel_loop3A_540 = tpu.vector_load %arg8[%parallel_loop3A_537, %parallel_loop3A_538, %parallel_loop3A_539] {strides = array<i32>} : memref<16x2x128xi32, #tpu.memory_space<vmem>>, vector<16xi32>,
          %parallel_loop3A_541 = arith.index_cast %parallel_loop3A_535 : i32 to index
          %parallel_loop3A_542 = tpu.vector_load %arg12[%parallel_loop3A_541] {strides = array<i32>} : memref<2048xi32, #tpu.memory_space<vmem>>, vector<16xi32>,
          tpu.vector_store %arg12[%parallel_loop3A_541], %parallel_loop3A_540 {strides = array<i32>} : memref<2048xi32, #tpu.memory_space<vmem>>, vector<16xi32>,
          %parallel_loop3A_543 = arith.constant 1 : i32
          %parallel_loop3A_544 = arith.index_cast %parallel_loop3A_397 : i32 to index
          %parallel_loop3A_545 = arith.index_cast %parallel_loop3A_543 : i32 to index
          %parallel_loop3A_546 = arith.constant 112 : index
          %parallel_loop3A_547 = tpu.vector_load %arg8[%parallel_loop3A_544, %parallel_loop3A_545, %parallel_loop3A_546] {strides = array<i32>} : memref<16x2x128xi32, #tpu.memory_space<vmem>>, vector<16xi32>,
          %parallel_loop3A_548 = arith.index_cast %parallel_loop3A_535 : i32 to index
          %parallel_loop3A_549 = tpu.vector_load %arg16[%parallel_loop3A_548] {strides = array<i32>} : memref<2048xi32, #tpu.memory_space<vmem>>, vector<16xi32>,
          tpu.vector_store %arg16[%parallel_loop3A_548], %parallel_loop3A_547 {strides = array<i32>} : memref<2048xi32, #tpu.memory_space<vmem>>, vector<16xi32>,
        } {sc.loop_unroll_factor = 1 : i64, sc.parallel_access}
      } else {
      }
      %add3A_346 = arith.constant 1 : i32
      %add3A_347 = arith.addi %add3A_317, %add3A_346 : i32
      %mul3A_348 = arith.constant 32 : i32
      %mul3A_349 = arith.muli %add3A_347, %mul3A_348 : i32
      %add3A_350 = arith.addi %add3A, %mul3A_349 : i32
      %lt3A_351 = arith.constant 3125 : i32
      %lt3A_352 = arith.cmpi slt, %add3A_350, %lt3A_351 : i32
      %convert_element_type3A_353 = arith.extui %lt3A_352 : i1 to i32
      %cond3A_354 = arith.constant 0 : i32
      %cond3A_355 = arith.cmpi ne, %convert_element_type3A_353, %cond3A_354 : i32
      scf.if %cond3A_355 {
        %dma_start3A = arith.constant 0 : i32
        %dma_start3A_395 = arith.constant 0 : i32
        %dma_start3A_396 = tpu.memref_slice %arg2[%dma_start3A, %dma_start3A_395] : memref<100000x8xf32, #tpu.memory_space<hbm>> -> memref<100000x8xf32, #tpu.memory_space<hbm>>
        tpu.enqueue_indirect_dma source(%dma_start3A_396 : memref<100000x8xf32, #tpu.memory_space<hbm>>) target(%arg24 : memref<2048x8xf32, #tpu.memory_space<vmem>>) offsets(%arg12 : memref<2048xi32, #tpu.memory_space<vmem>>) semaphore(%arg34 : memref<!tpu.dma_semaphore, #tpu.memory_space<semaphore_mem>>)
        %dma_start3A_397 = arith.constant 0 : i32
        %dma_start3A_398 = arith.constant 0 : i32
        %dma_start3A_399 = tpu.memref_slice %arg2[%dma_start3A_397, %dma_start3A_398] : memref<100000x8xf32, #tpu.memory_space<hbm>> -> memref<100000x8xf32, #tpu.memory_space<hbm>>
        tpu.enqueue_indirect_dma source(%dma_start3A_399 : memref<100000x8xf32, #tpu.memory_space<hbm>>) target(%arg26 : memref<2048x8xf32, #tpu.memory_space<vmem>>) offsets(%arg16 : memref<2048xi32, #tpu.memory_space<vmem>>) semaphore(%arg34 : memref<!tpu.dma_semaphore, #tpu.memory_space<semaphore_mem>>)
      } else {
      }
      %sub3A_356 = arith.constant 2 : i32
      %sub3A_357 = arith.subi %add3A_317, %sub3A_356 : i32
      %mul3A_358 = arith.constant 32 : i32
      %mul3A_359 = arith.muli %sub3A_357, %mul3A_358 : i32
      %add3A_360 = arith.addi %add3A, %mul3A_359 : i32
      %ge3A_361 = arith.constant 0 : i32
      %ge3A_362 = arith.cmpi sge, %sub3A_357, %ge3A_361 : i32
      %lt3A_363 = arith.constant 3125 : i32
      %lt3A_364 = arith.cmpi slt, %add3A_360, %lt3A_363 : i32
      %and3A_365 = arith.andi %ge3A_362, %lt3A_364 : i1
      %convert_element_type3A_366 = arith.extui %and3A_365 : i1 to i32
      %cond3A_367 = arith.constant 0 : i32
      %cond3A_368 = arith.cmpi ne, %convert_element_type3A_366, %cond3A_367 : i32
      scf.if %cond3A_368 {
        %dma_wait3A = arith.constant 0 : i32
        %dma_wait3A_395 = tpu.memref_slice %arg4[%dma_wait3A] : memref<6400000xf32, #tpu.memory_space<hbm>> -> memref<2048xf32, #tpu.memory_space<hbm>>
        %dma_wait3A_396 = arith.constant 0 : i32
        %dma_wait3A_397 = tpu.memref_slice %arg4[%dma_wait3A_396] : memref<6400000xf32, #tpu.memory_space<hbm>> -> memref<2048xf32, #tpu.memory_space<hbm>>
        tpu.wait_dma2 semaphore(%arg37 : memref<!tpu.dma_semaphore, #tpu.memory_space<semaphore_mem>>) src(%dma_wait3A_397 : memref<2048xf32, #tpu.memory_space<hbm>>) dst(%arg29 : memref<2048xf32, #tpu.memory_space<vmem>>)
      } else {
      }
      %mul3A_369 = arith.constant 32 : i32
      %mul3A_370 = arith.muli %add3A_317, %mul3A_369 : i32
      %add3A_371 = arith.addi %add3A, %mul3A_370 : i32
      %lt3A_372 = arith.constant 3125 : i32
      %lt3A_373 = arith.cmpi slt, %add3A_371, %lt3A_372 : i32
      %convert_element_type3A_374 = arith.extui %lt3A_373 : i1 to i32
      %cond3A_375 = arith.constant 0 : i32
      %cond3A_376 = arith.cmpi ne, %convert_element_type3A_374, %cond3A_375 : i32
      scf.if %cond3A_376 {
        %parallel_loop3A = arith.constant 0 : i32
        %parallel_loop3A_395 = arith.constant 128 : i32
        %parallel_loop3A_396 = arith.constant 1 : i32
        scf.for %parallel_loop3A_397 = %parallel_loop3A to %parallel_loop3A_395 step %parallel_loop3A_396  : i32 {
          %parallel_loop3A_398 = arith.constant 16 : i32
          %parallel_loop3A_399 = arith.muli %parallel_loop3A_397, %parallel_loop3A_398 : i32
          %parallel_loop3A_400 = vector.broadcast %parallel_loop3A_399 : i32 to vector<16xi32>
          %parallel_loop3A_401 = arith.addi %parallel_loop3A_400, %iota3A : vector<16xi32>
          %parallel_loop3A_402 = arith.constant 16 : i32
          %parallel_loop3A_403 = arith.muli %parallel_loop3A_397, %parallel_loop3A_402 : i32
          %parallel_loop3A_404 = tpu.assume_multiple %parallel_loop3A_403, 16 : i32
          %parallel_loop3A_405 = tpu.vector_load_idx %arg25[%parallel_loop3A_401, %broadcast_in_dim3A_14] : memref<2048x8xf32, #tpu.memory_space<vmem>>[vector<16xi32>, vector<16xi32>], vector<16xf32>,
          %parallel_loop3A_406 = tpu.vector_load_idx %arg25[%parallel_loop3A_401, %broadcast_in_dim3A_16] : memref<2048x8xf32, #tpu.memory_space<vmem>>[vector<16xi32>, vector<16xi32>], vector<16xf32>,
          %parallel_loop3A_407 = tpu.vector_load_idx %arg25[%parallel_loop3A_401, %broadcast_in_dim3A_18] : memref<2048x8xf32, #tpu.memory_space<vmem>>[vector<16xi32>, vector<16xi32>], vector<16xf32>,
          %parallel_loop3A_408 = tpu.vector_load_idx %arg27[%parallel_loop3A_401, %broadcast_in_dim3A_14] : memref<2048x8xf32, #tpu.memory_space<vmem>>[vector<16xi32>, vector<16xi32>], vector<16xf32>,
          %parallel_loop3A_409 = tpu.vector_load_idx %arg27[%parallel_loop3A_401, %broadcast_in_dim3A_16] : memref<2048x8xf32, #tpu.memory_space<vmem>>[vector<16xi32>, vector<16xi32>], vector<16xf32>,
          %parallel_loop3A_410 = tpu.vector_load_idx %arg27[%parallel_loop3A_401, %broadcast_in_dim3A_18] : memref<2048x8xf32, #tpu.memory_space<vmem>>[vector<16xi32>, vector<16xi32>], vector<16xf32>,
          %parallel_loop3A_411 = arith.subf %parallel_loop3A_408, %parallel_loop3A_405 : vector<16xf32>
          %parallel_loop3A_412 = arith.index_cast %parallel_loop3A_404 : i32 to index
          %parallel_loop3A_413 = tpu.vector_load %arg19[%parallel_loop3A_412] {strides = array<i32>} : memref<2048xf32, #tpu.memory_space<vmem>>, vector<16xf32>,
          %parallel_loop3A_414 = arith.addf %parallel_loop3A_411, %parallel_loop3A_413 : vector<16xf32>
          %parallel_loop3A_415 = arith.subf %parallel_loop3A_409, %parallel_loop3A_406 : vector<16xf32>
          %parallel_loop3A_416 = arith.index_cast %parallel_loop3A_404 : i32 to index
          %parallel_loop3A_417 = tpu.vector_load %arg21[%parallel_loop3A_416] {strides = array<i32>} : memref<2048xf32, #tpu.memory_space<vmem>>, vector<16xf32>,
          %parallel_loop3A_418 = arith.addf %parallel_loop3A_415, %parallel_loop3A_417 : vector<16xf32>
          %parallel_loop3A_419 = arith.subf %parallel_loop3A_410, %parallel_loop3A_407 : vector<16xf32>
          %parallel_loop3A_420 = arith.index_cast %parallel_loop3A_404 : i32 to index
          %parallel_loop3A_421 = tpu.vector_load %arg23[%parallel_loop3A_420] {strides = array<i32>} : memref<2048xf32, #tpu.memory_space<vmem>>, vector<16xf32>,
          %parallel_loop3A_422 = arith.addf %parallel_loop3A_419, %parallel_loop3A_421 : vector<16xf32>
          %parallel_loop3A_423 = arith.mulf %parallel_loop3A_414, %parallel_loop3A_414 : vector<16xf32>
          %parallel_loop3A_424 = arith.mulf %parallel_loop3A_418, %parallel_loop3A_418 : vector<16xf32>
          %parallel_loop3A_425 = arith.addf %parallel_loop3A_423, %parallel_loop3A_424 : vector<16xf32>
          %parallel_loop3A_426 = arith.mulf %parallel_loop3A_422, %parallel_loop3A_422 : vector<16xf32>
          %parallel_loop3A_427 = arith.addf %parallel_loop3A_425, %parallel_loop3A_426 : vector<16xf32>
          %parallel_loop3A_428 = vector.bitcast %parallel_loop3A_427 : vector<16xf32> to vector<16xi32>
          %parallel_loop3A_429 = arith.constant 1 : i32
          %parallel_loop3A_430 = vector.broadcast %parallel_loop3A_429 : i32 to vector<16xi32>
          %parallel_loop3A_431 = arith.shrsi %parallel_loop3A_428, %parallel_loop3A_430 : vector<16xi32>
          %parallel_loop3A_432 = arith.constant 1597463007 : i32
          %parallel_loop3A_433 = vector.broadcast %parallel_loop3A_432 : i32 to vector<16xi32>
          %parallel_loop3A_434 = arith.subi %parallel_loop3A_433, %parallel_loop3A_431 : vector<16xi32>
          %parallel_loop3A_435 = vector.bitcast %parallel_loop3A_434 : vector<16xi32> to vector<16xf32>
          %parallel_loop3A_436 = arith.constant 5.000000e-01 : f32
          %parallel_loop3A_437 = vector.broadcast %parallel_loop3A_436 : f32 to vector<16xf32>
          %parallel_loop3A_438 = arith.mulf %parallel_loop3A_437, %parallel_loop3A_427 : vector<16xf32>
          %parallel_loop3A_439 = arith.mulf %parallel_loop3A_438, %parallel_loop3A_435 : vector<16xf32>
          %parallel_loop3A_440 = arith.mulf %parallel_loop3A_439, %parallel_loop3A_435 : vector<16xf32>
          %parallel_loop3A_441 = arith.constant 1.500000e+00 : f32
          %parallel_loop3A_442 = vector.broadcast %parallel_loop3A_441 : f32 to vector<16xf32>
          %parallel_loop3A_443 = arith.subf %parallel_loop3A_442, %parallel_loop3A_440 : vector<16xf32>
          %parallel_loop3A_444 = arith.mulf %parallel_loop3A_435, %parallel_loop3A_443 : vector<16xf32>
          %parallel_loop3A_445 = arith.mulf %parallel_loop3A_438, %parallel_loop3A_444 : vector<16xf32>
          %parallel_loop3A_446 = arith.mulf %parallel_loop3A_445, %parallel_loop3A_444 : vector<16xf32>
          %parallel_loop3A_447 = arith.constant 1.500000e+00 : f32
          %parallel_loop3A_448 = vector.broadcast %parallel_loop3A_447 : f32 to vector<16xf32>
          %parallel_loop3A_449 = arith.subf %parallel_loop3A_448, %parallel_loop3A_446 : vector<16xf32>
          %parallel_loop3A_450 = arith.mulf %parallel_loop3A_444, %parallel_loop3A_449 : vector<16xf32>
          %parallel_loop3A_451 = arith.mulf %parallel_loop3A_438, %parallel_loop3A_450 : vector<16xf32>
          %parallel_loop3A_452 = arith.mulf %parallel_loop3A_451, %parallel_loop3A_450 : vector<16xf32>
          %parallel_loop3A_453 = arith.constant 1.500000e+00 : f32
          %parallel_loop3A_454 = vector.broadcast %parallel_loop3A_453 : f32 to vector<16xf32>
          %parallel_loop3A_455 = arith.subf %parallel_loop3A_454, %parallel_loop3A_452 : vector<16xf32>
          %parallel_loop3A_456 = arith.mulf %parallel_loop3A_450, %parallel_loop3A_455 : vector<16xf32>
          %parallel_loop3A_457 = arith.mulf %parallel_loop3A_427, %parallel_loop3A_456 : vector<16xf32>
          %parallel_loop3A_458 = arith.constant -2.000000e+00 : f32
          %parallel_loop3A_459 = vector.broadcast %parallel_loop3A_458 : f32 to vector<16xf32>
          %parallel_loop3A_460 = arith.mulf %parallel_loop3A_459, %parallel_loop3A_457 : vector<16xf32>
          %parallel_loop3A_461 = math.exp %parallel_loop3A_460 : vector<16xf32>
          %parallel_loop3A_462 = arith.constant 5.000000e-01 : f32
          %parallel_loop3A_463 = vector.broadcast %parallel_loop3A_462 : f32 to vector<16xf32>
          %parallel_loop3A_464 = arith.mulf %parallel_loop3A_463, %parallel_loop3A_461 : vector<16xf32>
          %parallel_loop3A_465 = arith.index_cast %parallel_loop3A_404 : i32 to index
          %parallel_loop3A_466 = tpu.vector_load %arg29[%parallel_loop3A_465] {strides = array<i32>} : memref<2048xf32, #tpu.memory_space<vmem>>, vector<16xf32>,
          tpu.vector_store %arg29[%parallel_loop3A_465], %parallel_loop3A_464 {strides = array<i32>} : memref<2048xf32, #tpu.memory_space<vmem>>, vector<16xf32>,
        } {sc.loop_unroll_factor = 2 : i64, sc.parallel_access}
      } else {
      }
      %mul3A_377 = arith.constant 32 : i32
      %mul3A_378 = arith.muli %add3A_317, %mul3A_377 : i32
      %add3A_379 = arith.addi %add3A, %mul3A_378 : i32
      %lt3A_380 = arith.constant 3125 : i32
      %lt3A_381 = arith.cmpi slt, %add3A_379, %lt3A_380 : i32
      %convert_element_type3A_382 = arith.extui %lt3A_381 : i1 to i32
      %cond3A_383 = arith.constant 0 : i32
      %cond3A_384 = arith.cmpi ne, %convert_element_type3A_382, %cond3A_383 : i32
      scf.if %cond3A_384 {
        %dma_start3A = arith.constant 0 : i32
        %dma_start3A_395 = tpu.memref_slice %arg31[%dma_start3A] : memref<100000xf32, #tpu.memory_space<vmem_shared>> -> memref<100000xf32, #tpu.memory_space<vmem_shared>>
        tpu.enqueue_indirect_dma source(%arg29 : memref<2048xf32, #tpu.memory_space<vmem>>) target(%dma_start3A_395 : memref<100000xf32, #tpu.memory_space<vmem_shared>>) offsets(%arg15 : memref<2048xi32, #tpu.memory_space<vmem>>) semaphore(%arg37 : memref<!tpu.dma_semaphore, #tpu.memory_space<semaphore_mem>>) {add = true}
      } else {
      }
      %add3A_385 = arith.constant 2 : i32
      %add3A_386 = arith.addi %add3A_317, %add3A_385 : i32
      %mul3A_387 = arith.constant 32 : i32
      %mul3A_388 = arith.muli %add3A_386, %mul3A_387 : i32
      %add3A_389 = arith.addi %add3A, %mul3A_388 : i32
      %lt3A_390 = arith.constant 3125 : i32
      %lt3A_391 = arith.cmpi slt, %add3A_389, %lt3A_390 : i32
      %convert_element_type3A_392 = arith.extui %lt3A_391 : i1 to i32
      %cond3A_393 = arith.constant 0 : i32
      %cond3A_394 = arith.cmpi ne, %convert_element_type3A_392, %cond3A_393 : i32
      scf.if %cond3A_394 {
        %mul3A_395 = arith.constant 2048 : i32
        %mul3A_396 = arith.muli %add3A_389, %mul3A_395 : i32
        %multiple_of3A_397 = tpu.assume_multiple %mul3A_396, 8 : i32
        %mul3A_398 = arith.constant 16 : i32
        %mul3A_399 = arith.muli %add3A_389, %mul3A_398 : i32
        %dma_start3A = arith.constant 0 : i32
        %dma_start3A_400 = arith.constant 0 : i32
        %dma_start3A_401 = tpu.memref_slice %arg3[%mul3A_399, %dma_start3A, %dma_start3A_400] : memref<50000x2x128xi32, #tpu.memory_space<hbm>> -> memref<16x2x128xi32, #tpu.memory_space<hbm>>
        %dma_start3A_402 = arith.constant 0 : i32
        %dma_start3A_403 = arith.constant 0 : i32
        %dma_start3A_404 = tpu.memref_slice %arg3[%mul3A_399, %dma_start3A_402, %dma_start3A_403] : memref<50000x2x128xi32, #tpu.memory_space<hbm>> -> memref<16x2x128xi32, #tpu.memory_space<hbm>>
        tpu.enqueue_dma source(%dma_start3A_404 : memref<16x2x128xi32, #tpu.memory_space<hbm>>) target(%arg9 : memref<16x2x128xi32, #tpu.memory_space<vmem>>) target_semaphore(%arg33 : memref<!tpu.dma_semaphore, #tpu.memory_space<semaphore_mem>>)
        %dma_start3A_405 = tpu.memref_slice %arg4[%multiple_of3A_397] : memref<6400000xf32, #tpu.memory_space<hbm>> -> memref<2048xf32, #tpu.memory_space<hbm>>
        %dma_start3A_406 = tpu.memref_slice %arg4[%multiple_of3A_397] : memref<6400000xf32, #tpu.memory_space<hbm>> -> memref<2048xf32, #tpu.memory_space<hbm>>
        tpu.enqueue_dma source(%dma_start3A_406 : memref<2048xf32, #tpu.memory_space<hbm>>) target(%arg19 : memref<2048xf32, #tpu.memory_space<vmem>>) target_semaphore(%arg33 : memref<!tpu.dma_semaphore, #tpu.memory_space<semaphore_mem>>)
        %dma_start3A_407 = tpu.memref_slice %arg5[%multiple_of3A_397] : memref<6400000xf32, #tpu.memory_space<hbm>> -> memref<2048xf32, #tpu.memory_space<hbm>>
        %dma_start3A_408 = tpu.memref_slice %arg5[%multiple_of3A_397] : memref<6400000xf32, #tpu.memory_space<hbm>> -> memref<2048xf32, #tpu.memory_space<hbm>>
        tpu.enqueue_dma source(%dma_start3A_408 : memref<2048xf32, #tpu.memory_space<hbm>>) target(%arg21 : memref<2048xf32, #tpu.memory_space<vmem>>) target_semaphore(%arg33 : memref<!tpu.dma_semaphore, #tpu.memory_space<semaphore_mem>>)
        %dma_start3A_409 = tpu.memref_slice %arg6[%multiple_of3A_397] : memref<6400000xf32, #tpu.memory_space<hbm>> -> memref<2048xf32, #tpu.memory_space<hbm>>
        %dma_start3A_410 = tpu.memref_slice %arg6[%multiple_of3A_397] : memref<6400000xf32, #tpu.memory_space<hbm>> -> memref<2048xf32, #tpu.memory_space<hbm>>
        tpu.enqueue_dma source(%dma_start3A_410 : memref<2048xf32, #tpu.memory_space<hbm>>) target(%arg23 : memref<2048xf32, #tpu.memory_space<vmem>>) target_semaphore(%arg33 : memref<!tpu.dma_semaphore, #tpu.memory_space<semaphore_mem>>)
      } else {
      }
    }
    %scan3A_59 = arith.constant 25 : i32
    %barrier3A_60 = arith.constant 0 : index
    tpu.barrier barrier_id(%barrier3A_60)
    %mul3A_61 = arith.constant 100000 : i32
    %mul3A_62 = arith.muli %arg0, %mul3A_61 : i32
    %lt3A_63 = arith.constant 15 : i32
    %lt3A_64 = arith.cmpi slt, %arg1, %lt3A_63 : i32
    %convert_element_type3A_65 = arith.extui %lt3A_64 : i1 to i32
    %cond3A_66 = arith.constant 0 : i32
    %cond3A_67 = arith.cmpi ne, %convert_element_type3A_65, %cond3A_66 : i32
    scf.if %cond3A_67 {
      %add3A_73 = arith.addi %mul3A_62, %multiple_of3A : i32
      %multiple_of3A_74 = tpu.assume_multiple %add3A_73, 8 : i32
      "tpu.region"() ({
        %run_scoped3A = tpu.sem_alloc : memref<!tpu.dma_semaphore, #tpu.memory_space<semaphore_mem>>
        %dma_start3A = tpu.memref_slice %arg7[%multiple_of3A_74] : memref<200000xf32, #tpu.memory_space<hbm>> -> memref<6256xf32, #tpu.memory_space<hbm>>
        %dma_start3A_75 = tpu.memref_slice %arg31[%multiple_of3A] : memref<100000xf32, #tpu.memory_space<vmem_shared>> -> memref<6256xf32, #tpu.memory_space<vmem_shared>>
        tpu.enqueue_dma source(%dma_start3A_75 : memref<6256xf32, #tpu.memory_space<vmem_shared>>) target(%dma_start3A : memref<6256xf32, #tpu.memory_space<hbm>>) target_semaphore(%run_scoped3A : memref<!tpu.dma_semaphore, #tpu.memory_space<semaphore_mem>>)
        %dma_wait3A = tpu.memref_slice %arg7[%multiple_of3A_74] : memref<200000xf32, #tpu.memory_space<hbm>> -> memref<6256xf32, #tpu.memory_space<hbm>>
        %dma_wait3A_76 = tpu.memref_slice %arg31[%multiple_of3A] : memref<100000xf32, #tpu.memory_space<vmem_shared>> -> memref<6256xf32, #tpu.memory_space<vmem_shared>>
        tpu.wait_dma2 semaphore(%run_scoped3A : memref<!tpu.dma_semaphore, #tpu.memory_space<semaphore_mem>>) src(%dma_wait3A_76 : memref<6256xf32, #tpu.memory_space<vmem_shared>>) dst(%dma_wait3A : memref<6256xf32, #tpu.memory_space<hbm>>)
        tpu.yield
      }) : () -> ()
    } else {
    }
    %eq3A_68 = arith.constant 15 : i32
    %eq3A_69 = arith.cmpi eq, %arg1, %eq3A_68 : i32
    %convert_element_type3A_70 = arith.extui %eq3A_69 : i1 to i32
    %cond3A_71 = arith.constant 0 : i32
    %cond3A_72 = arith.cmpi ne, %convert_element_type3A_70, %cond3A_71 : i32
    scf.if %cond3A_72 {
      %add3A_73 = arith.constant 93840 : i32
      %add3A_74 = arith.addi %mul3A_62, %add3A_73 : i32
      %multiple_of3A_75 = tpu.assume_multiple %add3A_74, 8 : i32
      "tpu.region"() ({
        %run_scoped3A = tpu.sem_alloc : memref<!tpu.dma_semaphore, #tpu.memory_space<semaphore_mem>>
        %dma_start3A = tpu.memref_slice %arg7[%multiple_of3A_75] : memref<200000xf32, #tpu.memory_space<hbm>> -> memref<6160xf32, #tpu.memory_space<hbm>>
        %dma_start3A_76 = arith.constant 93840 : i32
        %dma_start3A_77 = tpu.memref_slice %arg31[%dma_start3A_76] : memref<100000xf32, #tpu.memory_space<vmem_shared>> -> memref<6160xf32, #tpu.memory_space<vmem_shared>>
        tpu.enqueue_dma source(%dma_start3A_77 : memref<6160xf32, #tpu.memory_space<vmem_shared>>) target(%dma_start3A : memref<6160xf32, #tpu.memory_space<hbm>>) target_semaphore(%run_scoped3A : memref<!tpu.dma_semaphore, #tpu.memory_space<semaphore_mem>>)
        %dma_wait3A = tpu.memref_slice %arg7[%multiple_of3A_75] : memref<200000xf32, #tpu.memory_space<hbm>> -> memref<6160xf32, #tpu.memory_space<hbm>>
        %dma_wait3A_78 = arith.constant 93840 : i32
        %dma_wait3A_79 = tpu.memref_slice %arg31[%dma_wait3A_78] : memref<100000xf32, #tpu.memory_space<vmem_shared>> -> memref<6160xf32, #tpu.memory_space<vmem_shared>>
        tpu.wait_dma2 semaphore(%run_scoped3A : memref<!tpu.dma_semaphore, #tpu.memory_space<semaphore_mem>>) src(%dma_wait3A_79 : memref<6160xf32, #tpu.memory_space<vmem_shared>>) dst(%dma_wait3A : memref<6160xf32, #tpu.memory_space<hbm>>)
        tpu.yield
      }) : () -> ()
    } else {
    }
    return
  }
}

module attributes {stable_mosaic.version = 14 : i64} {
  func.func @_combine_body(%arg0: memref<2x100000xf32, #tpu.memory_space<vmem>>, %arg1: memref<100000xf32, #tpu.memory_space<vmem>>) attributes {dimension_semantics = [], scalar_prefetch = 0 : i64, scratch_operands = 0 : i64, tpu.core_type = #tpu.core_type<tc>} {
    %get3A = arith.constant 0 : index
    %get3A_0 = arith.constant 0 : index
    %get3A_1 = vector.load %arg0[%get3A, %get3A_0] : memref<2x100000xf32, #tpu.memory_space<vmem>>, vector<1x100000xf32>
    %get3A_2 = vector.shape_cast %get3A_1 : vector<1x100000xf32> to vector<100000xf32>
    %get3A_3 = arith.constant 1 : index
    %get3A_4 = arith.constant 0 : index
    %get3A_5 = vector.load %arg0[%get3A_3, %get3A_4] : memref<2x100000xf32, #tpu.memory_space<vmem>>, vector<1x100000xf32>
    %get3A_6 = vector.shape_cast %get3A_5 : vector<1x100000xf32> to vector<100000xf32>
    %add3A = arith.addf %get3A_2, %get3A_6 : vector<100000xf32>
    %swap3A = arith.constant 0 : index
    %swap3A_7 = vector.load %arg1[%swap3A] : memref<100000xf32, #tpu.memory_space<vmem>>, vector<100000xf32>
    tpu.vector_store %arg1[%swap3A], %add3A {strides = array<i32>} : memref<100000xf32, #tpu.memory_space<vmem>>, vector<100000xf32>,
    return
  }
}

</mosaic_0001>

<sc_bundles>
// kernel: kernel.4.cloned.1.call-start
scs
__scs_entry_jumppad:
0x0: {  	(pc) =	sbr.rel $0x88, $3  }
0x1: {  	(tag) =	ssettag $0x0;
	lr =	simm.s32 $0x1  }
0x2: {  	[smem:$0x3F9E] =	sst lr;
	_ =	strace $0xD0000000  }
0x3: {  	_ = 	snop  }
0x4: {  	_ = 	snop  }
0x5: {  	_ = 	snop  }
0x6: {  	_ = 	snop  }
0x7: {  	_ = 	snop  }
__scs_overlays_trampoline_lowered:
0x8: {  	[smem:$0x3FAD] =	sst s0  }
0x9: {  	[smem:$0x3FAE] =	sst s1  }
0xa: {  	[smem:$0x3FAF] =	sst s2  }
0xb: {  	[smem:$0x3FB0] =	sst s3  }
0xc: {  	[smem:$0x3FB1] =	sst s4  }
0xd: {  	[smem:$0x3FB2] =	sst s5  }
0xe: {  	[smem:$0x3FB3] =	sst s6  }
0xf: {  	[smem:$0x3FB4] =	sst s7  }
0x10: {  	[smem:$0x3FB5] =	sst s8  }
0x11: {  	[smem:$0x3FB6] =	sst s9;
	s0 =	simm.s32 @!p0 $0x0  }
0x12: {  	s1 =	sld [smem:$0x3F9C];
	s0 =	simm.s32 @p0 $0x1  }
0x13: {  	[smem:$0x3FB7] =	sst s0;
	s0 =	simm.s32 @!p1 $0x0  }
0x14: {  	s2 =	sld [smem:$0x3F9B];
	s0 =	simm.s32 @p1 $0x1  }
0x15: {  	[smem:$0x3FB8] =	sst s0;
	s0 =	simm.s32 @!p2 $0x0  }
0x16: {  	s3 =	sld [smem:$0x3FDB];
	s0 =	simm.s32 @p2 $0x1  }
0x17: {  	s4 =	simm.s32 $0x1BF5;
	[smem:$0x3FBA] =	sst s0  }
0x18: {  	s0 =	sld [smem:$0x3F9D];
	_ =	swait.ge [sflag:s4], $0x0  }
0x19: {  	s7 =	sld [smem:$0x3F9E]  }
0x1a: {  	s8 =	sadd.s32 $0xFFFFE003, lr  }
0x1b: {  	s9 =	sadd.s32 $0xFFFFFEF7, lr;
	s5 =	simm.s32 $0xFFFFFFFF;
	p2 =	slt.u32 s8, $0xFFFFF086  }
0x1c: {  	p1 =	slt.u32 s9, $0xF7A;
	s5 =	simm.s32 @!p2 $0x0  }
0x1d: {  	s5 =	simm.s32 @p1 $0x1;
	p0 =	seq.s32 s7, s2  }
0x1e: {  	s7 =	smul.u32 @!p0 $0xF7A, s2;
	p2 =	seq.s32 @!p0 s5, $0x0  }
0x1f: {  	s9 =	smul.u32 $0xF7A, s1;
	s8 =	simm.s32 @!p0 $0x1BF5;
	p2 =	por !p2, p0  }
0x20: {  	[sflag:s8] =	ssyncset.s32 @!p0 $0xFFFFF086;
	s6 =	sadd.s32 @!p0 s3, s7;
	s7 =	simm.s32 @!p0 $0x108  }
0x21: {  	s3 =	sadd.s32 s3, s9;
	s6 =	sadd.s32 @!p0 $0x88, s6;
	s7 =	simm.s32 @p2 $0x1082  }
0x22: {  	[simem:s7], [sflag:s8] =	dma.local @!p0 [hbm:s6], $0xF7A  }
0x23: {  	s9 =	sor.u32 $0xD0000000, s2;
	s6 =	simm.s32 $0x108;
	_ =	swait.ge @!p0 [sflag:s8], $0x0  }
0x24: {  	s3 =	sadd.s32 $0x88, s3;
	s6 =	simm.s32 @!p1 $0x1082;
	[sflag:s4] =	ssyncset.s32 $0xFFFFF086  }
0x25: {  	[simem:s6], [sflag:s4] =	dma.local [hbm:s3], $0xF7A  }
0x26: {  	[smem:$0x3F9E] =	sst s1;
	(tag) =	ssettag s2;
	_ =	strace s9  }
0x27: {  	s1 =	sld [smem:$0x3FAE]  }
0x28: {  	s2 =	sld [smem:$0x3FAF]  }
0x29: {  	s4 =	sld [smem:$0x3FB1]  }
0x2a: {  	p0 =	seq.s32 s5, $0x0;
	s5 =	sld [smem:$0x3FB2]  }
0x2b: {  	s6 =	sld [smem:$0x3FB3]  }
0x2c: {  	s7 =	sld [smem:$0x3FB4]  }
0x2d: {  	s3 =	simm.s32 $0x108;
	s8 =	sld [smem:$0x3FB5]  }
0x2e: {  	s3 =	simm.s32 @!p0 $0x1082;
	s9 =	sld [smem:$0x3FB6]  }
0x2f: {  	lr =	sadd.s32 s0, s3;
	s0 =	sld [smem:$0x3FAD]  }
0x30: {  	s3 =	sld [smem:$0x3FB0]  }
0x31: {  	[smem:$0x3FB9] =	sst s10  }
0x32: {  	s10 =	sld [smem:$0x3FB7];
	_ =	sdelay $0x3  }
0x33: {  	p0 =	seq.s32 s10, $0x1;
	s10 =	sld [smem:$0x3FB9];
	_ =	sdelay $0x3  }
0x34: {  	[smem:$0x3FB9] =	sst s10  }
0x35: {  	s10 =	sld [smem:$0x3FB8];
	_ =	sdelay $0x3  }
0x36: {  	p1 =	seq.s32 s10, $0x1;
	s10 =	sld [smem:$0x3FB9];
	_ =	sdelay $0x3  }
0x37: {  	[smem:$0x3FB9] =	sst s10  }
0x38: {  	s10 =	sld [smem:$0x3FBA]  }
0x39: {  	_ = 	snop;
	(pc) =	sbr.ind lr, $3  }
0x3a: {  	_ = 	snop  }
0x3b: {  	_ = 	snop  }
0x3c: {  	p2 =	seq.s32 s10, $0x1;
	s10 =	sld [smem:$0x3FB9]  }
0x3d: {  	_ =	shalt  }
0x3e: {  	_ =	shalt  }
0x3f: {  	_ =	shalt  }
0x40: {  	_ =	shalt  }
0x41: {  	_ =	shalt  }
0x42: {  	_ =	shalt  }
0x43: {  	_ =	shalt  }
0x44: {  	_ =	shalt  }
0x45: {  	_ =	shalt  }
0x46: {  	_ =	shalt  }
0x47: {  	_ =	shalt  }
0x48: {  	_ =	shalt  }
0x49: {  	_ =	shalt  }
0x4a: {  	_ =	shalt  }
0x4b: {  	_ =	shalt  }
0x4c: {  	_ =	shalt  }
0x4d: {  	_ =	shalt  }
0x4e: {  	_ =	shalt  }
0x4f: {  	_ =	shalt  }
0x50: {  	_ =	shalt  }
0x51: {  	_ =	shalt  }
0x52: {  	_ =	shalt  }
0x53: {  	_ =	shalt  }
0x54: {  	_ =	shalt  }
0x55: {  	_ =	shalt  }
0x56: {  	_ =	shalt  }
0x57: {  	_ =	shalt  }
0x58: {  	_ =	shalt  }
0x59: {  	_ =	shalt  }
0x5a: {  	_ =	shalt  }
0x5b: {  	_ =	shalt  }
0x5c: {  	_ =	shalt  }
0x5d: {  	_ =	shalt  }
0x5e: {  	_ =	shalt  }
0x5f: {  	_ =	shalt  }
0x60: {  	_ =	shalt  }
0x61: {  	_ =	shalt  }
0x62: {  	_ =	shalt  }
0x63: {  	_ =	shalt  }
0x64: {  	_ =	shalt  }
0x65: {  	_ =	shalt  }
0x66: {  	_ =	shalt  }
0x67: {  	_ =	shalt  }
0x68: {  	_ =	shalt  }
0x69: {  	_ =	shalt  }
0x6a: {  	_ =	shalt  }
0x6b: {  	_ =	shalt  }
0x6c: {  	_ =	shalt  }
0x6d: {  	_ =	shalt  }
0x6e: {  	_ =	shalt  }
0x6f: {  	_ =	shalt  }
0x70: {  	_ =	shalt  }
0x71: {  	_ =	shalt  }
0x72: {  	_ =	shalt  }
0x73: {  	_ =	shalt  }
0x74: {  	_ =	shalt  }
0x75: {  	_ =	shalt  }
0x76: {  	_ =	shalt  }
0x77: {  	_ =	shalt  }
0x78: {  	_ =	shalt  }
0x79: {  	_ =	shalt  }
0x7a: {  	_ =	shalt  }
0x7b: {  	_ =	shalt  }
0x7c: {  	_ =	shalt  }
0x7d: {  	_ =	shalt  }
0x7e: {  	_ =	shalt  }
0x7f: {  	_ =	shalt  }
0x80: {  	_ =	shalt  }
0x81: {  	_ =	shalt  }
0x82: {  	_ =	shalt  }
0x83: {  	_ =	shalt  }
0x84: {  	_ =	shalt  }
0x85: {  	_ =	shalt  }
0x86: {  	_ =	shalt  }
0x87: {  	_ =	shalt  }
.Lfunc_end0:
.L_simem_size_0:
called_computation_lowered:
.L_overlay_start_0:
0x88: {  	s2 =	sld [smem:$0x3FD9]  }
0x89: {  	s3 =	sld [smem:$0x3FFE];
	_ =	sdelay $0x1  }
0x8a: {  	s1 =	srdreg.scid  }
0x8b: {  	s0 =	sand.u32 $0x1, s1  }
0x8c: {  	s17 =	sshll.u32 s0, $0xA;
	s2 =	sadd.s32 s3, s2  }
0x8d: {  	s2 =	sadd.s32 s2, s17  }
0x8e: {  	[smem:$0x3FC5] =	sst s2  }
0x8f: {  	_ = 	snop  }
0x90: {  	s2 =	sld [smem:$0x3FC8];
	(tm) =	ssettm $0x1  }
0x91: {  	s18 =	sld [smem:$0x3FFB];
	_ =	sdelay $0x3  }
0x92: {  	_ =	strace s18  }
0x93: {  	s3 =	sld [smem:$0x3FFC];
	_ =	sdelay $0x3  }
0x94: {  	_ =	strace s3  }
0x95: {  	s3 =	sld [smem:$0x3FFD];
	_ =	sdelay $0x3  }
0x96: {  	_ =	strace s3  }
0x97: {  	_ =	strace $0x8FFFFFFF  }
0x98: {  	s19 =	sld [smem:$0x3FDB];
	_ =	sdelay $0x1  }
0x99: {  	s4 =	simm.s32 $_scs_section_size  }
0x9a: {  	s5 =	simm.s32 $_size__tile_overlayer_lowered;
	s6 =	simm.s32 $_tile_overlayer_lowered  }
0x9b: {  	s22 =	simm.s32 $0x1BFF;
	s21 =	sshll.u32 s6, $0x1;
	s3 =	sadd.s32 s4, s19  }
0x9c: {  	s7 =	simm.s32 $0x0;
	s20 =	sshll.u32 s5, $0x1;
	s5 =	sadd.s32 s21, s3  }
0x9d: {  	[timem:s7], [sflag:s22] =	dma.local [hbm:s5], s20  }
0x9e: {  	_ =	swait.ge [sflag:s22], s20  }
0x9f: {  	s4 =	ssub.s32 $0x0, s20;
	[sflag:s22] =	ssyncset.done $0x0  }
0xa0: {  	[sflag:s22] =	ssyncadd.s32 s4;
	_ =	sdelay $0x1  }
0xa1: {  	s23 =	simm.s32 $0x1B8B  }
0xa2: {  	_ =	swait.ge [sflag:s23], $0x1  }
0xa3: {  	[sflag:s23] =	ssyncset.done $0x0  }
0xa4: {  	s25 =	simm.s32 $0x1B8E;
	s24 =	sld [smem:$0x3FFE];
	[sflag:s23] =	ssyncadd.s32 $0xFFFFFFFF  }
0xa5: {  	s26 =	simm.s32 $execute0_lowered;
	[smem:$0x3FD2] =	sst s25  }
0xa6: {  	s5 =	sshll.u32 s26, $0x1;
	_ =	strace $0x80000046;
	[dreg:$0x1] =	wrdreg $0xFFFFFFFF  }
0xa7: {  	s28 =	simm.s32 $_size_execute0_lowered;
	s3 =	sadd.s32 s3, s5;
	[dreg:$0x0] =	wrdreg $0x0  }
0xa8: {  	s5 =	sshll.u32 s28, $0x1;
	[dreg:$0x2] =	wrdreg s3  }
0xa9: {  	[dreg:$0x3] =	wrdreg s5  }
0xaa: {  	[dreg:$0x4] =	wrdreg $0xC0  }
0xab: {  	_ =	task [dreg:s7], $0x5FFFF  }
0xac: {  	[dreg:$0x1] =	wrdreg $0xFFFFFFFF  }
0xad: {  	[dreg:$0x0] =	wrdreg $0x60  }
0xae: {  	[dreg:$0x2] =	wrdreg s24  }
0xaf: {  	[dreg:$0x3] =	wrdreg s2  }
0xb0: {  	[dreg:$0x4] =	wrdreg $0x1C8700  }
0xb1: {  	[dreg:$0x5] =	wrdreg $0x9  }
0xb2: {  	_ =	task.clear_ibuf [dreg:s7], $0x6FFFF;
	_ =	strace $0x90000046  }
0xb3: {  	s29 =	simm.s32 $0x9;
	_ =	strace $0x80000048  }
0xb4: {  	_ =	swait.ge [sflag:s29], $0x1  }
0xb5: {  	[sflag:s29] =	ssyncadd.s32 $0xFFFFFFFF  }
0xb6: {  	_ =	strace $0x90000048  }
0xb7: {  	_ =	sfence  }
0xb8: {  	s30 =	sld [smem:$0x0];
	_ =	sdelay $0x2  }
0xb9: {  	s31 =	sshll.u32 s1, $0xD;
	s1 =	sshrl.u32 s1, $0x2  }
0xba: {  	s3 =	sand.u32 $0x4000, s31;
	s1 =	sadd.s32 s1, s30  }
0xbb: {  	s0 =	sor.u32 s3, s0;
	s1 =	sshll.u32 s1, $0x11  }
0xbc: {  	s0 =	sor.u32 s1, s0  }
0xbd: {  	s0 =	sadd.s32 $0x8F2B, s0  }
0xbe: {  	[sflag:s0] =	ssyncadd.remote.s32 $0x1  }
0xbf: {  	_ =	sfence.sel $0xFFFF  }
0xc0: {  	[dreg:$0x0] =	wrdreg $0xFFFFFFFF;
	(pc) =	sbr.abs _section_cstart, $3  }
0xc1: {  	[dreg:$0x1] =	wrdreg $0xFFFFFFFF  }
0xc2: {  	_ =	task.clear_ibuf [dreg:s7], $0x2FFFF;
	_ =	strace $0x9FFFFFFF  }
0xc3: {  	(tm) =	ssettm $0x7FFFFFFF  }
tec
execute0_lowered:
.L_overlay_start_1:
0x0: {  	(tag) =	ssettag $0x1  }
0x1: {  	s0 =	rddreg [dreg:$0x0]  }
0x2: {  	s1 =	rddreg [dreg:$0x1]  }
0x3: {  	s30 =	rddreg [dreg:$0x2];
	s2 =	simm.s32 $0x0;
	s3 =	srdreg.scid  }
0x4: {  	s12 =	stileid.u32;
	s28 =	simm.s32 $0x1;
	s29 =	simm.s32 $0x800  }
0x5: {  	s31 =	simm.s32 $0xA000;
	[smem:$0x7FF] =	sst s2;
	s4 =	sadd.s32 $0x187000, s0  }
0x6: {  	s6 =	sadd.s32 $0x262E00, s0;
	s7 =	sadd.s32 $0x19F800, s0;
	s3 =	sand.u32 $0x1, s3  }
0x7: {  	s8 =	sadd.s32 $0x600, s0;
	s10 =	sshll.u32 s12, $0x1;
	s11 =	smul.u32 $0x1870, s12  }
0x8: {  	s0 =	sadd.s32 $0xC3C00, s0;
	s17 =	sadd.s32 $0x16E90, s30;
	p0 =	seq.s32 s12, $0xF  }
0x9: {  	s12 =	simm.s32 $0x2;
	_ =	strace $0x80000047;
	s5 =	ssub.s32 $0x2, s3  }
0xa: {  	s13 =	sor.u32 s3, s10;
	s3 =	smul.u32 $0x186A0, s3;
	[dreg:$0x7] =	wrdreg s17  }
0xb: {  	s9 =	sshrl.u32 s5, $0x1;
	s22 =	sor.u32 $0x80, s13;
	[dreg:$0x5] =	wrdreg s13  }
0xc: {  	s15 =	sadd.s32 s11, s30;
	s24 =	sor.u32 $0xA0, s13;
	[dreg:$0x10] =	wrdreg s22  }
0xd: {  	s25 =	sshll.u32 s13, $0x9;
	s10 =	sshll.u32 s13, $0x8;
	[dreg:$0x11] =	wrdreg s24  }
0xe: {  	s5 =	ssub.s32 s5, s9;
	s9 =	sadd.s32 s1, s25;
	[dreg:$0x6] =	wrdreg s15  }
0xf: {  	s18 =	sor.u32 $0x20, s13;
	s26 =	sadd.s32 s6, s10;
	[dreg:$0x8] =	wrdreg s9  }
0x10: {  	s14 =	sadd.s32 s7, s10;
	s16 =	sadd.s32 s8, s10;
	[dreg:$0x9] =	wrdreg s26  }
0x11: {  	s19 =	sshll.u32 s18, $0x9;
	s23 =	sadd.s32 s11, s3;
	[dreg:$0xa] =	wrdreg s14  }
0x12: {  	s3 =	sshrl.u32 s3, $0x3;
	s25 =	ssub.s32 $0xC15, s13;
	[dreg:$0xb] =	wrdreg s16  }
0x13: {  	s24 =	simm.s32 $0x5;
	s10 =	sadd.s32 s1, s19;
	[dreg:$0x13] =	wrdreg s25  }
0x14: {  	s9 =	sshll.u32 s18, $0x8;
	s26 =	smax.u32 s5, $0x1;
	[dreg:$0xc] =	wrdreg s10  }
0x15: {  	s20 =	sadd.s32 s6, s9;
	s21 =	sadd.s32 s7, s9;
	[dreg:$0x15] =	wrdreg s26  }
.Ltmp0:
0x16: {  	s9 =	sadd.s32 s8, s9;
	[dreg:$0xd] =	wrdreg s20;
	(pc) =	sbr.rel .LBB2_1-.Ltmp0, $4  }
0x17: {  	s5 =	simm.s32 $0x3;
	[dreg:$0xf] =	wrdreg s9;
	s9 =	sshrl.u32 s23, $0x3  }
0x18: {  	[dreg:$0xe] =	wrdreg s21;
	s9 =	sadd.s32 s0, s9;
	s0 =	sadd.s32 s0, s3  }
0x19: {  	v1 =	vlaneseq.u32;
	s14 =	simm.s32 $0xE000;
	[dreg:$0x12] =	wrdreg s9;
	s0 =	sadd.s32 $0x2DD2, s0  }
0x1a: {  	v0 =	vimm.f32 $0.0e+00;
	v1 =	vmul.u32 $0x8, v1;
	s16 =	simm.s32 $0x16000;
	s26 =	simm.s32 $0x12000;
	[dreg:$0x14] =	wrdreg s0  }
.LBB2_37:
0x1b: {  	[bflag:$0x0] =	sbarrier.arrive $0xFFFF  }
0x1c: {  	s17 =	rddreg [dreg:$0x7]  }
0x1d: {  	s2 =	simm.s32 @p0 $0x1FC7;
	s3 =	rddreg [dreg:$0x14];
	s0 =	sshrl.u32 @p0 s17, $0x3  }
0x1e: {  	[hbm:s3], [sflag:s2] =	dma.local @p0 [spmem:s0], $0x302  }
0x1f: {  	s0 =	simm.s32 @p0 $0x7  }
0x20: {  	_ =	swait.ge @p0 [sflag:s0], $0x302  }
0x21: {  	s2 =	stileid.u32;
	s15 =	rddreg [dreg:$0x6]  }
0x22: {  	s2 =	sshll.u32 @!p0 s2, $0x6;
	[sflag:s0] =	ssyncset.done @p0 $0x0;
	s3 =	rddreg [dreg:$0x12]  }
0x23: {  	[sflag:s0] =	ssyncadd.s32 @p0 $0xFFFFFCFE;
	s0 =	sor.u32 @!p0 $0x1C07, s2;
	s2 =	sshrl.u32 @!p0 s15, $0x3  }
0x24: {  	[hbm:s3], [sflag:s0] =	dma.local @!p0 [spmem:s2], $0x30E  }
0x25: {  	s0 =	simm.s32 @!p0 $0x7  }
0x26: {  	_ =	swait.ge @!p0 [sflag:s0], $0x30E  }
0x27: {  	s23 =	rddreg [dreg:$0x4]  }
0x28: {  	s25 =	rddreg [dreg:$0x15];
	s2 =	sadd.s32 $0x1, s23  }
0x29: {  	p1 =	sne.s32 s2, s25  }
.Ltmp1:
0x2a: {  	_ = 	snop;
	(pc) =	sbr.rel @!p1 .LBB2_38-.Ltmp1, $3  }
0x2b: {  	_ =	sdelay $0x1  }
0x2c: {  	[sflag:s0] =	ssyncset.done @!p0 $0x0  }
0x2d: {  	[sflag:s0] =	ssyncadd.s32 @!p0 $0xFFFFFCF2  }
.LBB2_1:
0x2e: {  	s0 =	simm.s32 $0x40;
	s3 =	simm.s32 $0x0  }
.LBB2_2:
0x2f: {  	p1 =	sne.s32 s0, $0x6180;
	[tilespmem:s3+$0x1B000] =	vst v0;
	s3 =	smov.u32 s0;
	s0 =	sadd.s32 $0x40, s0  }
.Ltmp2:
0x30: {  	(pc) =	sbr.rel @p1 .LBB2_2-.Ltmp2, $2  }
0x31: {  	_ =	sdelay $0x2  }
0x32: {  	s3 =	sshra.s32 s3, $0x2  }
0x33: {  	[tilespmem:s3+$0x1B000] =	vst v0;
	s0 =	simm.s32 @p0 $0x1B000  }
0x34: {  	[spmem:s17] =	stream.linear.scatter @p0 [tilespmem:s0], [sflag:$0x7], $0x1810, $0x38;
	[tilespmem:$0x1E0E0] =	vst v63  }
0x35: {  	s0 =	simm.s32 @p0 $0x7  }
0x36: {  	_ =	swait.ge @p0 [sflag:s0], $0x1810  }
0x37: {  	[sflag:s0] =	ssyncset.done @p0 $0x0  }
0x38: {  	[sflag:s0] =	ssyncadd.s32 @p0 $0xFFFFE7F0;
	s0 =	simm.s32 @!p0 $0x1B000  }
0x39: {  	[spmem:s15] =	stream.linear.scatter @!p0 [tilespmem:s0], [sflag:$0x7], $0x1870, $0x38;
	[tilespmem:$0x1E0E0] =	vst v63  }
0x3a: {  	s0 =	simm.s32 @!p0 $0x7  }
0x3b: {  	_ =	swait.ge @!p0 [sflag:s0], $0x1870  }
0x3c: {  	[sflag:s0] =	ssyncset.done @!p0 $0x0  }
0x3d: {  	[sflag:s0] =	ssyncadd.s32 @!p0 $0xFFFFE790  }
0x3e: {  	[bflag:$0x0] =	sbarrier.arrive $0xFFFF  }
0x3f: {  	s0 =	simm.s32 $0x0;
	s23 =	rddreg [dreg:$0x8]  }
0x40: {  	[tilespmem:s0], [sflag:$0x1] =	stream.linear.gather [hbm4b:s23+s0], $0x1000, $0x38;
	[tilespmem:$0x1E0E0] =	vst v63  }
0x41: {  	s9 =	simm.s32 $0x7000;
	s25 =	rddreg [dreg:$0x9]  }
0x42: {  	[tilespmem:s9], [sflag:$0x1] =	stream.linear.gather [hbm4b:s25+s0], $0x800, $0x38;
	[tilespmem:$0x1E0E0] =	vst v63  }
0x43: {  	s11 =	simm.s32 $0x8000;
	s10 =	rddreg [dreg:$0xa]  }
0x44: {  	[tilespmem:s11], [sflag:$0x1] =	stream.linear.gather [hbm4b:s10+s0], $0x800, $0x38;
	[tilespmem:$0x1E0E0] =	vst v63  }
0x45: {  	s15 =	simm.s32 $0x9000;
	s13 =	rddreg [dreg:$0xb]  }
0x46: {  	[tilespmem:s15], [sflag:$0x1] =	stream.linear.gather [hbm4b:s13+s0], $0x800, $0x38;
	[tilespmem:$0x1E0E0] =	vst v63  }
0x47: {  	s18 =	simm.s32 $0x1000;
	s17 =	rddreg [dreg:$0xc]  }
0x48: {  	[tilespmem:s18], [sflag:$0x2] =	stream.linear.gather [hbm4b:s17+s0], $0x1000, $0x38;
	[tilespmem:$0x1E0E0] =	vst v63  }
0x49: {  	s20 =	simm.s32 $0x7800;
	s19 =	rddreg [dreg:$0xd]  }
0x4a: {  	[tilespmem:s20], [sflag:$0x2] =	stream.linear.gather [hbm4b:s19+s0], $0x800, $0x38;
	[tilespmem:$0x1E0E0] =	vst v63  }
0x4b: {  	s22 =	simm.s32 $0x8800;
	s21 =	rddreg [dreg:$0xe]  }
0x4c: {  	[tilespmem:s22], [sflag:$0x2] =	stream.linear.gather [hbm4b:s21+s0], $0x800, $0x38;
	[tilespmem:$0x1E0E0] =	vst v63  }
0x4d: {  	s23 =	rddreg [dreg:$0xf];
	s25 =	simm.s32 $0x9800  }
0x4e: {  	[tilespmem:s25], [sflag:$0x2] =	stream.linear.gather [hbm4b:s23+s0], $0x800, $0x38;
	[tilespmem:$0x1E0E0] =	vst v63  }
0x4f: {  	_ =	swait.ge [sflag:s28], $0x1000  }
0x50: {  	[sflag:s28] =	ssyncset.done $0x0  }
0x51: {  	[sflag:s28] =	ssyncadd.s32 $0xFFFFF000  }
0x52: {  	_ =	swait.ge [sflag:s28], $0x800  }
0x53: {  	[sflag:s28] =	ssyncset.done $0x0  }
0x54: {  	[sflag:s28] =	ssyncadd.s32 $0xFFFFF800  }
0x55: {  	_ =	swait.ge [sflag:s28], $0x800  }
0x56: {  	[sflag:s28] =	ssyncset.done $0x0  }
0x57: {  	[sflag:s28] =	ssyncadd.s32 $0xFFFFF800  }
0x58: {  	_ =	swait.ge [sflag:s28], $0x800  }
0x59: {  	[sflag:s28] =	ssyncset.done $0x0  }
0x5a: {  	s11 =	simm.s32 $0x80;
	[sflag:s28] =	ssyncadd.s32 $0xFFFFF800  }
0x5b: {  	v2 =	vld [tilespmem:s11+$0xFFFFFF80];
	_ =	sdelay $0x3  }
0x5c: {  	s3 =	simm.s32 $0x0  }
0x5d: {  	[tilespmem:s3+$0x4000] =	vst v2  }
0x5e: {  	v2 =	vld [tilespmem:s11+$0x0];
	_ =	sdelay $0x4  }
0x5f: {  	[tilespmem:s3+$0x6000] =	vst v2  }
0x60: {  	v2 =	vld [tilespmem:s11+$0xFFFFFF90];
	_ =	sdelay $0x2  }
0x61: {  	s13 =	simm.s32 $0x180  }
0x62: {  	v3 =	vld [tilespmem:s13+$0xFFFFFF80]  }
0x63: {  	[tilespmem:s3+$0x4010] =	vst v2  }
0x64: {  	v2 =	vld [tilespmem:s11+$0x10];
	_ =	sdelay $0x1  }
0x65: {  	s10 =	simm.s32 $0x80  }
0x66: {  	[tilespmem:s10+$0x4000] =	vst v3  }
0x67: {  	v3 =	vld [tilespmem:s13+$0x0]  }
0x68: {  	[tilespmem:s3+$0x6010] =	vst v2  }
0x69: {  	v2 =	vld [tilespmem:s11+$0xFFFFFFA0];
	_ =	sdelay $0x2  }
0x6a: {  	[tilespmem:s10+$0x6000] =	vst v3  }
0x6b: {  	v3 =	vld [tilespmem:s13+$0xFFFFFF90]  }
0x6c: {  	[tilespmem:s3+$0x4020] =	vst v2  }
0x6d: {  	v2 =	vld [tilespmem:s11+$0x20]  }
0x6e: {  	s18 =	simm.s32 $0x280  }
0x6f: {  	v4 =	vld [tilespmem:s18+$0xFFFFFF80]  }
0x70: {  	[tilespmem:s10+$0x4010] =	vst v3  }
0x71: {  	v3 =	vld [tilespmem:s13+$0x10]  }
0x72: {  	[tilespmem:s3+$0x6020] =	vst v2  }
0x73: {  	s15 =	simm.s32 $0x100;
	v2 =	vld [tilespmem:s11+$0xFFFFFFB0]  }
0x74: {  	[tilespmem:s15+$0x4000] =	vst v4  }
0x75: {  	v4 =	vld [tilespmem:s18+$0x0]  }
0x76: {  	[tilespmem:s10+$0x6010] =	vst v3  }
0x77: {  	v3 =	vld [tilespmem:s13+$0xFFFFFFA0]  }
0x78: {  	[tilespmem:s3+$0x4030] =	vst v2  }
0x79: {  	v2 =	vld [tilespmem:s11+$0x30]  }
0x7a: {  	[tilespmem:s15+$0x6000] =	vst v4  }
0x7b: {  	v4 =	vld [tilespmem:s18+$0xFFFFFF90]  }
0x7c: {  	[tilespmem:s10+$0x4020] =	vst v3  }
0x7d: {  	s22 =	simm.s32 $0x380;
	v3 =	vld [tilespmem:s13+$0x20]  }
0x7e: {  	[tilespmem:s3+$0x6030] =	vst v2;
	v2 =	vld [tilespmem:s22+$0xFFFFFF80]  }
0x7f: {  	v5 =	vld [tilespmem:s11+$0xFFFFFFC0]  }
0x80: {  	[tilespmem:s15+$0x4010] =	vst v4  }
0x81: {  	v4 =	vld [tilespmem:s18+$0x10]  }
0x82: {  	s19 =	simm.s32 $0x180;
	[tilespmem:s10+$0x6020] =	vst v3  }
0x83: {  	v3 =	vld [tilespmem:s13+$0xFFFFFFB0];
	[tilespmem:s19+$0x4000] =	vst v2  }
0x84: {  	v2 =	vld [tilespmem:s22+$0x0];
	[tilespmem:s3+$0x4040] =	vst v5  }
0x85: {  	v5 =	vld [tilespmem:s11+$0x40]  }
0x86: {  	[tilespmem:s15+$0x6010] =	vst v4  }
0x87: {  	v4 =	vld [tilespmem:s18+$0xFFFFFFA0]  }
0x88: {  	[tilespmem:s10+$0x4030] =	vst v3  }
0x89: {  	v3 =	vld [tilespmem:s13+$0x30];
	[tilespmem:s19+$0x6000] =	vst v2  }
0x8a: {  	v2 =	vld [tilespmem:s22+$0xFFFFFF90];
	[tilespmem:s3+$0x6040] =	vst v5  }
0x8b: {  	v5 =	vld [tilespmem:s11+$0xFFFFFFD0]  }
0x8c: {  	[tilespmem:s15+$0x4020] =	vst v4  }
0x8d: {  	s0 =	simm.s32 $0x480;
	v4 =	vld [tilespmem:s18+$0x20]  }
0x8e: {  	[tilespmem:s10+$0x6030] =	vst v3;
	v3 =	vld [tilespmem:s0+$0xFFFFFF80]  }
0x8f: {  	[tilespmem:s19+$0x4010] =	vst v2;
	v2 =	vld [tilespmem:s13+$0xFFFFFFC0]  }
0x90: {  	v6 =	vld [tilespmem:s22+$0x10];
	[tilespmem:s3+$0x4050] =	vst v5  }
0x91: {  	v5 =	vld [tilespmem:s11+$0x50]  }
0x92: {  	s17 =	simm.s32 $0x200;
	[tilespmem:s15+$0x6020] =	vst v4  }
0x93: {  	v4 =	vld [tilespmem:s18+$0xFFFFFFB0];
	[tilespmem:s17+$0x4000] =	vst v3  }
0x94: {  	v3 =	vld [tilespmem:s0+$0x0];
	[tilespmem:s10+$0x4040] =	vst v2  }
0x95: {  	[tilespmem:s19+$0x6010] =	vst v6;
	v2 =	vld [tilespmem:s13+$0x40]  }
0x96: {  	v6 =	vld [tilespmem:s22+$0xFFFFFFA0];
	[tilespmem:s3+$0x6050] =	vst v5  }
0x97: {  	v7 =	vld [tilespmem:s11+$0xFFFFFFE0]  }
0x98: {  	[tilespmem:s15+$0x4030] =	vst v4  }
0x99: {  	v4 =	vld [tilespmem:s18+$0x30];
	[tilespmem:s17+$0x6000] =	vst v3  }
0x9a: {  	v8 =	vld [tilespmem:s0+$0xFFFFFF90];
	[tilespmem:s10+$0x6040] =	vst v2  }
0x9b: {  	[tilespmem:s19+$0x4020] =	vst v6;
	v3 =	vld [tilespmem:s13+$0xFFFFFFD0]  }
0x9c: {  	v5 =	vld [tilespmem:s22+$0x20];
	[tilespmem:s3+$0x4060] =	vst v7  }
0x9d: {  	s20 =	simm.s32 $0x580;
	v2 =	vld [tilespmem:s11+$0x60]  }
0x9e: {  	[tilespmem:s15+$0x6030] =	vst v4;
	v6 =	vld [tilespmem:s20+$0xFFFFFF80]  }
0x9f: {  	s21 =	simm.s32 $0xC00;
	s23 =	simm.s32 $0xA00;
	v4 =	vld [tilespmem:s18+$0xFFFFFFC0];
	[tilespmem:s17+$0x4010] =	vst v8  }
.LBB2_4:
0xa0: {  	p1 =	sne.s32 s21, $0x1E00;
	v7 =	vld [tilespmem:s0+$0x10];
	[tilespmem:s10+$0x4050] =	vst v3  }
0xa1: {  	[tilespmem:s19+$0x6020] =	vst v5;
	v3 =	vld [tilespmem:s13+$0x50]  }
0xa2: {  	s9 =	sshra.s32 s23, $0x2;
	s23 =	smov.u32 s21;
	v5 =	vld [tilespmem:s22+$0xFFFFFFB0];
	[tilespmem:s3+$0x6060] =	vst v2  }
0xa3: {  	[tilespmem:s9+$0x4000] =	vst v6;
	v2 =	vld [tilespmem:s11+$0xFFFFFFF0]  }
0xa4: {  	v6 =	vld [tilespmem:s20+$0x0];
	[tilespmem:s15+$0x4040] =	vst v4  }
0xa5: {  	[tilespmem:s17+$0x6010] =	vst v7;
	v4 =	vld [tilespmem:s18+$0x40]  }
0xa6: {  	v7 =	vld [tilespmem:s0+$0xFFFFFFA0];
	[tilespmem:s10+$0x6050] =	vst v3  }
0xa7: {  	[tilespmem:s19+$0x4030] =	vst v5;
	v8 =	vld [tilespmem:s13+$0xFFFFFFE0]  }
0xa8: {  	v9 =	vld [tilespmem:s22+$0x30];
	[tilespmem:s3+$0x4070] =	vst v2  }
0xa9: {  	[tilespmem:s9+$0x6000] =	vst v6;
	v10 =	vld [tilespmem:s11+$0x70];
	s11 =	smov.u32 s13;
	s13 =	smov.u32 s18;
	s18 =	smov.u32 s22  }
0xaa: {  	s22 =	smov.u32 s0;
	s0 =	smov.u32 s20;
	v11 =	vld [tilespmem:s20+$0xFFFFFF90];
	[tilespmem:s15+$0x6040] =	vst v4  }
.Ltmp3:
0xab: {  	[tilespmem:s17+$0x4020] =	vst v7;
	v3 =	vld [tilespmem:s13+$0xFFFFFFD0];
	(pc) =	sbr.rel @p1 .LBB2_4-.Ltmp3, $4  }
0xac: {  	v5 =	vld [tilespmem:s22+$0x20];
	[tilespmem:s10+$0x4060] =	vst v8  }
0xad: {  	s20 =	sadd.s32 $0x100, s20;
	[tilespmem:s19+$0x6030] =	vst v9;
	v2 =	vld [tilespmem:s11+$0x60]  }
0xae: {  	v6 =	vld [tilespmem:s20+$0xFFFFFF80];
	[tilespmem:s3+$0x6070] =	vst v10;
	s3 =	smov.u32 s10;
	s10 =	smov.u32 s15;
	s15 =	smov.u32 s19  }
0xaf: {  	s21 =	sadd.s32 $0x200, s21;
	s19 =	smov.u32 s17;
	s17 =	smov.u32 s9;
	[tilespmem:s9+$0x4010] =	vst v11;
	v4 =	vld [tilespmem:s18+$0xFFFFFFC0]  }
0xb0: {  	_ =	sdelay $0x1  }
0xb1: {  	[dreg:$0x4] =	wrdreg s2;
	s21 =	sshra.s32 s23, $0x2  }
0xb2: {  	[tilespmem:s21+$0x4000] =	vst v6  }
0xb3: {  	v6 =	vld [tilespmem:s20+$0x0];
	_ =	sdelay $0x4  }
0xb4: {  	[tilespmem:s21+$0x6000] =	vst v6  }
0xb5: {  	v6 =	vld [tilespmem:s20+$0xFFFFFF90];
	_ =	sdelay $0x3  }
0xb6: {  	v7 =	vld [tilespmem:s0+$0x10]  }
0xb7: {  	[tilespmem:s21+$0x4010] =	vst v6  }
0xb8: {  	v6 =	vld [tilespmem:s20+$0x10];
	_ =	sdelay $0x2  }
0xb9: {  	[tilespmem:s17+$0x6010] =	vst v7  }
0xba: {  	v7 =	vld [tilespmem:s0+$0xFFFFFFA0]  }
0xbb: {  	[tilespmem:s21+$0x6010] =	vst v6  }
0xbc: {  	v6 =	vld [tilespmem:s20+$0xFFFFFFA0];
	_ =	sdelay $0x2  }
0xbd: {  	[tilespmem:s17+$0x4020] =	vst v7  }
0xbe: {  	v7 =	vld [tilespmem:s0+$0x20]  }
0xbf: {  	[tilespmem:s21+$0x4020] =	vst v6  }
0xc0: {  	v6 =	vld [tilespmem:s20+$0x20];
	_ =	sdelay $0x1  }
0xc1: {  	[tilespmem:s19+$0x6020] =	vst v5  }
0xc2: {  	v5 =	vld [tilespmem:s22+$0xFFFFFFB0];
	[tilespmem:s17+$0x6020] =	vst v7  }
0xc3: {  	v7 =	vld [tilespmem:s0+$0xFFFFFFB0]  }
0xc4: {  	[tilespmem:s21+$0x6020] =	vst v6  }
0xc5: {  	v6 =	vld [tilespmem:s20+$0xFFFFFFB0];
	_ =	sdelay $0x1  }
0xc6: {  	[tilespmem:s19+$0x4030] =	vst v5  }
0xc7: {  	v5 =	vld [tilespmem:s22+$0x30];
	[tilespmem:s17+$0x4030] =	vst v7  }
0xc8: {  	v7 =	vld [tilespmem:s0+$0x30]  }
0xc9: {  	[tilespmem:s21+$0x4030] =	vst v6  }
0xca: {  	v6 =	vld [tilespmem:s20+$0x30];
	_ =	sdelay $0x1  }
0xcb: {  	[tilespmem:s19+$0x6030] =	vst v5  }
0xcc: {  	v5 =	vld [tilespmem:s22+$0xFFFFFFC0];
	[tilespmem:s17+$0x6030] =	vst v7  }
0xcd: {  	v7 =	vld [tilespmem:s0+$0xFFFFFFC0]  }
0xce: {  	[tilespmem:s21+$0x6030] =	vst v6  }
0xcf: {  	v6 =	vld [tilespmem:s20+$0xFFFFFFC0]  }
0xd0: {  	[tilespmem:s15+$0x4040] =	vst v4  }
0xd1: {  	v4 =	vld [tilespmem:s18+$0x40];
	[tilespmem:s19+$0x4040] =	vst v5  }
0xd2: {  	v5 =	vld [tilespmem:s22+$0x40];
	[tilespmem:s17+$0x4040] =	vst v7  }
0xd3: {  	v7 =	vld [tilespmem:s0+$0x40]  }
0xd4: {  	[tilespmem:s21+$0x4040] =	vst v6  }
0xd5: {  	v6 =	vld [tilespmem:s20+$0x40]  }
0xd6: {  	[tilespmem:s15+$0x6040] =	vst v4  }
0xd7: {  	v4 =	vld [tilespmem:s18+$0xFFFFFFD0];
	[tilespmem:s19+$0x6040] =	vst v5  }
0xd8: {  	v5 =	vld [tilespmem:s22+$0xFFFFFFD0];
	[tilespmem:s17+$0x6040] =	vst v7  }
0xd9: {  	v7 =	vld [tilespmem:s0+$0xFFFFFFD0]  }
0xda: {  	[tilespmem:s21+$0x6040] =	vst v6  }
0xdb: {  	[tilespmem:s10+$0x4050] =	vst v3;
	v6 =	vld [tilespmem:s20+$0xFFFFFFD0]  }
0xdc: {  	v3 =	vld [tilespmem:s13+$0x50];
	[tilespmem:s15+$0x4050] =	vst v4  }
0xdd: {  	v4 =	vld [tilespmem:s18+$0x50];
	[tilespmem:s19+$0x4050] =	vst v5  }
0xde: {  	v5 =	vld [tilespmem:s22+$0x50];
	[tilespmem:s17+$0x4050] =	vst v7  }
0xdf: {  	v7 =	vld [tilespmem:s0+$0x50]  }
0xe0: {  	[tilespmem:s21+$0x4050] =	vst v6  }
0xe1: {  	[tilespmem:s10+$0x6050] =	vst v3;
	v6 =	vld [tilespmem:s20+$0x50]  }
0xe2: {  	v3 =	vld [tilespmem:s13+$0xFFFFFFE0];
	[tilespmem:s15+$0x6050] =	vst v4  }
0xe3: {  	v4 =	vld [tilespmem:s18+$0xFFFFFFE0];
	[tilespmem:s19+$0x6050] =	vst v5  }
0xe4: {  	v5 =	vld [tilespmem:s22+$0xFFFFFFE0];
	[tilespmem:s17+$0x6050] =	vst v7  }
0xe5: {  	v7 =	vld [tilespmem:s0+$0xFFFFFFE0]  }
0xe6: {  	[tilespmem:s21+$0x6050] =	vst v6  }
0xe7: {  	[tilespmem:s10+$0x4060] =	vst v3;
	v6 =	vld [tilespmem:s20+$0xFFFFFFE0]  }
0xe8: {  	v3 =	vld [tilespmem:s13+$0x60];
	[tilespmem:s15+$0x4060] =	vst v4  }
0xe9: {  	v4 =	vld [tilespmem:s18+$0x60];
	[tilespmem:s19+$0x4060] =	vst v5  }
0xea: {  	v5 =	vld [tilespmem:s22+$0x60];
	[tilespmem:s17+$0x4060] =	vst v7  }
0xeb: {  	[tilespmem:s3+$0x6060] =	vst v2;
	v7 =	vld [tilespmem:s0+$0x60]  }
0xec: {  	[tilespmem:s21+$0x4060] =	vst v6  }
0xed: {  	[tilespmem:s10+$0x6060] =	vst v3;
	v2 =	vld [tilespmem:s20+$0x60]  }
0xee: {  	v3 =	vld [tilespmem:s13+$0xFFFFFFF0];
	[tilespmem:s15+$0x6060] =	vst v4  }
0xef: {  	v4 =	vld [tilespmem:s18+$0xFFFFFFF0];
	[tilespmem:s19+$0x6060] =	vst v5  }
0xf0: {  	v5 =	vld [tilespmem:s22+$0xFFFFFFF0];
	[tilespmem:s17+$0x6060] =	vst v7  }
0xf1: {  	v7 =	vld [tilespmem:s0+$0xFFFFFFF0]  }
0xf2: {  	v63 =	vld [tilespmem:s11+$0xFFFFFFF0];
	[tilespmem:s21+$0x6060] =	vst v2  }
0xf3: {  	[tilespmem:s10+$0x4070] =	vst v3;
	v2 =	vld [tilespmem:s20+$0xFFFFFFF0]  }
0xf4: {  	v3 =	vld [tilespmem:s13+$0x70];
	[tilespmem:s15+$0x4070] =	vst v4  }
0xf5: {  	v4 =	vld [tilespmem:s18+$0x70];
	[tilespmem:s19+$0x4070] =	vst v5  }
0xf6: {  	v5 =	vld [tilespmem:s22+$0x70];
	[tilespmem:s17+$0x4070] =	vst v7  }
0xf7: {  	[tilespmem:s3+$0x4070] =	vst v63;
	v7 =	vld [tilespmem:s0+$0x70]  }
0xf8: {  	v6 =	vld [tilespmem:s11+$0x70];
	[tilespmem:s21+$0x4070] =	vst v2  }
0xf9: {  	[tilespmem:s10+$0x6070] =	vst v3;
	v2 =	vld [tilespmem:s20+$0x70]  }
0xfa: {  	[tilespmem:s15+$0x6070] =	vst v4  }
0xfb: {  	[tilespmem:s19+$0x6070] =	vst v5  }
0xfc: {  	[tilespmem:s17+$0x6070] =	vst v7  }
0xfd: {  	[tilespmem:s3+$0x6070] =	vst v6  }
.Ltmp4:
0xfe: {  	s23 =	simm.s32 $0x4000;
	[tilespmem:s21+$0x6070] =	vst v2;
	(pc) =	sbr.rel .LBB2_6-.Ltmp4, $4  }
0xff: {  	[tilespmem:s31], [sflag:$0x3] =	stream.indirect.gather [hbm4b:s4+s29], $0x8, s23, s29, $0xb8;
	[tilespmem:$0x1E0E0] =	vst v63  }
0x100: {  	s25 =	simm.s32 $0x6000  }
0x101: {  	[tilespmem:s26], [sflag:$0x3] =	stream.indirect.gather [hbm4b:s4+s29], $0x8, s25, s29, $0xb8;
	[tilespmem:$0x1E0E0] =	vst v63  }
0x102: {  	s25 =	simm.s32 $0x0  }
.LBB2_36:
0x103: {  	s0 =	rddreg [dreg:$0x11]  }
0x104: {  	s0 =	sadd.s32 s0, s10  }
0x105: {  	p1 =	sgt.u32 s0, $0xC34  }
0x106: {  	s2 =	sshll.u32 @!p1 s0, $0x9;
	s3 =	simm.s32 @!p1 $0x0  }
0x107: {  	s9 =	simm.s32 @!p1 $0x1000;
	s0 =	sshll.u32 @!p1 s0, $0x8;
	s2 =	sadd.s32 @!p1 s1, s2  }
0x108: {  	[tilespmem:s9], [sflag:$0x2] =	stream.linear.gather @!p1 [hbm4b:s2+s3], $0x1000, $0x38;
	[tilespmem:$0x1E0E0] =	vst v63  }
0x109: {  	s2 =	sadd.s32 @!p1 s6, s0;
	s9 =	simm.s32 @!p1 $0x7800  }
0x10a: {  	[tilespmem:s9], [sflag:$0x2] =	stream.linear.gather @!p1 [hbm4b:s2+s3], $0x800, $0x38;
	[tilespmem:$0x1E0E0] =	vst v63  }
0x10b: {  	s2 =	sadd.s32 @!p1 s7, s0;
	s9 =	simm.s32 @!p1 $0x8800  }
0x10c: {  	[tilespmem:s9], [sflag:$0x2] =	stream.linear.gather @!p1 [hbm4b:s2+s3], $0x800, $0x38;
	[tilespmem:$0x1E0E0] =	vst v63  }
0x10d: {  	s25 =	sadd.s32 $0x1, s25;
	s0 =	sadd.s32 @!p1 s8, s0;
	s2 =	simm.s32 @!p1 $0x9800  }
0x10e: {  	[tilespmem:s2], [sflag:$0x2] =	stream.linear.gather @!p1 [hbm4b:s0+s3], $0x800, $0x38;
	[tilespmem:$0x1E0E0] =	vst v63  }
0x10f: {  	p1 =	sne.s32 s25, $0x19  }
.Ltmp5:
0x110: {  	_ = 	snop;
	(pc) =	sbr.rel @!p1 .LBB2_37-.Ltmp5, $1  }
0x111: {  	_ =	sdelay $0x3  }
.LBB2_6:
0x112: {  	_ =	swait.ge [sflag:s5], $0x4000  }
0x113: {  	[sflag:s5] =	ssyncset.done $0x0  }
0x114: {  	[sflag:s5] =	ssyncadd.s32 $0xFFFFC000  }
0x115: {  	_ =	swait.ge [sflag:s5], $0x4000  }
0x116: {  	s10 =	sshll.u32 s25, $0x7;
	s0 =	rddreg [dreg:$0x13]  }
0x117: {  	p1 =	sge.u32 s10, s0  }
.Ltmp6:
0x118: {  	_ = 	snop;
	(pc) =	sbr.rel @p1 .LBB2_10-.Ltmp6, $3  }
0x119: {  	_ =	sdelay $0x1  }
0x11a: {  	[sflag:s5] =	ssyncset.done $0x0  }
0x11b: {  	[sflag:s5] =	ssyncadd.s32 $0xFFFFC000  }
0x11c: {  	_ =	swait.ge [sflag:s12], $0x1000  }
0x11d: {  	[sflag:s12] =	ssyncset.done $0x0  }
0x11e: {  	[sflag:s12] =	ssyncadd.s32 $0xFFFFF000  }
0x11f: {  	_ =	swait.ge [sflag:s12], $0x800  }
0x120: {  	[sflag:s12] =	ssyncset.done $0x0  }
0x121: {  	[sflag:s12] =	ssyncadd.s32 $0xFFFFF800  }
0x122: {  	_ =	swait.ge [sflag:s12], $0x800  }
0x123: {  	[sflag:s12] =	ssyncset.done $0x0  }
0x124: {  	[sflag:s12] =	ssyncadd.s32 $0xFFFFF800  }
0x125: {  	_ =	swait.ge [sflag:s12], $0x800  }
0x126: {  	[sflag:s12] =	ssyncset.done $0x0  }
0x127: {  	s13 =	simm.s32 $0x1080;
	[sflag:s12] =	ssyncadd.s32 $0xFFFFF800  }
0x128: {  	v2 =	vld [tilespmem:s13+$0xFFFFFF80];
	_ =	sdelay $0x3  }
0x129: {  	s3 =	simm.s32 $0x0  }
0x12a: {  	[tilespmem:s3+$0x4800] =	vst v2  }
0x12b: {  	v2 =	vld [tilespmem:s13+$0x0];
	_ =	sdelay $0x4  }
0x12c: {  	[tilespmem:s3+$0x6800] =	vst v2  }
0x12d: {  	v2 =	vld [tilespmem:s13+$0xFFFFFF90];
	_ =	sdelay $0x2  }
0x12e: {  	s15 =	simm.s32 $0x1180  }
0x12f: {  	v3 =	vld [tilespmem:s15+$0xFFFFFF80]  }
0x130: {  	[tilespmem:s3+$0x4810] =	vst v2  }
0x131: {  	v2 =	vld [tilespmem:s13+$0x10];
	_ =	sdelay $0x1  }
0x132: {  	s11 =	simm.s32 $0x80  }
0x133: {  	[tilespmem:s11+$0x4800] =	vst v3  }
0x134: {  	v3 =	vld [tilespmem:s15+$0x0]  }
0x135: {  	[tilespmem:s3+$0x6810] =	vst v2  }
0x136: {  	v2 =	vld [tilespmem:s13+$0xFFFFFFA0];
	_ =	sdelay $0x2  }
0x137: {  	[tilespmem:s11+$0x6800] =	vst v3  }
0x138: {  	v3 =	vld [tilespmem:s15+$0xFFFFFF90]  }
0x139: {  	[tilespmem:s3+$0x4820] =	vst v2  }
0x13a: {  	v2 =	vld [tilespmem:s13+$0x20]  }
0x13b: {  	s19 =	simm.s32 $0x1280  }
0x13c: {  	v4 =	vld [tilespmem:s19+$0xFFFFFF80]  }
0x13d: {  	[tilespmem:s11+$0x4810] =	vst v3  }
0x13e: {  	v3 =	vld [tilespmem:s15+$0x10]  }
0x13f: {  	[tilespmem:s3+$0x6820] =	vst v2  }
0x140: {  	s18 =	simm.s32 $0x100;
	v2 =	vld [tilespmem:s13+$0xFFFFFFB0]  }
0x141: {  	[tilespmem:s18+$0x4800] =	vst v4  }
0x142: {  	v4 =	vld [tilespmem:s19+$0x0]  }
0x143: {  	[tilespmem:s11+$0x6810] =	vst v3  }
0x144: {  	v3 =	vld [tilespmem:s15+$0xFFFFFFA0]  }
0x145: {  	[tilespmem:s3+$0x4830] =	vst v2  }
0x146: {  	v2 =	vld [tilespmem:s13+$0x30]  }
0x147: {  	[tilespmem:s18+$0x6800] =	vst v4  }
0x148: {  	v4 =	vld [tilespmem:s19+$0xFFFFFF90]  }
0x149: {  	[tilespmem:s11+$0x4820] =	vst v3  }
0x14a: {  	s0 =	simm.s32 $0x1380;
	v3 =	vld [tilespmem:s15+$0x20]  }
0x14b: {  	[tilespmem:s3+$0x6830] =	vst v2;
	v2 =	vld [tilespmem:s0+$0xFFFFFF80]  }
0x14c: {  	v5 =	vld [tilespmem:s13+$0xFFFFFFC0]  }
0x14d: {  	[tilespmem:s18+$0x4810] =	vst v4  }
0x14e: {  	v4 =	vld [tilespmem:s19+$0x10]  }
0x14f: {  	s22 =	simm.s32 $0x180;
	[tilespmem:s11+$0x6820] =	vst v3  }
0x150: {  	v3 =	vld [tilespmem:s15+$0xFFFFFFB0];
	[tilespmem:s22+$0x4800] =	vst v2  }
0x151: {  	v2 =	vld [tilespmem:s0+$0x0];
	[tilespmem:s3+$0x4840] =	vst v5  }
0x152: {  	v5 =	vld [tilespmem:s13+$0x40]  }
0x153: {  	[tilespmem:s18+$0x6810] =	vst v4  }
0x154: {  	v4 =	vld [tilespmem:s19+$0xFFFFFFA0]  }
0x155: {  	[tilespmem:s11+$0x4830] =	vst v3  }
0x156: {  	v3 =	vld [tilespmem:s15+$0x30];
	[tilespmem:s22+$0x6800] =	vst v2  }
0x157: {  	v2 =	vld [tilespmem:s0+$0xFFFFFF90];
	[tilespmem:s3+$0x6840] =	vst v5  }
0x158: {  	v5 =	vld [tilespmem:s13+$0xFFFFFFD0]  }
0x159: {  	[tilespmem:s18+$0x4820] =	vst v4  }
0x15a: {  	s17 =	simm.s32 $0x1480;
	v4 =	vld [tilespmem:s19+$0x20]  }
0x15b: {  	[tilespmem:s11+$0x6830] =	vst v3;
	v3 =	vld [tilespmem:s17+$0xFFFFFF80]  }
0x15c: {  	[tilespmem:s22+$0x4810] =	vst v2;
	v2 =	vld [tilespmem:s15+$0xFFFFFFC0]  }
0x15d: {  	v6 =	vld [tilespmem:s0+$0x10];
	[tilespmem:s3+$0x4850] =	vst v5  }
0x15e: {  	v5 =	vld [tilespmem:s13+$0x50]  }
0x15f: {  	s30 =	simm.s32 $0x200;
	[tilespmem:s18+$0x6820] =	vst v4  }
0x160: {  	v4 =	vld [tilespmem:s19+$0xFFFFFFB0];
	[tilespmem:s30+$0x4800] =	vst v3  }
0x161: {  	v3 =	vld [tilespmem:s17+$0x0];
	[tilespmem:s11+$0x4840] =	vst v2  }
0x162: {  	[tilespmem:s22+$0x6810] =	vst v6;
	v2 =	vld [tilespmem:s15+$0x40]  }
0x163: {  	v6 =	vld [tilespmem:s0+$0xFFFFFFA0];
	[tilespmem:s3+$0x6850] =	vst v5  }
0x164: {  	v7 =	vld [tilespmem:s13+$0xFFFFFFE0]  }
0x165: {  	[tilespmem:s18+$0x4830] =	vst v4  }
0x166: {  	v4 =	vld [tilespmem:s19+$0x30];
	[tilespmem:s30+$0x6800] =	vst v3  }
0x167: {  	v8 =	vld [tilespmem:s17+$0xFFFFFF90];
	[tilespmem:s11+$0x6840] =	vst v2  }
0x168: {  	[tilespmem:s22+$0x4820] =	vst v6;
	v3 =	vld [tilespmem:s15+$0xFFFFFFD0]  }
0x169: {  	v5 =	vld [tilespmem:s0+$0x20];
	[tilespmem:s3+$0x4860] =	vst v7  }
0x16a: {  	s20 =	simm.s32 $0x1580;
	v2 =	vld [tilespmem:s13+$0x60]  }
0x16b: {  	[tilespmem:s18+$0x6830] =	vst v4;
	v6 =	vld [tilespmem:s20+$0xFFFFFF80]  }
0x16c: {  	s23 =	simm.s32 $0xA00;
	s21 =	simm.s32 $0xC00;
	v4 =	vld [tilespmem:s19+$0xFFFFFFC0];
	[tilespmem:s30+$0x4810] =	vst v8  }
.LBB2_8:
0x16d: {  	p2 =	sne.s32 s21, $0x1E00;
	v7 =	vld [tilespmem:s17+$0x10];
	[tilespmem:s11+$0x4850] =	vst v3  }
0x16e: {  	[tilespmem:s22+$0x6820] =	vst v5;
	v3 =	vld [tilespmem:s15+$0x50]  }
0x16f: {  	s9 =	sshra.s32 s23, $0x2;
	s23 =	smov.u32 s21;
	v5 =	vld [tilespmem:s0+$0xFFFFFFB0];
	[tilespmem:s3+$0x6860] =	vst v2  }
0x170: {  	[tilespmem:s9+$0x4800] =	vst v6;
	v2 =	vld [tilespmem:s13+$0xFFFFFFF0]  }
0x171: {  	v6 =	vld [tilespmem:s20+$0x0];
	[tilespmem:s18+$0x4840] =	vst v4  }
0x172: {  	[tilespmem:s30+$0x6810] =	vst v7;
	v4 =	vld [tilespmem:s19+$0x40]  }
0x173: {  	v7 =	vld [tilespmem:s17+$0xFFFFFFA0];
	[tilespmem:s11+$0x6850] =	vst v3  }
0x174: {  	[tilespmem:s22+$0x4830] =	vst v5;
	v8 =	vld [tilespmem:s15+$0xFFFFFFE0]  }
0x175: {  	v9 =	vld [tilespmem:s0+$0x30];
	[tilespmem:s3+$0x4870] =	vst v2  }
0x176: {  	[tilespmem:s9+$0x6800] =	vst v6;
	v10 =	vld [tilespmem:s13+$0x70];
	s13 =	smov.u32 s15;
	s15 =	smov.u32 s19;
	s19 =	smov.u32 s0  }
0x177: {  	s0 =	smov.u32 s17;
	s17 =	smov.u32 s20;
	v11 =	vld [tilespmem:s20+$0xFFFFFF90];
	[tilespmem:s18+$0x6840] =	vst v4  }
.Ltmp7:
0x178: {  	[tilespmem:s30+$0x4820] =	vst v7;
	v3 =	vld [tilespmem:s15+$0xFFFFFFD0];
	(pc) =	sbr.rel @p2 .LBB2_8-.Ltmp7, $4  }
0x179: {  	v5 =	vld [tilespmem:s0+$0x20];
	[tilespmem:s11+$0x4860] =	vst v8  }
0x17a: {  	s20 =	sadd.s32 $0x100, s20;
	[tilespmem:s22+$0x6830] =	vst v9;
	v2 =	vld [tilespmem:s13+$0x60]  }
0x17b: {  	v6 =	vld [tilespmem:s20+$0xFFFFFF80];
	[tilespmem:s3+$0x6870] =	vst v10;
	s3 =	smov.u32 s11;
	s11 =	smov.u32 s18;
	s18 =	smov.u32 s22  }
0x17c: {  	s21 =	sadd.s32 $0x200, s21;
	s22 =	smov.u32 s30;
	s30 =	smov.u32 s9;
	[tilespmem:s9+$0x4810] =	vst v11;
	v4 =	vld [tilespmem:s19+$0xFFFFFFC0]  }
0x17d: {  	_ =	sdelay $0x1  }
0x17e: {  	s21 =	sshra.s32 s23, $0x2  }
0x17f: {  	[tilespmem:s21+$0x4800] =	vst v6  }
0x180: {  	v6 =	vld [tilespmem:s20+$0x0];
	_ =	sdelay $0x4  }
0x181: {  	[tilespmem:s21+$0x6800] =	vst v6  }
0x182: {  	v6 =	vld [tilespmem:s20+$0xFFFFFF90];
	_ =	sdelay $0x3  }
0x183: {  	v7 =	vld [tilespmem:s17+$0x10]  }
0x184: {  	[tilespmem:s21+$0x4810] =	vst v6  }
0x185: {  	v6 =	vld [tilespmem:s20+$0x10];
	_ =	sdelay $0x2  }
0x186: {  	[tilespmem:s30+$0x6810] =	vst v7  }
0x187: {  	v7 =	vld [tilespmem:s17+$0xFFFFFFA0]  }
0x188: {  	[tilespmem:s21+$0x6810] =	vst v6  }
0x189: {  	v6 =	vld [tilespmem:s20+$0xFFFFFFA0];
	_ =	sdelay $0x2  }
0x18a: {  	[tilespmem:s30+$0x4820] =	vst v7  }
0x18b: {  	v7 =	vld [tilespmem:s17+$0x20]  }
0x18c: {  	[tilespmem:s21+$0x4820] =	vst v6  }
0x18d: {  	v6 =	vld [tilespmem:s20+$0x20];
	_ =	sdelay $0x1  }
0x18e: {  	[tilespmem:s22+$0x6820] =	vst v5  }
0x18f: {  	v5 =	vld [tilespmem:s0+$0xFFFFFFB0];
	[tilespmem:s30+$0x6820] =	vst v7  }
0x190: {  	v7 =	vld [tilespmem:s17+$0xFFFFFFB0]  }
0x191: {  	[tilespmem:s21+$0x6820] =	vst v6  }
0x192: {  	v6 =	vld [tilespmem:s20+$0xFFFFFFB0];
	_ =	sdelay $0x1  }
0x193: {  	[tilespmem:s22+$0x4830] =	vst v5  }
0x194: {  	v5 =	vld [tilespmem:s0+$0x30];
	[tilespmem:s30+$0x4830] =	vst v7  }
0x195: {  	v7 =	vld [tilespmem:s17+$0x30]  }
0x196: {  	[tilespmem:s21+$0x4830] =	vst v6  }
0x197: {  	v6 =	vld [tilespmem:s20+$0x30];
	_ =	sdelay $0x1  }
0x198: {  	[tilespmem:s22+$0x6830] =	vst v5  }
0x199: {  	v5 =	vld [tilespmem:s0+$0xFFFFFFC0];
	[tilespmem:s30+$0x6830] =	vst v7  }
0x19a: {  	v7 =	vld [tilespmem:s17+$0xFFFFFFC0]  }
0x19b: {  	[tilespmem:s21+$0x6830] =	vst v6  }
0x19c: {  	v6 =	vld [tilespmem:s20+$0xFFFFFFC0]  }
0x19d: {  	[tilespmem:s18+$0x4840] =	vst v4  }
0x19e: {  	v4 =	vld [tilespmem:s19+$0x40];
	[tilespmem:s22+$0x4840] =	vst v5  }
0x19f: {  	v5 =	vld [tilespmem:s0+$0x40];
	[tilespmem:s30+$0x4840] =	vst v7  }
0x1a0: {  	v7 =	vld [tilespmem:s17+$0x40]  }
0x1a1: {  	[tilespmem:s21+$0x4840] =	vst v6  }
0x1a2: {  	v6 =	vld [tilespmem:s20+$0x40]  }
0x1a3: {  	[tilespmem:s18+$0x6840] =	vst v4  }
0x1a4: {  	v4 =	vld [tilespmem:s19+$0xFFFFFFD0];
	[tilespmem:s22+$0x6840] =	vst v5  }
0x1a5: {  	v5 =	vld [tilespmem:s0+$0xFFFFFFD0];
	[tilespmem:s30+$0x6840] =	vst v7  }
0x1a6: {  	v7 =	vld [tilespmem:s17+$0xFFFFFFD0]  }
0x1a7: {  	[tilespmem:s21+$0x6840] =	vst v6  }
0x1a8: {  	[tilespmem:s11+$0x4850] =	vst v3;
	v6 =	vld [tilespmem:s20+$0xFFFFFFD0]  }
0x1a9: {  	v3 =	vld [tilespmem:s15+$0x50];
	[tilespmem:s18+$0x4850] =	vst v4  }
0x1aa: {  	v4 =	vld [tilespmem:s19+$0x50];
	[tilespmem:s22+$0x4850] =	vst v5  }
0x1ab: {  	v5 =	vld [tilespmem:s0+$0x50];
	[tilespmem:s30+$0x4850] =	vst v7  }
0x1ac: {  	v7 =	vld [tilespmem:s17+$0x50]  }
0x1ad: {  	[tilespmem:s21+$0x4850] =	vst v6  }
0x1ae: {  	[tilespmem:s11+$0x6850] =	vst v3;
	v6 =	vld [tilespmem:s20+$0x50]  }
0x1af: {  	v3 =	vld [tilespmem:s15+$0xFFFFFFE0];
	[tilespmem:s18+$0x6850] =	vst v4  }
0x1b0: {  	v4 =	vld [tilespmem:s19+$0xFFFFFFE0];
	[tilespmem:s22+$0x6850] =	vst v5  }
0x1b1: {  	v5 =	vld [tilespmem:s0+$0xFFFFFFE0];
	[tilespmem:s30+$0x6850] =	vst v7  }
0x1b2: {  	v7 =	vld [tilespmem:s17+$0xFFFFFFE0]  }
0x1b3: {  	[tilespmem:s21+$0x6850] =	vst v6  }
0x1b4: {  	[tilespmem:s11+$0x4860] =	vst v3;
	v6 =	vld [tilespmem:s20+$0xFFFFFFE0]  }
0x1b5: {  	v3 =	vld [tilespmem:s15+$0x60];
	[tilespmem:s18+$0x4860] =	vst v4  }
0x1b6: {  	v4 =	vld [tilespmem:s19+$0x60];
	[tilespmem:s22+$0x4860] =	vst v5  }
0x1b7: {  	v5 =	vld [tilespmem:s0+$0x60];
	[tilespmem:s30+$0x4860] =	vst v7  }
0x1b8: {  	[tilespmem:s3+$0x6860] =	vst v2;
	v7 =	vld [tilespmem:s17+$0x60]  }
0x1b9: {  	[tilespmem:s21+$0x4860] =	vst v6  }
0x1ba: {  	[tilespmem:s11+$0x6860] =	vst v3;
	v2 =	vld [tilespmem:s20+$0x60]  }
0x1bb: {  	v3 =	vld [tilespmem:s15+$0xFFFFFFF0];
	[tilespmem:s18+$0x6860] =	vst v4  }
0x1bc: {  	v4 =	vld [tilespmem:s19+$0xFFFFFFF0];
	[tilespmem:s22+$0x6860] =	vst v5  }
0x1bd: {  	v5 =	vld [tilespmem:s0+$0xFFFFFFF0];
	[tilespmem:s30+$0x6860] =	vst v7  }
0x1be: {  	v7 =	vld [tilespmem:s17+$0xFFFFFFF0]  }
0x1bf: {  	v63 =	vld [tilespmem:s13+$0xFFFFFFF0];
	[tilespmem:s21+$0x6860] =	vst v2  }
0x1c0: {  	[tilespmem:s11+$0x4870] =	vst v3;
	v2 =	vld [tilespmem:s20+$0xFFFFFFF0]  }
0x1c1: {  	v3 =	vld [tilespmem:s15+$0x70];
	[tilespmem:s18+$0x4870] =	vst v4  }
0x1c2: {  	v4 =	vld [tilespmem:s19+$0x70];
	[tilespmem:s22+$0x4870] =	vst v5  }
0x1c3: {  	v5 =	vld [tilespmem:s0+$0x70];
	[tilespmem:s30+$0x4870] =	vst v7  }
0x1c4: {  	[tilespmem:s3+$0x4870] =	vst v63;
	v7 =	vld [tilespmem:s17+$0x70]  }
0x1c5: {  	v6 =	vld [tilespmem:s13+$0x70];
	[tilespmem:s21+$0x4870] =	vst v2  }
0x1c6: {  	[tilespmem:s11+$0x6870] =	vst v3;
	v2 =	vld [tilespmem:s20+$0x70]  }
0x1c7: {  	[tilespmem:s18+$0x6870] =	vst v4  }
0x1c8: {  	[tilespmem:s22+$0x6870] =	vst v5  }
0x1c9: {  	[tilespmem:s30+$0x6870] =	vst v7  }
0x1ca: {  	[tilespmem:s3+$0x6870] =	vst v6  }
0x1cb: {  	s22 =	simm.s32 $0x4800;
	[tilespmem:s21+$0x6870] =	vst v2  }
0x1cc: {  	[tilespmem:s14], [sflag:$0x4] =	stream.indirect.gather [hbm4b:s4+s29], $0x8, s22, s29, $0xb8;
	[tilespmem:$0x1E0E0] =	vst v63  }
0x1cd: {  	s23 =	simm.s32 $0x6800;
	s30 =	rddreg [dreg:$0x2]  }
0x1ce: {  	[tilespmem:s16], [sflag:$0x4] =	stream.indirect.gather [hbm4b:s4+s29], $0x8, s23, s29, $0xb8;
	[tilespmem:$0x1E0E0] =	vst v63  }
.LBB2_10:
0x1cf: {  	s0 =	simm.s32 $0x10;
	p3 =	seq.s32 s25, $0x0  }
0x1d0: {  	v2 =	vmov s0;
	s0 =	simm.s32 @!p3 $0x5  }
0x1d1: {  	_ =	swait.ge @!p3 [sflag:s0], $0x800  }
0x1d2: {  	[sflag:s0] =	ssyncset.done @!p3 $0x0  }
0x1d3: {  	s22 =	simm.s32 $0x8010;
	[sflag:s0] =	ssyncadd.s32 @!p3 $0xFFFFF800  }
0x1d4: {  	s23 =	simm.s32 $0x7010;
	v5 =	vld [tilespmem:s22+$0x0]  }
0x1d5: {  	v7 =	vld [tilespmem:s23+$0x0]  }
0x1d6: {  	s2 =	simm.s32 $0x9010;
	v16 =	vld [tilespmem:s23+$0xFFFFFFF0]  }
0x1d7: {  	s3 =	simm.s32 $0x0;
	v2 =	vshll.u32 v2, $0x3;
	v18 =	vld [tilespmem:s2+$0xFFFFFFF0]  }
0x1d8: {  	v3 =	vmov s3;
	v2 =	vor.u32 v1, v2;
	v21 =	vld [tilespmem:s22+$0xFFFFFFF0]  }
0x1d9: {  	s9 =	simm.s32 $0x30;
	s13 =	simm.s32 $0x8030;
	v3 =	vshll.u32 v3, $0x3;
	v22 =	vld [tilespmem:s2+$0x0]  }
0x1da: {  	s11 =	simm.s32 $0x20;
	s15 =	simm.s32 $0x7030;
	v17 =	vmov s9;
	v3 =	vor.u32 v1, v3;
	v23 =	vld [tilespmem:s13+$0x0]  }
0x1db: {  	v19 =	vmov s11;
	s11 =	simm.s32 $0x8070;
	v17 =	vshll.u32 v17, $0x3;
	v25 =	vld [tilespmem:s15+$0x0]  }
0x1dc: {  	v17 =	vor.u32 v1, v17;
	v36 =	vld [tilespmem:s11+$0xFFFFFFF0]  }
0x1dd: {  	v4 =	vor.u32 $0x1, v2;
	v9 =	vld.idx.msk [tilespmem:v2+s31+$0x0], $0xffff  }
0x1de: {  	v8 =	vor.u32 $0x2, v2;
	v2 =	vld.idx.msk [tilespmem:v2+s26+$0x0], $0xffff  }
0x1df: {  	v6 =	vor.u32 $0x2, v3;
	v14 =	vld.idx.msk [tilespmem:v3+s31+$0x0], $0xffff  }
0x1e0: {  	v11 =	vor.u32 $0x1, v3;
	v3 =	vld.idx.msk [tilespmem:v3+s26+$0x0], $0xffff  }
0x1e1: {  	v27 =	vld.idx.msk [tilespmem:v17+s31+$0x0], $0xffff  }
0x1e2: {  	v10 =	vld.idx.msk [tilespmem:v4+s26+$0x0], $0xffff  }
0x1e3: {  	v4 =	vld.idx.msk [tilespmem:v4+s31+$0x0], $0xffff  }
0x1e4: {  	v12 =	vld.idx.msk [tilespmem:v6+s26+$0x0], $0xffff  }
0x1e5: {  	v20 =	vor.u32 $0x1, v17;
	v13 =	vld.idx.msk [tilespmem:v8+s26+$0x0], $0xffff  }
0x1e6: {  	v15 =	vld.idx.msk [tilespmem:v11+s26+$0x0], $0xffff  }
0x1e7: {  	v19 =	vshll.u32 v19, $0x3;
	v8 =	vld.idx.msk [tilespmem:v8+s31+$0x0], $0xffff  }
0x1e8: {  	v19 =	vor.u32 v1, v19;
	v11 =	vld.idx.msk [tilespmem:v11+s31+$0x0], $0xffff  }
0x1e9: {  	v26 =	vor.u32 $0x2, v17;
	v6 =	vld.idx.msk [tilespmem:v6+s31+$0x0], $0xffff  }
0x1ea: {  	v24 =	vor.u32 $0x2, v19;
	v28 =	vld.idx.msk [tilespmem:v20+s26+$0x0], $0xffff  }
0x1eb: {  	v4 =	vsub.f32 v10, v4;
	v10 =	vld.idx.msk [tilespmem:v17+s26+$0x0], $0xffff  }
0x1ec: {  	v2 =	vsub.f32 v2, v9;
	v17 =	vld.idx.msk [tilespmem:v20+s31+$0x0], $0xffff  }
0x1ed: {  	v9 =	vor.u32 $0x1, v19;
	v3 =	vsub.f32 v3, v14;
	v8 =	vsub.f32 v13, v8;
	v13 =	vld.idx.msk [tilespmem:v19+s31+$0x0], $0xffff  }
0x1ee: {  	v6 =	vsub.f32 v12, v6;
	v12 =	vld.idx.msk [tilespmem:v26+s31+$0x0], $0xffff;
	v2 =	vadd.f32 v7, v2  }
0x1ef: {  	v20 =	vld.idx.msk [tilespmem:v24+s31+$0x0], $0xffff;
	v7 =	vsub.f32 v15, v11;
	v4 =	vadd.f32 v5, v4  }
0x1f0: {  	v11 =	vld.idx.msk [tilespmem:v26+s26+$0x0], $0xffff;
	v3 =	vadd.f32 v16, v3  }
0x1f1: {  	s17 =	simm.s32 $0x50;
	v5 =	vld.idx.msk [tilespmem:v24+s26+$0x0], $0xffff;
	v2 =	vmul.f32 v2, v2;
	v7 =	vadd.f32 v21, v7;
	v4 =	vmul.f32 v4, v4  }
0x1f2: {  	v14 =	vmov s17;
	v8 =	vadd.f32 v22, v8;
	v15 =	vld.idx.msk [tilespmem:v9+s26+$0x0], $0xffff  }
0x1f3: {  	v3 =	vmul.f32 v3, v3;
	v9 =	vld.idx.msk [tilespmem:v9+s31+$0x0], $0xffff;
	v2 =	vadd.f32 v4, v2;
	v4 =	vmul.f32 v7, v7  }
0x1f4: {  	v16 =	vld [tilespmem:s15+$0xFFFFFFF0];
	v6 =	vadd.f32 v18, v6;
	v8 =	vmul.f32 v8, v8;
	v10 =	vsub.f32 v10, v27  }
0x1f5: {  	v7 =	vld.idx.msk [tilespmem:v19+s26+$0x0], $0xffff;
	v3 =	vadd.f32 v4, v3;
	v4 =	vsub.f32 v28, v17;
	v17 =	vshll.u32 v14, $0x3  }
0x1f6: {  	s20 =	simm.s32 $0x8050;
	v22 =	vld [tilespmem:s13+$0xFFFFFFF0];
	v11 =	vsub.f32 v11, v12;
	v14 =	vadd.f32 v8, v2;
	v2 =	vor.u32 v1, v17  }
0x1f7: {  	s19 =	simm.s32 $0x40;
	s21 =	simm.s32 $0x7050;
	v6 =	vmul.f32 v6, v6;
	v12 =	vld [tilespmem:s20+$0x0];
	v10 =	vadd.f32 v25, v10;
	v5 =	vsub.f32 v5, v20  }
0x1f8: {  	s18 =	simm.s32 $0x9030;
	v25 =	vld [tilespmem:s21+$0x0];
	v8 =	vmov s19;
	v9 =	vsub.f32 v15, v9;
	v21 =	vor.u32 $0x1, v2  }
0x1f9: {  	v17 =	vld [tilespmem:s18+$0xFFFFFFF0];
	v10 =	vmul.f32 v10, v10;
	v4 =	vadd.f32 v23, v4;
	v19 =	vadd.f32 v6, v3  }
0x1fa: {  	v6 =	vld [tilespmem:s18+$0x0];
	v23 =	vshra.s32 v14, $0x1;
	v27 =	vor.u32 $0x2, v2;
	v7 =	vsub.f32 v7, v13  }
0x1fb: {  	v13 =	vsub.s32 $0x5F3759DF, v23;
	v3 =	vmul.f32 v4, v4;
	v4 =	vshll.u32 v8, $0x3;
	v28 =	vld.idx.msk [tilespmem:v2+s31+$0x0], $0xffff  }
0x1fc: {  	v9 =	vadd.f32 v22, v9;
	v18 =	vshra.s32 v19, $0x1;
	v4 =	vor.u32 v1, v4;
	v2 =	vld.idx.msk [tilespmem:v2+s26+$0x0], $0xffff  }
0x1fd: {  	v8 =	vmul.f32 $5.000000000e-01, v19;
	v26 =	vsub.s32 $0x5F3759DF, v18;
	v18 =	vmul.f32 $5.000000000e-01, v14;
	v29 =	vld.idx.msk [tilespmem:v21+s26+$0x0], $0xffff  }
0x1fe: {  	v7 =	vadd.f32 v16, v7;
	v9 =	vmul.f32 v9, v9;
	v24 =	vor.u32 $0x2, v4;
	v15 =	vld.idx.msk [tilespmem:v21+s31+$0x0], $0xffff  }
0x1ff: {  	v23 =	vmul.f32 v26, v8;
	v31 =	vor.u32 $0x1, v4;
	v6 =	vadd.f32 v6, v11;
	v11 =	vld.idx.msk [tilespmem:v27+s26+$0x0], $0xffff  }
0x200: {  	v5 =	vadd.f32 v17, v5;
	v30 =	vmul.f32 v13, v18;
	v7 =	vmul.f32 v7, v7;
	v17 =	vld.idx.msk [tilespmem:v27+s31+$0x0], $0xffff  }
0x201: {  	s22 =	simm.s32 $0x70;
	v3 =	vadd.f32 v3, v10;
	v10 =	vmul.f32 v26, v23;
	v20 =	vld.idx.msk [tilespmem:v4+s31+$0x0], $0xffff  }
0x202: {  	v21 =	vmov s22;
	v16 =	vmul.f32 v13, v30;
	v7 =	vadd.f32 v9, v7;
	v4 =	vld.idx.msk [tilespmem:v4+s26+$0x0], $0xffff  }
0x203: {  	v5 =	vmul.f32 v5, v5;
	v10 =	vsub.f32 $1.500000000e+00, v10;
	v23 =	vld.idx.msk [tilespmem:v24+s26+$0x0], $0xffff;
	v2 =	vsub.f32 v2, v28  }
0x204: {  	s23 =	simm.s32 $0x9050;
	v6 =	vmul.f32 v6, v6;
	v16 =	vsub.f32 $1.500000000e+00, v16;
	v22 =	vld.idx.msk [tilespmem:v31+s26+$0x0], $0xffff;
	v15 =	vsub.f32 v29, v15  }
0x205: {  	v28 =	vld [tilespmem:s23+$0x0];
	v9 =	vmul.f32 v26, v10;
	v11 =	vsub.f32 v11, v17;
	v10 =	vadd.f32 v25, v2  }
0x206: {  	v25 =	vld.idx.msk [tilespmem:v31+s31+$0x0], $0xffff;
	v2 =	vadd.f32 v6, v3;
	v6 =	vshll.u32 v21, $0x3;
	v3 =	vadd.f32 v5, v7  }
0x207: {  	v21 =	vld [tilespmem:s21+$0xFFFFFFF0];
	v12 =	vadd.f32 v12, v15;
	v15 =	vmul.f32 v9, v8;
	v5 =	vor.u32 v1, v6  }
0x208: {  	s2 =	simm.s32 $0x60;
	s17 =	simm.s32 $0x9070;
	v6 =	vmul.f32 v10, v10;
	v10 =	vld.idx.msk [tilespmem:v24+s31+$0x0], $0xffff;
	v24 =	vshra.s32 v2, $0x1;
	v17 =	vshra.s32 v3, $0x1  }
0x209: {  	v52 =	vld [tilespmem:s17+$0xFFFFFFF0];
	v4 =	vsub.f32 v4, v20;
	v20 =	vmov s2;
	v32 =	vor.u32 $0x2, v5  }
0x20a: {  	v27 =	vld [tilespmem:s20+$0xFFFFFFF0];
	v7 =	vmul.f32 v12, v12;
	v12 =	vor.u32 $0x1, v5;
	v24 =	vsub.s32 $0x5F3759DF, v24  }
0x20b: {  	v26 =	vld [tilespmem:s23+$0xFFFFFFF0];
	v17 =	vsub.s32 $0x5F3759DF, v17;
	v15 =	vmul.f32 v15, v9;
	v11 =	vadd.f32 v28, v11  }
0x20c: {  	v7 =	vadd.f32 v7, v6;
	v6 =	vshll.u32 v20, $0x3;
	v22 =	vsub.f32 v22, v25;
	v25 =	vld [tilespmem:s11+$0x0]  }
0x20d: {  	v4 =	vadd.f32 v21, v4;
	v21 =	vmul.f32 $5.000000000e-01, v3;
	v20 =	vmul.f32 v13, v16;
	v30 =	vld.idx.msk [tilespmem:v5+s31+$0x0], $0xffff  }
0x20e: {  	v15 =	vsub.f32 $1.500000000e+00, v15;
	v11 =	vmul.f32 v11, v11;
	v29 =	vor.u32 v1, v6;
	v5 =	vld.idx.msk [tilespmem:v5+s26+$0x0], $0xffff  }
0x20f: {  	v6 =	vmul.f32 $5.000000000e-01, v2;
	v13 =	vor.u32 $0x2, v29;
	v31 =	vmul.f32 v17, v21;
	v35 =	vld.idx.msk [tilespmem:v32+s26+$0x0], $0xffff  }
0x210: {  	v22 =	vadd.f32 v27, v22;
	v4 =	vmul.f32 v4, v4;
	v28 =	vmul.f32 v20, v18;
	v16 =	vld.idx.msk [tilespmem:v12+s26+$0x0], $0xffff  }
0x211: {  	s13 =	simm.s32 $0x7070;
	v10 =	vsub.f32 v23, v10;
	v15 =	vmul.f32 v15, v9;
	v12 =	vld.idx.msk [tilespmem:v12+s31+$0x0], $0xffff;
	v23 =	vmul.f32 v17, v31  }
0x212: {  	v34 =	vor.u32 $0x1, v29;
	v33 =	vmul.f32 v24, v6;
	v31 =	vld [tilespmem:s13+$0x0];
	v22 =	vmul.f32 v22, v22  }
0x213: {  	v10 =	vadd.f32 v26, v10;
	v59 =	vmul.f32 v15, v8;
	v23 =	vsub.f32 $1.500000000e+00, v23;
	v26 =	vld.idx.msk [tilespmem:v29+s31+$0x0], $0xffff  }
0x214: {  	s15 =	simm.s32 $0x90;
	v33 =	vmul.f32 v24, v33;
	v5 =	vsub.f32 v5, v30;
	v30 =	vadd.f32 v22, v4;
	v27 =	vld.idx.msk [tilespmem:v13+s26+$0x0], $0xffff  }
0x215: {  	v10 =	vmul.f32 v10, v10;
	v4 =	vadd.f32 v11, v7;
	v7 =	vmov s15;
	v13 =	vld.idx.msk [tilespmem:v13+s31+$0x0], $0xffff  }
0x216: {  	v7 =	vshll.u32 v7, $0x3;
	v12 =	vsub.f32 v16, v12;
	v16 =	vld.idx.msk [tilespmem:v32+s31+$0x0], $0xffff;
	v22 =	vmul.f32 v17, v23  }
0x217: {  	s19 =	simm.s32 $0x7090;
	v33 =	vsub.f32 $1.500000000e+00, v33;
	v23 =	vld.idx.msk [tilespmem:v29+s26+$0x0], $0xffff;
	v5 =	vadd.f32 v31, v5;
	v31 =	vor.u32 v1, v7  }
0x218: {  	v55 =	vld [tilespmem:s19+$0x0];
	v17 =	vmul.f32 v28, v20;
	v12 =	vadd.f32 v25, v12;
	v11 =	vmul.f32 v22, v21  }
0x219: {  	v28 =	vld [tilespmem:s13+$0xFFFFFFF0];
	v51 =	vor.u32 $0x1, v31;
	v39 =	vor.u32 $0x2, v31;
	v29 =	vmul.f32 v5, v5  }
0x21a: {  	v25 =	vld.idx.msk [tilespmem:v34+s26+$0x0], $0xffff;
	v5 =	vadd.f32 v10, v30;
	v10 =	vmul.f32 v12, v12;
	v12 =	vshra.s32 v4, $0x1  }
0x21b: {  	v30 =	vld.idx.msk [tilespmem:v34+s31+$0x0], $0xffff;
	v11 =	vmul.f32 v11, v22;
	v13 =	vsub.f32 v27, v13;
	v16 =	vsub.f32 v35, v16  }
0x21c: {  	s18 =	simm.s32 $0x80;
	v7 =	vshra.s32 v5, $0x1;
	v23 =	vsub.f32 v23, v26;
	v26 =	vsub.s32 $0x5F3759DF, v12;
	v38 =	vld.idx.msk [tilespmem:v31+s31+$0x0], $0xffff  }
0x21d: {  	v12 =	vmul.f32 v24, v33;
	v24 =	vmov s18;
	v29 =	vadd.f32 v10, v29;
	v31 =	vld.idx.msk [tilespmem:v31+s26+$0x0], $0xffff  }
0x21e: {  	v10 =	vmul.f32 $5.000000000e-01, v5;
	v24 =	vshll.u32 v24, $0x3;
	v23 =	vadd.f32 v28, v23;
	v28 =	vld [tilespmem:s17+$0x0]  }
0x21f: {  	v53 =	vsub.s32 $0x5F3759DF, v7;
	v7 =	vmul.f32 $5.000000000e-01, v4;
	v24 =	vor.u32 v1, v24;
	v40 =	vld.idx.msk [tilespmem:v51+s26+$0x0], $0xffff  }
0x220: {  	s23 =	simm.s32 $0x9090;
	v37 =	vmul.f32 v53, v10;
	v25 =	vsub.f32 v25, v30;
	v30 =	vsub.f32 $1.500000000e+00, v11;
	v11 =	vld.idx.msk [tilespmem:v51+s31+$0x0], $0xffff  }
0x221: {  	v50 =	vld [tilespmem:s23+$0x0];
	v13 =	vadd.f32 v52, v13;
	v56 =	vmul.f32 v12, v6;
	v54 =	vmul.f32 v26, v7  }
0x222: {  	v41 =	vor.u32 $0x1, v24;
	v9 =	vmul.f32 v23, v23;
	v23 =	vld.idx.msk [tilespmem:v39+s26+$0x0], $0xffff;
	v27 =	vmul.f32 v53, v37  }
0x223: {  	s20 =	simm.s32 $0x8090;
	v39 =	vld.idx.msk [tilespmem:v39+s31+$0x0], $0xffff;
	v33 =	vmul.f32 v26, v54;
	v25 =	vadd.f32 v36, v25;
	v31 =	vsub.f32 v31, v38  }
0x224: {  	v42 =	vor.u32 $0x2, v24;
	v16 =	vadd.f32 v28, v16;
	v28 =	vld [tilespmem:s20+$0x0];
	v27 =	vsub.f32 $1.500000000e+00, v27  }
0x225: {  	v25 =	vmul.f32 v25, v25;
	v33 =	vsub.f32 $1.500000000e+00, v33;
	v57 =	vld.idx.msk [tilespmem:v24+s31+$0x0], $0xffff;
	v8 =	vsub.f32 v40, v11  }
0x226: {  	v13 =	vmul.f32 v13, v13;
	v11 =	vld.idx.msk [tilespmem:v24+s26+$0x0], $0xffff;
	v24 =	vadd.f32 v55, v31;
	v31 =	vsub.f32 $1.500000000e+00, v17  }
0x227: {  	v58 =	vmul.f32 v16, v16;
	v9 =	vadd.f32 v25, v9;
	v16 =	vmul.f32 v53, v27  }
0x228: {  	v25 =	vmul.f32 v56, v12;
	v60 =	vsub.f32 v23, v39;
	v24 =	vmul.f32 v24, v24  }
0x229: {  	v31 =	vmul.f32 v31, v20;
	v9 =	vadd.f32 v13, v9;
	v27 =	vadd.f32 v28, v8  }
0x22a: {  	v32 =	vadd.f32 v50, v60;
	v8 =	vadd.f32 v58, v29;
	v28 =	vmul.f32 v16, v10  }
0x22b: {  	v23 =	vshra.s32 v9, $0x1;
	v13 =	vmul.f32 v27, v27;
	v27 =	vmul.f32 v59, v15  }
0x22c: {  	s21 =	simm.s32 $0xB0;
	v61 =	vld.idx.msk [tilespmem:v42+s26+$0x0], $0xffff;
	v18 =	vmul.f32 v31, v18;
	v17 =	vshra.s32 v8, $0x1;
	v34 =	vsub.s32 $0x5F3759DF, v23  }
0x22d: {  	v29 =	vld [tilespmem:s19+$0xFFFFFFF0];
	v27 =	vsub.f32 $1.500000000e+00, v27;
	v24 =	vadd.f32 v13, v24;
	v13 =	vmov s21  }
0x22e: {  	v62 =	vld.idx.msk [tilespmem:v42+s31+$0x0], $0xffff;
	v20 =	vmul.f32 v28, v16;
	v18 =	vmul.f32 v18, v31;
	v13 =	vshll.u32 v13, $0x3  }
0x22f: {  	v23 =	vmul.f32 v27, v15;
	v15 =	vmul.f32 v26, v33;
	v26 =	vor.u32 v1, v13  }
0x230: {  	v63 =	vld.idx.msk [tilespmem:v41+s31+$0x0], $0xffff;
	v11 =	vsub.f32 v11, v57;
	v32 =	vmul.f32 v32, v32;
	v17 =	vsub.s32 $0x5F3759DF, v17  }
0x231: {  	v20 =	vsub.f32 $1.500000000e+00, v20;
	v18 =	vsub.f32 $1.500000000e+00, v18;
	v27 =	vld.idx.msk [tilespmem:v41+s26+$0x0], $0xffff;
	v48 =	vor.u32 $0x1, v26  }
0x232: {  	v45 =	vld [tilespmem:s23+$0xFFFFFFF0];
	v29 =	vadd.f32 v29, v11;
	v11 =	vmul.f32 $5.000000000e-01, v8;
	v19 =	vmul.f32 v23, v19  }
0x233: {  	s22 =	simm.s32 $0xA0;
	v53 =	vld [tilespmem:s20+$0xFFFFFFF0];
	v13 =	vmul.f32 $5.000000000e-01, v9;
	v33 =	vsub.f32 v61, v62;
	v31 =	vmul.f32 v18, v31  }
0x234: {  	v43 =	vor.u32 $0x2, v26;
	v23 =	vmov s22;
	v19 =	vmul.f32 $-2.000000000e+00, v19;
	v54 =	vld.idx.msk [tilespmem:v26+s31+$0x0], $0xffff  }
0x235: {  	v49 =	vmul.f32 v17, v11;
	v51 =	vmul.f32 v34, v13;
	v23 =	vshll.u32 v23, $0x3;
	v56 =	vld.idx.msk [tilespmem:v26+s26+$0x0], $0xffff  }
0x236: {  	v52 =	vor.u32 v1, v23;
	v27 =	vsub.f32 v27, v63;
	v19 =	vmul.f32 $1.442695020e+00, v19;
	v55 =	vld.idx.msk [tilespmem:v48+s26+$0x0], $0xffff  }
0x237: {  	s17 =	simm.s32 $0x70B0;
	v38 =	vmul.f32 v17, v49;
	v28 =	vmul.f32 v34, v51;
	v44 =	vor.u32 $0x1, v52;
	v37 =	vld.idx.msk [tilespmem:v48+s31+$0x0], $0xffff  }
0x238: {  	v23 =	vor.u32 $0x2, v52;
	v26 =	vadd.f32 v53, v27;
	(erf) = vpow2.f32 v19;
	v19 =	vld [tilespmem:s17+$0x0]  }
0x239: {  	v28 =	vsub.f32 $1.500000000e+00, v28;
	v58 =	vld.idx.msk [tilespmem:v43+s26+$0x0], $0xffff;
	v27 =	vmul.f32 v30, v22;
	v22 =	vmul.f32 v29, v29  }
0x23a: {  	s0 =	simm.s32 $0x80B0;
	v61 =	vld.idx.msk [tilespmem:v43+s31+$0x0], $0xffff;
	v29 =	vmul.f32 v15, v7;
	v42 =	vmul.f32 v26, v26;
	v26 =	vsub.f32 $1.500000000e+00, v25  }
0x23b: {  	v57 =	vld [tilespmem:s0+$0x0];
	v25 =	vadd.f32 v45, v33;
	v59 =	vmul.f32 v27, v21;
	v21 =	vsub.f32 v56, v54  }
0x23c: {  	v30 =	vsub.f32 $1.500000000e+00, v38;
	v18 =	vmul.f32 v34, v28;
	v60 =	vadd.f32 v42, v22  }
0x23d: {  	v46 =	vld.idx.msk [tilespmem:v52+s31+$0x0], $0xffff;
	v19 =	vadd.f32 v19, v21;
	v21 =	vmul.f32 v25, v25;
	v25 =	vmul.f32 v31, v14  }
0x23e: {  	v41 =	vld.idx.msk [tilespmem:v52+s26+$0x0], $0xffff;
	v62 =	vsub.f32 v55, v37;
	v22 =	vmul.f32 v29, v15;
	v63 =	vmul.f32 v59, v27  }
0x23f: {  	v29 =	vsub.f32 v58, v61;
	v33 =	vmul.f32 v19, v19;
	v19 =	vmul.f32 $-2.000000000e+00, v25  }
0x240: {  	v34 =	vld [tilespmem:s17+$0xFFFFFFF0];
	v28 =	vadd.f32 v57, v62;
	v14 =	vadd.f32 v32, v24  }
0x241: {  	s3 =	simm.s32 $0x1A030;
	s11 =	simm.s32 $0x1A070;
	v31 =	vmul.f32 v18, v13;
	v24 =	vld.idx.msk [tilespmem:v23+s26+$0x0], $0xffff;
	v39 =	vsub.f32 $1.500000000e+00, v63;
	v21 =	vadd.f32 v21, v60  }
0x242: {  	s15 =	simm.s32 $0x1A050;
	s13 =	simm.s32 $0x1A010;
	s18 =	simm.s32 $0x1A070;
	v25 =	vld.idx.msk [tilespmem:v44+s26+$0x0], $0xffff;
	v35 =	vmul.f32 v28, v28;
	v32 =	vshra.s32 v14, $0x1;
	v38 =	vmul.f32 $1.442695020e+00, v19  }
0x243: {  	s20 =	simm.s32 $0xA;
	s19 =	simm.s32 $0x90B0;
	s21 =	simm.s32 $0xC0;
	v36 =	vsub.f32 v41, v46;
	v28 =	vld.idx.msk [tilespmem:v44+s31+$0x0], $0xffff;
	v32 =	vsub.s32 $0x5F3759DF, v32;
	v37 =	vshra.s32 v21, $0x1;
	v19 =	vpop (erf)  }
.LBB2_11:
0x244: {  	s9 =	sadd.s32 $0x10, s21;
	s20 =	sadd.s32 $0x2, s20;
	v33 =	vadd.f32 v35, v33;
	v35 =	vsub.s32 $0x5F3759DF, v37;
	s11 =	sadd.s32 $0x20, s11;
	(erf) = vpow2.f32 v38  }
0x245: {  	v37 =	vmov s9;
	p2 =	slt.u32 s20, $0x7E;
	v34 =	vadd.f32 v34, v36;
	v27 =	vmul.f32 v39, v27  }
0x246: {  	v38 =	vmul.f32 $5.000000000e-01, v14;
	v36 =	vshll.u32 v37, $0x3;
	v37 =	vld.idx.msk [tilespmem:v23+s31+$0x0], $0xffff;
	v23 =	vmul.f32 v17, v30;
	v17 =	vmovc v32  }
0x247: {  	v30 =	vor.u32 v1, v36;
	v32 =	vld [tilespmem:s19+$0xFFFFFFF0];
	v36 =	vmul.f32 $5.000000000e-01, v21;
	v27 =	vmul.f32 v27, v3;
	v3 =	vmovc v5;
	v5 =	vmovc v9  }
0x248: {  	v39 =	vmov s21;
	v42 =	vmul.f32 v17, v38;
	v9 =	vmovc v21;
	v40 =	vor.u32 $0x1, v30;
	v41 =	vld [tilespmem:s0+$0xFFFFFFF0]  }
0x249: {  	v21 =	vshll.u32 v39, $0x3;
	s0 =	sadd.s32 $0x20, s0;
	v39 =	vld [tilespmem:s19+$0x0];
	v43 =	vmul.f32 v35, v36;
	v27 =	vmul.f32 $-2.000000000e+00, v27  }
0x24a: {  	s17 =	sadd.s32 $0x20, s17;
	v46 =	vmul.f32 v26, v12;
	v12 =	vmovc v15;
	v21 =	vor.u32 v1, v21;
	v44 =	vor.u32 $0x2, v30;
	v15 =	vmovc v23;
	v45 =	vld [tilespmem:s0+$0x0]  }
0x24b: {  	v26 =	vmul.f32 v31, v18;
	v47 =	vor.u32 $0x1, v21;
	v23 =	vor.u32 $0x2, v21;
	v48 =	vld [tilespmem:s17+$0x0]  }
0x24c: {  	v37 =	vsub.f32 v24, v37;
	v24 =	vmul.f32 v35, v43;
	v43 =	vmul.f32 $1.442695020e+00, v27;
	v31 =	vld.idx.msk [tilespmem:v30+s31+$0x0], $0xffff  }
0x24d: {  	v50 =	vsub.f32 $1.500000000e+00, v26;
	v26 =	vmul.f32 v46, v6;
	v42 =	vmul.f32 v17, v42;
	v49 =	vld.idx.msk [tilespmem:v40+s26+$0x0], $0xffff;
	v6 =	vpop (erf)  }
0x24e: {  	v25 =	vsub.f32 v25, v28;
	v19 =	vmul.f32 $5.000000000e-01, v19;
	v51 =	vld.idx.msk [tilespmem:v30+s26+$0x0], $0xffff;
	v28 =	vmul.f32 $5.000000000e-01, v6;
	v6 =	vmovc v7;
	v7 =	vmovc v11  }
0x24f: {  	v26 =	vmul.f32 v26, v46;
	v29 =	vadd.f32 v39, v29;
	v39 =	vsub.f32 $1.500000000e+00, v24;
	v11 =	vmovc v38;
	v40 =	vld.idx.msk [tilespmem:v40+s31+$0x0], $0xffff  }
0x250: {  	v27 =	vmul.f32 v20, v16;
	v25 =	vadd.f32 v41, v25;
	v24 =	vld.idx.msk [tilespmem:v23+s26+$0x0], $0xffff;
	(erf) = vpow2.f32 v43;
	[tilespmem:s13+$0xFFFFFFF0] =	vst v19  }
0x251: {  	s19 =	sadd.s32 $0x20, s19;
	v41 =	vsub.f32 $1.500000000e+00, v26;
	v19 =	vmul.f32 v34, v34;
	v34 =	vmul.f32 v15, v7;
	v38 =	vld.idx.msk [tilespmem:v44+s26+$0x0], $0xffff;
	[tilespmem:s13+$0x0] =	vst v28;
	s13 =	smov.u32 s3;
	s3 =	smov.u32 s15  }
0x252: {  	v20 =	vmovc v50;
	v16 =	vmovc v18;
	v26 =	vsub.f32 $1.500000000e+00, v22;
	v30 =	vsub.f32 $1.500000000e+00, v42;
	v28 =	vmul.f32 v25, v25;
	s15 =	smov.u32 s18;
	s18 =	smov.u32 s11;
	v43 =	vld.idx.msk [tilespmem:v21+s31+$0x0], $0xffff  }
0x253: {  	v32 =	vadd.f32 v32, v37;
	v37 =	vmul.f32 v27, v10;
	v29 =	vmul.f32 v29, v29;
	v25 =	vld.idx.msk [tilespmem:v47+s26+$0x0], $0xffff  }
0x254: {  	v19 =	vadd.f32 v28, v19;
	v42 =	vld.idx.msk [tilespmem:v44+s31+$0x0], $0xffff;
	v44 =	vsub.f32 v51, v31;
	v31 =	vmul.f32 v41, v46  }
0x255: {  	v18 =	vmul.f32 v35, v39;
	v22 =	vmul.f32 v34, v15;
	v41 =	vld.idx.msk [tilespmem:v21+s26+$0x0], $0xffff;
	v21 =	vsub.f32 v49, v40  }
0x256: {  	v32 =	vmul.f32 v32, v32;
	v28 =	vld.idx.msk [tilespmem:v47+s31+$0x0], $0xffff;
	v35 =	vadd.f32 v48, v44;
	v44 =	vmul.f32 v31, v2  }
.Ltmp8:
0x257: {  	v10 =	vmovc v13;
	v40 =	vadd.f32 v29, v33;
	v31 =	vmul.f32 v18, v36;
	v39 =	vadd.f32 v45, v21;
	(pc) =	sbr.rel @p2 .LBB2_11-.Ltmp8, $4  }
0x258: {  	v13 =	vmovc v36;
	v2 =	vmovc v4;
	v21 =	vadd.f32 v32, v19;
	v34 =	vld [tilespmem:s17+$0xFFFFFFF0];
	v33 =	vmul.f32 v35, v35;
	v32 =	vmul.f32 $-2.000000000e+00, v44  }
0x259: {  	v44 =	vmul.f32 v37, v27;
	v35 =	vmul.f32 v39, v39;
	v39 =	vshra.s32 v40, $0x1;
	v19 =	vpop (erf)  }
0x25a: {  	v4 =	vmovc v8;
	v8 =	vmovc v14;
	v29 =	vsub.f32 v38, v42;
	v37 =	vshra.s32 v21, $0x1;
	v38 =	vmul.f32 $1.442695020e+00, v32  }
0x25b: {  	s21 =	sadd.s32 $0x20, s21;
	v14 =	vmovc v40;
	v36 =	vsub.f32 v41, v43;
	v32 =	vsub.s32 $0x5F3759DF, v39;
	v39 =	vsub.f32 $1.500000000e+00, v44  }
0x25c: {  	_ = 	snop  }
0x25d: {  	(erf) = vpow2.f32 v38  }
0x25e: {  	v38 =	vmul.f32 $5.000000000e-01, v14;
	v12 =	vmul.f32 v26, v12  }
0x25f: {  	v17 =	vmul.f32 v17, v30;
	v26 =	vmul.f32 $5.000000000e-01, v21  }
0x260: {  	v23 =	vld.idx.msk [tilespmem:v23+s31+$0x0], $0xffff;
	v31 =	vmul.f32 v31, v18;
	v16 =	vmul.f32 v20, v16  }
0x261: {  	v43 =	vsub.s32 $0x5F3759DF, v37;
	v44 =	vld [tilespmem:s0+$0xFFFFFFF0];
	v27 =	vmul.f32 v39, v27;
	v6 =	vmul.f32 v12, v6  }
0x262: {  	v47 =	vld [tilespmem:s19+$0x0];
	v34 =	vadd.f32 v34, v36;
	v45 =	vmul.f32 v32, v38;
	v46 =	vmul.f32 v43, v26  }
0x263: {  	v54 =	vmul.f32 v17, v11;
	v10 =	vmul.f32 v16, v10  }
0x264: {  	v3 =	vmul.f32 v27, v3;
	v53 =	vmul.f32 v34, v34  }
0x265: {  	v25 =	vsub.f32 v25, v28;
	v49 =	vld [tilespmem:s19+$0xFFFFFFF0];
	v6 =	vmul.f32 v6, v12;
	v48 =	vmul.f32 v43, v46  }
0x266: {  	v50 =	vmul.f32 v32, v45;
	v3 =	vmul.f32 $-2.000000000e+00, v3;
	v23 =	vsub.f32 v24, v23  }
0x267: {  	v10 =	vmul.f32 v10, v16;
	v51 =	vadd.f32 v44, v25;
	v52 =	vadd.f32 v47, v29  }
0x268: {  	v25 =	vmul.f32 v54, v17;
	v6 =	vsub.f32 $1.500000000e+00, v6;
	v3 =	vmul.f32 $1.442695020e+00, v3  }
0x269: {  	v55 =	vsub.f32 $1.500000000e+00, v48;
	v10 =	vsub.f32 $1.500000000e+00, v10;
	v20 =	vmul.f32 v51, v51  }
0x26a: {  	v23 =	vadd.f32 v49, v23;
	(erf) = vpow2.f32 v3;
	v3 =	vmul.f32 v6, v12  }
0x26b: {  	v25 =	vsub.f32 $1.500000000e+00, v25;
	v56 =	vmul.f32 v43, v55;
	v10 =	vmul.f32 v10, v16  }
0x26c: {  	v33 =	vadd.f32 v35, v33;
	v6 =	vmul.f32 v52, v52;
	v2 =	vmul.f32 v3, v2  }
0x26d: {  	v22 =	vsub.f32 $1.500000000e+00, v22;
	v57 =	vmul.f32 v23, v23;
	v37 =	vmul.f32 v25, v17  }
0x26e: {  	v12 =	vadd.f32 v20, v53;
	v5 =	vmul.f32 v10, v5;
	v2 =	vmul.f32 $-2.000000000e+00, v2  }
0x26f: {  	v58 =	vmul.f32 v56, v26;
	v3 =	vsub.f32 $1.500000000e+00, v50;
	v42 =	vmul.f32 v37, v11  }
0x270: {  	v6 =	vadd.f32 v6, v33;
	v5 =	vmul.f32 $-2.000000000e+00, v5;
	v2 =	vmul.f32 $1.442695020e+00, v2  }
0x271: {  	v12 =	vadd.f32 v57, v12;
	v23 =	vmul.f32 v58, v56;
	v3 =	vmul.f32 v32, v3  }
0x272: {  	v32 =	vsub.f32 $1.500000000e+00, v31;
	(erf) = vpow2.f32 v2;
	v2 =	vmul.f32 v22, v15  }
0x273: {  	v59 =	vshra.s32 v6, $0x1;
	v60 =	vmul.f32 $5.000000000e-01, v6;
	v61 =	vmul.f32 $5.000000000e-01, v12  }
0x274: {  	v62 =	vsub.s32 $0x5F3759DF, v59;
	v34 =	vmul.f32 v32, v18;
	v7 =	vmul.f32 v2, v7  }
0x275: {  	v20 =	vshra.s32 v12, $0x1;
	v5 =	vmul.f32 $1.442695020e+00, v5;
	v33 =	vmul.f32 v62, v60  }
0x276: {  	v20 =	vsub.s32 $0x5F3759DF, v20;
	v36 =	vmul.f32 v34, v13;
	v7 =	vmul.f32 v7, v2  }
0x277: {  	v63 =	vmul.f32 v20, v61;
	v35 =	vmul.f32 v62, v33  }
0x278: {  	(erf) = vpow2.f32 v5;
	v5 =	vmul.f32 v36, v34;
	v7 =	vsub.f32 $1.500000000e+00, v7  }
0x279: {  	v40 =	vmul.f32 v3, v38;
	v15 =	vmul.f32 v20, v63;
	v41 =	vsub.f32 $1.500000000e+00, v35  }
0x27a: {  	v11 =	vmul.f32 v42, v37;
	v5 =	vsub.f32 $1.500000000e+00, v5;
	v2 =	vmul.f32 v7, v2  }
0x27b: {  	v13 =	vmul.f32 v40, v3;
	v39 =	vsub.f32 $1.500000000e+00, v15;
	v10 =	vmul.f32 v62, v41  }
0x27c: {  	v5 =	vmul.f32 v5, v34;
	v2 =	vmul.f32 v2, v4  }
0x27d: {  	v45 =	vmul.f32 v10, v60;
	v7 =	vmul.f32 v20, v39  }
0x27e: {  	v44 =	vsub.f32 $1.500000000e+00, v23;
	v5 =	vmul.f32 v5, v9;
	v2 =	vmul.f32 $-2.000000000e+00, v2  }
0x27f: {  	v9 =	vmul.f32 v45, v10;
	v43 =	vmul.f32 v7, v61  }
0x280: {  	v46 =	vmul.f32 v44, v56;
	v2 =	vmul.f32 $1.442695020e+00, v2  }
0x281: {  	v47 =	vsub.f32 $1.500000000e+00, v13;
	v9 =	vsub.f32 $1.500000000e+00, v9;
	v15 =	vmul.f32 v43, v7  }
0x282: {  	v49 =	vmul.f32 v46, v26;
	(erf) = vpow2.f32 v2;
	v2 =	vsub.f32 $1.500000000e+00, v11  }
0x283: {  	v3 =	vmul.f32 v47, v3;
	v9 =	vmul.f32 v9, v10;
	v48 =	vsub.f32 $1.500000000e+00, v15  }
0x284: {  	v5 =	vmul.f32 $-2.000000000e+00, v5;
	v2 =	vmul.f32 v2, v37  }
0x285: {  	v51 =	vmul.f32 v9, v60;
	v7 =	vmul.f32 v48, v7  }
0x286: {  	v11 =	vmul.f32 v3, v38;
	v2 =	vmul.f32 v2, v8  }
0x287: {  	v50 =	vmul.f32 v7, v61;
	v8 =	vmul.f32 v49, v46  }
0x288: {  	v11 =	vmul.f32 v11, v3;
	v2 =	vmul.f32 $-2.000000000e+00, v2  }
0x289: {  	v5 =	vmul.f32 $1.442695020e+00, v5;
	v10 =	vmul.f32 v50, v7;
	v8 =	vsub.f32 $1.500000000e+00, v8  }
0x28a: {  	v13 =	vmul.f32 v51, v9;
	v11 =	vsub.f32 $1.500000000e+00, v11;
	v2 =	vmul.f32 $1.442695020e+00, v2  }
0x28b: {  	(erf) = vpow2.f32 v5;
	v52 =	vsub.f32 $1.500000000e+00, v10;
	v4 =	vmul.f32 v8, v46  }
0x28c: {  	(erf) = vpow2.f32 v2;
	v2 =	vmul.f32 v11, v3;
	v3 =	vsub.f32 $1.500000000e+00, v13  }
0x28d: {  	v5 =	vmul.f32 v52, v7  }
0x28e: {  	v4 =	vmul.f32 v4, v21;
	v3 =	vmul.f32 v3, v9  }
0x28f: {  	v5 =	vmul.f32 v5, v12;
	v2 =	vmul.f32 v2, v14  }
0x290: {  	v4 =	vmul.f32 $-2.000000000e+00, v4;
	v3 =	vmul.f32 v3, v6  }
0x291: {  	v5 =	vmul.f32 $-2.000000000e+00, v5;
	v2 =	vmul.f32 $-2.000000000e+00, v2  }
0x292: {  	v4 =	vmul.f32 $1.442695020e+00, v4;
	v3 =	vmul.f32 $-2.000000000e+00, v3  }
0x293: {  	v2 =	vmul.f32 $1.442695020e+00, v2  }
0x294: {  	v53 =	vmul.f32 $1.442695020e+00, v5;
	(erf) = vpow2.f32 v4  }
0x295: {  	(erf) = vpow2.f32 v2;
	v2 =	vmul.f32 $1.442695020e+00, v3  }
0x296: {  	v54 =	vmul.f32 $5.000000000e-01, v19;
	v3 =	vpop (erf)  }
0x297: {  	(erf) = vpow2.f32 v53;
	v3 =	vmul.f32 $5.000000000e-01, v3  }
0x298: {  	v55 =	vpop (erf);
	(erf) = vpow2.f32 v2  }
0x299: {  	[tilespmem:s13+$0xFFFFFFF0] =	vst v54;
	v2 =	vpop (erf);
	v4 =	vmul.f32 $5.000000000e-01, v55  }
0x29a: {  	v56 =	vpop (erf);
	[tilespmem:s13+$0x0] =	vst v3;
	v2 =	vmul.f32 $5.000000000e-01, v2  }
0x29b: {  	[tilespmem:s3+$0xFFFFFFF0] =	vst v4;
	v57 =	vmul.f32 $5.000000000e-01, v56;
	v3 =	vpop (erf)  }
0x29c: {  	[tilespmem:s3+$0x0] =	vst v2;
	v58 =	vpop (erf);
	v2 =	vmul.f32 $5.000000000e-01, v3  }
0x29d: {  	[tilespmem:s15+$0xFFFFFFF0] =	vst v57;
	v3 =	vpop (erf);
	v59 =	vmul.f32 $5.000000000e-01, v58  }
0x29e: {  	v60 =	vpop (erf);
	[tilespmem:s15+$0x0] =	vst v2;
	v2 =	vmul.f32 $5.000000000e-01, v3  }
0x29f: {  	v3 =	vpop (erf);
	[tilespmem:s18+$0xFFFFFFF0] =	vst v59;
	v61 =	vmul.f32 $5.000000000e-01, v60  }
0x2a0: {  	s20 =	sadd.s32 $0x20, s11;
	v62 =	vpop (erf);
	[tilespmem:s18+$0x0] =	vst v2;
	v2 =	vmul.f32 $5.000000000e-01, v3  }
0x2a1: {  	[tilespmem:s20+$0xFFFFFFF0] =	vst v61;
	v3 =	vpop (erf);
	v63 =	vmul.f32 $5.000000000e-01, v62  }
0x2a2: {  	s21 =	sadd.s32 $0x20, s20;
	[tilespmem:s20+$0x0] =	vst v2;
	v2 =	vmul.f32 $5.000000000e-01, v3  }
0x2a3: {  	[tilespmem:s21+$0xFFFFFFF0] =	vst v63  }
0x2a4: {  	s22 =	simm.s32 $0x4000;
	s2 =	simm.s32 $0x1A000;
	[tilespmem:s21+$0x0] =	vst v2  }
0x2a5: {  	[spmem:s30] =	stream.indirect.scatter.add.f32 [tilespmem:s2], [sflag:$0x5], $0x1, s22, s29, $0xb8;
	[tilespmem:$0x1E0E0] =	vst v63  }
0x2a6: {  	s23 =	rddreg [dreg:$0x5]  }
0x2a7: {  	s11 =	sor.u32 s10, s23  }
0x2a8: {  	s0 =	sor.u32 $0x40, s11  }
0x2a9: {  	p2 =	sgt.u32 s0, $0xC34  }
0x2aa: {  	s3 =	sshll.u32 @!p2 s0, $0x9;
	s9 =	simm.s32 @!p2 $0x0  }
0x2ab: {  	s13 =	simm.s32 @!p2 $0x2000;
	s0 =	sshll.u32 @!p2 s0, $0x8;
	s3 =	sadd.s32 @!p2 s1, s3  }
0x2ac: {  	[tilespmem:s13], [sflag:$0x1] =	stream.linear.gather @!p2 [hbm4b:s3+s9], $0x1000, $0x38;
	[tilespmem:$0x1E0E0] =	vst v63  }
0x2ad: {  	s3 =	sadd.s32 @!p2 s6, s0;
	s13 =	simm.s32 @!p2 $0x7000  }
0x2ae: {  	[tilespmem:s13], [sflag:$0x1] =	stream.linear.gather @!p2 [hbm4b:s3+s9], $0x800, $0x38;
	[tilespmem:$0x1E0E0] =	vst v63  }
0x2af: {  	s3 =	sadd.s32 @!p2 s7, s0;
	s13 =	simm.s32 @!p2 $0x8000  }
0x2b0: {  	[tilespmem:s13], [sflag:$0x1] =	stream.linear.gather @!p2 [hbm4b:s3+s9], $0x800, $0x38;
	[tilespmem:$0x1E0E0] =	vst v63  }
0x2b1: {  	s0 =	sadd.s32 @!p2 s8, s0;
	s3 =	simm.s32 @!p2 $0x9000  }
0x2b2: {  	[tilespmem:s3], [sflag:$0x1] =	stream.linear.gather @!p2 [hbm4b:s0+s9], $0x800, $0x38;
	[tilespmem:$0x1E0E0] =	vst v63  }
0x2b3: {  	s0 =	simm.s32 @!p1 $0x4  }
0x2b4: {  	_ =	swait.ge @!p1 [sflag:s0], $0x4000  }
.Ltmp9:
0x2b5: {  	[sflag:s0] =	ssyncset.done @!p1 $0x0;
	(pc) =	sbr.rel @p2 .LBB2_16-.Ltmp9, $4  }
0x2b6: {  	[sflag:s0] =	ssyncadd.s32 @!p1 $0xFFFFC000  }
0x2b7: {  	_ =	swait.ge @!p1 [sflag:s0], $0x4000  }
0x2b8: {  	[sflag:s0] =	ssyncset.done @!p1 $0x0  }
0x2b9: {  	[sflag:s0] =	ssyncadd.s32 @!p1 $0xFFFFC000  }
0x2ba: {  	_ =	swait.ge [sflag:s28], $0x1000  }
0x2bb: {  	[sflag:s28] =	ssyncset.done $0x0  }
0x2bc: {  	[sflag:s28] =	ssyncadd.s32 $0xFFFFF000  }
0x2bd: {  	_ =	swait.ge [sflag:s28], $0x800  }
0x2be: {  	[sflag:s28] =	ssyncset.done $0x0  }
0x2bf: {  	[sflag:s28] =	ssyncadd.s32 $0xFFFFF800  }
0x2c0: {  	_ =	swait.ge [sflag:s28], $0x800  }
0x2c1: {  	[sflag:s28] =	ssyncset.done $0x0  }
0x2c2: {  	[sflag:s28] =	ssyncadd.s32 $0xFFFFF800  }
0x2c3: {  	_ =	swait.ge [sflag:s28], $0x800  }
0x2c4: {  	[sflag:s28] =	ssyncset.done $0x0  }
0x2c5: {  	s15 =	simm.s32 $0x2080;
	[sflag:s28] =	ssyncadd.s32 $0xFFFFF800  }
0x2c6: {  	v2 =	vld [tilespmem:s15+$0xFFFFFF80];
	_ =	sdelay $0x3  }
0x2c7: {  	s3 =	simm.s32 $0x0  }
0x2c8: {  	[tilespmem:s3+$0x5000] =	vst v2  }
0x2c9: {  	v2 =	vld [tilespmem:s15+$0x0];
	_ =	sdelay $0x4  }
0x2ca: {  	[tilespmem:s3+$0x6000] =	vst v2  }
0x2cb: {  	v2 =	vld [tilespmem:s15+$0xFFFFFF90];
	_ =	sdelay $0x2  }
0x2cc: {  	s18 =	simm.s32 $0x2180  }
0x2cd: {  	v3 =	vld [tilespmem:s18+$0xFFFFFF80]  }
0x2ce: {  	[tilespmem:s3+$0x5010] =	vst v2  }
0x2cf: {  	v2 =	vld [tilespmem:s15+$0x10];
	_ =	sdelay $0x1  }
0x2d0: {  	s13 =	simm.s32 $0x80  }
0x2d1: {  	[tilespmem:s13+$0x5000] =	vst v3  }
0x2d2: {  	v3 =	vld [tilespmem:s18+$0x0]  }
0x2d3: {  	[tilespmem:s3+$0x6010] =	vst v2  }
0x2d4: {  	v2 =	vld [tilespmem:s15+$0xFFFFFFA0];
	_ =	sdelay $0x2  }
0x2d5: {  	[tilespmem:s13+$0x6000] =	vst v3  }
0x2d6: {  	v3 =	vld [tilespmem:s18+$0xFFFFFF90]  }
0x2d7: {  	[tilespmem:s3+$0x5020] =	vst v2  }
0x2d8: {  	v2 =	vld [tilespmem:s15+$0x20]  }
0x2d9: {  	s22 =	simm.s32 $0x2280  }
0x2da: {  	v4 =	vld [tilespmem:s22+$0xFFFFFF80]  }
0x2db: {  	[tilespmem:s13+$0x5010] =	vst v3  }
0x2dc: {  	v3 =	vld [tilespmem:s18+$0x10]  }
0x2dd: {  	[tilespmem:s3+$0x6020] =	vst v2  }
0x2de: {  	s19 =	simm.s32 $0x100;
	v2 =	vld [tilespmem:s15+$0xFFFFFFB0]  }
0x2df: {  	[tilespmem:s19+$0x5000] =	vst v4  }
0x2e0: {  	v4 =	vld [tilespmem:s22+$0x0]  }
0x2e1: {  	[tilespmem:s13+$0x6010] =	vst v3  }
0x2e2: {  	v3 =	vld [tilespmem:s18+$0xFFFFFFA0]  }
0x2e3: {  	[tilespmem:s3+$0x5030] =	vst v2  }
0x2e4: {  	v2 =	vld [tilespmem:s15+$0x30]  }
0x2e5: {  	[tilespmem:s19+$0x6000] =	vst v4  }
0x2e6: {  	v4 =	vld [tilespmem:s22+$0xFFFFFF90]  }
0x2e7: {  	[tilespmem:s13+$0x5020] =	vst v3  }
0x2e8: {  	s17 =	simm.s32 $0x2380;
	v3 =	vld [tilespmem:s18+$0x20]  }
0x2e9: {  	[tilespmem:s3+$0x6030] =	vst v2;
	v2 =	vld [tilespmem:s17+$0xFFFFFF80]  }
0x2ea: {  	v5 =	vld [tilespmem:s15+$0xFFFFFFC0]  }
0x2eb: {  	[tilespmem:s19+$0x5010] =	vst v4  }
0x2ec: {  	v4 =	vld [tilespmem:s22+$0x10]  }
0x2ed: {  	s0 =	simm.s32 $0x180;
	[tilespmem:s13+$0x6020] =	vst v3  }
0x2ee: {  	v3 =	vld [tilespmem:s18+$0xFFFFFFB0];
	[tilespmem:s0+$0x5000] =	vst v2  }
0x2ef: {  	v2 =	vld [tilespmem:s17+$0x0];
	[tilespmem:s3+$0x5040] =	vst v5  }
0x2f0: {  	v5 =	vld [tilespmem:s15+$0x40]  }
0x2f1: {  	[tilespmem:s19+$0x6010] =	vst v4  }
0x2f2: {  	v4 =	vld [tilespmem:s22+$0xFFFFFFA0]  }
0x2f3: {  	[tilespmem:s13+$0x5030] =	vst v3  }
0x2f4: {  	v3 =	vld [tilespmem:s18+$0x30];
	[tilespmem:s0+$0x6000] =	vst v2  }
0x2f5: {  	v2 =	vld [tilespmem:s17+$0xFFFFFF90];
	[tilespmem:s3+$0x6040] =	vst v5  }
0x2f6: {  	v5 =	vld [tilespmem:s15+$0xFFFFFFD0]  }
0x2f7: {  	[tilespmem:s19+$0x5020] =	vst v4  }
0x2f8: {  	s30 =	simm.s32 $0x2480;
	v4 =	vld [tilespmem:s22+$0x20]  }
0x2f9: {  	[tilespmem:s13+$0x6030] =	vst v3;
	v3 =	vld [tilespmem:s30+$0xFFFFFF80]  }
0x2fa: {  	[tilespmem:s0+$0x5010] =	vst v2;
	v2 =	vld [tilespmem:s18+$0xFFFFFFC0]  }
0x2fb: {  	v6 =	vld [tilespmem:s17+$0x10];
	[tilespmem:s3+$0x5050] =	vst v5  }
0x2fc: {  	v5 =	vld [tilespmem:s15+$0x50]  }
0x2fd: {  	s20 =	simm.s32 $0x200;
	[tilespmem:s19+$0x6020] =	vst v4  }
0x2fe: {  	v4 =	vld [tilespmem:s22+$0xFFFFFFB0];
	[tilespmem:s20+$0x5000] =	vst v3  }
0x2ff: {  	v3 =	vld [tilespmem:s30+$0x0];
	[tilespmem:s13+$0x5040] =	vst v2  }
0x300: {  	[tilespmem:s0+$0x6010] =	vst v6;
	v2 =	vld [tilespmem:s18+$0x40]  }
0x301: {  	v6 =	vld [tilespmem:s17+$0xFFFFFFA0];
	[tilespmem:s3+$0x6050] =	vst v5  }
0x302: {  	v7 =	vld [tilespmem:s15+$0xFFFFFFE0]  }
0x303: {  	[tilespmem:s19+$0x5030] =	vst v4  }
0x304: {  	v4 =	vld [tilespmem:s22+$0x30];
	[tilespmem:s20+$0x6000] =	vst v3  }
0x305: {  	v8 =	vld [tilespmem:s30+$0xFFFFFF90];
	[tilespmem:s13+$0x6040] =	vst v2  }
0x306: {  	[tilespmem:s0+$0x5020] =	vst v6;
	v3 =	vld [tilespmem:s18+$0xFFFFFFD0]  }
0x307: {  	v5 =	vld [tilespmem:s17+$0x20];
	[tilespmem:s3+$0x5060] =	vst v7  }
0x308: {  	s21 =	simm.s32 $0x2580;
	v2 =	vld [tilespmem:s15+$0x60]  }
0x309: {  	[tilespmem:s19+$0x6030] =	vst v4;
	v6 =	vld [tilespmem:s21+$0xFFFFFF80]  }
0x30a: {  	s9 =	simm.s32 $0xA00;
	s23 =	simm.s32 $0xC00;
	v4 =	vld [tilespmem:s22+$0xFFFFFFC0];
	[tilespmem:s20+$0x5010] =	vst v8  }
.LBB2_14:
0x30b: {  	p4 =	sne.s32 s23, $0x1E00;
	v7 =	vld [tilespmem:s30+$0x10];
	[tilespmem:s13+$0x5050] =	vst v3  }
0x30c: {  	[tilespmem:s0+$0x6020] =	vst v5;
	v3 =	vld [tilespmem:s18+$0x50]  }
0x30d: {  	s2 =	sshra.s32 s9, $0x2;
	s9 =	smov.u32 s23;
	v5 =	vld [tilespmem:s17+$0xFFFFFFB0];
	[tilespmem:s3+$0x6060] =	vst v2  }
0x30e: {  	[tilespmem:s2+$0x5000] =	vst v6;
	v2 =	vld [tilespmem:s15+$0xFFFFFFF0]  }
0x30f: {  	v6 =	vld [tilespmem:s21+$0x0];
	[tilespmem:s19+$0x5040] =	vst v4  }
0x310: {  	[tilespmem:s20+$0x6010] =	vst v7;
	v4 =	vld [tilespmem:s22+$0x40]  }
0x311: {  	v7 =	vld [tilespmem:s30+$0xFFFFFFA0];
	[tilespmem:s13+$0x6050] =	vst v3  }
0x312: {  	[tilespmem:s0+$0x5030] =	vst v5;
	v8 =	vld [tilespmem:s18+$0xFFFFFFE0]  }
0x313: {  	v9 =	vld [tilespmem:s17+$0x30];
	[tilespmem:s3+$0x5070] =	vst v2  }
0x314: {  	[tilespmem:s2+$0x6000] =	vst v6;
	v10 =	vld [tilespmem:s15+$0x70];
	s15 =	smov.u32 s18;
	s18 =	smov.u32 s22;
	s22 =	smov.u32 s17  }
0x315: {  	s17 =	smov.u32 s30;
	s30 =	smov.u32 s21;
	v11 =	vld [tilespmem:s21+$0xFFFFFF90];
	[tilespmem:s19+$0x6040] =	vst v4  }
.Ltmp10:
0x316: {  	[tilespmem:s20+$0x5020] =	vst v7;
	v3 =	vld [tilespmem:s18+$0xFFFFFFD0];
	(pc) =	sbr.rel @p4 .LBB2_14-.Ltmp10, $4  }
0x317: {  	v5 =	vld [tilespmem:s17+$0x20];
	[tilespmem:s13+$0x5060] =	vst v8  }
0x318: {  	s21 =	sadd.s32 $0x100, s21;
	[tilespmem:s0+$0x6030] =	vst v9;
	v2 =	vld [tilespmem:s15+$0x60]  }
0x319: {  	v6 =	vld [tilespmem:s21+$0xFFFFFF80];
	[tilespmem:s3+$0x6070] =	vst v10;
	s3 =	smov.u32 s13;
	s13 =	smov.u32 s19;
	s19 =	smov.u32 s0  }
0x31a: {  	s23 =	sadd.s32 $0x200, s23;
	s0 =	smov.u32 s20;
	s20 =	smov.u32 s2;
	[tilespmem:s2+$0x5010] =	vst v11;
	v4 =	vld [tilespmem:s22+$0xFFFFFFC0]  }
0x31b: {  	_ =	sdelay $0x1  }
0x31c: {  	s23 =	sshra.s32 s9, $0x2  }
0x31d: {  	[tilespmem:s23+$0x5000] =	vst v6  }
0x31e: {  	v6 =	vld [tilespmem:s21+$0x0];
	_ =	sdelay $0x4  }
0x31f: {  	[tilespmem:s23+$0x6000] =	vst v6  }
0x320: {  	v6 =	vld [tilespmem:s21+$0xFFFFFF90];
	_ =	sdelay $0x3  }
0x321: {  	v7 =	vld [tilespmem:s30+$0x10]  }
0x322: {  	[tilespmem:s23+$0x5010] =	vst v6  }
0x323: {  	v6 =	vld [tilespmem:s21+$0x10];
	_ =	sdelay $0x2  }
0x324: {  	[tilespmem:s20+$0x6010] =	vst v7  }
0x325: {  	v7 =	vld [tilespmem:s30+$0xFFFFFFA0]  }
0x326: {  	[tilespmem:s23+$0x6010] =	vst v6  }
0x327: {  	v6 =	vld [tilespmem:s21+$0xFFFFFFA0];
	_ =	sdelay $0x2  }
0x328: {  	[tilespmem:s20+$0x5020] =	vst v7  }
0x329: {  	v7 =	vld [tilespmem:s30+$0x20]  }
0x32a: {  	[tilespmem:s23+$0x5020] =	vst v6  }
0x32b: {  	v6 =	vld [tilespmem:s21+$0x20];
	_ =	sdelay $0x1  }
0x32c: {  	[tilespmem:s0+$0x6020] =	vst v5  }
0x32d: {  	v5 =	vld [tilespmem:s17+$0xFFFFFFB0];
	[tilespmem:s20+$0x6020] =	vst v7  }
0x32e: {  	v7 =	vld [tilespmem:s30+$0xFFFFFFB0]  }
0x32f: {  	[tilespmem:s23+$0x6020] =	vst v6  }
0x330: {  	v6 =	vld [tilespmem:s21+$0xFFFFFFB0];
	_ =	sdelay $0x1  }
0x331: {  	[tilespmem:s0+$0x5030] =	vst v5  }
0x332: {  	v5 =	vld [tilespmem:s17+$0x30];
	[tilespmem:s20+$0x5030] =	vst v7  }
0x333: {  	v7 =	vld [tilespmem:s30+$0x30]  }
0x334: {  	[tilespmem:s23+$0x5030] =	vst v6  }
0x335: {  	v6 =	vld [tilespmem:s21+$0x30];
	_ =	sdelay $0x1  }
0x336: {  	[tilespmem:s0+$0x6030] =	vst v5  }
0x337: {  	v5 =	vld [tilespmem:s17+$0xFFFFFFC0];
	[tilespmem:s20+$0x6030] =	vst v7  }
0x338: {  	v7 =	vld [tilespmem:s30+$0xFFFFFFC0]  }
0x339: {  	[tilespmem:s23+$0x6030] =	vst v6  }
0x33a: {  	v6 =	vld [tilespmem:s21+$0xFFFFFFC0]  }
0x33b: {  	[tilespmem:s19+$0x5040] =	vst v4  }
0x33c: {  	v4 =	vld [tilespmem:s22+$0x40];
	[tilespmem:s0+$0x5040] =	vst v5  }
0x33d: {  	v5 =	vld [tilespmem:s17+$0x40];
	[tilespmem:s20+$0x5040] =	vst v7  }
0x33e: {  	v7 =	vld [tilespmem:s30+$0x40]  }
0x33f: {  	[tilespmem:s23+$0x5040] =	vst v6  }
0x340: {  	v6 =	vld [tilespmem:s21+$0x40]  }
0x341: {  	[tilespmem:s19+$0x6040] =	vst v4  }
0x342: {  	v4 =	vld [tilespmem:s22+$0xFFFFFFD0];
	[tilespmem:s0+$0x6040] =	vst v5  }
0x343: {  	v5 =	vld [tilespmem:s17+$0xFFFFFFD0];
	[tilespmem:s20+$0x6040] =	vst v7  }
0x344: {  	v7 =	vld [tilespmem:s30+$0xFFFFFFD0]  }
0x345: {  	[tilespmem:s23+$0x6040] =	vst v6  }
0x346: {  	[tilespmem:s13+$0x5050] =	vst v3;
	v6 =	vld [tilespmem:s21+$0xFFFFFFD0]  }
0x347: {  	v3 =	vld [tilespmem:s18+$0x50];
	[tilespmem:s19+$0x5050] =	vst v4  }
0x348: {  	v4 =	vld [tilespmem:s22+$0x50];
	[tilespmem:s0+$0x5050] =	vst v5  }
0x349: {  	v5 =	vld [tilespmem:s17+$0x50];
	[tilespmem:s20+$0x5050] =	vst v7  }
0x34a: {  	v7 =	vld [tilespmem:s30+$0x50]  }
0x34b: {  	[tilespmem:s23+$0x5050] =	vst v6  }
0x34c: {  	[tilespmem:s13+$0x6050] =	vst v3;
	v6 =	vld [tilespmem:s21+$0x50]  }
0x34d: {  	v3 =	vld [tilespmem:s18+$0xFFFFFFE0];
	[tilespmem:s19+$0x6050] =	vst v4  }
0x34e: {  	v4 =	vld [tilespmem:s22+$0xFFFFFFE0];
	[tilespmem:s0+$0x6050] =	vst v5  }
0x34f: {  	v5 =	vld [tilespmem:s17+$0xFFFFFFE0];
	[tilespmem:s20+$0x6050] =	vst v7  }
0x350: {  	v7 =	vld [tilespmem:s30+$0xFFFFFFE0]  }
0x351: {  	[tilespmem:s23+$0x6050] =	vst v6  }
0x352: {  	[tilespmem:s13+$0x5060] =	vst v3;
	v6 =	vld [tilespmem:s21+$0xFFFFFFE0]  }
0x353: {  	v3 =	vld [tilespmem:s18+$0x60];
	[tilespmem:s19+$0x5060] =	vst v4  }
0x354: {  	v4 =	vld [tilespmem:s22+$0x60];
	[tilespmem:s0+$0x5060] =	vst v5  }
0x355: {  	v5 =	vld [tilespmem:s17+$0x60];
	[tilespmem:s20+$0x5060] =	vst v7  }
0x356: {  	[tilespmem:s3+$0x6060] =	vst v2;
	v7 =	vld [tilespmem:s30+$0x60]  }
0x357: {  	[tilespmem:s23+$0x5060] =	vst v6  }
0x358: {  	[tilespmem:s13+$0x6060] =	vst v3;
	v2 =	vld [tilespmem:s21+$0x60]  }
0x359: {  	v3 =	vld [tilespmem:s18+$0xFFFFFFF0];
	[tilespmem:s19+$0x6060] =	vst v4  }
0x35a: {  	v4 =	vld [tilespmem:s22+$0xFFFFFFF0];
	[tilespmem:s0+$0x6060] =	vst v5  }
0x35b: {  	v5 =	vld [tilespmem:s17+$0xFFFFFFF0];
	[tilespmem:s20+$0x6060] =	vst v7  }
0x35c: {  	v7 =	vld [tilespmem:s30+$0xFFFFFFF0]  }
0x35d: {  	v63 =	vld [tilespmem:s15+$0xFFFFFFF0];
	[tilespmem:s23+$0x6060] =	vst v2  }
0x35e: {  	[tilespmem:s13+$0x5070] =	vst v3;
	v2 =	vld [tilespmem:s21+$0xFFFFFFF0]  }
0x35f: {  	v3 =	vld [tilespmem:s18+$0x70];
	[tilespmem:s19+$0x5070] =	vst v4  }
0x360: {  	v4 =	vld [tilespmem:s22+$0x70];
	[tilespmem:s0+$0x5070] =	vst v5  }
0x361: {  	v5 =	vld [tilespmem:s17+$0x70];
	[tilespmem:s20+$0x5070] =	vst v7  }
0x362: {  	[tilespmem:s3+$0x5070] =	vst v63;
	v7 =	vld [tilespmem:s30+$0x70]  }
0x363: {  	v6 =	vld [tilespmem:s15+$0x70];
	[tilespmem:s23+$0x5070] =	vst v2  }
0x364: {  	[tilespmem:s13+$0x6070] =	vst v3;
	v2 =	vld [tilespmem:s21+$0x70]  }
0x365: {  	[tilespmem:s19+$0x6070] =	vst v4  }
0x366: {  	[tilespmem:s0+$0x6070] =	vst v5  }
0x367: {  	[tilespmem:s20+$0x6070] =	vst v7  }
0x368: {  	[tilespmem:s3+$0x6070] =	vst v6  }
0x369: {  	s22 =	simm.s32 $0x5000;
	[tilespmem:s23+$0x6070] =	vst v2  }
0x36a: {  	[tilespmem:s31], [sflag:$0x3] =	stream.indirect.gather [hbm4b:s4+s29], $0x8, s22, s29, $0xb8;
	[tilespmem:$0x1E0E0] =	vst v63  }
0x36b: {  	s30 =	rddreg [dreg:$0x2];
	s23 =	simm.s32 $0x6000  }
0x36c: {  	[tilespmem:s26], [sflag:$0x3] =	stream.indirect.gather [hbm4b:s4+s29], $0x8, s23, s29, $0xb8;
	[tilespmem:$0x1E0E0] =	vst v63  }
.LBB2_16:
.Ltmp11:
0x36d: {  	(pc) =	sbr.rel @p1 .LBB2_20-.Ltmp11, $4  }
0x36e: {  	s0 =	simm.s32 @!p3 $0x6  }
0x36f: {  	_ =	swait.ge @!p3 [sflag:s0], $0x800  }
0x370: {  	[sflag:s0] =	ssyncset.done @!p3 $0x0  }
0x371: {  	[sflag:s0] =	ssyncadd.s32 @!p3 $0xFFFFF800  }
0x372: {  	s21 =	simm.s32 $0x8810  }
0x373: {  	s0 =	simm.s32 $0x10;
	s2 =	simm.s32 $0x7810;
	v5 =	vld [tilespmem:s21+$0x0]  }
0x374: {  	v2 =	vmov s0;
	v7 =	vld [tilespmem:s2+$0x0]  }
0x375: {  	s20 =	simm.s32 $0x0;
	s22 =	simm.s32 $0x9810;
	v16 =	vld [tilespmem:s2+$0xFFFFFFF0];
	v2 =	vshll.u32 v2, $0x3  }
0x376: {  	v3 =	vmov s20;
	v18 =	vld [tilespmem:s22+$0xFFFFFFF0];
	v2 =	vor.u32 v1, v2  }
0x377: {  	s3 =	simm.s32 $0x30;
	v21 =	vld [tilespmem:s21+$0xFFFFFFF0];
	v3 =	vshll.u32 v3, $0x3  }
0x378: {  	s9 =	simm.s32 $0x8830;
	v17 =	vmov s3;
	v22 =	vld [tilespmem:s22+$0x0];
	v3 =	vor.u32 v1, v3  }
0x379: {  	s13 =	simm.s32 $0x7830;
	v23 =	vld [tilespmem:s9+$0x0];
	v17 =	vshll.u32 v17, $0x3  }
0x37a: {  	v25 =	vld [tilespmem:s13+$0x0];
	v17 =	vor.u32 v1, v17  }
0x37b: {  	v4 =	vor.u32 $0x1, v2;
	v9 =	vld.idx.msk [tilespmem:v2+s14+$0x0], $0xffff  }
0x37c: {  	v8 =	vor.u32 $0x2, v2;
	v2 =	vld.idx.msk [tilespmem:v2+s16+$0x0], $0xffff  }
0x37d: {  	v6 =	vor.u32 $0x2, v3;
	v14 =	vld.idx.msk [tilespmem:v3+s14+$0x0], $0xffff  }
0x37e: {  	v11 =	vor.u32 $0x1, v3;
	v3 =	vld.idx.msk [tilespmem:v3+s16+$0x0], $0xffff  }
0x37f: {  	v27 =	vld.idx.msk [tilespmem:v17+s14+$0x0], $0xffff  }
0x380: {  	v10 =	vld.idx.msk [tilespmem:v4+s16+$0x0], $0xffff  }
0x381: {  	v4 =	vld.idx.msk [tilespmem:v4+s14+$0x0], $0xffff  }
0x382: {  	v12 =	vld.idx.msk [tilespmem:v6+s16+$0x0], $0xffff  }
0x383: {  	s23 =	simm.s32 $0x20;
	v20 =	vor.u32 $0x1, v17;
	v13 =	vld.idx.msk [tilespmem:v8+s16+$0x0], $0xffff  }
0x384: {  	v19 =	vmov s23;
	v15 =	vld.idx.msk [tilespmem:v11+s16+$0x0], $0xffff  }
0x385: {  	v19 =	vshll.u32 v19, $0x3;
	v8 =	vld.idx.msk [tilespmem:v8+s14+$0x0], $0xffff  }
0x386: {  	v19 =	vor.u32 v1, v19;
	v11 =	vld.idx.msk [tilespmem:v11+s14+$0x0], $0xffff  }
0x387: {  	v26 =	vor.u32 $0x2, v17;
	v6 =	vld.idx.msk [tilespmem:v6+s14+$0x0], $0xffff  }
0x388: {  	v24 =	vor.u32 $0x2, v19;
	v28 =	vld.idx.msk [tilespmem:v20+s16+$0x0], $0xffff  }
0x389: {  	v4 =	vsub.f32 v10, v4;
	v10 =	vld.idx.msk [tilespmem:v17+s16+$0x0], $0xffff  }
0x38a: {  	v17 =	vld.idx.msk [tilespmem:v20+s14+$0x0], $0xffff  }
0x38b: {  	v2 =	vsub.f32 v2, v9;
	v8 =	vsub.f32 v13, v8;
	v13 =	vld.idx.msk [tilespmem:v19+s14+$0x0], $0xffff  }
0x38c: {  	v9 =	vor.u32 $0x1, v19;
	v6 =	vsub.f32 v12, v6;
	v12 =	vld.idx.msk [tilespmem:v26+s14+$0x0], $0xffff  }
0x38d: {  	v3 =	vsub.f32 v3, v14;
	v20 =	vld.idx.msk [tilespmem:v24+s14+$0x0], $0xffff;
	v2 =	vadd.f32 v7, v2  }
0x38e: {  	v7 =	vsub.f32 v15, v11;
	v11 =	vld.idx.msk [tilespmem:v26+s16+$0x0], $0xffff;
	v4 =	vadd.f32 v5, v4  }
0x38f: {  	v3 =	vadd.f32 v16, v3;
	v16 =	vld [tilespmem:s13+$0xFFFFFFF0]  }
0x390: {  	s15 =	simm.s32 $0x50;
	v5 =	vld.idx.msk [tilespmem:v24+s16+$0x0], $0xffff;
	v2 =	vmul.f32 v2, v2;
	v7 =	vadd.f32 v21, v7;
	v4 =	vmul.f32 v4, v4  }
0x391: {  	v14 =	vmov s15;
	v8 =	vadd.f32 v22, v8;
	v15 =	vld.idx.msk [tilespmem:v9+s16+$0x0], $0xffff  }
0x392: {  	v3 =	vmul.f32 v3, v3;
	v9 =	vld.idx.msk [tilespmem:v9+s14+$0x0], $0xffff;
	v2 =	vadd.f32 v4, v2;
	v4 =	vmul.f32 v7, v7  }
0x393: {  	v6 =	vadd.f32 v18, v6;
	v22 =	vld [tilespmem:s9+$0xFFFFFFF0];
	v8 =	vmul.f32 v8, v8;
	v10 =	vsub.f32 v10, v27  }
0x394: {  	s9 =	simm.s32 $0x8870;
	v7 =	vld.idx.msk [tilespmem:v19+s16+$0x0], $0xffff;
	v3 =	vadd.f32 v4, v3;
	v4 =	vsub.f32 v28, v17;
	v17 =	vshll.u32 v14, $0x3  }
0x395: {  	s19 =	simm.s32 $0x8850;
	v36 =	vld [tilespmem:s9+$0xFFFFFFF0];
	v11 =	vsub.f32 v11, v12;
	v14 =	vadd.f32 v8, v2;
	v2 =	vor.u32 v1, v17  }
0x396: {  	s18 =	simm.s32 $0x40;
	s20 =	simm.s32 $0x7850;
	v6 =	vmul.f32 v6, v6;
	v12 =	vld [tilespmem:s19+$0x0];
	v10 =	vadd.f32 v25, v10;
	v5 =	vsub.f32 v5, v20  }
0x397: {  	s17 =	simm.s32 $0x9830;
	v25 =	vld [tilespmem:s20+$0x0];
	v8 =	vmov s18;
	v9 =	vsub.f32 v15, v9;
	v21 =	vor.u32 $0x1, v2  }
0x398: {  	v17 =	vld [tilespmem:s17+$0xFFFFFFF0];
	v10 =	vmul.f32 v10, v10;
	v4 =	vadd.f32 v23, v4;
	v19 =	vadd.f32 v6, v3  }
0x399: {  	v6 =	vld [tilespmem:s17+$0x0];
	v23 =	vshra.s32 v14, $0x1;
	v27 =	vor.u32 $0x2, v2;
	v7 =	vsub.f32 v7, v13  }
0x39a: {  	v13 =	vsub.s32 $0x5F3759DF, v23;
	v3 =	vmul.f32 v4, v4;
	v4 =	vshll.u32 v8, $0x3;
	v28 =	vld.idx.msk [tilespmem:v2+s14+$0x0], $0xffff  }
0x39b: {  	v9 =	vadd.f32 v22, v9;
	v18 =	vshra.s32 v19, $0x1;
	v4 =	vor.u32 v1, v4;
	v2 =	vld.idx.msk [tilespmem:v2+s16+$0x0], $0xffff  }
0x39c: {  	v8 =	vmul.f32 $5.000000000e-01, v19;
	v26 =	vsub.s32 $0x5F3759DF, v18;
	v18 =	vmul.f32 $5.000000000e-01, v14;
	v29 =	vld.idx.msk [tilespmem:v21+s16+$0x0], $0xffff  }
0x39d: {  	v7 =	vadd.f32 v16, v7;
	v9 =	vmul.f32 v9, v9;
	v24 =	vor.u32 $0x2, v4;
	v15 =	vld.idx.msk [tilespmem:v21+s14+$0x0], $0xffff  }
0x39e: {  	v23 =	vmul.f32 v26, v8;
	v31 =	vor.u32 $0x1, v4;
	v6 =	vadd.f32 v6, v11;
	v11 =	vld.idx.msk [tilespmem:v27+s16+$0x0], $0xffff  }
0x39f: {  	v5 =	vadd.f32 v17, v5;
	v30 =	vmul.f32 v13, v18;
	v7 =	vmul.f32 v7, v7;
	v17 =	vld.idx.msk [tilespmem:v27+s14+$0x0], $0xffff  }
0x3a0: {  	s21 =	simm.s32 $0x70;
	v3 =	vadd.f32 v3, v10;
	v10 =	vmul.f32 v26, v23;
	v20 =	vld.idx.msk [tilespmem:v4+s14+$0x0], $0xffff  }
0x3a1: {  	v21 =	vmov s21;
	v16 =	vmul.f32 v13, v30;
	v7 =	vadd.f32 v9, v7;
	v4 =	vld.idx.msk [tilespmem:v4+s16+$0x0], $0xffff  }
0x3a2: {  	v5 =	vmul.f32 v5, v5;
	v10 =	vsub.f32 $1.500000000e+00, v10;
	v23 =	vld.idx.msk [tilespmem:v24+s16+$0x0], $0xffff;
	v2 =	vsub.f32 v2, v28  }
0x3a3: {  	s22 =	simm.s32 $0x9850;
	v6 =	vmul.f32 v6, v6;
	v16 =	vsub.f32 $1.500000000e+00, v16;
	v22 =	vld.idx.msk [tilespmem:v31+s16+$0x0], $0xffff;
	v15 =	vsub.f32 v29, v15  }
0x3a4: {  	v28 =	vld [tilespmem:s22+$0x0];
	v9 =	vmul.f32 v26, v10;
	v11 =	vsub.f32 v11, v17;
	v10 =	vadd.f32 v25, v2  }
0x3a5: {  	v25 =	vld.idx.msk [tilespmem:v31+s14+$0x0], $0xffff;
	v2 =	vadd.f32 v6, v3;
	v6 =	vshll.u32 v21, $0x3;
	v3 =	vadd.f32 v5, v7  }
0x3a6: {  	v21 =	vld [tilespmem:s20+$0xFFFFFFF0];
	v12 =	vadd.f32 v12, v15;
	v15 =	vmul.f32 v9, v8;
	v5 =	vor.u32 v1, v6  }
0x3a7: {  	s23 =	simm.s32 $0x60;
	s17 =	simm.s32 $0x9870;
	v6 =	vmul.f32 v10, v10;
	v10 =	vld.idx.msk [tilespmem:v24+s14+$0x0], $0xffff;
	v24 =	vshra.s32 v2, $0x1;
	v17 =	vshra.s32 v3, $0x1  }
0x3a8: {  	v52 =	vld [tilespmem:s17+$0xFFFFFFF0];
	v4 =	vsub.f32 v4, v20;
	v20 =	vmov s23;
	v32 =	vor.u32 $0x2, v5  }
0x3a9: {  	v27 =	vld [tilespmem:s19+$0xFFFFFFF0];
	v7 =	vmul.f32 v12, v12;
	v12 =	vor.u32 $0x1, v5;
	v24 =	vsub.s32 $0x5F3759DF, v24  }
0x3aa: {  	v26 =	vld [tilespmem:s22+$0xFFFFFFF0];
	v17 =	vsub.s32 $0x5F3759DF, v17;
	v15 =	vmul.f32 v15, v9;
	v11 =	vadd.f32 v28, v11  }
0x3ab: {  	v7 =	vadd.f32 v7, v6;
	v6 =	vshll.u32 v20, $0x3;
	v22 =	vsub.f32 v22, v25;
	v25 =	vld [tilespmem:s9+$0x0]  }
0x3ac: {  	v4 =	vadd.f32 v21, v4;
	v21 =	vmul.f32 $5.000000000e-01, v3;
	v20 =	vmul.f32 v13, v16;
	v30 =	vld.idx.msk [tilespmem:v5+s14+$0x0], $0xffff  }
0x3ad: {  	v15 =	vsub.f32 $1.500000000e+00, v15;
	v11 =	vmul.f32 v11, v11;
	v29 =	vor.u32 v1, v6;
	v5 =	vld.idx.msk [tilespmem:v5+s16+$0x0], $0xffff  }
0x3ae: {  	v6 =	vmul.f32 $5.000000000e-01, v2;
	v13 =	vor.u32 $0x2, v29;
	v31 =	vmul.f32 v17, v21;
	v35 =	vld.idx.msk [tilespmem:v32+s16+$0x0], $0xffff  }
0x3af: {  	v22 =	vadd.f32 v27, v22;
	v4 =	vmul.f32 v4, v4;
	v28 =	vmul.f32 v20, v18;
	v16 =	vld.idx.msk [tilespmem:v12+s16+$0x0], $0xffff  }
0x3b0: {  	s13 =	simm.s32 $0x7870;
	v10 =	vsub.f32 v23, v10;
	v15 =	vmul.f32 v15, v9;
	v12 =	vld.idx.msk [tilespmem:v12+s14+$0x0], $0xffff;
	v23 =	vmul.f32 v17, v31  }
0x3b1: {  	v34 =	vor.u32 $0x1, v29;
	v33 =	vmul.f32 v24, v6;
	v31 =	vld [tilespmem:s13+$0x0];
	v22 =	vmul.f32 v22, v22  }
0x3b2: {  	v10 =	vadd.f32 v26, v10;
	v59 =	vmul.f32 v15, v8;
	v23 =	vsub.f32 $1.500000000e+00, v23;
	v26 =	vld.idx.msk [tilespmem:v29+s14+$0x0], $0xffff  }
0x3b3: {  	s15 =	simm.s32 $0x90;
	v33 =	vmul.f32 v24, v33;
	v5 =	vsub.f32 v5, v30;
	v30 =	vadd.f32 v22, v4;
	v27 =	vld.idx.msk [tilespmem:v13+s16+$0x0], $0xffff  }
0x3b4: {  	v10 =	vmul.f32 v10, v10;
	v4 =	vadd.f32 v11, v7;
	v7 =	vmov s15;
	v13 =	vld.idx.msk [tilespmem:v13+s14+$0x0], $0xffff  }
0x3b5: {  	v7 =	vshll.u32 v7, $0x3;
	v12 =	vsub.f32 v16, v12;
	v16 =	vld.idx.msk [tilespmem:v32+s14+$0x0], $0xffff;
	v22 =	vmul.f32 v17, v23  }
0x3b6: {  	s19 =	simm.s32 $0x7890;
	v33 =	vsub.f32 $1.500000000e+00, v33;
	v23 =	vld.idx.msk [tilespmem:v29+s16+$0x0], $0xffff;
	v5 =	vadd.f32 v31, v5;
	v31 =	vor.u32 v1, v7  }
0x3b7: {  	v55 =	vld [tilespmem:s19+$0x0];
	v17 =	vmul.f32 v28, v20;
	v12 =	vadd.f32 v25, v12;
	v11 =	vmul.f32 v22, v21  }
0x3b8: {  	v28 =	vld [tilespmem:s13+$0xFFFFFFF0];
	v51 =	vor.u32 $0x1, v31;
	v39 =	vor.u32 $0x2, v31;
	v29 =	vmul.f32 v5, v5  }
0x3b9: {  	v25 =	vld.idx.msk [tilespmem:v34+s16+$0x0], $0xffff;
	v5 =	vadd.f32 v10, v30;
	v10 =	vmul.f32 v12, v12;
	v12 =	vshra.s32 v4, $0x1  }
0x3ba: {  	v30 =	vld.idx.msk [tilespmem:v34+s14+$0x0], $0xffff;
	v11 =	vmul.f32 v11, v22;
	v13 =	vsub.f32 v27, v13;
	v16 =	vsub.f32 v35, v16  }
0x3bb: {  	s18 =	simm.s32 $0x80;
	v7 =	vshra.s32 v5, $0x1;
	v23 =	vsub.f32 v23, v26;
	v26 =	vsub.s32 $0x5F3759DF, v12;
	v38 =	vld.idx.msk [tilespmem:v31+s14+$0x0], $0xffff  }
0x3bc: {  	v12 =	vmul.f32 v24, v33;
	v24 =	vmov s18;
	v29 =	vadd.f32 v10, v29;
	v31 =	vld.idx.msk [tilespmem:v31+s16+$0x0], $0xffff  }
0x3bd: {  	v10 =	vmul.f32 $5.000000000e-01, v5;
	v24 =	vshll.u32 v24, $0x3;
	v23 =	vadd.f32 v28, v23;
	v28 =	vld [tilespmem:s17+$0x0]  }
0x3be: {  	v53 =	vsub.s32 $0x5F3759DF, v7;
	v7 =	vmul.f32 $5.000000000e-01, v4;
	v24 =	vor.u32 v1, v24;
	v40 =	vld.idx.msk [tilespmem:v51+s16+$0x0], $0xffff  }
0x3bf: {  	s23 =	simm.s32 $0x9890;
	v37 =	vmul.f32 v53, v10;
	v25 =	vsub.f32 v25, v30;
	v30 =	vsub.f32 $1.500000000e+00, v11;
	v11 =	vld.idx.msk [tilespmem:v51+s14+$0x0], $0xffff  }
0x3c0: {  	v50 =	vld [tilespmem:s23+$0x0];
	v13 =	vadd.f32 v52, v13;
	v56 =	vmul.f32 v12, v6;
	v54 =	vmul.f32 v26, v7  }
0x3c1: {  	v41 =	vor.u32 $0x1, v24;
	v9 =	vmul.f32 v23, v23;
	v23 =	vld.idx.msk [tilespmem:v39+s16+$0x0], $0xffff;
	v27 =	vmul.f32 v53, v37  }
0x3c2: {  	s20 =	simm.s32 $0x8890;
	v39 =	vld.idx.msk [tilespmem:v39+s14+$0x0], $0xffff;
	v33 =	vmul.f32 v26, v54;
	v25 =	vadd.f32 v36, v25;
	v31 =	vsub.f32 v31, v38  }
0x3c3: {  	v42 =	vor.u32 $0x2, v24;
	v16 =	vadd.f32 v28, v16;
	v28 =	vld [tilespmem:s20+$0x0];
	v27 =	vsub.f32 $1.500000000e+00, v27  }
0x3c4: {  	v25 =	vmul.f32 v25, v25;
	v33 =	vsub.f32 $1.500000000e+00, v33;
	v57 =	vld.idx.msk [tilespmem:v24+s14+$0x0], $0xffff;
	v8 =	vsub.f32 v40, v11  }
0x3c5: {  	v13 =	vmul.f32 v13, v13;
	v11 =	vld.idx.msk [tilespmem:v24+s16+$0x0], $0xffff;
	v24 =	vadd.f32 v55, v31;
	v31 =	vsub.f32 $1.500000000e+00, v17  }
0x3c6: {  	v58 =	vmul.f32 v16, v16;
	v9 =	vadd.f32 v25, v9;
	v16 =	vmul.f32 v53, v27  }
0x3c7: {  	v25 =	vmul.f32 v56, v12;
	v60 =	vsub.f32 v23, v39;
	v24 =	vmul.f32 v24, v24  }
0x3c8: {  	v31 =	vmul.f32 v31, v20;
	v9 =	vadd.f32 v13, v9;
	v27 =	vadd.f32 v28, v8  }
0x3c9: {  	v32 =	vadd.f32 v50, v60;
	v8 =	vadd.f32 v58, v29;
	v28 =	vmul.f32 v16, v10  }
0x3ca: {  	v23 =	vshra.s32 v9, $0x1;
	v13 =	vmul.f32 v27, v27;
	v27 =	vmul.f32 v59, v15  }
0x3cb: {  	s21 =	simm.s32 $0xB0;
	v61 =	vld.idx.msk [tilespmem:v42+s16+$0x0], $0xffff;
	v18 =	vmul.f32 v31, v18;
	v17 =	vshra.s32 v8, $0x1;
	v34 =	vsub.s32 $0x5F3759DF, v23  }
0x3cc: {  	v29 =	vld [tilespmem:s19+$0xFFFFFFF0];
	v27 =	vsub.f32 $1.500000000e+00, v27;
	v24 =	vadd.f32 v13, v24;
	v13 =	vmov s21  }
0x3cd: {  	v62 =	vld.idx.msk [tilespmem:v42+s14+$0x0], $0xffff;
	v20 =	vmul.f32 v28, v16;
	v18 =	vmul.f32 v18, v31;
	v13 =	vshll.u32 v13, $0x3  }
0x3ce: {  	v23 =	vmul.f32 v27, v15;
	v15 =	vmul.f32 v26, v33;
	v26 =	vor.u32 v1, v13  }
0x3cf: {  	v63 =	vld.idx.msk [tilespmem:v41+s14+$0x0], $0xffff;
	v11 =	vsub.f32 v11, v57;
	v32 =	vmul.f32 v32, v32;
	v17 =	vsub.s32 $0x5F3759DF, v17  }
0x3d0: {  	v20 =	vsub.f32 $1.500000000e+00, v20;
	v18 =	vsub.f32 $1.500000000e+00, v18;
	v27 =	vld.idx.msk [tilespmem:v41+s16+$0x0], $0xffff;
	v48 =	vor.u32 $0x1, v26  }
0x3d1: {  	v45 =	vld [tilespmem:s23+$0xFFFFFFF0];
	v29 =	vadd.f32 v29, v11;
	v11 =	vmul.f32 $5.000000000e-01, v8;
	v19 =	vmul.f32 v23, v19  }
0x3d2: {  	s22 =	simm.s32 $0xA0;
	v53 =	vld [tilespmem:s20+$0xFFFFFFF0];
	v13 =	vmul.f32 $5.000000000e-01, v9;
	v33 =	vsub.f32 v61, v62;
	v31 =	vmul.f32 v18, v31  }
0x3d3: {  	v43 =	vor.u32 $0x2, v26;
	v23 =	vmov s22;
	v19 =	vmul.f32 $-2.000000000e+00, v19;
	v54 =	vld.idx.msk [tilespmem:v26+s14+$0x0], $0xffff  }
0x3d4: {  	v49 =	vmul.f32 v17, v11;
	v51 =	vmul.f32 v34, v13;
	v23 =	vshll.u32 v23, $0x3;
	v56 =	vld.idx.msk [tilespmem:v26+s16+$0x0], $0xffff  }
0x3d5: {  	v52 =	vor.u32 v1, v23;
	v27 =	vsub.f32 v27, v63;
	v19 =	vmul.f32 $1.442695020e+00, v19;
	v55 =	vld.idx.msk [tilespmem:v48+s16+$0x0], $0xffff  }
0x3d6: {  	s17 =	simm.s32 $0x78B0;
	v38 =	vmul.f32 v17, v49;
	v28 =	vmul.f32 v34, v51;
	v44 =	vor.u32 $0x1, v52;
	v37 =	vld.idx.msk [tilespmem:v48+s14+$0x0], $0xffff  }
0x3d7: {  	v23 =	vor.u32 $0x2, v52;
	v26 =	vadd.f32 v53, v27;
	(erf) = vpow2.f32 v19;
	v19 =	vld [tilespmem:s17+$0x0]  }
0x3d8: {  	v28 =	vsub.f32 $1.500000000e+00, v28;
	v58 =	vld.idx.msk [tilespmem:v43+s16+$0x0], $0xffff;
	v27 =	vmul.f32 v30, v22;
	v22 =	vmul.f32 v29, v29  }
0x3d9: {  	s0 =	simm.s32 $0x88B0;
	v61 =	vld.idx.msk [tilespmem:v43+s14+$0x0], $0xffff;
	v29 =	vmul.f32 v15, v7;
	v42 =	vmul.f32 v26, v26;
	v26 =	vsub.f32 $1.500000000e+00, v25  }
0x3da: {  	v57 =	vld [tilespmem:s0+$0x0];
	v25 =	vadd.f32 v45, v33;
	v59 =	vmul.f32 v27, v21;
	v21 =	vsub.f32 v56, v54  }
0x3db: {  	v30 =	vsub.f32 $1.500000000e+00, v38;
	v18 =	vmul.f32 v34, v28;
	v60 =	vadd.f32 v42, v22  }
0x3dc: {  	v46 =	vld.idx.msk [tilespmem:v52+s14+$0x0], $0xffff;
	v19 =	vadd.f32 v19, v21;
	v21 =	vmul.f32 v25, v25;
	v25 =	vmul.f32 v31, v14  }
0x3dd: {  	v41 =	vld.idx.msk [tilespmem:v52+s16+$0x0], $0xffff;
	v62 =	vsub.f32 v55, v37;
	v22 =	vmul.f32 v29, v15;
	v63 =	vmul.f32 v59, v27  }
0x3de: {  	v29 =	vsub.f32 v58, v61;
	v33 =	vmul.f32 v19, v19;
	v19 =	vmul.f32 $-2.000000000e+00, v25  }
0x3df: {  	v34 =	vld [tilespmem:s17+$0xFFFFFFF0];
	v28 =	vadd.f32 v57, v62;
	v14 =	vadd.f32 v32, v24  }
0x3e0: {  	s3 =	simm.s32 $0x1A870;
	s15 =	simm.s32 $0x1A810;
	v31 =	vmul.f32 v18, v13;
	v24 =	vld.idx.msk [tilespmem:v23+s16+$0x0], $0xffff;
	v39 =	vsub.f32 $1.500000000e+00, v63;
	v21 =	vadd.f32 v21, v60  }
0x3e1: {  	s13 =	simm.s32 $0x1A830;
	s18 =	simm.s32 $0x1A850;
	s20 =	simm.s32 $0x98B0;
	v25 =	vld.idx.msk [tilespmem:v44+s16+$0x0], $0xffff;
	v35 =	vmul.f32 v28, v28;
	v32 =	vshra.s32 v14, $0x1;
	v38 =	vmul.f32 $1.442695020e+00, v19  }
0x3e2: {  	s19 =	simm.s32 $0x1A870;
	s21 =	simm.s32 $0xA;
	s22 =	simm.s32 $0xC0;
	v36 =	vsub.f32 v41, v46;
	v28 =	vld.idx.msk [tilespmem:v44+s14+$0x0], $0xffff;
	v32 =	vsub.s32 $0x5F3759DF, v32;
	v37 =	vshra.s32 v21, $0x1;
	v19 =	vpop (erf)  }
.LBB2_18:
0x3e3: {  	s2 =	sadd.s32 $0x10, s22;
	s21 =	sadd.s32 $0x2, s21;
	v33 =	vadd.f32 v35, v33;
	v35 =	vsub.s32 $0x5F3759DF, v37;
	s3 =	sadd.s32 $0x20, s3;
	(erf) = vpow2.f32 v38  }
0x3e4: {  	v37 =	vmov s2;
	p3 =	slt.u32 s21, $0x7E;
	v34 =	vadd.f32 v34, v36;
	v27 =	vmul.f32 v39, v27  }
0x3e5: {  	v38 =	vmul.f32 $5.000000000e-01, v14;
	v36 =	vshll.u32 v37, $0x3;
	v37 =	vld.idx.msk [tilespmem:v23+s14+$0x0], $0xffff;
	v23 =	vmul.f32 v17, v30;
	v17 =	vmovc v32  }
0x3e6: {  	v30 =	vor.u32 v1, v36;
	v32 =	vld [tilespmem:s20+$0xFFFFFFF0];
	v36 =	vmul.f32 $5.000000000e-01, v21;
	v27 =	vmul.f32 v27, v3;
	v3 =	vmovc v5;
	v5 =	vmovc v9  }
0x3e7: {  	v39 =	vmov s22;
	v42 =	vmul.f32 v17, v38;
	v9 =	vmovc v21;
	v40 =	vor.u32 $0x1, v30;
	v41 =	vld [tilespmem:s0+$0xFFFFFFF0]  }
0x3e8: {  	v21 =	vshll.u32 v39, $0x3;
	s0 =	sadd.s32 $0x20, s0;
	v39 =	vld [tilespmem:s20+$0x0];
	v43 =	vmul.f32 v35, v36;
	v27 =	vmul.f32 $-2.000000000e+00, v27  }
0x3e9: {  	s17 =	sadd.s32 $0x20, s17;
	v46 =	vmul.f32 v26, v12;
	v12 =	vmovc v15;
	v21 =	vor.u32 v1, v21;
	v44 =	vor.u32 $0x2, v30;
	v15 =	vmovc v23;
	v45 =	vld [tilespmem:s0+$0x0]  }
0x3ea: {  	v26 =	vmul.f32 v31, v18;
	v47 =	vor.u32 $0x1, v21;
	v23 =	vor.u32 $0x2, v21;
	v48 =	vld [tilespmem:s17+$0x0]  }
0x3eb: {  	v37 =	vsub.f32 v24, v37;
	v24 =	vmul.f32 v35, v43;
	v43 =	vmul.f32 $1.442695020e+00, v27;
	v31 =	vld.idx.msk [tilespmem:v30+s14+$0x0], $0xffff  }
0x3ec: {  	v50 =	vsub.f32 $1.500000000e+00, v26;
	v26 =	vmul.f32 v46, v6;
	v42 =	vmul.f32 v17, v42;
	v49 =	vld.idx.msk [tilespmem:v40+s16+$0x0], $0xffff;
	v6 =	vpop (erf)  }
0x3ed: {  	v25 =	vsub.f32 v25, v28;
	v19 =	vmul.f32 $5.000000000e-01, v19;
	v51 =	vld.idx.msk [tilespmem:v30+s16+$0x0], $0xffff;
	v28 =	vmul.f32 $5.000000000e-01, v6;
	v6 =	vmovc v7;
	v7 =	vmovc v11  }
0x3ee: {  	v26 =	vmul.f32 v26, v46;
	v29 =	vadd.f32 v39, v29;
	v39 =	vsub.f32 $1.500000000e+00, v24;
	v11 =	vmovc v38;
	v40 =	vld.idx.msk [tilespmem:v40+s14+$0x0], $0xffff  }
0x3ef: {  	v27 =	vmul.f32 v20, v16;
	v25 =	vadd.f32 v41, v25;
	v24 =	vld.idx.msk [tilespmem:v23+s16+$0x0], $0xffff;
	(erf) = vpow2.f32 v43;
	[tilespmem:s15+$0xFFFFFFF0] =	vst v19  }
0x3f0: {  	s20 =	sadd.s32 $0x20, s20;
	v41 =	vsub.f32 $1.500000000e+00, v26;
	v19 =	vmul.f32 v34, v34;
	v34 =	vmul.f32 v15, v7;
	v38 =	vld.idx.msk [tilespmem:v44+s16+$0x0], $0xffff;
	[tilespmem:s15+$0x0] =	vst v28;
	s15 =	smov.u32 s13;
	s13 =	smov.u32 s18  }
0x3f1: {  	v20 =	vmovc v50;
	v16 =	vmovc v18;
	v26 =	vsub.f32 $1.500000000e+00, v22;
	v30 =	vsub.f32 $1.500000000e+00, v42;
	v28 =	vmul.f32 v25, v25;
	s18 =	smov.u32 s19;
	s19 =	smov.u32 s3;
	v43 =	vld.idx.msk [tilespmem:v21+s14+$0x0], $0xffff  }
0x3f2: {  	v32 =	vadd.f32 v32, v37;
	v37 =	vmul.f32 v27, v10;
	v29 =	vmul.f32 v29, v29;
	v25 =	vld.idx.msk [tilespmem:v47+s16+$0x0], $0xffff  }
0x3f3: {  	v19 =	vadd.f32 v28, v19;
	v42 =	vld.idx.msk [tilespmem:v44+s14+$0x0], $0xffff;
	v44 =	vsub.f32 v51, v31;
	v31 =	vmul.f32 v41, v46  }
0x3f4: {  	v18 =	vmul.f32 v35, v39;
	v22 =	vmul.f32 v34, v15;
	v41 =	vld.idx.msk [tilespmem:v21+s16+$0x0], $0xffff;
	v21 =	vsub.f32 v49, v40  }
0x3f5: {  	v32 =	vmul.f32 v32, v32;
	v28 =	vld.idx.msk [tilespmem:v47+s14+$0x0], $0xffff;
	v35 =	vadd.f32 v48, v44;
	v44 =	vmul.f32 v31, v2  }
.Ltmp12:
0x3f6: {  	v10 =	vmovc v13;
	v40 =	vadd.f32 v29, v33;
	v31 =	vmul.f32 v18, v36;
	v39 =	vadd.f32 v45, v21;
	(pc) =	sbr.rel @p3 .LBB2_18-.Ltmp12, $4  }
0x3f7: {  	v13 =	vmovc v36;
	v2 =	vmovc v4;
	v21 =	vadd.f32 v32, v19;
	v34 =	vld [tilespmem:s17+$0xFFFFFFF0];
	v33 =	vmul.f32 v35, v35;
	v32 =	vmul.f32 $-2.000000000e+00, v44  }
0x3f8: {  	v44 =	vmul.f32 v37, v27;
	v35 =	vmul.f32 v39, v39;
	v39 =	vshra.s32 v40, $0x1;
	v19 =	vpop (erf)  }
0x3f9: {  	v4 =	vmovc v8;
	v8 =	vmovc v14;
	v29 =	vsub.f32 v38, v42;
	v37 =	vshra.s32 v21, $0x1;
	v38 =	vmul.f32 $1.442695020e+00, v32  }
0x3fa: {  	s22 =	sadd.s32 $0x20, s22;
	v14 =	vmovc v40;
	v36 =	vsub.f32 v41, v43;
	v32 =	vsub.s32 $0x5F3759DF, v39;
	v39 =	vsub.f32 $1.500000000e+00, v44  }
0x3fb: {  	_ = 	snop  }
0x3fc: {  	(erf) = vpow2.f32 v38  }
0x3fd: {  	v38 =	vmul.f32 $5.000000000e-01, v14;
	v12 =	vmul.f32 v26, v12  }
0x3fe: {  	v17 =	vmul.f32 v17, v30;
	v26 =	vmul.f32 $5.000000000e-01, v21  }
0x3ff: {  	v23 =	vld.idx.msk [tilespmem:v23+s14+$0x0], $0xffff;
	v31 =	vmul.f32 v31, v18;
	v16 =	vmul.f32 v20, v16  }
0x400: {  	v43 =	vsub.s32 $0x5F3759DF, v37;
	v44 =	vld [tilespmem:s0+$0xFFFFFFF0];
	v27 =	vmul.f32 v39, v27;
	v6 =	vmul.f32 v12, v6  }
0x401: {  	v47 =	vld [tilespmem:s20+$0x0];
	v34 =	vadd.f32 v34, v36;
	v45 =	vmul.f32 v32, v38;
	v46 =	vmul.f32 v43, v26  }
0x402: {  	v54 =	vmul.f32 v17, v11;
	v10 =	vmul.f32 v16, v10  }
0x403: {  	v3 =	vmul.f32 v27, v3;
	v53 =	vmul.f32 v34, v34  }
0x404: {  	v25 =	vsub.f32 v25, v28;
	v49 =	vld [tilespmem:s20+$0xFFFFFFF0];
	v6 =	vmul.f32 v6, v12;
	v48 =	vmul.f32 v43, v46  }
0x405: {  	v50 =	vmul.f32 v32, v45;
	v3 =	vmul.f32 $-2.000000000e+00, v3;
	v23 =	vsub.f32 v24, v23  }
0x406: {  	v10 =	vmul.f32 v10, v16;
	v51 =	vadd.f32 v44, v25;
	v52 =	vadd.f32 v47, v29  }
0x407: {  	v25 =	vmul.f32 v54, v17;
	v6 =	vsub.f32 $1.500000000e+00, v6;
	v3 =	vmul.f32 $1.442695020e+00, v3  }
0x408: {  	v55 =	vsub.f32 $1.500000000e+00, v48;
	v10 =	vsub.f32 $1.500000000e+00, v10;
	v20 =	vmul.f32 v51, v51  }
0x409: {  	v23 =	vadd.f32 v49, v23;
	(erf) = vpow2.f32 v3;
	v3 =	vmul.f32 v6, v12  }
0x40a: {  	v25 =	vsub.f32 $1.500000000e+00, v25;
	v56 =	vmul.f32 v43, v55;
	v10 =	vmul.f32 v10, v16  }
0x40b: {  	v33 =	vadd.f32 v35, v33;
	v6 =	vmul.f32 v52, v52;
	v2 =	vmul.f32 v3, v2  }
0x40c: {  	v22 =	vsub.f32 $1.500000000e+00, v22;
	v57 =	vmul.f32 v23, v23;
	v37 =	vmul.f32 v25, v17  }
0x40d: {  	v12 =	vadd.f32 v20, v53;
	v5 =	vmul.f32 v10, v5;
	v2 =	vmul.f32 $-2.000000000e+00, v2  }
0x40e: {  	v58 =	vmul.f32 v56, v26;
	v3 =	vsub.f32 $1.500000000e+00, v50;
	v42 =	vmul.f32 v37, v11  }
0x40f: {  	v6 =	vadd.f32 v6, v33;
	v5 =	vmul.f32 $-2.000000000e+00, v5;
	v2 =	vmul.f32 $1.442695020e+00, v2  }
0x410: {  	v12 =	vadd.f32 v57, v12;
	v23 =	vmul.f32 v58, v56;
	v3 =	vmul.f32 v32, v3  }
0x411: {  	v32 =	vsub.f32 $1.500000000e+00, v31;
	(erf) = vpow2.f32 v2;
	v2 =	vmul.f32 v22, v15  }
0x412: {  	v59 =	vshra.s32 v6, $0x1;
	v60 =	vmul.f32 $5.000000000e-01, v6;
	v61 =	vmul.f32 $5.000000000e-01, v12  }
0x413: {  	v62 =	vsub.s32 $0x5F3759DF, v59;
	v34 =	vmul.f32 v32, v18;
	v7 =	vmul.f32 v2, v7  }
0x414: {  	v20 =	vshra.s32 v12, $0x1;
	v5 =	vmul.f32 $1.442695020e+00, v5;
	v33 =	vmul.f32 v62, v60  }
0x415: {  	v20 =	vsub.s32 $0x5F3759DF, v20;
	v36 =	vmul.f32 v34, v13;
	v7 =	vmul.f32 v7, v2  }
0x416: {  	v63 =	vmul.f32 v20, v61;
	v35 =	vmul.f32 v62, v33  }
0x417: {  	(erf) = vpow2.f32 v5;
	v5 =	vmul.f32 v36, v34;
	v7 =	vsub.f32 $1.500000000e+00, v7  }
0x418: {  	v40 =	vmul.f32 v3, v38;
	v15 =	vmul.f32 v20, v63;
	v41 =	vsub.f32 $1.500000000e+00, v35  }
0x419: {  	v11 =	vmul.f32 v42, v37;
	v5 =	vsub.f32 $1.500000000e+00, v5;
	v2 =	vmul.f32 v7, v2  }
0x41a: {  	v13 =	vmul.f32 v40, v3;
	v39 =	vsub.f32 $1.500000000e+00, v15;
	v10 =	vmul.f32 v62, v41  }
0x41b: {  	v5 =	vmul.f32 v5, v34;
	v2 =	vmul.f32 v2, v4  }
0x41c: {  	v45 =	vmul.f32 v10, v60;
	v7 =	vmul.f32 v20, v39  }
0x41d: {  	v44 =	vsub.f32 $1.500000000e+00, v23;
	v5 =	vmul.f32 v5, v9;
	v2 =	vmul.f32 $-2.000000000e+00, v2  }
0x41e: {  	v9 =	vmul.f32 v45, v10;
	v43 =	vmul.f32 v7, v61  }
0x41f: {  	v46 =	vmul.f32 v44, v56;
	v2 =	vmul.f32 $1.442695020e+00, v2  }
0x420: {  	v47 =	vsub.f32 $1.500000000e+00, v13;
	v9 =	vsub.f32 $1.500000000e+00, v9;
	v15 =	vmul.f32 v43, v7  }
0x421: {  	v49 =	vmul.f32 v46, v26;
	(erf) = vpow2.f32 v2;
	v2 =	vsub.f32 $1.500000000e+00, v11  }
0x422: {  	v3 =	vmul.f32 v47, v3;
	v9 =	vmul.f32 v9, v10;
	v48 =	vsub.f32 $1.500000000e+00, v15  }
0x423: {  	v5 =	vmul.f32 $-2.000000000e+00, v5;
	v2 =	vmul.f32 v2, v37  }
0x424: {  	v51 =	vmul.f32 v9, v60;
	v7 =	vmul.f32 v48, v7  }
0x425: {  	v11 =	vmul.f32 v3, v38;
	v2 =	vmul.f32 v2, v8  }
0x426: {  	v50 =	vmul.f32 v7, v61;
	v8 =	vmul.f32 v49, v46  }
0x427: {  	v11 =	vmul.f32 v11, v3;
	v2 =	vmul.f32 $-2.000000000e+00, v2  }
0x428: {  	v5 =	vmul.f32 $1.442695020e+00, v5;
	v10 =	vmul.f32 v50, v7;
	v8 =	vsub.f32 $1.500000000e+00, v8  }
0x429: {  	v13 =	vmul.f32 v51, v9;
	v11 =	vsub.f32 $1.500000000e+00, v11;
	v2 =	vmul.f32 $1.442695020e+00, v2  }
0x42a: {  	(erf) = vpow2.f32 v5;
	v52 =	vsub.f32 $1.500000000e+00, v10;
	v4 =	vmul.f32 v8, v46  }
0x42b: {  	(erf) = vpow2.f32 v2;
	v2 =	vmul.f32 v11, v3;
	v3 =	vsub.f32 $1.500000000e+00, v13  }
0x42c: {  	v5 =	vmul.f32 v52, v7  }
0x42d: {  	v4 =	vmul.f32 v4, v21;
	v3 =	vmul.f32 v3, v9  }
0x42e: {  	v5 =	vmul.f32 v5, v12;
	v2 =	vmul.f32 v2, v14  }
0x42f: {  	v4 =	vmul.f32 $-2.000000000e+00, v4;
	v3 =	vmul.f32 v3, v6  }
0x430: {  	v5 =	vmul.f32 $-2.000000000e+00, v5;
	v2 =	vmul.f32 $-2.000000000e+00, v2  }
0x431: {  	v4 =	vmul.f32 $1.442695020e+00, v4;
	v3 =	vmul.f32 $-2.000000000e+00, v3  }
0x432: {  	v2 =	vmul.f32 $1.442695020e+00, v2  }
0x433: {  	v53 =	vmul.f32 $1.442695020e+00, v5;
	(erf) = vpow2.f32 v4  }
0x434: {  	(erf) = vpow2.f32 v2;
	v2 =	vmul.f32 $1.442695020e+00, v3  }
0x435: {  	v54 =	vmul.f32 $5.000000000e-01, v19;
	v3 =	vpop (erf)  }
0x436: {  	(erf) = vpow2.f32 v53;
	v3 =	vmul.f32 $5.000000000e-01, v3  }
0x437: {  	v55 =	vpop (erf);
	(erf) = vpow2.f32 v2  }
0x438: {  	[tilespmem:s15+$0xFFFFFFF0] =	vst v54;
	v2 =	vpop (erf);
	v4 =	vmul.f32 $5.000000000e-01, v55  }
0x439: {  	v56 =	vpop (erf);
	[tilespmem:s15+$0x0] =	vst v3;
	v2 =	vmul.f32 $5.000000000e-01, v2  }
0x43a: {  	[tilespmem:s13+$0xFFFFFFF0] =	vst v4;
	v57 =	vmul.f32 $5.000000000e-01, v56;
	v3 =	vpop (erf)  }
0x43b: {  	[tilespmem:s13+$0x0] =	vst v2;
	v58 =	vpop (erf);
	v2 =	vmul.f32 $5.000000000e-01, v3  }
0x43c: {  	[tilespmem:s18+$0xFFFFFFF0] =	vst v57;
	v3 =	vpop (erf);
	v59 =	vmul.f32 $5.000000000e-01, v58  }
0x43d: {  	v60 =	vpop (erf);
	[tilespmem:s18+$0x0] =	vst v2;
	v2 =	vmul.f32 $5.000000000e-01, v3  }
0x43e: {  	v3 =	vpop (erf);
	[tilespmem:s19+$0xFFFFFFF0] =	vst v59;
	v61 =	vmul.f32 $5.000000000e-01, v60  }
0x43f: {  	s21 =	sadd.s32 $0x20, s3;
	v62 =	vpop (erf);
	[tilespmem:s19+$0x0] =	vst v2;
	v2 =	vmul.f32 $5.000000000e-01, v3  }
0x440: {  	[tilespmem:s21+$0xFFFFFFF0] =	vst v61;
	v3 =	vpop (erf);
	v63 =	vmul.f32 $5.000000000e-01, v62  }
0x441: {  	s2 =	sadd.s32 $0x20, s21;
	[tilespmem:s21+$0x0] =	vst v2;
	v2 =	vmul.f32 $5.000000000e-01, v3  }
0x442: {  	[tilespmem:s2+$0xFFFFFFF0] =	vst v63  }
0x443: {  	s22 =	simm.s32 $0x4800;
	s23 =	simm.s32 $0x1A800;
	[tilespmem:s2+$0x0] =	vst v2  }
0x444: {  	[spmem:s30] =	stream.indirect.scatter.add.f32 [tilespmem:s23], [sflag:$0x6], $0x1, s22, s29, $0xb8;
	[tilespmem:$0x1E0E0] =	vst v63  }
.LBB2_20:
0x445: {  	s0 =	sor.u32 $0x60, s11  }
0x446: {  	p3 =	sgt.u32 s0, $0xC34  }
0x447: {  	s2 =	sshll.u32 @!p3 s0, $0x9;
	s3 =	simm.s32 @!p3 $0x0  }
0x448: {  	s9 =	simm.s32 @!p3 $0x3000;
	s0 =	sshll.u32 @!p3 s0, $0x8;
	s2 =	sadd.s32 @!p3 s1, s2  }
0x449: {  	[tilespmem:s9], [sflag:$0x2] =	stream.linear.gather @!p3 [hbm4b:s2+s3], $0x1000, $0x38;
	[tilespmem:$0x1E0E0] =	vst v63  }
0x44a: {  	s2 =	sadd.s32 @!p3 s6, s0;
	s9 =	simm.s32 @!p3 $0x7800  }
0x44b: {  	[tilespmem:s9], [sflag:$0x2] =	stream.linear.gather @!p3 [hbm4b:s2+s3], $0x800, $0x38;
	[tilespmem:$0x1E0E0] =	vst v63  }
0x44c: {  	s2 =	sadd.s32 @!p3 s7, s0;
	s9 =	simm.s32 @!p3 $0x8800  }
0x44d: {  	[tilespmem:s9], [sflag:$0x2] =	stream.linear.gather @!p3 [hbm4b:s2+s3], $0x800, $0x38;
	[tilespmem:$0x1E0E0] =	vst v63  }
0x44e: {  	s0 =	sadd.s32 @!p3 s8, s0;
	s2 =	simm.s32 @!p3 $0x9800  }
0x44f: {  	[tilespmem:s2], [sflag:$0x2] =	stream.linear.gather @!p3 [hbm4b:s0+s3], $0x800, $0x38;
	[tilespmem:$0x1E0E0] =	vst v63  }
0x450: {  	s0 =	simm.s32 @!p2 $0x3  }
0x451: {  	_ =	swait.ge @!p2 [sflag:s0], $0x4000  }
.Ltmp13:
0x452: {  	[sflag:s0] =	ssyncset.done @!p2 $0x0;
	(pc) =	sbr.rel @p3 .LBB2_24-.Ltmp13, $4  }
0x453: {  	[sflag:s0] =	ssyncadd.s32 @!p2 $0xFFFFC000  }
0x454: {  	_ =	swait.ge @!p2 [sflag:s0], $0x4000  }
0x455: {  	[sflag:s0] =	ssyncset.done @!p2 $0x0  }
0x456: {  	[sflag:s0] =	ssyncadd.s32 @!p2 $0xFFFFC000  }
0x457: {  	_ =	swait.ge [sflag:s12], $0x1000  }
0x458: {  	[sflag:s12] =	ssyncset.done $0x0  }
0x459: {  	[sflag:s12] =	ssyncadd.s32 $0xFFFFF000  }
0x45a: {  	_ =	swait.ge [sflag:s12], $0x800  }
0x45b: {  	[sflag:s12] =	ssyncset.done $0x0  }
0x45c: {  	[sflag:s12] =	ssyncadd.s32 $0xFFFFF800  }
0x45d: {  	_ =	swait.ge [sflag:s12], $0x800  }
0x45e: {  	[sflag:s12] =	ssyncset.done $0x0  }
0x45f: {  	[sflag:s12] =	ssyncadd.s32 $0xFFFFF800  }
0x460: {  	_ =	swait.ge [sflag:s12], $0x800  }
0x461: {  	[sflag:s12] =	ssyncset.done $0x0  }
0x462: {  	s13 =	simm.s32 $0x3080;
	[sflag:s12] =	ssyncadd.s32 $0xFFFFF800  }
0x463: {  	v2 =	vld [tilespmem:s13+$0xFFFFFF80];
	_ =	sdelay $0x3  }
0x464: {  	s3 =	simm.s32 $0x0  }
0x465: {  	[tilespmem:s3+$0x5800] =	vst v2  }
0x466: {  	v2 =	vld [tilespmem:s13+$0x0];
	_ =	sdelay $0x4  }
0x467: {  	[tilespmem:s3+$0x6800] =	vst v2  }
0x468: {  	v2 =	vld [tilespmem:s13+$0xFFFFFF90];
	_ =	sdelay $0x2  }
0x469: {  	s15 =	simm.s32 $0x3180  }
0x46a: {  	v3 =	vld [tilespmem:s15+$0xFFFFFF80]  }
0x46b: {  	[tilespmem:s3+$0x5810] =	vst v2  }
0x46c: {  	v2 =	vld [tilespmem:s13+$0x10];
	_ =	sdelay $0x1  }
0x46d: {  	s11 =	simm.s32 $0x80  }
0x46e: {  	[tilespmem:s11+$0x5800] =	vst v3  }
0x46f: {  	v3 =	vld [tilespmem:s15+$0x0]  }
0x470: {  	[tilespmem:s3+$0x6810] =	vst v2  }
0x471: {  	v2 =	vld [tilespmem:s13+$0xFFFFFFA0];
	_ =	sdelay $0x2  }
0x472: {  	[tilespmem:s11+$0x6800] =	vst v3  }
0x473: {  	v3 =	vld [tilespmem:s15+$0xFFFFFF90]  }
0x474: {  	[tilespmem:s3+$0x5820] =	vst v2  }
0x475: {  	v2 =	vld [tilespmem:s13+$0x20]  }
0x476: {  	s19 =	simm.s32 $0x3280  }
0x477: {  	v4 =	vld [tilespmem:s19+$0xFFFFFF80]  }
0x478: {  	[tilespmem:s11+$0x5810] =	vst v3  }
0x479: {  	v3 =	vld [tilespmem:s15+$0x10]  }
0x47a: {  	[tilespmem:s3+$0x6820] =	vst v2  }
0x47b: {  	s18 =	simm.s32 $0x100;
	v2 =	vld [tilespmem:s13+$0xFFFFFFB0]  }
0x47c: {  	[tilespmem:s18+$0x5800] =	vst v4  }
0x47d: {  	v4 =	vld [tilespmem:s19+$0x0]  }
0x47e: {  	[tilespmem:s11+$0x6810] =	vst v3  }
0x47f: {  	v3 =	vld [tilespmem:s15+$0xFFFFFFA0]  }
0x480: {  	[tilespmem:s3+$0x5830] =	vst v2  }
0x481: {  	v2 =	vld [tilespmem:s13+$0x30]  }
0x482: {  	[tilespmem:s18+$0x6800] =	vst v4  }
0x483: {  	v4 =	vld [tilespmem:s19+$0xFFFFFF90]  }
0x484: {  	[tilespmem:s11+$0x5820] =	vst v3  }
0x485: {  	s17 =	simm.s32 $0x3380;
	v3 =	vld [tilespmem:s15+$0x20]  }
0x486: {  	[tilespmem:s3+$0x6830] =	vst v2;
	v2 =	vld [tilespmem:s17+$0xFFFFFF80]  }
0x487: {  	v5 =	vld [tilespmem:s13+$0xFFFFFFC0]  }
0x488: {  	[tilespmem:s18+$0x5810] =	vst v4  }
0x489: {  	v4 =	vld [tilespmem:s19+$0x10]  }
0x48a: {  	s0 =	simm.s32 $0x180;
	[tilespmem:s11+$0x6820] =	vst v3  }
0x48b: {  	v3 =	vld [tilespmem:s15+$0xFFFFFFB0];
	[tilespmem:s0+$0x5800] =	vst v2  }
0x48c: {  	v2 =	vld [tilespmem:s17+$0x0];
	[tilespmem:s3+$0x5840] =	vst v5  }
0x48d: {  	v5 =	vld [tilespmem:s13+$0x40]  }
0x48e: {  	[tilespmem:s18+$0x6810] =	vst v4  }
0x48f: {  	v4 =	vld [tilespmem:s19+$0xFFFFFFA0]  }
0x490: {  	[tilespmem:s11+$0x5830] =	vst v3  }
0x491: {  	v3 =	vld [tilespmem:s15+$0x30];
	[tilespmem:s0+$0x6800] =	vst v2  }
0x492: {  	v2 =	vld [tilespmem:s17+$0xFFFFFF90];
	[tilespmem:s3+$0x6840] =	vst v5  }
0x493: {  	v5 =	vld [tilespmem:s13+$0xFFFFFFD0]  }
0x494: {  	[tilespmem:s18+$0x5820] =	vst v4  }
0x495: {  	s22 =	simm.s32 $0x3480;
	v4 =	vld [tilespmem:s19+$0x20]  }
0x496: {  	[tilespmem:s11+$0x6830] =	vst v3;
	v3 =	vld [tilespmem:s22+$0xFFFFFF80]  }
0x497: {  	[tilespmem:s0+$0x5810] =	vst v2;
	v2 =	vld [tilespmem:s15+$0xFFFFFFC0]  }
0x498: {  	v6 =	vld [tilespmem:s17+$0x10];
	[tilespmem:s3+$0x5850] =	vst v5  }
0x499: {  	v5 =	vld [tilespmem:s13+$0x50]  }
0x49a: {  	s20 =	simm.s32 $0x200;
	[tilespmem:s18+$0x6820] =	vst v4  }
0x49b: {  	v4 =	vld [tilespmem:s19+$0xFFFFFFB0];
	[tilespmem:s20+$0x5800] =	vst v3  }
0x49c: {  	v3 =	vld [tilespmem:s22+$0x0];
	[tilespmem:s11+$0x5840] =	vst v2  }
0x49d: {  	[tilespmem:s0+$0x6810] =	vst v6;
	v2 =	vld [tilespmem:s15+$0x40]  }
0x49e: {  	v6 =	vld [tilespmem:s17+$0xFFFFFFA0];
	[tilespmem:s3+$0x6850] =	vst v5  }
0x49f: {  	v7 =	vld [tilespmem:s13+$0xFFFFFFE0]  }
0x4a0: {  	[tilespmem:s18+$0x5830] =	vst v4  }
0x4a1: {  	v4 =	vld [tilespmem:s19+$0x30];
	[tilespmem:s20+$0x6800] =	vst v3  }
0x4a2: {  	v8 =	vld [tilespmem:s22+$0xFFFFFF90];
	[tilespmem:s11+$0x6840] =	vst v2  }
0x4a3: {  	[tilespmem:s0+$0x5820] =	vst v6;
	v3 =	vld [tilespmem:s15+$0xFFFFFFD0]  }
0x4a4: {  	v5 =	vld [tilespmem:s17+$0x20];
	[tilespmem:s3+$0x5860] =	vst v7  }
0x4a5: {  	s21 =	simm.s32 $0x3580;
	v2 =	vld [tilespmem:s13+$0x60]  }
0x4a6: {  	[tilespmem:s18+$0x6830] =	vst v4;
	v6 =	vld [tilespmem:s21+$0xFFFFFF80]  }
0x4a7: {  	s9 =	simm.s32 $0xA00;
	s23 =	simm.s32 $0xC00;
	v4 =	vld [tilespmem:s19+$0xFFFFFFC0];
	[tilespmem:s20+$0x5810] =	vst v8  }
.LBB2_22:
0x4a8: {  	p4 =	sne.s32 s23, $0x1E00;
	v7 =	vld [tilespmem:s22+$0x10];
	[tilespmem:s11+$0x5850] =	vst v3  }
0x4a9: {  	[tilespmem:s0+$0x6820] =	vst v5;
	v3 =	vld [tilespmem:s15+$0x50]  }
0x4aa: {  	s2 =	sshra.s32 s9, $0x2;
	s9 =	smov.u32 s23;
	v5 =	vld [tilespmem:s17+$0xFFFFFFB0];
	[tilespmem:s3+$0x6860] =	vst v2  }
0x4ab: {  	[tilespmem:s2+$0x5800] =	vst v6;
	v2 =	vld [tilespmem:s13+$0xFFFFFFF0]  }
0x4ac: {  	v6 =	vld [tilespmem:s21+$0x0];
	[tilespmem:s18+$0x5840] =	vst v4  }
0x4ad: {  	[tilespmem:s20+$0x6810] =	vst v7;
	v4 =	vld [tilespmem:s19+$0x40]  }
0x4ae: {  	v7 =	vld [tilespmem:s22+$0xFFFFFFA0];
	[tilespmem:s11+$0x6850] =	vst v3  }
0x4af: {  	[tilespmem:s0+$0x5830] =	vst v5;
	v8 =	vld [tilespmem:s15+$0xFFFFFFE0]  }
0x4b0: {  	v9 =	vld [tilespmem:s17+$0x30];
	[tilespmem:s3+$0x5870] =	vst v2  }
0x4b1: {  	[tilespmem:s2+$0x6800] =	vst v6;
	v10 =	vld [tilespmem:s13+$0x70];
	s13 =	smov.u32 s15;
	s15 =	smov.u32 s19;
	s19 =	smov.u32 s17  }
0x4b2: {  	s17 =	smov.u32 s22;
	s22 =	smov.u32 s21;
	v11 =	vld [tilespmem:s21+$0xFFFFFF90];
	[tilespmem:s18+$0x6840] =	vst v4  }
.Ltmp14:
0x4b3: {  	[tilespmem:s20+$0x5820] =	vst v7;
	v3 =	vld [tilespmem:s15+$0xFFFFFFD0];
	(pc) =	sbr.rel @p4 .LBB2_22-.Ltmp14, $4  }
0x4b4: {  	v5 =	vld [tilespmem:s17+$0x20];
	[tilespmem:s11+$0x5860] =	vst v8  }
0x4b5: {  	s21 =	sadd.s32 $0x100, s21;
	[tilespmem:s0+$0x6830] =	vst v9;
	v2 =	vld [tilespmem:s13+$0x60]  }
0x4b6: {  	v6 =	vld [tilespmem:s21+$0xFFFFFF80];
	[tilespmem:s3+$0x6870] =	vst v10;
	s3 =	smov.u32 s11;
	s11 =	smov.u32 s18;
	s18 =	smov.u32 s0  }
0x4b7: {  	s23 =	sadd.s32 $0x200, s23;
	s0 =	smov.u32 s20;
	s20 =	smov.u32 s2;
	[tilespmem:s2+$0x5810] =	vst v11;
	v4 =	vld [tilespmem:s19+$0xFFFFFFC0]  }
0x4b8: {  	_ =	sdelay $0x1  }
0x4b9: {  	s23 =	sshra.s32 s9, $0x2  }
0x4ba: {  	[tilespmem:s23+$0x5800] =	vst v6  }
0x4bb: {  	v6 =	vld [tilespmem:s21+$0x0];
	_ =	sdelay $0x4  }
0x4bc: {  	[tilespmem:s23+$0x6800] =	vst v6  }
0x4bd: {  	v6 =	vld [tilespmem:s21+$0xFFFFFF90];
	_ =	sdelay $0x3  }
0x4be: {  	v7 =	vld [tilespmem:s22+$0x10]  }
0x4bf: {  	[tilespmem:s23+$0x5810] =	vst v6  }
0x4c0: {  	v6 =	vld [tilespmem:s21+$0x10];
	_ =	sdelay $0x2  }
0x4c1: {  	[tilespmem:s20+$0x6810] =	vst v7  }
0x4c2: {  	v7 =	vld [tilespmem:s22+$0xFFFFFFA0]  }
0x4c3: {  	[tilespmem:s23+$0x6810] =	vst v6  }
0x4c4: {  	v6 =	vld [tilespmem:s21+$0xFFFFFFA0];
	_ =	sdelay $0x2  }
0x4c5: {  	[tilespmem:s20+$0x5820] =	vst v7  }
0x4c6: {  	v7 =	vld [tilespmem:s22+$0x20]  }
0x4c7: {  	[tilespmem:s23+$0x5820] =	vst v6  }
0x4c8: {  	v6 =	vld [tilespmem:s21+$0x20];
	_ =	sdelay $0x1  }
0x4c9: {  	[tilespmem:s0+$0x6820] =	vst v5  }
0x4ca: {  	v5 =	vld [tilespmem:s17+$0xFFFFFFB0];
	[tilespmem:s20+$0x6820] =	vst v7  }
0x4cb: {  	v7 =	vld [tilespmem:s22+$0xFFFFFFB0]  }
0x4cc: {  	[tilespmem:s23+$0x6820] =	vst v6  }
0x4cd: {  	v6 =	vld [tilespmem:s21+$0xFFFFFFB0];
	_ =	sdelay $0x1  }
0x4ce: {  	[tilespmem:s0+$0x5830] =	vst v5  }
0x4cf: {  	v5 =	vld [tilespmem:s17+$0x30];
	[tilespmem:s20+$0x5830] =	vst v7  }
0x4d0: {  	v7 =	vld [tilespmem:s22+$0x30]  }
0x4d1: {  	[tilespmem:s23+$0x5830] =	vst v6  }
0x4d2: {  	v6 =	vld [tilespmem:s21+$0x30];
	_ =	sdelay $0x1  }
0x4d3: {  	[tilespmem:s0+$0x6830] =	vst v5  }
0x4d4: {  	v5 =	vld [tilespmem:s17+$0xFFFFFFC0];
	[tilespmem:s20+$0x6830] =	vst v7  }
0x4d5: {  	v7 =	vld [tilespmem:s22+$0xFFFFFFC0]  }
0x4d6: {  	[tilespmem:s23+$0x6830] =	vst v6  }
0x4d7: {  	v6 =	vld [tilespmem:s21+$0xFFFFFFC0]  }
0x4d8: {  	[tilespmem:s18+$0x5840] =	vst v4  }
0x4d9: {  	v4 =	vld [tilespmem:s19+$0x40];
	[tilespmem:s0+$0x5840] =	vst v5  }
0x4da: {  	v5 =	vld [tilespmem:s17+$0x40];
	[tilespmem:s20+$0x5840] =	vst v7  }
0x4db: {  	v7 =	vld [tilespmem:s22+$0x40]  }
0x4dc: {  	[tilespmem:s23+$0x5840] =	vst v6  }
0x4dd: {  	v6 =	vld [tilespmem:s21+$0x40]  }
0x4de: {  	[tilespmem:s18+$0x6840] =	vst v4  }
0x4df: {  	v4 =	vld [tilespmem:s19+$0xFFFFFFD0];
	[tilespmem:s0+$0x6840] =	vst v5  }
0x4e0: {  	v5 =	vld [tilespmem:s17+$0xFFFFFFD0];
	[tilespmem:s20+$0x6840] =	vst v7  }
0x4e1: {  	v7 =	vld [tilespmem:s22+$0xFFFFFFD0]  }
0x4e2: {  	[tilespmem:s23+$0x6840] =	vst v6  }
0x4e3: {  	[tilespmem:s11+$0x5850] =	vst v3;
	v6 =	vld [tilespmem:s21+$0xFFFFFFD0]  }
0x4e4: {  	v3 =	vld [tilespmem:s15+$0x50];
	[tilespmem:s18+$0x5850] =	vst v4  }
0x4e5: {  	v4 =	vld [tilespmem:s19+$0x50];
	[tilespmem:s0+$0x5850] =	vst v5  }
0x4e6: {  	v5 =	vld [tilespmem:s17+$0x50];
	[tilespmem:s20+$0x5850] =	vst v7  }
0x4e7: {  	v7 =	vld [tilespmem:s22+$0x50]  }
0x4e8: {  	[tilespmem:s23+$0x5850] =	vst v6  }
0x4e9: {  	[tilespmem:s11+$0x6850] =	vst v3;
	v6 =	vld [tilespmem:s21+$0x50]  }
0x4ea: {  	v3 =	vld [tilespmem:s15+$0xFFFFFFE0];
	[tilespmem:s18+$0x6850] =	vst v4  }
0x4eb: {  	v4 =	vld [tilespmem:s19+$0xFFFFFFE0];
	[tilespmem:s0+$0x6850] =	vst v5  }
0x4ec: {  	v5 =	vld [tilespmem:s17+$0xFFFFFFE0];
	[tilespmem:s20+$0x6850] =	vst v7  }
0x4ed: {  	v7 =	vld [tilespmem:s22+$0xFFFFFFE0]  }
0x4ee: {  	[tilespmem:s23+$0x6850] =	vst v6  }
0x4ef: {  	[tilespmem:s11+$0x5860] =	vst v3;
	v6 =	vld [tilespmem:s21+$0xFFFFFFE0]  }
0x4f0: {  	v3 =	vld [tilespmem:s15+$0x60];
	[tilespmem:s18+$0x5860] =	vst v4  }
0x4f1: {  	v4 =	vld [tilespmem:s19+$0x60];
	[tilespmem:s0+$0x5860] =	vst v5  }
0x4f2: {  	v5 =	vld [tilespmem:s17+$0x60];
	[tilespmem:s20+$0x5860] =	vst v7  }
0x4f3: {  	[tilespmem:s3+$0x6860] =	vst v2;
	v7 =	vld [tilespmem:s22+$0x60]  }
0x4f4: {  	[tilespmem:s23+$0x5860] =	vst v6  }
0x4f5: {  	[tilespmem:s11+$0x6860] =	vst v3;
	v2 =	vld [tilespmem:s21+$0x60]  }
0x4f6: {  	v3 =	vld [tilespmem:s15+$0xFFFFFFF0];
	[tilespmem:s18+$0x6860] =	vst v4  }
0x4f7: {  	v4 =	vld [tilespmem:s19+$0xFFFFFFF0];
	[tilespmem:s0+$0x6860] =	vst v5  }
0x4f8: {  	v5 =	vld [tilespmem:s17+$0xFFFFFFF0];
	[tilespmem:s20+$0x6860] =	vst v7  }
0x4f9: {  	v7 =	vld [tilespmem:s22+$0xFFFFFFF0]  }
0x4fa: {  	v63 =	vld [tilespmem:s13+$0xFFFFFFF0];
	[tilespmem:s23+$0x6860] =	vst v2  }
0x4fb: {  	[tilespmem:s11+$0x5870] =	vst v3;
	v2 =	vld [tilespmem:s21+$0xFFFFFFF0]  }
0x4fc: {  	v3 =	vld [tilespmem:s15+$0x70];
	[tilespmem:s18+$0x5870] =	vst v4  }
0x4fd: {  	v4 =	vld [tilespmem:s19+$0x70];
	[tilespmem:s0+$0x5870] =	vst v5  }
0x4fe: {  	v5 =	vld [tilespmem:s17+$0x70];
	[tilespmem:s20+$0x5870] =	vst v7  }
0x4ff: {  	[tilespmem:s3+$0x5870] =	vst v63;
	v7 =	vld [tilespmem:s22+$0x70]  }
0x500: {  	v6 =	vld [tilespmem:s13+$0x70];
	[tilespmem:s23+$0x5870] =	vst v2  }
0x501: {  	[tilespmem:s11+$0x6870] =	vst v3;
	v2 =	vld [tilespmem:s21+$0x70]  }
0x502: {  	[tilespmem:s18+$0x6870] =	vst v4  }
0x503: {  	[tilespmem:s0+$0x6870] =	vst v5  }
0x504: {  	[tilespmem:s20+$0x6870] =	vst v7  }
0x505: {  	[tilespmem:s3+$0x6870] =	vst v6  }
0x506: {  	s22 =	simm.s32 $0x5800;
	[tilespmem:s23+$0x6870] =	vst v2  }
0x507: {  	[tilespmem:s14], [sflag:$0x4] =	stream.indirect.gather [hbm4b:s4+s29], $0x8, s22, s29, $0xb8;
	[tilespmem:$0x1E0E0] =	vst v63  }
0x508: {  	s23 =	simm.s32 $0x6800  }
0x509: {  	[tilespmem:s16], [sflag:$0x4] =	stream.indirect.gather [hbm4b:s4+s29], $0x8, s23, s29, $0xb8;
	[tilespmem:$0x1E0E0] =	vst v63  }
.LBB2_24:
.Ltmp15:
0x50a: {  	(pc) =	sbr.rel @p2 .LBB2_28-.Ltmp15, $4  }
0x50b: {  	_ = 	snop  }
0x50c: {  	_ =	swait.ge [sflag:s24], $0x800  }
0x50d: {  	[sflag:s24] =	ssyncset.done $0x0  }
0x50e: {  	[sflag:s24] =	ssyncadd.s32 $0xFFFFF800  }
0x50f: {  	s23 =	simm.s32 $0x8010  }
0x510: {  	s2 =	simm.s32 $0x7010;
	v5 =	vld [tilespmem:s23+$0x0]  }
0x511: {  	s0 =	simm.s32 $0x10;
	v7 =	vld [tilespmem:s2+$0x0]  }
0x512: {  	s9 =	simm.s32 $0x9010;
	v2 =	vmov s0;
	v16 =	vld [tilespmem:s2+$0xFFFFFFF0]  }
0x513: {  	s22 =	simm.s32 $0x0;
	v18 =	vld [tilespmem:s9+$0xFFFFFFF0];
	v2 =	vshll.u32 v2, $0x3  }
0x514: {  	v3 =	vmov s22;
	v21 =	vld [tilespmem:s23+$0xFFFFFFF0];
	v2 =	vor.u32 v1, v2  }
0x515: {  	s3 =	simm.s32 $0x30;
	s13 =	simm.s32 $0x8030;
	v22 =	vld [tilespmem:s9+$0x0];
	v3 =	vshll.u32 v3, $0x3  }
0x516: {  	s11 =	simm.s32 $0x20;
	s15 =	simm.s32 $0x7030;
	v17 =	vmov s3;
	v23 =	vld [tilespmem:s13+$0x0];
	v3 =	vor.u32 v1, v3  }
0x517: {  	v19 =	vmov s11;
	v25 =	vld [tilespmem:s15+$0x0];
	s11 =	simm.s32 $0x8070;
	v17 =	vshll.u32 v17, $0x3  }
0x518: {  	v36 =	vld [tilespmem:s11+$0xFFFFFFF0];
	v17 =	vor.u32 v1, v17  }
0x519: {  	v4 =	vor.u32 $0x1, v2;
	v9 =	vld.idx.msk [tilespmem:v2+s31+$0x0], $0xffff  }
0x51a: {  	v8 =	vor.u32 $0x2, v2;
	v2 =	vld.idx.msk [tilespmem:v2+s26+$0x0], $0xffff  }
0x51b: {  	v6 =	vor.u32 $0x2, v3;
	v14 =	vld.idx.msk [tilespmem:v3+s31+$0x0], $0xffff  }
0x51c: {  	v11 =	vor.u32 $0x1, v3;
	v3 =	vld.idx.msk [tilespmem:v3+s26+$0x0], $0xffff  }
0x51d: {  	v27 =	vld.idx.msk [tilespmem:v17+s31+$0x0], $0xffff  }
0x51e: {  	v10 =	vld.idx.msk [tilespmem:v4+s26+$0x0], $0xffff  }
0x51f: {  	v4 =	vld.idx.msk [tilespmem:v4+s31+$0x0], $0xffff  }
0x520: {  	v12 =	vld.idx.msk [tilespmem:v6+s26+$0x0], $0xffff  }
0x521: {  	v20 =	vor.u32 $0x1, v17;
	v13 =	vld.idx.msk [tilespmem:v8+s26+$0x0], $0xffff  }
0x522: {  	v15 =	vld.idx.msk [tilespmem:v11+s26+$0x0], $0xffff  }
0x523: {  	v19 =	vshll.u32 v19, $0x3;
	v8 =	vld.idx.msk [tilespmem:v8+s31+$0x0], $0xffff  }
0x524: {  	v19 =	vor.u32 v1, v19;
	v11 =	vld.idx.msk [tilespmem:v11+s31+$0x0], $0xffff  }
0x525: {  	v26 =	vor.u32 $0x2, v17;
	v6 =	vld.idx.msk [tilespmem:v6+s31+$0x0], $0xffff  }
0x526: {  	v24 =	vor.u32 $0x2, v19;
	v28 =	vld.idx.msk [tilespmem:v20+s26+$0x0], $0xffff  }
0x527: {  	v4 =	vsub.f32 v10, v4;
	v10 =	vld.idx.msk [tilespmem:v17+s26+$0x0], $0xffff  }
0x528: {  	v2 =	vsub.f32 v2, v9;
	v17 =	vld.idx.msk [tilespmem:v20+s31+$0x0], $0xffff  }
0x529: {  	v9 =	vor.u32 $0x1, v19;
	v3 =	vsub.f32 v3, v14;
	v8 =	vsub.f32 v13, v8;
	v13 =	vld.idx.msk [tilespmem:v19+s31+$0x0], $0xffff  }
0x52a: {  	v6 =	vsub.f32 v12, v6;
	v12 =	vld.idx.msk [tilespmem:v26+s31+$0x0], $0xffff;
	v2 =	vadd.f32 v7, v2  }
0x52b: {  	v20 =	vld.idx.msk [tilespmem:v24+s31+$0x0], $0xffff;
	v7 =	vsub.f32 v15, v11;
	v4 =	vadd.f32 v5, v4  }
0x52c: {  	v11 =	vld.idx.msk [tilespmem:v26+s26+$0x0], $0xffff;
	v3 =	vadd.f32 v16, v3  }
0x52d: {  	s17 =	simm.s32 $0x50;
	v5 =	vld.idx.msk [tilespmem:v24+s26+$0x0], $0xffff;
	v2 =	vmul.f32 v2, v2;
	v7 =	vadd.f32 v21, v7;
	v4 =	vmul.f32 v4, v4  }
0x52e: {  	v14 =	vmov s17;
	v8 =	vadd.f32 v22, v8;
	v15 =	vld.idx.msk [tilespmem:v9+s26+$0x0], $0xffff  }
0x52f: {  	v3 =	vmul.f32 v3, v3;
	v9 =	vld.idx.msk [tilespmem:v9+s31+$0x0], $0xffff;
	v2 =	vadd.f32 v4, v2;
	v4 =	vmul.f32 v7, v7  }
0x530: {  	v16 =	vld [tilespmem:s15+$0xFFFFFFF0];
	v6 =	vadd.f32 v18, v6;
	v8 =	vmul.f32 v8, v8;
	v10 =	vsub.f32 v10, v27  }
0x531: {  	v7 =	vld.idx.msk [tilespmem:v19+s26+$0x0], $0xffff;
	v3 =	vadd.f32 v4, v3;
	v4 =	vsub.f32 v28, v17;
	v17 =	vshll.u32 v14, $0x3  }
0x532: {  	s20 =	simm.s32 $0x8050;
	v22 =	vld [tilespmem:s13+$0xFFFFFFF0];
	v11 =	vsub.f32 v11, v12;
	v14 =	vadd.f32 v8, v2;
	v2 =	vor.u32 v1, v17  }
0x533: {  	s19 =	simm.s32 $0x40;
	s21 =	simm.s32 $0x7050;
	v6 =	vmul.f32 v6, v6;
	v12 =	vld [tilespmem:s20+$0x0];
	v10 =	vadd.f32 v25, v10;
	v5 =	vsub.f32 v5, v20  }
0x534: {  	s18 =	simm.s32 $0x9030;
	v25 =	vld [tilespmem:s21+$0x0];
	v8 =	vmov s19;
	v9 =	vsub.f32 v15, v9;
	v21 =	vor.u32 $0x1, v2  }
0x535: {  	v17 =	vld [tilespmem:s18+$0xFFFFFFF0];
	v10 =	vmul.f32 v10, v10;
	v4 =	vadd.f32 v23, v4;
	v19 =	vadd.f32 v6, v3  }
0x536: {  	v6 =	vld [tilespmem:s18+$0x0];
	v23 =	vshra.s32 v14, $0x1;
	v27 =	vor.u32 $0x2, v2;
	v7 =	vsub.f32 v7, v13  }
0x537: {  	v13 =	vsub.s32 $0x5F3759DF, v23;
	v3 =	vmul.f32 v4, v4;
	v4 =	vshll.u32 v8, $0x3;
	v28 =	vld.idx.msk [tilespmem:v2+s31+$0x0], $0xffff  }
0x538: {  	v9 =	vadd.f32 v22, v9;
	v18 =	vshra.s32 v19, $0x1;
	v4 =	vor.u32 v1, v4;
	v2 =	vld.idx.msk [tilespmem:v2+s26+$0x0], $0xffff  }
0x539: {  	v8 =	vmul.f32 $5.000000000e-01, v19;
	v26 =	vsub.s32 $0x5F3759DF, v18;
	v18 =	vmul.f32 $5.000000000e-01, v14;
	v29 =	vld.idx.msk [tilespmem:v21+s26+$0x0], $0xffff  }
0x53a: {  	v7 =	vadd.f32 v16, v7;
	v9 =	vmul.f32 v9, v9;
	v24 =	vor.u32 $0x2, v4;
	v15 =	vld.idx.msk [tilespmem:v21+s31+$0x0], $0xffff  }
0x53b: {  	v23 =	vmul.f32 v26, v8;
	v31 =	vor.u32 $0x1, v4;
	v6 =	vadd.f32 v6, v11;
	v11 =	vld.idx.msk [tilespmem:v27+s26+$0x0], $0xffff  }
0x53c: {  	v5 =	vadd.f32 v17, v5;
	v30 =	vmul.f32 v13, v18;
	v7 =	vmul.f32 v7, v7;
	v17 =	vld.idx.msk [tilespmem:v27+s31+$0x0], $0xffff  }
0x53d: {  	s22 =	simm.s32 $0x70;
	v3 =	vadd.f32 v3, v10;
	v10 =	vmul.f32 v26, v23;
	v20 =	vld.idx.msk [tilespmem:v4+s31+$0x0], $0xffff  }
0x53e: {  	v21 =	vmov s22;
	v16 =	vmul.f32 v13, v30;
	v7 =	vadd.f32 v9, v7;
	v4 =	vld.idx.msk [tilespmem:v4+s26+$0x0], $0xffff  }
0x53f: {  	v5 =	vmul.f32 v5, v5;
	v10 =	vsub.f32 $1.500000000e+00, v10;
	v23 =	vld.idx.msk [tilespmem:v24+s26+$0x0], $0xffff;
	v2 =	vsub.f32 v2, v28  }
0x540: {  	s23 =	simm.s32 $0x9050;
	v6 =	vmul.f32 v6, v6;
	v16 =	vsub.f32 $1.500000000e+00, v16;
	v22 =	vld.idx.msk [tilespmem:v31+s26+$0x0], $0xffff;
	v15 =	vsub.f32 v29, v15  }
0x541: {  	v28 =	vld [tilespmem:s23+$0x0];
	v9 =	vmul.f32 v26, v10;
	v11 =	vsub.f32 v11, v17;
	v10 =	vadd.f32 v25, v2  }
0x542: {  	v25 =	vld.idx.msk [tilespmem:v31+s31+$0x0], $0xffff;
	v2 =	vadd.f32 v6, v3;
	v6 =	vshll.u32 v21, $0x3;
	v3 =	vadd.f32 v5, v7  }
0x543: {  	v21 =	vld [tilespmem:s21+$0xFFFFFFF0];
	v12 =	vadd.f32 v12, v15;
	v15 =	vmul.f32 v9, v8;
	v5 =	vor.u32 v1, v6  }
0x544: {  	s9 =	simm.s32 $0x60;
	s17 =	simm.s32 $0x9070;
	v6 =	vmul.f32 v10, v10;
	v10 =	vld.idx.msk [tilespmem:v24+s31+$0x0], $0xffff;
	v24 =	vshra.s32 v2, $0x1;
	v17 =	vshra.s32 v3, $0x1  }
0x545: {  	v52 =	vld [tilespmem:s17+$0xFFFFFFF0];
	v4 =	vsub.f32 v4, v20;
	v20 =	vmov s9;
	v32 =	vor.u32 $0x2, v5  }
0x546: {  	v27 =	vld [tilespmem:s20+$0xFFFFFFF0];
	v7 =	vmul.f32 v12, v12;
	v12 =	vor.u32 $0x1, v5;
	v24 =	vsub.s32 $0x5F3759DF, v24  }
0x547: {  	v26 =	vld [tilespmem:s23+$0xFFFFFFF0];
	v17 =	vsub.s32 $0x5F3759DF, v17;
	v15 =	vmul.f32 v15, v9;
	v11 =	vadd.f32 v28, v11  }
0x548: {  	v7 =	vadd.f32 v7, v6;
	v6 =	vshll.u32 v20, $0x3;
	v22 =	vsub.f32 v22, v25;
	v25 =	vld [tilespmem:s11+$0x0]  }
0x549: {  	v4 =	vadd.f32 v21, v4;
	v21 =	vmul.f32 $5.000000000e-01, v3;
	v20 =	vmul.f32 v13, v16;
	v30 =	vld.idx.msk [tilespmem:v5+s31+$0x0], $0xffff  }
0x54a: {  	v15 =	vsub.f32 $1.500000000e+00, v15;
	v11 =	vmul.f32 v11, v11;
	v29 =	vor.u32 v1, v6;
	v5 =	vld.idx.msk [tilespmem:v5+s26+$0x0], $0xffff  }
0x54b: {  	v6 =	vmul.f32 $5.000000000e-01, v2;
	v13 =	vor.u32 $0x2, v29;
	v31 =	vmul.f32 v17, v21;
	v35 =	vld.idx.msk [tilespmem:v32+s26+$0x0], $0xffff  }
0x54c: {  	v22 =	vadd.f32 v27, v22;
	v4 =	vmul.f32 v4, v4;
	v28 =	vmul.f32 v20, v18;
	v16 =	vld.idx.msk [tilespmem:v12+s26+$0x0], $0xffff  }
0x54d: {  	s13 =	simm.s32 $0x7070;
	v10 =	vsub.f32 v23, v10;
	v15 =	vmul.f32 v15, v9;
	v12 =	vld.idx.msk [tilespmem:v12+s31+$0x0], $0xffff;
	v23 =	vmul.f32 v17, v31  }
0x54e: {  	v34 =	vor.u32 $0x1, v29;
	v33 =	vmul.f32 v24, v6;
	v31 =	vld [tilespmem:s13+$0x0];
	v22 =	vmul.f32 v22, v22  }
0x54f: {  	v10 =	vadd.f32 v26, v10;
	v59 =	vmul.f32 v15, v8;
	v23 =	vsub.f32 $1.500000000e+00, v23;
	v26 =	vld.idx.msk [tilespmem:v29+s31+$0x0], $0xffff  }
0x550: {  	s15 =	simm.s32 $0x90;
	v33 =	vmul.f32 v24, v33;
	v5 =	vsub.f32 v5, v30;
	v30 =	vadd.f32 v22, v4;
	v27 =	vld.idx.msk [tilespmem:v13+s26+$0x0], $0xffff  }
0x551: {  	v10 =	vmul.f32 v10, v10;
	v4 =	vadd.f32 v11, v7;
	v7 =	vmov s15;
	v13 =	vld.idx.msk [tilespmem:v13+s31+$0x0], $0xffff  }
0x552: {  	v7 =	vshll.u32 v7, $0x3;
	v12 =	vsub.f32 v16, v12;
	v16 =	vld.idx.msk [tilespmem:v32+s31+$0x0], $0xffff;
	v22 =	vmul.f32 v17, v23  }
0x553: {  	s19 =	simm.s32 $0x7090;
	v33 =	vsub.f32 $1.500000000e+00, v33;
	v23 =	vld.idx.msk [tilespmem:v29+s26+$0x0], $0xffff;
	v5 =	vadd.f32 v31, v5;
	v31 =	vor.u32 v1, v7  }
0x554: {  	v55 =	vld [tilespmem:s19+$0x0];
	v17 =	vmul.f32 v28, v20;
	v12 =	vadd.f32 v25, v12;
	v11 =	vmul.f32 v22, v21  }
0x555: {  	v28 =	vld [tilespmem:s13+$0xFFFFFFF0];
	v51 =	vor.u32 $0x1, v31;
	v39 =	vor.u32 $0x2, v31;
	v29 =	vmul.f32 v5, v5  }
0x556: {  	v25 =	vld.idx.msk [tilespmem:v34+s26+$0x0], $0xffff;
	v5 =	vadd.f32 v10, v30;
	v10 =	vmul.f32 v12, v12;
	v12 =	vshra.s32 v4, $0x1  }
0x557: {  	v30 =	vld.idx.msk [tilespmem:v34+s31+$0x0], $0xffff;
	v11 =	vmul.f32 v11, v22;
	v13 =	vsub.f32 v27, v13;
	v16 =	vsub.f32 v35, v16  }
0x558: {  	s18 =	simm.s32 $0x80;
	v7 =	vshra.s32 v5, $0x1;
	v23 =	vsub.f32 v23, v26;
	v26 =	vsub.s32 $0x5F3759DF, v12;
	v38 =	vld.idx.msk [tilespmem:v31+s31+$0x0], $0xffff  }
0x559: {  	v12 =	vmul.f32 v24, v33;
	v24 =	vmov s18;
	v29 =	vadd.f32 v10, v29;
	v31 =	vld.idx.msk [tilespmem:v31+s26+$0x0], $0xffff  }
0x55a: {  	v10 =	vmul.f32 $5.000000000e-01, v5;
	v24 =	vshll.u32 v24, $0x3;
	v23 =	vadd.f32 v28, v23;
	v28 =	vld [tilespmem:s17+$0x0]  }
0x55b: {  	v53 =	vsub.s32 $0x5F3759DF, v7;
	v7 =	vmul.f32 $5.000000000e-01, v4;
	v24 =	vor.u32 v1, v24;
	v40 =	vld.idx.msk [tilespmem:v51+s26+$0x0], $0xffff  }
0x55c: {  	s23 =	simm.s32 $0x9090;
	v37 =	vmul.f32 v53, v10;
	v25 =	vsub.f32 v25, v30;
	v30 =	vsub.f32 $1.500000000e+00, v11;
	v11 =	vld.idx.msk [tilespmem:v51+s31+$0x0], $0xffff  }
0x55d: {  	v50 =	vld [tilespmem:s23+$0x0];
	v13 =	vadd.f32 v52, v13;
	v56 =	vmul.f32 v12, v6;
	v54 =	vmul.f32 v26, v7  }
0x55e: {  	v41 =	vor.u32 $0x1, v24;
	v9 =	vmul.f32 v23, v23;
	v23 =	vld.idx.msk [tilespmem:v39+s26+$0x0], $0xffff;
	v27 =	vmul.f32 v53, v37  }
0x55f: {  	s20 =	simm.s32 $0x8090;
	v39 =	vld.idx.msk [tilespmem:v39+s31+$0x0], $0xffff;
	v33 =	vmul.f32 v26, v54;
	v25 =	vadd.f32 v36, v25;
	v31 =	vsub.f32 v31, v38  }
0x560: {  	v42 =	vor.u32 $0x2, v24;
	v16 =	vadd.f32 v28, v16;
	v28 =	vld [tilespmem:s20+$0x0];
	v27 =	vsub.f32 $1.500000000e+00, v27  }
0x561: {  	v25 =	vmul.f32 v25, v25;
	v33 =	vsub.f32 $1.500000000e+00, v33;
	v57 =	vld.idx.msk [tilespmem:v24+s31+$0x0], $0xffff;
	v8 =	vsub.f32 v40, v11  }
0x562: {  	v13 =	vmul.f32 v13, v13;
	v11 =	vld.idx.msk [tilespmem:v24+s26+$0x0], $0xffff;
	v24 =	vadd.f32 v55, v31;
	v31 =	vsub.f32 $1.500000000e+00, v17  }
0x563: {  	v58 =	vmul.f32 v16, v16;
	v9 =	vadd.f32 v25, v9;
	v16 =	vmul.f32 v53, v27  }
0x564: {  	v25 =	vmul.f32 v56, v12;
	v60 =	vsub.f32 v23, v39;
	v24 =	vmul.f32 v24, v24  }
0x565: {  	v31 =	vmul.f32 v31, v20;
	v9 =	vadd.f32 v13, v9;
	v27 =	vadd.f32 v28, v8  }
0x566: {  	v32 =	vadd.f32 v50, v60;
	v8 =	vadd.f32 v58, v29;
	v28 =	vmul.f32 v16, v10  }
0x567: {  	v23 =	vshra.s32 v9, $0x1;
	v13 =	vmul.f32 v27, v27;
	v27 =	vmul.f32 v59, v15  }
0x568: {  	s21 =	simm.s32 $0xB0;
	v61 =	vld.idx.msk [tilespmem:v42+s26+$0x0], $0xffff;
	v18 =	vmul.f32 v31, v18;
	v17 =	vshra.s32 v8, $0x1;
	v34 =	vsub.s32 $0x5F3759DF, v23  }
0x569: {  	v29 =	vld [tilespmem:s19+$0xFFFFFFF0];
	v27 =	vsub.f32 $1.500000000e+00, v27;
	v24 =	vadd.f32 v13, v24;
	v13 =	vmov s21  }
0x56a: {  	v62 =	vld.idx.msk [tilespmem:v42+s31+$0x0], $0xffff;
	v20 =	vmul.f32 v28, v16;
	v18 =	vmul.f32 v18, v31;
	v13 =	vshll.u32 v13, $0x3  }
0x56b: {  	v23 =	vmul.f32 v27, v15;
	v15 =	vmul.f32 v26, v33;
	v26 =	vor.u32 v1, v13  }
0x56c: {  	v63 =	vld.idx.msk [tilespmem:v41+s31+$0x0], $0xffff;
	v11 =	vsub.f32 v11, v57;
	v32 =	vmul.f32 v32, v32;
	v17 =	vsub.s32 $0x5F3759DF, v17  }
0x56d: {  	v20 =	vsub.f32 $1.500000000e+00, v20;
	v18 =	vsub.f32 $1.500000000e+00, v18;
	v27 =	vld.idx.msk [tilespmem:v41+s26+$0x0], $0xffff;
	v48 =	vor.u32 $0x1, v26  }
0x56e: {  	v45 =	vld [tilespmem:s23+$0xFFFFFFF0];
	v29 =	vadd.f32 v29, v11;
	v11 =	vmul.f32 $5.000000000e-01, v8;
	v19 =	vmul.f32 v23, v19  }
0x56f: {  	s22 =	simm.s32 $0xA0;
	v53 =	vld [tilespmem:s20+$0xFFFFFFF0];
	v13 =	vmul.f32 $5.000000000e-01, v9;
	v33 =	vsub.f32 v61, v62;
	v31 =	vmul.f32 v18, v31  }
0x570: {  	v43 =	vor.u32 $0x2, v26;
	v23 =	vmov s22;
	v19 =	vmul.f32 $-2.000000000e+00, v19;
	v54 =	vld.idx.msk [tilespmem:v26+s31+$0x0], $0xffff  }
0x571: {  	v49 =	vmul.f32 v17, v11;
	v51 =	vmul.f32 v34, v13;
	v23 =	vshll.u32 v23, $0x3;
	v56 =	vld.idx.msk [tilespmem:v26+s26+$0x0], $0xffff  }
0x572: {  	v52 =	vor.u32 v1, v23;
	v27 =	vsub.f32 v27, v63;
	v19 =	vmul.f32 $1.442695020e+00, v19;
	v55 =	vld.idx.msk [tilespmem:v48+s26+$0x0], $0xffff  }
0x573: {  	s17 =	simm.s32 $0x70B0;
	v38 =	vmul.f32 v17, v49;
	v28 =	vmul.f32 v34, v51;
	v44 =	vor.u32 $0x1, v52;
	v37 =	vld.idx.msk [tilespmem:v48+s31+$0x0], $0xffff  }
0x574: {  	v23 =	vor.u32 $0x2, v52;
	v26 =	vadd.f32 v53, v27;
	(erf) = vpow2.f32 v19;
	v19 =	vld [tilespmem:s17+$0x0]  }
0x575: {  	v28 =	vsub.f32 $1.500000000e+00, v28;
	v58 =	vld.idx.msk [tilespmem:v43+s26+$0x0], $0xffff;
	v27 =	vmul.f32 v30, v22;
	v22 =	vmul.f32 v29, v29  }
0x576: {  	s0 =	simm.s32 $0x80B0;
	v61 =	vld.idx.msk [tilespmem:v43+s31+$0x0], $0xffff;
	v29 =	vmul.f32 v15, v7;
	v42 =	vmul.f32 v26, v26;
	v26 =	vsub.f32 $1.500000000e+00, v25  }
0x577: {  	v57 =	vld [tilespmem:s0+$0x0];
	v25 =	vadd.f32 v45, v33;
	v59 =	vmul.f32 v27, v21;
	v21 =	vsub.f32 v56, v54  }
0x578: {  	v30 =	vsub.f32 $1.500000000e+00, v38;
	v18 =	vmul.f32 v34, v28;
	v60 =	vadd.f32 v42, v22  }
0x579: {  	v46 =	vld.idx.msk [tilespmem:v52+s31+$0x0], $0xffff;
	v19 =	vadd.f32 v19, v21;
	v21 =	vmul.f32 v25, v25;
	v25 =	vmul.f32 v31, v14  }
0x57a: {  	v41 =	vld.idx.msk [tilespmem:v52+s26+$0x0], $0xffff;
	v62 =	vsub.f32 v55, v37;
	v22 =	vmul.f32 v29, v15;
	v63 =	vmul.f32 v59, v27  }
0x57b: {  	v29 =	vsub.f32 v58, v61;
	v33 =	vmul.f32 v19, v19;
	v19 =	vmul.f32 $-2.000000000e+00, v25  }
0x57c: {  	v34 =	vld [tilespmem:s17+$0xFFFFFFF0];
	v28 =	vadd.f32 v57, v62;
	v14 =	vadd.f32 v32, v24  }
0x57d: {  	s3 =	simm.s32 $0x1A070;
	s11 =	simm.s32 $0x1A030;
	v31 =	vmul.f32 v18, v13;
	v24 =	vld.idx.msk [tilespmem:v23+s26+$0x0], $0xffff;
	v39 =	vsub.f32 $1.500000000e+00, v63;
	v21 =	vadd.f32 v21, v60  }
0x57e: {  	s15 =	simm.s32 $0x1A050;
	s13 =	simm.s32 $0x1A010;
	s18 =	simm.s32 $0x1A070;
	v25 =	vld.idx.msk [tilespmem:v44+s26+$0x0], $0xffff;
	v35 =	vmul.f32 v28, v28;
	v32 =	vshra.s32 v14, $0x1;
	v38 =	vmul.f32 $1.442695020e+00, v19  }
0x57f: {  	s20 =	simm.s32 $0xA;
	s19 =	simm.s32 $0x90B0;
	s21 =	simm.s32 $0xC0;
	v36 =	vsub.f32 v41, v46;
	v28 =	vld.idx.msk [tilespmem:v44+s31+$0x0], $0xffff;
	v32 =	vsub.s32 $0x5F3759DF, v32;
	v37 =	vshra.s32 v21, $0x1;
	v19 =	vpop (erf)  }
.LBB2_26:
0x580: {  	s2 =	sadd.s32 $0x10, s21;
	s20 =	sadd.s32 $0x2, s20;
	v33 =	vadd.f32 v35, v33;
	v35 =	vsub.s32 $0x5F3759DF, v37;
	s3 =	sadd.s32 $0x20, s3;
	(erf) = vpow2.f32 v38  }
0x581: {  	v37 =	vmov s2;
	p2 =	slt.u32 s20, $0x7E;
	v34 =	vadd.f32 v34, v36;
	v27 =	vmul.f32 v39, v27  }
0x582: {  	v38 =	vmul.f32 $5.000000000e-01, v14;
	v36 =	vshll.u32 v37, $0x3;
	v37 =	vld.idx.msk [tilespmem:v23+s31+$0x0], $0xffff;
	v23 =	vmul.f32 v17, v30;
	v17 =	vmovc v32  }
0x583: {  	v30 =	vor.u32 v1, v36;
	v32 =	vld [tilespmem:s19+$0xFFFFFFF0];
	v36 =	vmul.f32 $5.000000000e-01, v21;
	v27 =	vmul.f32 v27, v3;
	v3 =	vmovc v5;
	v5 =	vmovc v9  }
0x584: {  	v39 =	vmov s21;
	v42 =	vmul.f32 v17, v38;
	v9 =	vmovc v21;
	v40 =	vor.u32 $0x1, v30;
	v41 =	vld [tilespmem:s0+$0xFFFFFFF0]  }
0x585: {  	v21 =	vshll.u32 v39, $0x3;
	s0 =	sadd.s32 $0x20, s0;
	v39 =	vld [tilespmem:s19+$0x0];
	v43 =	vmul.f32 v35, v36;
	v27 =	vmul.f32 $-2.000000000e+00, v27  }
0x586: {  	s17 =	sadd.s32 $0x20, s17;
	v46 =	vmul.f32 v26, v12;
	v12 =	vmovc v15;
	v21 =	vor.u32 v1, v21;
	v44 =	vor.u32 $0x2, v30;
	v15 =	vmovc v23;
	v45 =	vld [tilespmem:s0+$0x0]  }
0x587: {  	v26 =	vmul.f32 v31, v18;
	v47 =	vor.u32 $0x1, v21;
	v23 =	vor.u32 $0x2, v21;
	v48 =	vld [tilespmem:s17+$0x0]  }
0x588: {  	v37 =	vsub.f32 v24, v37;
	v24 =	vmul.f32 v35, v43;
	v43 =	vmul.f32 $1.442695020e+00, v27;
	v31 =	vld.idx.msk [tilespmem:v30+s31+$0x0], $0xffff  }
0x589: {  	v50 =	vsub.f32 $1.500000000e+00, v26;
	v26 =	vmul.f32 v46, v6;
	v42 =	vmul.f32 v17, v42;
	v49 =	vld.idx.msk [tilespmem:v40+s26+$0x0], $0xffff;
	v6 =	vpop (erf)  }
0x58a: {  	v25 =	vsub.f32 v25, v28;
	v19 =	vmul.f32 $5.000000000e-01, v19;
	v51 =	vld.idx.msk [tilespmem:v30+s26+$0x0], $0xffff;
	v28 =	vmul.f32 $5.000000000e-01, v6;
	v6 =	vmovc v7;
	v7 =	vmovc v11  }
0x58b: {  	v26 =	vmul.f32 v26, v46;
	v29 =	vadd.f32 v39, v29;
	v39 =	vsub.f32 $1.500000000e+00, v24;
	v11 =	vmovc v38;
	v40 =	vld.idx.msk [tilespmem:v40+s31+$0x0], $0xffff  }
0x58c: {  	v27 =	vmul.f32 v20, v16;
	v25 =	vadd.f32 v41, v25;
	v24 =	vld.idx.msk [tilespmem:v23+s26+$0x0], $0xffff;
	(erf) = vpow2.f32 v43;
	[tilespmem:s13+$0xFFFFFFF0] =	vst v19  }
0x58d: {  	s19 =	sadd.s32 $0x20, s19;
	v41 =	vsub.f32 $1.500000000e+00, v26;
	v19 =	vmul.f32 v34, v34;
	v34 =	vmul.f32 v15, v7;
	v38 =	vld.idx.msk [tilespmem:v44+s26+$0x0], $0xffff;
	[tilespmem:s13+$0x0] =	vst v28;
	s13 =	smov.u32 s11;
	s11 =	smov.u32 s15  }
0x58e: {  	v20 =	vmovc v50;
	v16 =	vmovc v18;
	v26 =	vsub.f32 $1.500000000e+00, v22;
	v30 =	vsub.f32 $1.500000000e+00, v42;
	v28 =	vmul.f32 v25, v25;
	s15 =	smov.u32 s18;
	s18 =	smov.u32 s3;
	v43 =	vld.idx.msk [tilespmem:v21+s31+$0x0], $0xffff  }
0x58f: {  	v32 =	vadd.f32 v32, v37;
	v37 =	vmul.f32 v27, v10;
	v29 =	vmul.f32 v29, v29;
	v25 =	vld.idx.msk [tilespmem:v47+s26+$0x0], $0xffff  }
0x590: {  	v19 =	vadd.f32 v28, v19;
	v42 =	vld.idx.msk [tilespmem:v44+s31+$0x0], $0xffff;
	v44 =	vsub.f32 v51, v31;
	v31 =	vmul.f32 v41, v46  }
0x591: {  	v18 =	vmul.f32 v35, v39;
	v22 =	vmul.f32 v34, v15;
	v41 =	vld.idx.msk [tilespmem:v21+s26+$0x0], $0xffff;
	v21 =	vsub.f32 v49, v40  }
0x592: {  	v32 =	vmul.f32 v32, v32;
	v28 =	vld.idx.msk [tilespmem:v47+s31+$0x0], $0xffff;
	v35 =	vadd.f32 v48, v44;
	v44 =	vmul.f32 v31, v2  }
.Ltmp16:
0x593: {  	v10 =	vmovc v13;
	v40 =	vadd.f32 v29, v33;
	v31 =	vmul.f32 v18, v36;
	v39 =	vadd.f32 v45, v21;
	(pc) =	sbr.rel @p2 .LBB2_26-.Ltmp16, $4  }
0x594: {  	v13 =	vmovc v36;
	v2 =	vmovc v4;
	v21 =	vadd.f32 v32, v19;
	v34 =	vld [tilespmem:s17+$0xFFFFFFF0];
	v33 =	vmul.f32 v35, v35;
	v32 =	vmul.f32 $-2.000000000e+00, v44  }
0x595: {  	v44 =	vmul.f32 v37, v27;
	v35 =	vmul.f32 v39, v39;
	v39 =	vshra.s32 v40, $0x1;
	v19 =	vpop (erf)  }
0x596: {  	v4 =	vmovc v8;
	v8 =	vmovc v14;
	v29 =	vsub.f32 v38, v42;
	v37 =	vshra.s32 v21, $0x1;
	v38 =	vmul.f32 $1.442695020e+00, v32  }
0x597: {  	s21 =	sadd.s32 $0x20, s21;
	v14 =	vmovc v40;
	v36 =	vsub.f32 v41, v43;
	v32 =	vsub.s32 $0x5F3759DF, v39;
	v39 =	vsub.f32 $1.500000000e+00, v44  }
0x598: {  	_ = 	snop  }
0x599: {  	(erf) = vpow2.f32 v38  }
0x59a: {  	v38 =	vmul.f32 $5.000000000e-01, v14;
	v12 =	vmul.f32 v26, v12  }
0x59b: {  	v17 =	vmul.f32 v17, v30;
	v26 =	vmul.f32 $5.000000000e-01, v21  }
0x59c: {  	v23 =	vld.idx.msk [tilespmem:v23+s31+$0x0], $0xffff;
	v31 =	vmul.f32 v31, v18;
	v16 =	vmul.f32 v20, v16  }
0x59d: {  	v43 =	vsub.s32 $0x5F3759DF, v37;
	v44 =	vld [tilespmem:s0+$0xFFFFFFF0];
	v27 =	vmul.f32 v39, v27;
	v6 =	vmul.f32 v12, v6  }
0x59e: {  	v47 =	vld [tilespmem:s19+$0x0];
	v34 =	vadd.f32 v34, v36;
	v45 =	vmul.f32 v32, v38;
	v46 =	vmul.f32 v43, v26  }
0x59f: {  	v54 =	vmul.f32 v17, v11;
	v10 =	vmul.f32 v16, v10  }
0x5a0: {  	v3 =	vmul.f32 v27, v3;
	v53 =	vmul.f32 v34, v34  }
0x5a1: {  	v25 =	vsub.f32 v25, v28;
	v49 =	vld [tilespmem:s19+$0xFFFFFFF0];
	v6 =	vmul.f32 v6, v12;
	v48 =	vmul.f32 v43, v46  }
0x5a2: {  	v50 =	vmul.f32 v32, v45;
	v3 =	vmul.f32 $-2.000000000e+00, v3;
	v23 =	vsub.f32 v24, v23  }
0x5a3: {  	v10 =	vmul.f32 v10, v16;
	v51 =	vadd.f32 v44, v25;
	v52 =	vadd.f32 v47, v29  }
0x5a4: {  	v25 =	vmul.f32 v54, v17;
	v6 =	vsub.f32 $1.500000000e+00, v6;
	v3 =	vmul.f32 $1.442695020e+00, v3  }
0x5a5: {  	v55 =	vsub.f32 $1.500000000e+00, v48;
	v10 =	vsub.f32 $1.500000000e+00, v10;
	v20 =	vmul.f32 v51, v51  }
0x5a6: {  	v23 =	vadd.f32 v49, v23;
	(erf) = vpow2.f32 v3;
	v3 =	vmul.f32 v6, v12  }
0x5a7: {  	v25 =	vsub.f32 $1.500000000e+00, v25;
	v56 =	vmul.f32 v43, v55;
	v10 =	vmul.f32 v10, v16  }
0x5a8: {  	v33 =	vadd.f32 v35, v33;
	v6 =	vmul.f32 v52, v52;
	v2 =	vmul.f32 v3, v2  }
0x5a9: {  	v22 =	vsub.f32 $1.500000000e+00, v22;
	v57 =	vmul.f32 v23, v23;
	v37 =	vmul.f32 v25, v17  }
0x5aa: {  	v12 =	vadd.f32 v20, v53;
	v5 =	vmul.f32 v10, v5;
	v2 =	vmul.f32 $-2.000000000e+00, v2  }
0x5ab: {  	v58 =	vmul.f32 v56, v26;
	v3 =	vsub.f32 $1.500000000e+00, v50;
	v42 =	vmul.f32 v37, v11  }
0x5ac: {  	v6 =	vadd.f32 v6, v33;
	v5 =	vmul.f32 $-2.000000000e+00, v5;
	v2 =	vmul.f32 $1.442695020e+00, v2  }
0x5ad: {  	v12 =	vadd.f32 v57, v12;
	v23 =	vmul.f32 v58, v56;
	v3 =	vmul.f32 v32, v3  }
0x5ae: {  	v32 =	vsub.f32 $1.500000000e+00, v31;
	(erf) = vpow2.f32 v2;
	v2 =	vmul.f32 v22, v15  }
0x5af: {  	v59 =	vshra.s32 v6, $0x1;
	v60 =	vmul.f32 $5.000000000e-01, v6;
	v61 =	vmul.f32 $5.000000000e-01, v12  }
0x5b0: {  	v62 =	vsub.s32 $0x5F3759DF, v59;
	v34 =	vmul.f32 v32, v18;
	v7 =	vmul.f32 v2, v7  }
0x5b1: {  	v20 =	vshra.s32 v12, $0x1;
	v5 =	vmul.f32 $1.442695020e+00, v5;
	v33 =	vmul.f32 v62, v60  }
0x5b2: {  	v20 =	vsub.s32 $0x5F3759DF, v20;
	v36 =	vmul.f32 v34, v13;
	v7 =	vmul.f32 v7, v2  }
0x5b3: {  	v63 =	vmul.f32 v20, v61;
	v35 =	vmul.f32 v62, v33  }
0x5b4: {  	(erf) = vpow2.f32 v5;
	v5 =	vmul.f32 v36, v34;
	v7 =	vsub.f32 $1.500000000e+00, v7  }
0x5b5: {  	v40 =	vmul.f32 v3, v38;
	v15 =	vmul.f32 v20, v63;
	v41 =	vsub.f32 $1.500000000e+00, v35  }
0x5b6: {  	v11 =	vmul.f32 v42, v37;
	v5 =	vsub.f32 $1.500000000e+00, v5;
	v2 =	vmul.f32 v7, v2  }
0x5b7: {  	v13 =	vmul.f32 v40, v3;
	v39 =	vsub.f32 $1.500000000e+00, v15;
	v10 =	vmul.f32 v62, v41  }
0x5b8: {  	v5 =	vmul.f32 v5, v34;
	v2 =	vmul.f32 v2, v4  }
0x5b9: {  	v45 =	vmul.f32 v10, v60;
	v7 =	vmul.f32 v20, v39  }
0x5ba: {  	v44 =	vsub.f32 $1.500000000e+00, v23;
	v5 =	vmul.f32 v5, v9;
	v2 =	vmul.f32 $-2.000000000e+00, v2  }
0x5bb: {  	v9 =	vmul.f32 v45, v10;
	v43 =	vmul.f32 v7, v61  }
0x5bc: {  	v46 =	vmul.f32 v44, v56;
	v2 =	vmul.f32 $1.442695020e+00, v2  }
0x5bd: {  	v47 =	vsub.f32 $1.500000000e+00, v13;
	v9 =	vsub.f32 $1.500000000e+00, v9;
	v15 =	vmul.f32 v43, v7  }
0x5be: {  	v49 =	vmul.f32 v46, v26;
	(erf) = vpow2.f32 v2;
	v2 =	vsub.f32 $1.500000000e+00, v11  }
0x5bf: {  	v3 =	vmul.f32 v47, v3;
	v9 =	vmul.f32 v9, v10;
	v48 =	vsub.f32 $1.500000000e+00, v15  }
0x5c0: {  	v5 =	vmul.f32 $-2.000000000e+00, v5;
	v2 =	vmul.f32 v2, v37  }
0x5c1: {  	v51 =	vmul.f32 v9, v60;
	v7 =	vmul.f32 v48, v7  }
0x5c2: {  	v11 =	vmul.f32 v3, v38;
	v2 =	vmul.f32 v2, v8  }
0x5c3: {  	v50 =	vmul.f32 v7, v61;
	v8 =	vmul.f32 v49, v46  }
0x5c4: {  	v11 =	vmul.f32 v11, v3;
	v2 =	vmul.f32 $-2.000000000e+00, v2  }
0x5c5: {  	v5 =	vmul.f32 $1.442695020e+00, v5;
	v10 =	vmul.f32 v50, v7;
	v8 =	vsub.f32 $1.500000000e+00, v8  }
0x5c6: {  	v13 =	vmul.f32 v51, v9;
	v11 =	vsub.f32 $1.500000000e+00, v11;
	v2 =	vmul.f32 $1.442695020e+00, v2  }
0x5c7: {  	(erf) = vpow2.f32 v5;
	v52 =	vsub.f32 $1.500000000e+00, v10;
	v4 =	vmul.f32 v8, v46  }
0x5c8: {  	(erf) = vpow2.f32 v2;
	v2 =	vmul.f32 v11, v3;
	v3 =	vsub.f32 $1.500000000e+00, v13  }
0x5c9: {  	v5 =	vmul.f32 v52, v7  }
0x5ca: {  	v4 =	vmul.f32 v4, v21;
	v3 =	vmul.f32 v3, v9  }
0x5cb: {  	v5 =	vmul.f32 v5, v12;
	v2 =	vmul.f32 v2, v14  }
0x5cc: {  	v4 =	vmul.f32 $-2.000000000e+00, v4;
	v3 =	vmul.f32 v3, v6  }
0x5cd: {  	v5 =	vmul.f32 $-2.000000000e+00, v5;
	v2 =	vmul.f32 $-2.000000000e+00, v2  }
0x5ce: {  	v4 =	vmul.f32 $1.442695020e+00, v4;
	v3 =	vmul.f32 $-2.000000000e+00, v3  }
0x5cf: {  	v2 =	vmul.f32 $1.442695020e+00, v2  }
0x5d0: {  	v53 =	vmul.f32 $1.442695020e+00, v5;
	(erf) = vpow2.f32 v4  }
0x5d1: {  	(erf) = vpow2.f32 v2;
	v2 =	vmul.f32 $1.442695020e+00, v3  }
0x5d2: {  	v54 =	vmul.f32 $5.000000000e-01, v19;
	v3 =	vpop (erf)  }
0x5d3: {  	(erf) = vpow2.f32 v53;
	v3 =	vmul.f32 $5.000000000e-01, v3  }
0x5d4: {  	v55 =	vpop (erf);
	(erf) = vpow2.f32 v2  }
0x5d5: {  	[tilespmem:s13+$0xFFFFFFF0] =	vst v54;
	v2 =	vpop (erf);
	v4 =	vmul.f32 $5.000000000e-01, v55  }
0x5d6: {  	v56 =	vpop (erf);
	[tilespmem:s13+$0x0] =	vst v3;
	v2 =	vmul.f32 $5.000000000e-01, v2  }
0x5d7: {  	[tilespmem:s11+$0xFFFFFFF0] =	vst v4;
	v57 =	vmul.f32 $5.000000000e-01, v56;
	v3 =	vpop (erf)  }
0x5d8: {  	[tilespmem:s11+$0x0] =	vst v2;
	v58 =	vpop (erf);
	v2 =	vmul.f32 $5.000000000e-01, v3  }
0x5d9: {  	[tilespmem:s15+$0xFFFFFFF0] =	vst v57;
	v3 =	vpop (erf);
	v59 =	vmul.f32 $5.000000000e-01, v58  }
0x5da: {  	v60 =	vpop (erf);
	[tilespmem:s15+$0x0] =	vst v2;
	v2 =	vmul.f32 $5.000000000e-01, v3  }
0x5db: {  	v3 =	vpop (erf);
	[tilespmem:s18+$0xFFFFFFF0] =	vst v59;
	v61 =	vmul.f32 $5.000000000e-01, v60  }
0x5dc: {  	s21 =	sadd.s32 $0x20, s3;
	v62 =	vpop (erf);
	[tilespmem:s18+$0x0] =	vst v2;
	v2 =	vmul.f32 $5.000000000e-01, v3  }
0x5dd: {  	[tilespmem:s21+$0xFFFFFFF0] =	vst v61;
	v3 =	vpop (erf);
	v63 =	vmul.f32 $5.000000000e-01, v62  }
0x5de: {  	s2 =	sadd.s32 $0x20, s21;
	[tilespmem:s21+$0x0] =	vst v2;
	v2 =	vmul.f32 $5.000000000e-01, v3  }
0x5df: {  	[tilespmem:s2+$0xFFFFFFF0] =	vst v63  }
0x5e0: {  	s22 =	simm.s32 $0x1A000;
	s23 =	simm.s32 $0x5000;
	[tilespmem:s2+$0x0] =	vst v2  }
0x5e1: {  	[spmem:s30] =	stream.indirect.scatter.add.f32 [tilespmem:s22], [sflag:$0x5], $0x1, s23, s29, $0xb8;
	[tilespmem:$0x1E0E0] =	vst v63  }
.LBB2_28:
0x5e2: {  	s0 =	rddreg [dreg:$0x10]  }
0x5e3: {  	s0 =	sadd.s32 s0, s10  }
0x5e4: {  	p2 =	sgt.u32 s0, $0xC34  }
0x5e5: {  	s2 =	sshll.u32 @!p2 s0, $0x9  }
0x5e6: {  	s3 =	simm.s32 @!p2 $0x0;
	s0 =	sshll.u32 @!p2 s0, $0x8;
	s2 =	sadd.s32 @!p2 s1, s2  }
0x5e7: {  	[tilespmem:s3], [sflag:$0x1] =	stream.linear.gather @!p2 [hbm4b:s2+s3], $0x1000, $0x38;
	[tilespmem:$0x1E0E0] =	vst v63  }
0x5e8: {  	s9 =	simm.s32 @!p2 $0x7000;
	s2 =	sadd.s32 @!p2 s6, s0  }
0x5e9: {  	[tilespmem:s9], [sflag:$0x1] =	stream.linear.gather @!p2 [hbm4b:s2+s3], $0x800, $0x38;
	[tilespmem:$0x1E0E0] =	vst v63  }
0x5ea: {  	s2 =	sadd.s32 @!p2 s7, s0;
	s9 =	simm.s32 @!p2 $0x8000  }
0x5eb: {  	[tilespmem:s9], [sflag:$0x1] =	stream.linear.gather @!p2 [hbm4b:s2+s3], $0x800, $0x38;
	[tilespmem:$0x1E0E0] =	vst v63  }
0x5ec: {  	s0 =	sadd.s32 @!p2 s8, s0;
	s2 =	simm.s32 @!p2 $0x9000  }
0x5ed: {  	[tilespmem:s2], [sflag:$0x1] =	stream.linear.gather @!p2 [hbm4b:s0+s3], $0x800, $0x38;
	[tilespmem:$0x1E0E0] =	vst v63  }
0x5ee: {  	s0 =	simm.s32 @!p3 $0x4  }
0x5ef: {  	_ =	swait.ge @!p3 [sflag:s0], $0x4000  }
.Ltmp17:
0x5f0: {  	[sflag:s0] =	ssyncset.done @!p3 $0x0;
	(pc) =	sbr.rel @p2 .LBB2_32-.Ltmp17, $4  }
0x5f1: {  	[sflag:s0] =	ssyncadd.s32 @!p3 $0xFFFFC000  }
0x5f2: {  	_ =	swait.ge @!p3 [sflag:s0], $0x4000  }
0x5f3: {  	[sflag:s0] =	ssyncset.done @!p3 $0x0  }
0x5f4: {  	[sflag:s0] =	ssyncadd.s32 @!p3 $0xFFFFC000  }
0x5f5: {  	_ =	swait.ge [sflag:s28], $0x1000  }
0x5f6: {  	[sflag:s28] =	ssyncset.done $0x0  }
0x5f7: {  	[sflag:s28] =	ssyncadd.s32 $0xFFFFF000  }
0x5f8: {  	_ =	swait.ge [sflag:s28], $0x800  }
0x5f9: {  	[sflag:s28] =	ssyncset.done $0x0  }
0x5fa: {  	[sflag:s28] =	ssyncadd.s32 $0xFFFFF800  }
0x5fb: {  	_ =	swait.ge [sflag:s28], $0x800  }
0x5fc: {  	[sflag:s28] =	ssyncset.done $0x0  }
0x5fd: {  	[sflag:s28] =	ssyncadd.s32 $0xFFFFF800  }
0x5fe: {  	_ =	swait.ge [sflag:s28], $0x800  }
0x5ff: {  	[sflag:s28] =	ssyncset.done $0x0  }
0x600: {  	s13 =	simm.s32 $0x80;
	[sflag:s28] =	ssyncadd.s32 $0xFFFFF800  }
0x601: {  	v2 =	vld [tilespmem:s13+$0xFFFFFF80];
	_ =	sdelay $0x3  }
0x602: {  	s3 =	simm.s32 $0x0  }
0x603: {  	[tilespmem:s3+$0x4000] =	vst v2  }
0x604: {  	v2 =	vld [tilespmem:s13+$0x0];
	_ =	sdelay $0x4  }
0x605: {  	[tilespmem:s3+$0x6000] =	vst v2  }
0x606: {  	v2 =	vld [tilespmem:s13+$0xFFFFFF90];
	_ =	sdelay $0x2  }
0x607: {  	s15 =	simm.s32 $0x180  }
0x608: {  	v3 =	vld [tilespmem:s15+$0xFFFFFF80]  }
0x609: {  	[tilespmem:s3+$0x4010] =	vst v2  }
0x60a: {  	v2 =	vld [tilespmem:s13+$0x10];
	_ =	sdelay $0x1  }
0x60b: {  	s11 =	simm.s32 $0x80  }
0x60c: {  	[tilespmem:s11+$0x4000] =	vst v3  }
0x60d: {  	v3 =	vld [tilespmem:s15+$0x0]  }
0x60e: {  	[tilespmem:s3+$0x6010] =	vst v2  }
0x60f: {  	v2 =	vld [tilespmem:s13+$0xFFFFFFA0];
	_ =	sdelay $0x2  }
0x610: {  	[tilespmem:s11+$0x6000] =	vst v3  }
0x611: {  	v3 =	vld [tilespmem:s15+$0xFFFFFF90]  }
0x612: {  	[tilespmem:s3+$0x4020] =	vst v2  }
0x613: {  	v2 =	vld [tilespmem:s13+$0x20]  }
0x614: {  	s19 =	simm.s32 $0x280  }
0x615: {  	v4 =	vld [tilespmem:s19+$0xFFFFFF80]  }
0x616: {  	[tilespmem:s11+$0x4010] =	vst v3  }
0x617: {  	v3 =	vld [tilespmem:s15+$0x10]  }
0x618: {  	[tilespmem:s3+$0x6020] =	vst v2  }
0x619: {  	s18 =	simm.s32 $0x100;
	v2 =	vld [tilespmem:s13+$0xFFFFFFB0]  }
0x61a: {  	[tilespmem:s18+$0x4000] =	vst v4  }
0x61b: {  	v4 =	vld [tilespmem:s19+$0x0]  }
0x61c: {  	[tilespmem:s11+$0x6010] =	vst v3  }
0x61d: {  	v3 =	vld [tilespmem:s15+$0xFFFFFFA0]  }
0x61e: {  	[tilespmem:s3+$0x4030] =	vst v2  }
0x61f: {  	v2 =	vld [tilespmem:s13+$0x30]  }
0x620: {  	[tilespmem:s18+$0x6000] =	vst v4  }
0x621: {  	v4 =	vld [tilespmem:s19+$0xFFFFFF90]  }
0x622: {  	[tilespmem:s11+$0x4020] =	vst v3  }
0x623: {  	s17 =	simm.s32 $0x380;
	v3 =	vld [tilespmem:s15+$0x20]  }
0x624: {  	[tilespmem:s3+$0x6030] =	vst v2;
	v2 =	vld [tilespmem:s17+$0xFFFFFF80]  }
0x625: {  	v5 =	vld [tilespmem:s13+$0xFFFFFFC0]  }
0x626: {  	[tilespmem:s18+$0x4010] =	vst v4  }
0x627: {  	v4 =	vld [tilespmem:s19+$0x10]  }
0x628: {  	s0 =	simm.s32 $0x180;
	[tilespmem:s11+$0x6020] =	vst v3  }
0x629: {  	v3 =	vld [tilespmem:s15+$0xFFFFFFB0];
	[tilespmem:s0+$0x4000] =	vst v2  }
0x62a: {  	v2 =	vld [tilespmem:s17+$0x0];
	[tilespmem:s3+$0x4040] =	vst v5  }
0x62b: {  	v5 =	vld [tilespmem:s13+$0x40]  }
0x62c: {  	[tilespmem:s18+$0x6010] =	vst v4  }
0x62d: {  	v4 =	vld [tilespmem:s19+$0xFFFFFFA0]  }
0x62e: {  	[tilespmem:s11+$0x4030] =	vst v3  }
0x62f: {  	v3 =	vld [tilespmem:s15+$0x30];
	[tilespmem:s0+$0x6000] =	vst v2  }
0x630: {  	v2 =	vld [tilespmem:s17+$0xFFFFFF90];
	[tilespmem:s3+$0x6040] =	vst v5  }
0x631: {  	v5 =	vld [tilespmem:s13+$0xFFFFFFD0]  }
0x632: {  	[tilespmem:s18+$0x4020] =	vst v4  }
0x633: {  	s22 =	simm.s32 $0x480;
	v4 =	vld [tilespmem:s19+$0x20]  }
0x634: {  	[tilespmem:s11+$0x6030] =	vst v3;
	v3 =	vld [tilespmem:s22+$0xFFFFFF80]  }
0x635: {  	[tilespmem:s0+$0x4010] =	vst v2;
	v2 =	vld [tilespmem:s15+$0xFFFFFFC0]  }
0x636: {  	v6 =	vld [tilespmem:s17+$0x10];
	[tilespmem:s3+$0x4050] =	vst v5  }
0x637: {  	v5 =	vld [tilespmem:s13+$0x50]  }
0x638: {  	s20 =	simm.s32 $0x200;
	[tilespmem:s18+$0x6020] =	vst v4  }
0x639: {  	v4 =	vld [tilespmem:s19+$0xFFFFFFB0];
	[tilespmem:s20+$0x4000] =	vst v3  }
0x63a: {  	v3 =	vld [tilespmem:s22+$0x0];
	[tilespmem:s11+$0x4040] =	vst v2  }
0x63b: {  	[tilespmem:s0+$0x6010] =	vst v6;
	v2 =	vld [tilespmem:s15+$0x40]  }
0x63c: {  	v6 =	vld [tilespmem:s17+$0xFFFFFFA0];
	[tilespmem:s3+$0x6050] =	vst v5  }
0x63d: {  	v7 =	vld [tilespmem:s13+$0xFFFFFFE0]  }
0x63e: {  	[tilespmem:s18+$0x4030] =	vst v4  }
0x63f: {  	v4 =	vld [tilespmem:s19+$0x30];
	[tilespmem:s20+$0x6000] =	vst v3  }
0x640: {  	v8 =	vld [tilespmem:s22+$0xFFFFFF90];
	[tilespmem:s11+$0x6040] =	vst v2  }
0x641: {  	[tilespmem:s0+$0x4020] =	vst v6;
	v3 =	vld [tilespmem:s15+$0xFFFFFFD0]  }
0x642: {  	v5 =	vld [tilespmem:s17+$0x20];
	[tilespmem:s3+$0x4060] =	vst v7  }
0x643: {  	s21 =	simm.s32 $0x580;
	v2 =	vld [tilespmem:s13+$0x60]  }
0x644: {  	[tilespmem:s18+$0x6030] =	vst v4;
	v6 =	vld [tilespmem:s21+$0xFFFFFF80]  }
0x645: {  	s9 =	simm.s32 $0xA00;
	s23 =	simm.s32 $0xC00;
	v4 =	vld [tilespmem:s19+$0xFFFFFFC0];
	[tilespmem:s20+$0x4010] =	vst v8  }
.LBB2_30:
0x646: {  	p2 =	sne.s32 s23, $0x1E00;
	v7 =	vld [tilespmem:s22+$0x10];
	[tilespmem:s11+$0x4050] =	vst v3  }
0x647: {  	[tilespmem:s0+$0x6020] =	vst v5;
	v3 =	vld [tilespmem:s15+$0x50]  }
0x648: {  	s2 =	sshra.s32 s9, $0x2;
	s9 =	smov.u32 s23;
	v5 =	vld [tilespmem:s17+$0xFFFFFFB0];
	[tilespmem:s3+$0x6060] =	vst v2  }
0x649: {  	[tilespmem:s2+$0x4000] =	vst v6;
	v2 =	vld [tilespmem:s13+$0xFFFFFFF0]  }
0x64a: {  	v6 =	vld [tilespmem:s21+$0x0];
	[tilespmem:s18+$0x4040] =	vst v4  }
0x64b: {  	[tilespmem:s20+$0x6010] =	vst v7;
	v4 =	vld [tilespmem:s19+$0x40]  }
0x64c: {  	v7 =	vld [tilespmem:s22+$0xFFFFFFA0];
	[tilespmem:s11+$0x6050] =	vst v3  }
0x64d: {  	[tilespmem:s0+$0x4030] =	vst v5;
	v8 =	vld [tilespmem:s15+$0xFFFFFFE0]  }
0x64e: {  	v9 =	vld [tilespmem:s17+$0x30];
	[tilespmem:s3+$0x4070] =	vst v2  }
0x64f: {  	[tilespmem:s2+$0x6000] =	vst v6;
	v10 =	vld [tilespmem:s13+$0x70];
	s13 =	smov.u32 s15;
	s15 =	smov.u32 s19;
	s19 =	smov.u32 s17  }
0x650: {  	s17 =	smov.u32 s22;
	s22 =	smov.u32 s21;
	v11 =	vld [tilespmem:s21+$0xFFFFFF90];
	[tilespmem:s18+$0x6040] =	vst v4  }
.Ltmp18:
0x651: {  	[tilespmem:s20+$0x4020] =	vst v7;
	v3 =	vld [tilespmem:s15+$0xFFFFFFD0];
	(pc) =	sbr.rel @p2 .LBB2_30-.Ltmp18, $4  }
0x652: {  	v5 =	vld [tilespmem:s17+$0x20];
	[tilespmem:s11+$0x4060] =	vst v8  }
0x653: {  	s21 =	sadd.s32 $0x100, s21;
	[tilespmem:s0+$0x6030] =	vst v9;
	v2 =	vld [tilespmem:s13+$0x60]  }
0x654: {  	v6 =	vld [tilespmem:s21+$0xFFFFFF80];
	[tilespmem:s3+$0x6070] =	vst v10;
	s3 =	smov.u32 s11;
	s11 =	smov.u32 s18;
	s18 =	smov.u32 s0  }
0x655: {  	s23 =	sadd.s32 $0x200, s23;
	s0 =	smov.u32 s20;
	s20 =	smov.u32 s2;
	[tilespmem:s2+$0x4010] =	vst v11;
	v4 =	vld [tilespmem:s19+$0xFFFFFFC0]  }
0x656: {  	_ =	sdelay $0x1  }
0x657: {  	s23 =	sshra.s32 s9, $0x2  }
0x658: {  	[tilespmem:s23+$0x4000] =	vst v6  }
0x659: {  	v6 =	vld [tilespmem:s21+$0x0];
	_ =	sdelay $0x4  }
0x65a: {  	[tilespmem:s23+$0x6000] =	vst v6  }
0x65b: {  	v6 =	vld [tilespmem:s21+$0xFFFFFF90];
	_ =	sdelay $0x3  }
0x65c: {  	v7 =	vld [tilespmem:s22+$0x10]  }
0x65d: {  	[tilespmem:s23+$0x4010] =	vst v6  }
0x65e: {  	v6 =	vld [tilespmem:s21+$0x10];
	_ =	sdelay $0x2  }
0x65f: {  	[tilespmem:s20+$0x6010] =	vst v7  }
0x660: {  	v7 =	vld [tilespmem:s22+$0xFFFFFFA0]  }
0x661: {  	[tilespmem:s23+$0x6010] =	vst v6  }
0x662: {  	v6 =	vld [tilespmem:s21+$0xFFFFFFA0];
	_ =	sdelay $0x2  }
0x663: {  	[tilespmem:s20+$0x4020] =	vst v7  }
0x664: {  	v7 =	vld [tilespmem:s22+$0x20]  }
0x665: {  	[tilespmem:s23+$0x4020] =	vst v6  }
0x666: {  	v6 =	vld [tilespmem:s21+$0x20];
	_ =	sdelay $0x1  }
0x667: {  	[tilespmem:s0+$0x6020] =	vst v5  }
0x668: {  	v5 =	vld [tilespmem:s17+$0xFFFFFFB0];
	[tilespmem:s20+$0x6020] =	vst v7  }
0x669: {  	v7 =	vld [tilespmem:s22+$0xFFFFFFB0]  }
0x66a: {  	[tilespmem:s23+$0x6020] =	vst v6  }
0x66b: {  	v6 =	vld [tilespmem:s21+$0xFFFFFFB0];
	_ =	sdelay $0x1  }
0x66c: {  	[tilespmem:s0+$0x4030] =	vst v5  }
0x66d: {  	v5 =	vld [tilespmem:s17+$0x30];
	[tilespmem:s20+$0x4030] =	vst v7  }
0x66e: {  	v7 =	vld [tilespmem:s22+$0x30]  }
0x66f: {  	[tilespmem:s23+$0x4030] =	vst v6  }
0x670: {  	v6 =	vld [tilespmem:s21+$0x30];
	_ =	sdelay $0x1  }
0x671: {  	[tilespmem:s0+$0x6030] =	vst v5  }
0x672: {  	v5 =	vld [tilespmem:s17+$0xFFFFFFC0];
	[tilespmem:s20+$0x6030] =	vst v7  }
0x673: {  	v7 =	vld [tilespmem:s22+$0xFFFFFFC0]  }
0x674: {  	[tilespmem:s23+$0x6030] =	vst v6  }
0x675: {  	v6 =	vld [tilespmem:s21+$0xFFFFFFC0]  }
0x676: {  	[tilespmem:s18+$0x4040] =	vst v4  }
0x677: {  	v4 =	vld [tilespmem:s19+$0x40];
	[tilespmem:s0+$0x4040] =	vst v5  }
0x678: {  	v5 =	vld [tilespmem:s17+$0x40];
	[tilespmem:s20+$0x4040] =	vst v7  }
0x679: {  	v7 =	vld [tilespmem:s22+$0x40]  }
0x67a: {  	[tilespmem:s23+$0x4040] =	vst v6  }
0x67b: {  	v6 =	vld [tilespmem:s21+$0x40]  }
0x67c: {  	[tilespmem:s18+$0x6040] =	vst v4  }
0x67d: {  	v4 =	vld [tilespmem:s19+$0xFFFFFFD0];
	[tilespmem:s0+$0x6040] =	vst v5  }
0x67e: {  	v5 =	vld [tilespmem:s17+$0xFFFFFFD0];
	[tilespmem:s20+$0x6040] =	vst v7  }
0x67f: {  	v7 =	vld [tilespmem:s22+$0xFFFFFFD0]  }
0x680: {  	[tilespmem:s23+$0x6040] =	vst v6  }
0x681: {  	[tilespmem:s11+$0x4050] =	vst v3;
	v6 =	vld [tilespmem:s21+$0xFFFFFFD0]  }
0x682: {  	v3 =	vld [tilespmem:s15+$0x50];
	[tilespmem:s18+$0x4050] =	vst v4  }
0x683: {  	v4 =	vld [tilespmem:s19+$0x50];
	[tilespmem:s0+$0x4050] =	vst v5  }
0x684: {  	v5 =	vld [tilespmem:s17+$0x50];
	[tilespmem:s20+$0x4050] =	vst v7  }
0x685: {  	v7 =	vld [tilespmem:s22+$0x50]  }
0x686: {  	[tilespmem:s23+$0x4050] =	vst v6  }
0x687: {  	[tilespmem:s11+$0x6050] =	vst v3;
	v6 =	vld [tilespmem:s21+$0x50]  }
0x688: {  	v3 =	vld [tilespmem:s15+$0xFFFFFFE0];
	[tilespmem:s18+$0x6050] =	vst v4  }
0x689: {  	v4 =	vld [tilespmem:s19+$0xFFFFFFE0];
	[tilespmem:s0+$0x6050] =	vst v5  }
0x68a: {  	v5 =	vld [tilespmem:s17+$0xFFFFFFE0];
	[tilespmem:s20+$0x6050] =	vst v7  }
0x68b: {  	v7 =	vld [tilespmem:s22+$0xFFFFFFE0]  }
0x68c: {  	[tilespmem:s23+$0x6050] =	vst v6  }
0x68d: {  	[tilespmem:s11+$0x4060] =	vst v3;
	v6 =	vld [tilespmem:s21+$0xFFFFFFE0]  }
0x68e: {  	v3 =	vld [tilespmem:s15+$0x60];
	[tilespmem:s18+$0x4060] =	vst v4  }
0x68f: {  	v4 =	vld [tilespmem:s19+$0x60];
	[tilespmem:s0+$0x4060] =	vst v5  }
0x690: {  	v5 =	vld [tilespmem:s17+$0x60];
	[tilespmem:s20+$0x4060] =	vst v7  }
0x691: {  	[tilespmem:s3+$0x6060] =	vst v2;
	v7 =	vld [tilespmem:s22+$0x60]  }
0x692: {  	[tilespmem:s23+$0x4060] =	vst v6  }
0x693: {  	[tilespmem:s11+$0x6060] =	vst v3;
	v2 =	vld [tilespmem:s21+$0x60]  }
0x694: {  	v3 =	vld [tilespmem:s15+$0xFFFFFFF0];
	[tilespmem:s18+$0x6060] =	vst v4  }
0x695: {  	v4 =	vld [tilespmem:s19+$0xFFFFFFF0];
	[tilespmem:s0+$0x6060] =	vst v5  }
0x696: {  	v5 =	vld [tilespmem:s17+$0xFFFFFFF0];
	[tilespmem:s20+$0x6060] =	vst v7  }
0x697: {  	v7 =	vld [tilespmem:s22+$0xFFFFFFF0]  }
0x698: {  	v63 =	vld [tilespmem:s13+$0xFFFFFFF0];
	[tilespmem:s23+$0x6060] =	vst v2  }
0x699: {  	[tilespmem:s11+$0x4070] =	vst v3;
	v2 =	vld [tilespmem:s21+$0xFFFFFFF0]  }
0x69a: {  	v3 =	vld [tilespmem:s15+$0x70];
	[tilespmem:s18+$0x4070] =	vst v4  }
0x69b: {  	v4 =	vld [tilespmem:s19+$0x70];
	[tilespmem:s0+$0x4070] =	vst v5  }
0x69c: {  	v5 =	vld [tilespmem:s17+$0x70];
	[tilespmem:s20+$0x4070] =	vst v7  }
0x69d: {  	[tilespmem:s3+$0x4070] =	vst v63;
	v7 =	vld [tilespmem:s22+$0x70]  }
0x69e: {  	v6 =	vld [tilespmem:s13+$0x70];
	[tilespmem:s23+$0x4070] =	vst v2  }
0x69f: {  	[tilespmem:s11+$0x6070] =	vst v3;
	v2 =	vld [tilespmem:s21+$0x70]  }
0x6a0: {  	[tilespmem:s18+$0x6070] =	vst v4  }
0x6a1: {  	[tilespmem:s0+$0x6070] =	vst v5  }
0x6a2: {  	[tilespmem:s20+$0x6070] =	vst v7  }
0x6a3: {  	[tilespmem:s3+$0x6070] =	vst v6  }
0x6a4: {  	s22 =	simm.s32 $0x4000;
	[tilespmem:s23+$0x6070] =	vst v2  }
0x6a5: {  	[tilespmem:s31], [sflag:$0x3] =	stream.indirect.gather [hbm4b:s4+s29], $0x8, s22, s29, $0xb8;
	[tilespmem:$0x1E0E0] =	vst v63  }
0x6a6: {  	s23 =	simm.s32 $0x6000  }
0x6a7: {  	[tilespmem:s26], [sflag:$0x3] =	stream.indirect.gather [hbm4b:s4+s29], $0x8, s23, s29, $0xb8;
	[tilespmem:$0x1E0E0] =	vst v63  }
.LBB2_32:
.Ltmp19:
0x6a8: {  	(pc) =	sbr.rel @p3 .LBB2_36-.Ltmp19, $4  }
0x6a9: {  	s0 =	simm.s32 @!p1 $0x6  }
0x6aa: {  	_ =	swait.ge @!p1 [sflag:s0], $0x800  }
0x6ab: {  	[sflag:s0] =	ssyncset.done @!p1 $0x0  }
0x6ac: {  	[sflag:s0] =	ssyncadd.s32 @!p1 $0xFFFFF800  }
0x6ad: {  	s23 =	simm.s32 $0x8810  }
0x6ae: {  	s2 =	simm.s32 $0x7810;
	v5 =	vld [tilespmem:s23+$0x0]  }
0x6af: {  	s0 =	simm.s32 $0x10;
	v7 =	vld [tilespmem:s2+$0x0]  }
0x6b0: {  	s9 =	simm.s32 $0x9810;
	v2 =	vmov s0;
	v16 =	vld [tilespmem:s2+$0xFFFFFFF0]  }
0x6b1: {  	s22 =	simm.s32 $0x0;
	v18 =	vld [tilespmem:s9+$0xFFFFFFF0];
	v2 =	vshll.u32 v2, $0x3  }
0x6b2: {  	v3 =	vmov s22;
	v21 =	vld [tilespmem:s23+$0xFFFFFFF0];
	v2 =	vor.u32 v1, v2  }
0x6b3: {  	s3 =	simm.s32 $0x30;
	s13 =	simm.s32 $0x8830;
	v22 =	vld [tilespmem:s9+$0x0];
	v3 =	vshll.u32 v3, $0x3  }
0x6b4: {  	s11 =	simm.s32 $0x20;
	s15 =	simm.s32 $0x7830;
	v17 =	vmov s3;
	v23 =	vld [tilespmem:s13+$0x0];
	v3 =	vor.u32 v1, v3  }
0x6b5: {  	v19 =	vmov s11;
	v25 =	vld [tilespmem:s15+$0x0];
	s11 =	simm.s32 $0x8870;
	v17 =	vshll.u32 v17, $0x3  }
0x6b6: {  	v36 =	vld [tilespmem:s11+$0xFFFFFFF0];
	v17 =	vor.u32 v1, v17  }
0x6b7: {  	v4 =	vor.u32 $0x1, v2;
	v9 =	vld.idx.msk [tilespmem:v2+s14+$0x0], $0xffff  }
0x6b8: {  	v8 =	vor.u32 $0x2, v2;
	v2 =	vld.idx.msk [tilespmem:v2+s16+$0x0], $0xffff  }
0x6b9: {  	v6 =	vor.u32 $0x2, v3;
	v14 =	vld.idx.msk [tilespmem:v3+s14+$0x0], $0xffff  }
0x6ba: {  	v11 =	vor.u32 $0x1, v3;
	v3 =	vld.idx.msk [tilespmem:v3+s16+$0x0], $0xffff  }
0x6bb: {  	v27 =	vld.idx.msk [tilespmem:v17+s14+$0x0], $0xffff  }
0x6bc: {  	v10 =	vld.idx.msk [tilespmem:v4+s16+$0x0], $0xffff  }
0x6bd: {  	v4 =	vld.idx.msk [tilespmem:v4+s14+$0x0], $0xffff  }
0x6be: {  	v12 =	vld.idx.msk [tilespmem:v6+s16+$0x0], $0xffff  }
0x6bf: {  	v20 =	vor.u32 $0x1, v17;
	v13 =	vld.idx.msk [tilespmem:v8+s16+$0x0], $0xffff  }
0x6c0: {  	v15 =	vld.idx.msk [tilespmem:v11+s16+$0x0], $0xffff  }
0x6c1: {  	v19 =	vshll.u32 v19, $0x3;
	v8 =	vld.idx.msk [tilespmem:v8+s14+$0x0], $0xffff  }
0x6c2: {  	v19 =	vor.u32 v1, v19;
	v11 =	vld.idx.msk [tilespmem:v11+s14+$0x0], $0xffff  }
0x6c3: {  	v26 =	vor.u32 $0x2, v17;
	v6 =	vld.idx.msk [tilespmem:v6+s14+$0x0], $0xffff  }
0x6c4: {  	v24 =	vor.u32 $0x2, v19;
	v28 =	vld.idx.msk [tilespmem:v20+s16+$0x0], $0xffff  }
0x6c5: {  	v4 =	vsub.f32 v10, v4;
	v10 =	vld.idx.msk [tilespmem:v17+s16+$0x0], $0xffff  }
0x6c6: {  	v2 =	vsub.f32 v2, v9;
	v17 =	vld.idx.msk [tilespmem:v20+s14+$0x0], $0xffff  }
0x6c7: {  	v9 =	vor.u32 $0x1, v19;
	v3 =	vsub.f32 v3, v14;
	v8 =	vsub.f32 v13, v8;
	v13 =	vld.idx.msk [tilespmem:v19+s14+$0x0], $0xffff  }
0x6c8: {  	v6 =	vsub.f32 v12, v6;
	v12 =	vld.idx.msk [tilespmem:v26+s14+$0x0], $0xffff;
	v2 =	vadd.f32 v7, v2  }
0x6c9: {  	v20 =	vld.idx.msk [tilespmem:v24+s14+$0x0], $0xffff;
	v7 =	vsub.f32 v15, v11;
	v4 =	vadd.f32 v5, v4  }
0x6ca: {  	v11 =	vld.idx.msk [tilespmem:v26+s16+$0x0], $0xffff;
	v3 =	vadd.f32 v16, v3  }
0x6cb: {  	s17 =	simm.s32 $0x50;
	v5 =	vld.idx.msk [tilespmem:v24+s16+$0x0], $0xffff;
	v2 =	vmul.f32 v2, v2;
	v7 =	vadd.f32 v21, v7;
	v4 =	vmul.f32 v4, v4  }
0x6cc: {  	v14 =	vmov s17;
	v8 =	vadd.f32 v22, v8;
	v15 =	vld.idx.msk [tilespmem:v9+s16+$0x0], $0xffff  }
0x6cd: {  	v3 =	vmul.f32 v3, v3;
	v9 =	vld.idx.msk [tilespmem:v9+s14+$0x0], $0xffff;
	v2 =	vadd.f32 v4, v2;
	v4 =	vmul.f32 v7, v7  }
0x6ce: {  	v16 =	vld [tilespmem:s15+$0xFFFFFFF0];
	v6 =	vadd.f32 v18, v6;
	v8 =	vmul.f32 v8, v8;
	v10 =	vsub.f32 v10, v27  }
0x6cf: {  	v7 =	vld.idx.msk [tilespmem:v19+s16+$0x0], $0xffff;
	v3 =	vadd.f32 v4, v3;
	v4 =	vsub.f32 v28, v17;
	v17 =	vshll.u32 v14, $0x3  }
0x6d0: {  	s20 =	simm.s32 $0x8850;
	v22 =	vld [tilespmem:s13+$0xFFFFFFF0];
	v11 =	vsub.f32 v11, v12;
	v14 =	vadd.f32 v8, v2;
	v2 =	vor.u32 v1, v17  }
0x6d1: {  	s19 =	simm.s32 $0x40;
	s21 =	simm.s32 $0x7850;
	v6 =	vmul.f32 v6, v6;
	v12 =	vld [tilespmem:s20+$0x0];
	v10 =	vadd.f32 v25, v10;
	v5 =	vsub.f32 v5, v20  }
0x6d2: {  	s18 =	simm.s32 $0x9830;
	v25 =	vld [tilespmem:s21+$0x0];
	v8 =	vmov s19;
	v9 =	vsub.f32 v15, v9;
	v21 =	vor.u32 $0x1, v2  }
0x6d3: {  	v17 =	vld [tilespmem:s18+$0xFFFFFFF0];
	v10 =	vmul.f32 v10, v10;
	v4 =	vadd.f32 v23, v4;
	v19 =	vadd.f32 v6, v3  }
0x6d4: {  	v6 =	vld [tilespmem:s18+$0x0];
	v23 =	vshra.s32 v14, $0x1;
	v27 =	vor.u32 $0x2, v2;
	v7 =	vsub.f32 v7, v13  }
0x6d5: {  	v13 =	vsub.s32 $0x5F3759DF, v23;
	v3 =	vmul.f32 v4, v4;
	v4 =	vshll.u32 v8, $0x3;
	v28 =	vld.idx.msk [tilespmem:v2+s14+$0x0], $0xffff  }
0x6d6: {  	v9 =	vadd.f32 v22, v9;
	v18 =	vshra.s32 v19, $0x1;
	v4 =	vor.u32 v1, v4;
	v2 =	vld.idx.msk [tilespmem:v2+s16+$0x0], $0xffff  }
0x6d7: {  	v8 =	vmul.f32 $5.000000000e-01, v19;
	v26 =	vsub.s32 $0x5F3759DF, v18;
	v18 =	vmul.f32 $5.000000000e-01, v14;
	v29 =	vld.idx.msk [tilespmem:v21+s16+$0x0], $0xffff  }
0x6d8: {  	v7 =	vadd.f32 v16, v7;
	v9 =	vmul.f32 v9, v9;
	v24 =	vor.u32 $0x2, v4;
	v15 =	vld.idx.msk [tilespmem:v21+s14+$0x0], $0xffff  }
0x6d9: {  	v23 =	vmul.f32 v26, v8;
	v31 =	vor.u32 $0x1, v4;
	v6 =	vadd.f32 v6, v11;
	v11 =	vld.idx.msk [tilespmem:v27+s16+$0x0], $0xffff  }
0x6da: {  	v5 =	vadd.f32 v17, v5;
	v30 =	vmul.f32 v13, v18;
	v7 =	vmul.f32 v7, v7;
	v17 =	vld.idx.msk [tilespmem:v27+s14+$0x0], $0xffff  }
0x6db: {  	s22 =	simm.s32 $0x70;
	v3 =	vadd.f32 v3, v10;
	v10 =	vmul.f32 v26, v23;
	v20 =	vld.idx.msk [tilespmem:v4+s14+$0x0], $0xffff  }
0x6dc: {  	v21 =	vmov s22;
	v16 =	vmul.f32 v13, v30;
	v7 =	vadd.f32 v9, v7;
	v4 =	vld.idx.msk [tilespmem:v4+s16+$0x0], $0xffff  }
0x6dd: {  	v5 =	vmul.f32 v5, v5;
	v10 =	vsub.f32 $1.500000000e+00, v10;
	v23 =	vld.idx.msk [tilespmem:v24+s16+$0x0], $0xffff;
	v2 =	vsub.f32 v2, v28  }
0x6de: {  	s23 =	simm.s32 $0x9850;
	v6 =	vmul.f32 v6, v6;
	v16 =	vsub.f32 $1.500000000e+00, v16;
	v22 =	vld.idx.msk [tilespmem:v31+s16+$0x0], $0xffff;
	v15 =	vsub.f32 v29, v15  }
0x6df: {  	v28 =	vld [tilespmem:s23+$0x0];
	v9 =	vmul.f32 v26, v10;
	v11 =	vsub.f32 v11, v17;
	v10 =	vadd.f32 v25, v2  }
0x6e0: {  	v25 =	vld.idx.msk [tilespmem:v31+s14+$0x0], $0xffff;
	v2 =	vadd.f32 v6, v3;
	v6 =	vshll.u32 v21, $0x3;
	v3 =	vadd.f32 v5, v7  }
0x6e1: {  	v21 =	vld [tilespmem:s21+$0xFFFFFFF0];
	v12 =	vadd.f32 v12, v15;
	v15 =	vmul.f32 v9, v8;
	v5 =	vor.u32 v1, v6  }
0x6e2: {  	s9 =	simm.s32 $0x60;
	s17 =	simm.s32 $0x9870;
	v6 =	vmul.f32 v10, v10;
	v10 =	vld.idx.msk [tilespmem:v24+s14+$0x0], $0xffff;
	v24 =	vshra.s32 v2, $0x1;
	v17 =	vshra.s32 v3, $0x1  }
0x6e3: {  	v52 =	vld [tilespmem:s17+$0xFFFFFFF0];
	v4 =	vsub.f32 v4, v20;
	v20 =	vmov s9;
	v32 =	vor.u32 $0x2, v5  }
0x6e4: {  	v27 =	vld [tilespmem:s20+$0xFFFFFFF0];
	v7 =	vmul.f32 v12, v12;
	v12 =	vor.u32 $0x1, v5;
	v24 =	vsub.s32 $0x5F3759DF, v24  }
0x6e5: {  	v26 =	vld [tilespmem:s23+$0xFFFFFFF0];
	v17 =	vsub.s32 $0x5F3759DF, v17;
	v15 =	vmul.f32 v15, v9;
	v11 =	vadd.f32 v28, v11  }
0x6e6: {  	v7 =	vadd.f32 v7, v6;
	v6 =	vshll.u32 v20, $0x3;
	v22 =	vsub.f32 v22, v25;
	v25 =	vld [tilespmem:s11+$0x0]  }
0x6e7: {  	v4 =	vadd.f32 v21, v4;
	v21 =	vmul.f32 $5.000000000e-01, v3;
	v20 =	vmul.f32 v13, v16;
	v30 =	vld.idx.msk [tilespmem:v5+s14+$0x0], $0xffff  }
0x6e8: {  	v15 =	vsub.f32 $1.500000000e+00, v15;
	v11 =	vmul.f32 v11, v11;
	v29 =	vor.u32 v1, v6;
	v5 =	vld.idx.msk [tilespmem:v5+s16+$0x0], $0xffff  }
0x6e9: {  	v6 =	vmul.f32 $5.000000000e-01, v2;
	v13 =	vor.u32 $0x2, v29;
	v31 =	vmul.f32 v17, v21;
	v35 =	vld.idx.msk [tilespmem:v32+s16+$0x0], $0xffff  }
0x6ea: {  	v22 =	vadd.f32 v27, v22;
	v4 =	vmul.f32 v4, v4;
	v28 =	vmul.f32 v20, v18;
	v16 =	vld.idx.msk [tilespmem:v12+s16+$0x0], $0xffff  }
0x6eb: {  	s13 =	simm.s32 $0x7870;
	v10 =	vsub.f32 v23, v10;
	v15 =	vmul.f32 v15, v9;
	v12 =	vld.idx.msk [tilespmem:v12+s14+$0x0], $0xffff;
	v23 =	vmul.f32 v17, v31  }
0x6ec: {  	v34 =	vor.u32 $0x1, v29;
	v33 =	vmul.f32 v24, v6;
	v31 =	vld [tilespmem:s13+$0x0];
	v22 =	vmul.f32 v22, v22  }
0x6ed: {  	v10 =	vadd.f32 v26, v10;
	v59 =	vmul.f32 v15, v8;
	v23 =	vsub.f32 $1.500000000e+00, v23;
	v26 =	vld.idx.msk [tilespmem:v29+s14+$0x0], $0xffff  }
0x6ee: {  	s15 =	simm.s32 $0x90;
	v33 =	vmul.f32 v24, v33;
	v5 =	vsub.f32 v5, v30;
	v30 =	vadd.f32 v22, v4;
	v27 =	vld.idx.msk [tilespmem:v13+s16+$0x0], $0xffff  }
0x6ef: {  	v10 =	vmul.f32 v10, v10;
	v4 =	vadd.f32 v11, v7;
	v7 =	vmov s15;
	v13 =	vld.idx.msk [tilespmem:v13+s14+$0x0], $0xffff  }
0x6f0: {  	v7 =	vshll.u32 v7, $0x3;
	v12 =	vsub.f32 v16, v12;
	v16 =	vld.idx.msk [tilespmem:v32+s14+$0x0], $0xffff;
	v22 =	vmul.f32 v17, v23  }
0x6f1: {  	s19 =	simm.s32 $0x7890;
	v33 =	vsub.f32 $1.500000000e+00, v33;
	v23 =	vld.idx.msk [tilespmem:v29+s16+$0x0], $0xffff;
	v5 =	vadd.f32 v31, v5;
	v31 =	vor.u32 v1, v7  }
0x6f2: {  	v55 =	vld [tilespmem:s19+$0x0];
	v17 =	vmul.f32 v28, v20;
	v12 =	vadd.f32 v25, v12;
	v11 =	vmul.f32 v22, v21  }
0x6f3: {  	v28 =	vld [tilespmem:s13+$0xFFFFFFF0];
	v51 =	vor.u32 $0x1, v31;
	v39 =	vor.u32 $0x2, v31;
	v29 =	vmul.f32 v5, v5  }
0x6f4: {  	v25 =	vld.idx.msk [tilespmem:v34+s16+$0x0], $0xffff;
	v5 =	vadd.f32 v10, v30;
	v10 =	vmul.f32 v12, v12;
	v12 =	vshra.s32 v4, $0x1  }
0x6f5: {  	v30 =	vld.idx.msk [tilespmem:v34+s14+$0x0], $0xffff;
	v11 =	vmul.f32 v11, v22;
	v13 =	vsub.f32 v27, v13;
	v16 =	vsub.f32 v35, v16  }
0x6f6: {  	s18 =	simm.s32 $0x80;
	v7 =	vshra.s32 v5, $0x1;
	v23 =	vsub.f32 v23, v26;
	v26 =	vsub.s32 $0x5F3759DF, v12;
	v38 =	vld.idx.msk [tilespmem:v31+s14+$0x0], $0xffff  }
0x6f7: {  	v12 =	vmul.f32 v24, v33;
	v24 =	vmov s18;
	v29 =	vadd.f32 v10, v29;
	v31 =	vld.idx.msk [tilespmem:v31+s16+$0x0], $0xffff  }
0x6f8: {  	v10 =	vmul.f32 $5.000000000e-01, v5;
	v24 =	vshll.u32 v24, $0x3;
	v23 =	vadd.f32 v28, v23;
	v28 =	vld [tilespmem:s17+$0x0]  }
0x6f9: {  	v53 =	vsub.s32 $0x5F3759DF, v7;
	v7 =	vmul.f32 $5.000000000e-01, v4;
	v24 =	vor.u32 v1, v24;
	v40 =	vld.idx.msk [tilespmem:v51+s16+$0x0], $0xffff  }
0x6fa: {  	s23 =	simm.s32 $0x9890;
	v37 =	vmul.f32 v53, v10;
	v25 =	vsub.f32 v25, v30;
	v30 =	vsub.f32 $1.500000000e+00, v11;
	v11 =	vld.idx.msk [tilespmem:v51+s14+$0x0], $0xffff  }
0x6fb: {  	v50 =	vld [tilespmem:s23+$0x0];
	v13 =	vadd.f32 v52, v13;
	v56 =	vmul.f32 v12, v6;
	v54 =	vmul.f32 v26, v7  }
0x6fc: {  	v41 =	vor.u32 $0x1, v24;
	v9 =	vmul.f32 v23, v23;
	v23 =	vld.idx.msk [tilespmem:v39+s16+$0x0], $0xffff;
	v27 =	vmul.f32 v53, v37  }
0x6fd: {  	s20 =	simm.s32 $0x8890;
	v39 =	vld.idx.msk [tilespmem:v39+s14+$0x0], $0xffff;
	v33 =	vmul.f32 v26, v54;
	v25 =	vadd.f32 v36, v25;
	v31 =	vsub.f32 v31, v38  }
0x6fe: {  	v42 =	vor.u32 $0x2, v24;
	v16 =	vadd.f32 v28, v16;
	v28 =	vld [tilespmem:s20+$0x0];
	v27 =	vsub.f32 $1.500000000e+00, v27  }
0x6ff: {  	v25 =	vmul.f32 v25, v25;
	v33 =	vsub.f32 $1.500000000e+00, v33;
	v57 =	vld.idx.msk [tilespmem:v24+s14+$0x0], $0xffff;
	v8 =	vsub.f32 v40, v11  }
0x700: {  	v13 =	vmul.f32 v13, v13;
	v11 =	vld.idx.msk [tilespmem:v24+s16+$0x0], $0xffff;
	v24 =	vadd.f32 v55, v31;
	v31 =	vsub.f32 $1.500000000e+00, v17  }
0x701: {  	v58 =	vmul.f32 v16, v16;
	v9 =	vadd.f32 v25, v9;
	v16 =	vmul.f32 v53, v27  }
0x702: {  	v25 =	vmul.f32 v56, v12;
	v60 =	vsub.f32 v23, v39;
	v24 =	vmul.f32 v24, v24  }
0x703: {  	v31 =	vmul.f32 v31, v20;
	v9 =	vadd.f32 v13, v9;
	v27 =	vadd.f32 v28, v8  }
0x704: {  	v32 =	vadd.f32 v50, v60;
	v8 =	vadd.f32 v58, v29;
	v28 =	vmul.f32 v16, v10  }
0x705: {  	v23 =	vshra.s32 v9, $0x1;
	v13 =	vmul.f32 v27, v27;
	v27 =	vmul.f32 v59, v15  }
0x706: {  	s21 =	simm.s32 $0xB0;
	v61 =	vld.idx.msk [tilespmem:v42+s16+$0x0], $0xffff;
	v18 =	vmul.f32 v31, v18;
	v17 =	vshra.s32 v8, $0x1;
	v34 =	vsub.s32 $0x5F3759DF, v23  }
0x707: {  	v29 =	vld [tilespmem:s19+$0xFFFFFFF0];
	v27 =	vsub.f32 $1.500000000e+00, v27;
	v24 =	vadd.f32 v13, v24;
	v13 =	vmov s21  }
0x708: {  	v62 =	vld.idx.msk [tilespmem:v42+s14+$0x0], $0xffff;
	v20 =	vmul.f32 v28, v16;
	v18 =	vmul.f32 v18, v31;
	v13 =	vshll.u32 v13, $0x3  }
0x709: {  	v23 =	vmul.f32 v27, v15;
	v15 =	vmul.f32 v26, v33;
	v26 =	vor.u32 v1, v13  }
0x70a: {  	v63 =	vld.idx.msk [tilespmem:v41+s14+$0x0], $0xffff;
	v11 =	vsub.f32 v11, v57;
	v32 =	vmul.f32 v32, v32;
	v17 =	vsub.s32 $0x5F3759DF, v17  }
0x70b: {  	v20 =	vsub.f32 $1.500000000e+00, v20;
	v18 =	vsub.f32 $1.500000000e+00, v18;
	v27 =	vld.idx.msk [tilespmem:v41+s16+$0x0], $0xffff;
	v48 =	vor.u32 $0x1, v26  }
0x70c: {  	v45 =	vld [tilespmem:s23+$0xFFFFFFF0];
	v29 =	vadd.f32 v29, v11;
	v11 =	vmul.f32 $5.000000000e-01, v8;
	v19 =	vmul.f32 v23, v19  }
0x70d: {  	s22 =	simm.s32 $0xA0;
	v53 =	vld [tilespmem:s20+$0xFFFFFFF0];
	v13 =	vmul.f32 $5.000000000e-01, v9;
	v33 =	vsub.f32 v61, v62;
	v31 =	vmul.f32 v18, v31  }
0x70e: {  	v43 =	vor.u32 $0x2, v26;
	v23 =	vmov s22;
	v19 =	vmul.f32 $-2.000000000e+00, v19;
	v54 =	vld.idx.msk [tilespmem:v26+s14+$0x0], $0xffff  }
0x70f: {  	v49 =	vmul.f32 v17, v11;
	v51 =	vmul.f32 v34, v13;
	v23 =	vshll.u32 v23, $0x3;
	v56 =	vld.idx.msk [tilespmem:v26+s16+$0x0], $0xffff  }
0x710: {  	v52 =	vor.u32 v1, v23;
	v27 =	vsub.f32 v27, v63;
	v19 =	vmul.f32 $1.442695020e+00, v19;
	v55 =	vld.idx.msk [tilespmem:v48+s16+$0x0], $0xffff  }
0x711: {  	s17 =	simm.s32 $0x78B0;
	v38 =	vmul.f32 v17, v49;
	v28 =	vmul.f32 v34, v51;
	v44 =	vor.u32 $0x1, v52;
	v37 =	vld.idx.msk [tilespmem:v48+s14+$0x0], $0xffff  }
0x712: {  	v23 =	vor.u32 $0x2, v52;
	v26 =	vadd.f32 v53, v27;
	(erf) = vpow2.f32 v19;
	v19 =	vld [tilespmem:s17+$0x0]  }
0x713: {  	v28 =	vsub.f32 $1.500000000e+00, v28;
	v58 =	vld.idx.msk [tilespmem:v43+s16+$0x0], $0xffff;
	v27 =	vmul.f32 v30, v22;
	v22 =	vmul.f32 v29, v29  }
0x714: {  	s0 =	simm.s32 $0x88B0;
	v61 =	vld.idx.msk [tilespmem:v43+s14+$0x0], $0xffff;
	v29 =	vmul.f32 v15, v7;
	v42 =	vmul.f32 v26, v26;
	v26 =	vsub.f32 $1.500000000e+00, v25  }
0x715: {  	v57 =	vld [tilespmem:s0+$0x0];
	v25 =	vadd.f32 v45, v33;
	v59 =	vmul.f32 v27, v21;
	v21 =	vsub.f32 v56, v54  }
0x716: {  	v30 =	vsub.f32 $1.500000000e+00, v38;
	v18 =	vmul.f32 v34, v28;
	v60 =	vadd.f32 v42, v22  }
0x717: {  	v46 =	vld.idx.msk [tilespmem:v52+s14+$0x0], $0xffff;
	v19 =	vadd.f32 v19, v21;
	v21 =	vmul.f32 v25, v25;
	v25 =	vmul.f32 v31, v14  }
0x718: {  	v41 =	vld.idx.msk [tilespmem:v52+s16+$0x0], $0xffff;
	v62 =	vsub.f32 v55, v37;
	v22 =	vmul.f32 v29, v15;
	v63 =	vmul.f32 v59, v27  }
0x719: {  	v29 =	vsub.f32 v58, v61;
	v33 =	vmul.f32 v19, v19;
	v19 =	vmul.f32 $-2.000000000e+00, v25  }
0x71a: {  	v34 =	vld [tilespmem:s17+$0xFFFFFFF0];
	v28 =	vadd.f32 v57, v62;
	v14 =	vadd.f32 v32, v24  }
0x71b: {  	s3 =	simm.s32 $0x1A870;
	s11 =	simm.s32 $0x1A830;
	v31 =	vmul.f32 v18, v13;
	v24 =	vld.idx.msk [tilespmem:v23+s16+$0x0], $0xffff;
	v39 =	vsub.f32 $1.500000000e+00, v63;
	v21 =	vadd.f32 v21, v60  }
0x71c: {  	s15 =	simm.s32 $0x1A850;
	s13 =	simm.s32 $0x1A810;
	s18 =	simm.s32 $0x1A870;
	v25 =	vld.idx.msk [tilespmem:v44+s16+$0x0], $0xffff;
	v35 =	vmul.f32 v28, v28;
	v32 =	vshra.s32 v14, $0x1;
	v38 =	vmul.f32 $1.442695020e+00, v19  }
0x71d: {  	s20 =	simm.s32 $0xA;
	s19 =	simm.s32 $0x98B0;
	s21 =	simm.s32 $0xC0;
	v36 =	vsub.f32 v41, v46;
	v28 =	vld.idx.msk [tilespmem:v44+s14+$0x0], $0xffff;
	v32 =	vsub.s32 $0x5F3759DF, v32;
	v37 =	vshra.s32 v21, $0x1;
	v19 =	vpop (erf)  }
.LBB2_34:
0x71e: {  	s2 =	sadd.s32 $0x10, s21;
	s20 =	sadd.s32 $0x2, s20;
	v33 =	vadd.f32 v35, v33;
	v35 =	vsub.s32 $0x5F3759DF, v37;
	s3 =	sadd.s32 $0x20, s3;
	(erf) = vpow2.f32 v38  }
0x71f: {  	v37 =	vmov s2;
	p1 =	slt.u32 s20, $0x7E;
	v34 =	vadd.f32 v34, v36;
	v27 =	vmul.f32 v39, v27  }
0x720: {  	v38 =	vmul.f32 $5.000000000e-01, v14;
	v36 =	vshll.u32 v37, $0x3;
	v37 =	vld.idx.msk [tilespmem:v23+s14+$0x0], $0xffff;
	v23 =	vmul.f32 v17, v30;
	v17 =	vmovc v32  }
0x721: {  	v30 =	vor.u32 v1, v36;
	v32 =	vld [tilespmem:s19+$0xFFFFFFF0];
	v36 =	vmul.f32 $5.000000000e-01, v21;
	v27 =	vmul.f32 v27, v3;
	v3 =	vmovc v5;
	v5 =	vmovc v9  }
0x722: {  	v39 =	vmov s21;
	v42 =	vmul.f32 v17, v38;
	v9 =	vmovc v21;
	v40 =	vor.u32 $0x1, v30;
	v41 =	vld [tilespmem:s0+$0xFFFFFFF0]  }
0x723: {  	v21 =	vshll.u32 v39, $0x3;
	s0 =	sadd.s32 $0x20, s0;
	v39 =	vld [tilespmem:s19+$0x0];
	v43 =	vmul.f32 v35, v36;
	v27 =	vmul.f32 $-2.000000000e+00, v27  }
0x724: {  	s17 =	sadd.s32 $0x20, s17;
	v46 =	vmul.f32 v26, v12;
	v12 =	vmovc v15;
	v21 =	vor.u32 v1, v21;
	v44 =	vor.u32 $0x2, v30;
	v15 =	vmovc v23;
	v45 =	vld [tilespmem:s0+$0x0]  }
0x725: {  	v26 =	vmul.f32 v31, v18;
	v47 =	vor.u32 $0x1, v21;
	v23 =	vor.u32 $0x2, v21;
	v48 =	vld [tilespmem:s17+$0x0]  }
0x726: {  	v37 =	vsub.f32 v24, v37;
	v24 =	vmul.f32 v35, v43;
	v43 =	vmul.f32 $1.442695020e+00, v27;
	v31 =	vld.idx.msk [tilespmem:v30+s14+$0x0], $0xffff  }
0x727: {  	v50 =	vsub.f32 $1.500000000e+00, v26;
	v26 =	vmul.f32 v46, v6;
	v42 =	vmul.f32 v17, v42;
	v49 =	vld.idx.msk [tilespmem:v40+s16+$0x0], $0xffff;
	v6 =	vpop (erf)  }
0x728: {  	v25 =	vsub.f32 v25, v28;
	v19 =	vmul.f32 $5.000000000e-01, v19;
	v51 =	vld.idx.msk [tilespmem:v30+s16+$0x0], $0xffff;
	v28 =	vmul.f32 $5.000000000e-01, v6;
	v6 =	vmovc v7;
	v7 =	vmovc v11  }
0x729: {  	v26 =	vmul.f32 v26, v46;
	v29 =	vadd.f32 v39, v29;
	v39 =	vsub.f32 $1.500000000e+00, v24;
	v11 =	vmovc v38;
	v40 =	vld.idx.msk [tilespmem:v40+s14+$0x0], $0xffff  }
0x72a: {  	v27 =	vmul.f32 v20, v16;
	v25 =	vadd.f32 v41, v25;
	v24 =	vld.idx.msk [tilespmem:v23+s16+$0x0], $0xffff;
	(erf) = vpow2.f32 v43;
	[tilespmem:s13+$0xFFFFFFF0] =	vst v19  }
0x72b: {  	s19 =	sadd.s32 $0x20, s19;
	v41 =	vsub.f32 $1.500000000e+00, v26;
	v19 =	vmul.f32 v34, v34;
	v34 =	vmul.f32 v15, v7;
	v38 =	vld.idx.msk [tilespmem:v44+s16+$0x0], $0xffff;
	[tilespmem:s13+$0x0] =	vst v28;
	s13 =	smov.u32 s11;
	s11 =	smov.u32 s15  }
0x72c: {  	v20 =	vmovc v50;
	v16 =	vmovc v18;
	v26 =	vsub.f32 $1.500000000e+00, v22;
	v30 =	vsub.f32 $1.500000000e+00, v42;
	v28 =	vmul.f32 v25, v25;
	s15 =	smov.u32 s18;
	s18 =	smov.u32 s3;
	v43 =	vld.idx.msk [tilespmem:v21+s14+$0x0], $0xffff  }
0x72d: {  	v32 =	vadd.f32 v32, v37;
	v37 =	vmul.f32 v27, v10;
	v29 =	vmul.f32 v29, v29;
	v25 =	vld.idx.msk [tilespmem:v47+s16+$0x0], $0xffff  }
0x72e: {  	v19 =	vadd.f32 v28, v19;
	v42 =	vld.idx.msk [tilespmem:v44+s14+$0x0], $0xffff;
	v44 =	vsub.f32 v51, v31;
	v31 =	vmul.f32 v41, v46  }
0x72f: {  	v18 =	vmul.f32 v35, v39;
	v22 =	vmul.f32 v34, v15;
	v41 =	vld.idx.msk [tilespmem:v21+s16+$0x0], $0xffff;
	v21 =	vsub.f32 v49, v40  }
0x730: {  	v32 =	vmul.f32 v32, v32;
	v28 =	vld.idx.msk [tilespmem:v47+s14+$0x0], $0xffff;
	v35 =	vadd.f32 v48, v44;
	v44 =	vmul.f32 v31, v2  }
.Ltmp20:
0x731: {  	v10 =	vmovc v13;
	v40 =	vadd.f32 v29, v33;
	v31 =	vmul.f32 v18, v36;
	v39 =	vadd.f32 v45, v21;
	(pc) =	sbr.rel @p1 .LBB2_34-.Ltmp20, $4  }
0x732: {  	v13 =	vmovc v36;
	v2 =	vmovc v4;
	v21 =	vadd.f32 v32, v19;
	v34 =	vld [tilespmem:s17+$0xFFFFFFF0];
	v33 =	vmul.f32 v35, v35;
	v32 =	vmul.f32 $-2.000000000e+00, v44  }
0x733: {  	v44 =	vmul.f32 v37, v27;
	v35 =	vmul.f32 v39, v39;
	v39 =	vshra.s32 v40, $0x1;
	v19 =	vpop (erf)  }
0x734: {  	v4 =	vmovc v8;
	v8 =	vmovc v14;
	v29 =	vsub.f32 v38, v42;
	v37 =	vshra.s32 v21, $0x1;
	v38 =	vmul.f32 $1.442695020e+00, v32  }
0x735: {  	s21 =	sadd.s32 $0x20, s21;
	v14 =	vmovc v40;
	v36 =	vsub.f32 v41, v43;
	v32 =	vsub.s32 $0x5F3759DF, v39;
	v39 =	vsub.f32 $1.500000000e+00, v44  }
0x736: {  	_ = 	snop  }
0x737: {  	(erf) = vpow2.f32 v38  }
0x738: {  	v38 =	vmul.f32 $5.000000000e-01, v14;
	v12 =	vmul.f32 v26, v12  }
0x739: {  	v17 =	vmul.f32 v17, v30;
	v26 =	vmul.f32 $5.000000000e-01, v21  }
0x73a: {  	v23 =	vld.idx.msk [tilespmem:v23+s14+$0x0], $0xffff;
	v31 =	vmul.f32 v31, v18;
	v16 =	vmul.f32 v20, v16  }
0x73b: {  	v43 =	vsub.s32 $0x5F3759DF, v37;
	v44 =	vld [tilespmem:s0+$0xFFFFFFF0];
	v27 =	vmul.f32 v39, v27;
	v6 =	vmul.f32 v12, v6  }
0x73c: {  	v47 =	vld [tilespmem:s19+$0x0];
	v34 =	vadd.f32 v34, v36;
	v45 =	vmul.f32 v32, v38;
	v46 =	vmul.f32 v43, v26  }
0x73d: {  	v54 =	vmul.f32 v17, v11;
	v10 =	vmul.f32 v16, v10  }
0x73e: {  	v3 =	vmul.f32 v27, v3;
	v53 =	vmul.f32 v34, v34  }
0x73f: {  	v25 =	vsub.f32 v25, v28;
	v49 =	vld [tilespmem:s19+$0xFFFFFFF0];
	v6 =	vmul.f32 v6, v12;
	v48 =	vmul.f32 v43, v46  }
0x740: {  	v50 =	vmul.f32 v32, v45;
	v3 =	vmul.f32 $-2.000000000e+00, v3;
	v23 =	vsub.f32 v24, v23  }
0x741: {  	v10 =	vmul.f32 v10, v16;
	v51 =	vadd.f32 v44, v25;
	v52 =	vadd.f32 v47, v29  }
0x742: {  	v25 =	vmul.f32 v54, v17;
	v6 =	vsub.f32 $1.500000000e+00, v6;
	v3 =	vmul.f32 $1.442695020e+00, v3  }
0x743: {  	v55 =	vsub.f32 $1.500000000e+00, v48;
	v10 =	vsub.f32 $1.500000000e+00, v10;
	v20 =	vmul.f32 v51, v51  }
0x744: {  	v23 =	vadd.f32 v49, v23;
	(erf) = vpow2.f32 v3;
	v3 =	vmul.f32 v6, v12  }
0x745: {  	v25 =	vsub.f32 $1.500000000e+00, v25;
	v56 =	vmul.f32 v43, v55;
	v10 =	vmul.f32 v10, v16  }
0x746: {  	v33 =	vadd.f32 v35, v33;
	v6 =	vmul.f32 v52, v52;
	v2 =	vmul.f32 v3, v2  }
0x747: {  	v22 =	vsub.f32 $1.500000000e+00, v22;
	v57 =	vmul.f32 v23, v23;
	v37 =	vmul.f32 v25, v17  }
0x748: {  	v12 =	vadd.f32 v20, v53;
	v5 =	vmul.f32 v10, v5;
	v2 =	vmul.f32 $-2.000000000e+00, v2  }
0x749: {  	v58 =	vmul.f32 v56, v26;
	v3 =	vsub.f32 $1.500000000e+00, v50;
	v42 =	vmul.f32 v37, v11  }
0x74a: {  	v6 =	vadd.f32 v6, v33;
	v5 =	vmul.f32 $-2.000000000e+00, v5;
	v2 =	vmul.f32 $1.442695020e+00, v2  }
0x74b: {  	v12 =	vadd.f32 v57, v12;
	v23 =	vmul.f32 v58, v56;
	v3 =	vmul.f32 v32, v3  }
0x74c: {  	v32 =	vsub.f32 $1.500000000e+00, v31;
	(erf) = vpow2.f32 v2;
	v2 =	vmul.f32 v22, v15  }
0x74d: {  	v59 =	vshra.s32 v6, $0x1;
	v60 =	vmul.f32 $5.000000000e-01, v6;
	v61 =	vmul.f32 $5.000000000e-01, v12  }
0x74e: {  	v62 =	vsub.s32 $0x5F3759DF, v59;
	v34 =	vmul.f32 v32, v18;
	v7 =	vmul.f32 v2, v7  }
0x74f: {  	v20 =	vshra.s32 v12, $0x1;
	v5 =	vmul.f32 $1.442695020e+00, v5;
	v33 =	vmul.f32 v62, v60  }
0x750: {  	v20 =	vsub.s32 $0x5F3759DF, v20;
	v36 =	vmul.f32 v34, v13;
	v7 =	vmul.f32 v7, v2  }
0x751: {  	v63 =	vmul.f32 v20, v61;
	v35 =	vmul.f32 v62, v33  }
0x752: {  	(erf) = vpow2.f32 v5;
	v5 =	vmul.f32 v36, v34;
	v7 =	vsub.f32 $1.500000000e+00, v7  }
0x753: {  	v40 =	vmul.f32 v3, v38;
	v15 =	vmul.f32 v20, v63;
	v41 =	vsub.f32 $1.500000000e+00, v35  }
0x754: {  	v11 =	vmul.f32 v42, v37;
	v5 =	vsub.f32 $1.500000000e+00, v5;
	v2 =	vmul.f32 v7, v2  }
0x755: {  	v13 =	vmul.f32 v40, v3;
	v39 =	vsub.f32 $1.500000000e+00, v15;
	v10 =	vmul.f32 v62, v41  }
0x756: {  	v5 =	vmul.f32 v5, v34;
	v2 =	vmul.f32 v2, v4  }
0x757: {  	v45 =	vmul.f32 v10, v60;
	v7 =	vmul.f32 v20, v39  }
0x758: {  	v44 =	vsub.f32 $1.500000000e+00, v23;
	v5 =	vmul.f32 v5, v9;
	v2 =	vmul.f32 $-2.000000000e+00, v2  }
0x759: {  	v9 =	vmul.f32 v45, v10;
	v43 =	vmul.f32 v7, v61  }
0x75a: {  	v46 =	vmul.f32 v44, v56;
	v2 =	vmul.f32 $1.442695020e+00, v2  }
0x75b: {  	v47 =	vsub.f32 $1.500000000e+00, v13;
	v9 =	vsub.f32 $1.500000000e+00, v9;
	v15 =	vmul.f32 v43, v7  }
0x75c: {  	v49 =	vmul.f32 v46, v26;
	(erf) = vpow2.f32 v2;
	v2 =	vsub.f32 $1.500000000e+00, v11  }
0x75d: {  	v3 =	vmul.f32 v47, v3;
	v9 =	vmul.f32 v9, v10;
	v48 =	vsub.f32 $1.500000000e+00, v15  }
0x75e: {  	v5 =	vmul.f32 $-2.000000000e+00, v5;
	v2 =	vmul.f32 v2, v37  }
0x75f: {  	v51 =	vmul.f32 v9, v60;
	v7 =	vmul.f32 v48, v7  }
0x760: {  	v11 =	vmul.f32 v3, v38;
	v2 =	vmul.f32 v2, v8  }
0x761: {  	v50 =	vmul.f32 v7, v61;
	v8 =	vmul.f32 v49, v46  }
0x762: {  	v11 =	vmul.f32 v11, v3;
	v2 =	vmul.f32 $-2.000000000e+00, v2  }
0x763: {  	v5 =	vmul.f32 $1.442695020e+00, v5;
	v10 =	vmul.f32 v50, v7;
	v8 =	vsub.f32 $1.500000000e+00, v8  }
0x764: {  	v13 =	vmul.f32 v51, v9;
	v11 =	vsub.f32 $1.500000000e+00, v11;
	v2 =	vmul.f32 $1.442695020e+00, v2  }
0x765: {  	(erf) = vpow2.f32 v5;
	v52 =	vsub.f32 $1.500000000e+00, v10;
	v4 =	vmul.f32 v8, v46  }
0x766: {  	(erf) = vpow2.f32 v2;
	v2 =	vmul.f32 v11, v3;
	v3 =	vsub.f32 $1.500000000e+00, v13  }
0x767: {  	v5 =	vmul.f32 v52, v7  }
0x768: {  	v4 =	vmul.f32 v4, v21;
	v3 =	vmul.f32 v3, v9  }
0x769: {  	v5 =	vmul.f32 v5, v12;
	v2 =	vmul.f32 v2, v14  }
0x76a: {  	v4 =	vmul.f32 $-2.000000000e+00, v4;
	v3 =	vmul.f32 v3, v6  }
0x76b: {  	v5 =	vmul.f32 $-2.000000000e+00, v5;
	v2 =	vmul.f32 $-2.000000000e+00, v2  }
0x76c: {  	v4 =	vmul.f32 $1.442695020e+00, v4;
	v3 =	vmul.f32 $-2.000000000e+00, v3  }
0x76d: {  	v2 =	vmul.f32 $1.442695020e+00, v2  }
0x76e: {  	v53 =	vmul.f32 $1.442695020e+00, v5;
	(erf) = vpow2.f32 v4  }
0x76f: {  	(erf) = vpow2.f32 v2;
	v2 =	vmul.f32 $1.442695020e+00, v3  }
0x770: {  	v54 =	vmul.f32 $5.000000000e-01, v19;
	v3 =	vpop (erf)  }
0x771: {  	(erf) = vpow2.f32 v53;
	v3 =	vmul.f32 $5.000000000e-01, v3  }
0x772: {  	v55 =	vpop (erf);
	(erf) = vpow2.f32 v2  }
0x773: {  	[tilespmem:s13+$0xFFFFFFF0] =	vst v54;
	v2 =	vpop (erf);
	v4 =	vmul.f32 $5.000000000e-01, v55  }
0x774: {  	v56 =	vpop (erf);
	[tilespmem:s13+$0x0] =	vst v3;
	v2 =	vmul.f32 $5.000000000e-01, v2  }
0x775: {  	[tilespmem:s11+$0xFFFFFFF0] =	vst v4;
	v57 =	vmul.f32 $5.000000000e-01, v56;
	v3 =	vpop (erf)  }
0x776: {  	[tilespmem:s11+$0x0] =	vst v2;
	v58 =	vpop (erf);
	v2 =	vmul.f32 $5.000000000e-01, v3  }
0x777: {  	[tilespmem:s15+$0xFFFFFFF0] =	vst v57;
	v3 =	vpop (erf);
	v59 =	vmul.f32 $5.000000000e-01, v58  }
0x778: {  	v60 =	vpop (erf);
	[tilespmem:s15+$0x0] =	vst v2;
	v2 =	vmul.f32 $5.000000000e-01, v3  }
0x779: {  	v3 =	vpop (erf);
	[tilespmem:s18+$0xFFFFFFF0] =	vst v59;
	v61 =	vmul.f32 $5.000000000e-01, v60  }
0x77a: {  	s21 =	sadd.s32 $0x20, s3;
	v62 =	vpop (erf);
	[tilespmem:s18+$0x0] =	vst v2;
	v2 =	vmul.f32 $5.000000000e-01, v3  }
.Ltmp21:
0x77b: {  	[tilespmem:s21+$0xFFFFFFF0] =	vst v61;
	v3 =	vpop (erf);
	v63 =	vmul.f32 $5.000000000e-01, v62;
	(pc) =	sbr.rel .LBB2_36-.Ltmp21, $4  }
0x77c: {  	s2 =	sadd.s32 $0x20, s21;
	[tilespmem:s21+$0x0] =	vst v2;
	v2 =	vmul.f32 $5.000000000e-01, v3  }
0x77d: {  	[tilespmem:s2+$0xFFFFFFF0] =	vst v63  }
0x77e: {  	s22 =	simm.s32 $0x1A800;
	s23 =	simm.s32 $0x5800;
	[tilespmem:s2+$0x0] =	vst v2  }
0x77f: {  	[spmem:s30] =	stream.indirect.scatter.add.f32 [tilespmem:s22], [sflag:$0x6], $0x1, s23, s29, $0xb8;
	[tilespmem:$0x1E0E0] =	vst v63  }
.LBB2_38:
0x780: {  	_ =	sfence.sel $0x180000  }
0x781: {  	[bflag:$0x0] =	sbarrier.arrive $0xFFFF  }
0x782: {  	_ =	strace $0x90000047  }
0x783: {  	s0 =	stileid.u32;
	[bflag:$0x2] =	sbarrier.arrive $0xFFFF  }
0x784: {  	p0 =	sne.s32 s0, $0x0;
	s0 =	rddreg [dreg:$0x3]  }
0x785: {  	s0 =	sadd.s32 @!p0 $0x100000, s0  }
0x786: {  	[sflag:s0] =	ssyncadd.tile.s32 @!p0 $0x1;
	_ =	shalt  }
.Lfunc_end2:
_tile_overlayer_lowered:
.L_overlay_start_2:
0x787: {  	(tag) =	ssettag $0x2  }
0x788: {  	s0 =	rddreg [dreg:$0x0];
	s2 =	stileid.u32  }
0x789: {  	s1 =	rddreg [dreg:$0x1];
	p0 =	sne.s32 s2, $0x0  }
0x78a: {  	s3 =	rddreg [dreg:$0x2];
	[bflag:$0x3] =	sbarrier.arrive $0xFFFF;
	s2 =	simm.s32 @!p0 $0x1C07  }
0x78b: {  	[timem:s3], [sflag:s2] =	dma.local @!p0 [hbm:s0], s1  }
0x78c: {  	s0 =	simm.s32 @!p0 $0x7  }
0x78d: {  	_ =	swait.ge @!p0 [sflag:s0], s1  }
0x78e: {  	s1 =	ssub.s32 @!p0 $0x0, s1;
	[sflag:s0] =	ssyncset.done @!p0 $0x0  }
0x78f: {  	[sflag:s0] =	ssyncadd.s32 @!p0 s1  }
0x790: {  	[bflag:$0x3] =	sbarrier.arrive $0xFFFF  }
0x791: {  	_ =	shalt  }

</sc_bundles>
